<compile_context>
chip_gen: v7x
topology: tpu7x:2x2x1
jax: 0.10.2.dev20260603
libtpu: 0.0.44.dev20260713+nightly
codegen_flags: <defaults>
</compile_context>

<pallas_src>
import jax
import jax.numpy as jnp
from jax import lax
from jax.experimental import pallas as pl
from jax.experimental.pallas import tpu as pltpu
from jax.experimental.pallas import tpu_sc as plsc

N = 10000
E = 320000
D_IN = 128
D_H = 128
D_OUT = 64

NC = 2
NS = 16
NW = NC * NS
EPT = E // NW
CHUNK = 100
NCHUNK = EPT // CHUNK
BLK = 10
NBLK = NCHUNK // BLK
NPAD = 10240
RPT = NPAD // NS
WB = 32
DEGW = 1

_mesh = plsc.VectorSubcoreMesh(core_axis_name="c", subcore_axis_name="s")


def _deg_body(dst_hbm, ones_hbm, zeros_hbm, out_hbm, idx_v, ones_v, z_v, acc_sh):
    cid = lax.axis_index("c")
    sid = lax.axis_index("s")
    wid = cid * NS + sid

    pltpu.sync_copy(zeros_hbm, z_v)
    pltpu.sync_copy(z_v, acc_sh.at[pl.ds(sid * RPT, RPT)])
    pltpu.sync_copy(ones_hbm, ones_v)
    plsc.subcore_barrier()

    @pl.loop(0, NBLK)
    def _(b):
        pltpu.sync_copy(dst_hbm.at[wid, b], idx_v)
        for j in range(BLK):
            pltpu.sync_copy(ones_v, acc_sh.at[idx_v.at[j]], add=True)

    plsc.subcore_barrier()
    pltpu.sync_copy(acc_sh.at[pl.ds(sid * RPT, RPT)], z_v)
    pltpu.sync_copy(z_v, out_hbm.at[pl.ds(cid * NPAD + sid * RPT, RPT)])


def _deg_call(dst4):
    ones = jnp.ones((CHUNK,), jnp.float32)
    zeros = jnp.zeros((RPT,), jnp.float32)
    k = pl.kernel(
        _deg_body,
        out_type=jax.ShapeDtypeStruct((NC * NPAD,), jnp.float32),
        mesh=_mesh,
        scratch_types=[
            pltpu.VMEM((BLK, CHUNK), jnp.int32),
            pltpu.VMEM((CHUNK,), jnp.float32),
            pltpu.VMEM((RPT,), jnp.float32),
            pltpu.VMEM_SHARED((NPAD,), jnp.float32),
        ],
    )
    return k(dst4, ones, zeros)


def _conv_body(h_hbm, src_hbm, dst_hbm, zeros_hbm, out_hbm,
               src_v, dst_v, rows_a, rows_b, wb_v, acc_sh,
               sem_a, sem_b, sem_c, sem_d):
    cid = lax.axis_index("c")
    sid = lax.axis_index("s")
    wid = cid * NS + sid

    pltpu.sync_copy(zeros_hbm, wb_v)
    for j in range(RPT // WB):
        pltpu.sync_copy(wb_v, acc_sh.at[pl.ds(sid * RPT + j * WB, WB)])
    plsc.subcore_barrier()

    rows = (rows_a, rows_b)
    gsem = (sem_a, sem_b)
    ssem = (sem_c, sem_d)

    @pl.loop(0, NBLK)
    def _(b):
        pltpu.sync_copy(src_hbm.at[wid, b], src_v)
        pltpu.sync_copy(dst_hbm.at[wid, b], dst_v)
        cpg = [None] * BLK
        cps = [None] * BLK
        cpg[0] = pltpu.async_copy(h_hbm.at[src_v.at[0]], rows[0], gsem[0])
        for j in range(BLK):
            cpg[j].wait()
            cps[j] = pltpu.async_copy(
                rows[j % 2], acc_sh.at[dst_v.at[j]], ssem[j % 2], add=True)
            if j + 1 < BLK:
                if j >= 1:
                    cps[j - 1].wait()
                cpg[j + 1] = pltpu.async_copy(
                    h_hbm.at[src_v.at[j + 1]], rows[(j + 1) % 2],
                    gsem[(j + 1) % 2])
        cps[BLK - 2].wait()
        cps[BLK - 1].wait()

    plsc.subcore_barrier()
    for j in range(RPT // WB):
        pltpu.sync_copy(acc_sh.at[pl.ds(sid * RPT + j * WB, WB)], wb_v)
        pltpu.sync_copy(
            wb_v, out_hbm.at[pl.ds(cid * NPAD + sid * RPT + j * WB, WB)])


def _conv_call(h, src4, dst4):
    zeros = jnp.zeros((WB, D_H), jnp.float32)
    k = pl.kernel(
        _conv_body,
        out_type=jax.ShapeDtypeStruct((NC * NPAD, D_H), jnp.float32),
        mesh=_mesh,
        scratch_types=[
            pltpu.VMEM((BLK, CHUNK), jnp.int32),
            pltpu.VMEM((BLK, CHUNK), jnp.int32),
            pltpu.VMEM((CHUNK, D_H), jnp.float32),
            pltpu.VMEM((CHUNK, D_H), jnp.float32),
            pltpu.VMEM((WB, D_H), jnp.float32),
            pltpu.VMEM_SHARED((NPAD, D_H), jnp.float32),
            pltpu.SemaphoreType.DMA,
            pltpu.SemaphoreType.DMA,
            pltpu.SemaphoreType.DMA,
            pltpu.SemaphoreType.DMA,
        ],
    )
    return k(h, src4, dst4, zeros)


def _dinv(deg_ref):
    deg = deg_ref[0:N, 0:1] + deg_ref[NPAD:NPAD + N, 0:1] + 1.0
    return lax.rsqrt(deg)


def _tc1_body(x_ref, w_ref, deg_ref, hp_ref):
    hp_ref[...] = jnp.dot(x_ref[...], w_ref[...],
                          preferred_element_type=jnp.float32) * _dinv(deg_ref)


def _tc1_call(x, W0, degparts):
    return pl.pallas_call(
        _tc1_body,
        out_shape=jax.ShapeDtypeStruct((N, D_H), jnp.float32),
    )(x, W0, degparts)


def _bn_relu(z, g, b, eps=1e-5):
    mu = jnp.mean(z, axis=0, keepdims=True)
    var = jnp.mean((z - mu) * (z - mu), axis=0, keepdims=True)
    return jnp.maximum((z - mu) * lax.rsqrt(var + eps) * g + b, 0.0)


def _tc2_body(s_ref, hp_ref, deg_ref, b_ref, g_ref, be_ref, w_ref, out_ref):
    dinv = _dinv(deg_ref)
    hp = hp_ref[...]
    z = dinv * (s_ref[0:N, :] + s_ref[NPAD:NPAD + N, :] + hp) + b_ref[...]
    h = _bn_relu(z, g_ref[...], be_ref[...])
    out_ref[...] = jnp.dot(h, w_ref[...],
                           preferred_element_type=jnp.float32) * dinv


def _tc2_call(sparts, hp, degparts, b0, g0, be0, W1):
    return pl.pallas_call(
        _tc2_body,
        out_shape=jax.ShapeDtypeStruct((N, D_H), jnp.float32),
    )(sparts, hp, degparts, b0.reshape(1, -1), g0.reshape(1, -1),
      be0.reshape(1, -1), W1)


def _tc3_body(s_ref, hp_ref, deg_ref, b_ref, g_ref, be_ref,
              wl1_ref, bl1_ref, wl2_ref, bl2_ref, out_ref):
    dinv = _dinv(deg_ref)
    z = dinv * (s_ref[0:N, :] + s_ref[NPAD:NPAD + N, :] + hp_ref[...]) + b_ref[...]
    h = _bn_relu(z, g_ref[...], be_ref[...])
    h = jnp.maximum(jnp.dot(h, wl1_ref[...],
                            preferred_element_type=jnp.float32) + bl1_ref[...], 0.0)
    out_ref[...] = jnp.dot(h, wl2_ref[...],
                           preferred_element_type=jnp.float32) + bl2_ref[...]


def _tc3_call(sparts, hp, degparts, b1, g1, be1, Wl1, bl1, Wl2, bl2):
    return pl.pallas_call(
        _tc3_body,
        out_shape=jax.ShapeDtypeStruct((N, D_OUT), jnp.float32),
    )(sparts, hp, degparts, b1.reshape(1, -1), g1.reshape(1, -1),
      be1.reshape(1, -1), Wl1, bl1.reshape(1, -1), Wl2, bl2.reshape(1, -1))


@jax.jit
def kernel(x, edge_index, W0, b0, W1, b1, g0, be0, g1, be1, Wl1, bl1, Wl2, bl2):
    src4 = edge_index[0].reshape(NW, NBLK, BLK, CHUNK)
    dst4 = edge_index[1].reshape(NW, NBLK, BLK, CHUNK)

    degparts = _deg_call(dst4).reshape(NC * NPAD, 1)
    h0p = _tc1_call(x, W0, degparts)
    s0 = _conv_call(h0p, src4, dst4)
    h1p = _tc2_call(s0, h0p, degparts, b0, g0, be0, W1)
    s1 = _conv_call(h1p, src4, dst4)
    return _tc3_call(s1, h1p, degparts, b1, g1, be1, Wl1, bl1, Wl2, bl2)

# --- scband reference (transcript-rebuilt; emitter-appended) ---
"""Pipeline reference for scband-gcn-40321152975189 (READ-ONLY COPY).

The authoritative reference and input builder live on the scoring server;
editing this copy changes nothing except your own understanding.
"""

import jax, jax.numpy as jnp
import numpy as np

N = 10000
E = 320000
D_IN = 128
D_H = 128
D_OUT = 64


def setup_inputs(seed: int = 0) -> dict:
    key = jax.random.key(seed)
    ks = jax.random.split(key, 10)
    x = jax.random.normal(ks[0], (N, D_IN), dtype=jnp.float32)
    edge_index = jax.random.randint(ks[1], (2, E), 0, N, dtype=jnp.int32)
    W0 = jax.random.normal(ks[2], (D_IN, D_H), dtype=jnp.float32) * (1.0 / np.sqrt(D_IN))
    b0 = jnp.zeros((D_H,), jnp.float32)
    W1 = jax.random.normal(ks[3], (D_H, D_H), dtype=jnp.float32) * (1.0 / np.sqrt(D_H))
    b1 = jnp.zeros((D_H,), jnp.float32)
    g0 = jnp.ones((D_H,), jnp.float32)
    be0 = jnp.zeros((D_H,), jnp.float32)
    g1 = jnp.ones((D_H,), jnp.float32)
    be1 = jnp.zeros((D_H,), jnp.float32)
    Wl1 = jax.random.normal(ks[4], (D_H, D_H), dtype=jnp.float32) * (1.0 / np.sqrt(D_H))
    bl1 = jnp.zeros((D_H,), jnp.float32)
    Wl2 = jax.random.normal(ks[5], (D_H, D_OUT), dtype=jnp.float32) * (1.0 / np.sqrt(D_H))
    bl2 = jnp.zeros((D_OUT,), jnp.float32)
    return {"x": x, "edge_index": edge_index, "W0": W0, "b0": b0, "W1": W1, "b1": b1,
            "g0": g0, "be0": be0, "g1": g1, "be1": be1,
            "Wl1": Wl1, "bl1": bl1, "Wl2": Wl2, "bl2": bl2}


def _gcn_conv(x, src, dst, W, b):
    # PyG GCNConv: add self-loops, symmetric normalization D^-1/2 (A+I) D^-1/2 X W + b
    n = x.shape[0]
    loop = jnp.arange(n, dtype=src.dtype)
    s = jnp.concatenate([src, loop])
    d = jnp.concatenate([dst, loop])
    deg = jnp.zeros((n,), x.dtype).at[d].add(1.0)
    dinv = jnp.where(deg > 0, jax.lax.rsqrt(deg), 0.0)
    norm = dinv[s] * dinv[d]
    h = x @ W
    msg = h[s] * norm[:, None]
    out = jnp.zeros((n, W.shape[1]), x.dtype).at[d].add(msg)
    return out + b


def _bn(h, g, b, eps=1e-5):
    # BatchNorm over the node dimension (training-mode batch statistics)
    mu = jnp.mean(h, axis=0)
    var = jnp.var(h, axis=0)
    return (h - mu) * jax.lax.rsqrt(var + eps) * g + b


def reference(x, edge_index, W0, b0, W1, b1, g0, be0, g1, be1, Wl1, bl1, Wl2, bl2):
    src = edge_index[0]
    dst = edge_index[1]
    # zip(convs, batch_norms) -> only num_layers-1 = 2 conv+bn blocks execute
    h = jax.nn.relu(_bn(_gcn_conv(x, src, dst, W0, b0), g0, be0))
    h = jax.nn.relu(_bn(_gcn_conv(h, src, dst, W1, b1), g1, be1))
    # dropout is identity in eval mode
    h = jax.nn.relu(h @ Wl1 + bl1)
    return h @ Wl2 + bl2

if __name__ == "__main__":
    import jax
    _d = setup_inputs()
    print(jax.jit(kernel)(*tuple(_d.values())))

</pallas_src>

<mosaic_0001>
#map = affine_map<(d0, d1) -> (0, 0)>
#map1 = affine_map<(d0, d1) -> (0, 0, 0, 0)>
module attributes {stable_mosaic.version = 14 : i64} {
  func.func @_conv_body(%arg0: i32, %arg1: i32, %arg2: memref<10000x128xf32, #tpu.memory_space<hbm>>, %arg3: memref<32x10x10x100xi32, #tpu.memory_space<hbm>>, %arg4: memref<32x10x10x100xi32, #tpu.memory_space<hbm>>, %arg5: memref<32x128xf32, #tpu.memory_space<hbm>>, %arg6: memref<20480x128xf32, #tpu.memory_space<hbm>>, %arg7: memref<10x100xi32, #tpu.memory_space<vmem>>, %arg8: memref<10x100xi32, #tpu.memory_space<vmem>>, %arg9: memref<100x128xf32, #tpu.memory_space<vmem>>, %arg10: memref<100x128xf32, #tpu.memory_space<vmem>>, %arg11: memref<32x128xf32, #tpu.memory_space<vmem>>, %arg12: memref<10240x128xf32, #tpu.memory_space<vmem_shared>>, %arg13: memref<!tpu.dma_semaphore, #tpu.memory_space<semaphore_mem>>, %arg14: memref<!tpu.dma_semaphore, #tpu.memory_space<semaphore_mem>>, %arg15: memref<!tpu.dma_semaphore, #tpu.memory_space<semaphore_mem>>, %arg16: memref<!tpu.dma_semaphore, #tpu.memory_space<semaphore_mem>>) attributes {dimension_semantics = [#tpu.dimension_semantics<core_parallel>, #tpu.dimension_semantics<subcore_parallel>], iteration_bounds = array<i64: 2, 16>, scalar_prefetch = 0 : i64, scratch_operands = 10 : i64, tpu.core_type = #tpu.core_type<sc_vector_subcore>, window_params = [{transform_indices = #map}, {transform_indices = #map1}, {transform_indices = #map1}, {transform_indices = #map}, {transform_indices = #map}]} {
    %mul3A = arith.constant 16 : i32
    %mul3A_0 = arith.muli %arg0, %mul3A : i32
    %add3A = arith.addi %mul3A_0, %arg1 : i32
    "tpu.region"() ({
      %run_scoped3A = tpu.sem_alloc : memref<!tpu.dma_semaphore, #tpu.memory_space<semaphore_mem>>
      tpu.enqueue_dma source(%arg5 : memref<32x128xf32, #tpu.memory_space<hbm>>) target(%arg11 : memref<32x128xf32, #tpu.memory_space<vmem>>) target_semaphore(%run_scoped3A : memref<!tpu.dma_semaphore, #tpu.memory_space<semaphore_mem>>)
      tpu.wait_dma2 semaphore(%run_scoped3A : memref<!tpu.dma_semaphore, #tpu.memory_space<semaphore_mem>>) src(%arg5 : memref<32x128xf32, #tpu.memory_space<hbm>>) dst(%arg11 : memref<32x128xf32, #tpu.memory_space<vmem>>)
      tpu.yield
    }) : () -> ()
    %mul3A_1 = arith.constant 640 : i32
    %mul3A_2 = arith.muli %arg1, %mul3A_1 : i32
    %add3A_3 = arith.constant 0 : i32
    %add3A_4 = arith.addi %mul3A_2, %add3A_3 : i32
    "tpu.region"() ({
      %run_scoped3A = tpu.sem_alloc : memref<!tpu.dma_semaphore, #tpu.memory_space<semaphore_mem>>
      %dma_start3A = arith.constant 0 : i32
      %dma_start3A_306 = tpu.memref_slice %arg12[%add3A_4, %dma_start3A] : memref<10240x128xf32, #tpu.memory_space<vmem_shared>> -> memref<32x128xf32, #tpu.memory_space<vmem_shared>>
      %dma_start3A_307 = arith.constant 0 : i32
      %dma_start3A_308 = tpu.memref_slice %arg12[%add3A_4, %dma_start3A_307] : memref<10240x128xf32, #tpu.memory_space<vmem_shared>> -> memref<32x128xf32, #tpu.memory_space<vmem_shared>>
      tpu.enqueue_dma source(%arg11 : memref<32x128xf32, #tpu.memory_space<vmem>>) target(%dma_start3A_308 : memref<32x128xf32, #tpu.memory_space<vmem_shared>>) target_semaphore(%run_scoped3A : memref<!tpu.dma_semaphore, #tpu.memory_space<semaphore_mem>>)
      %dma_wait3A = arith.constant 0 : i32
      %dma_wait3A_309 = tpu.memref_slice %arg12[%add3A_4, %dma_wait3A] : memref<10240x128xf32, #tpu.memory_space<vmem_shared>> -> memref<32x128xf32, #tpu.memory_space<vmem_shared>>
      %dma_wait3A_310 = arith.constant 0 : i32
      %dma_wait3A_311 = tpu.memref_slice %arg12[%add3A_4, %dma_wait3A_310] : memref<10240x128xf32, #tpu.memory_space<vmem_shared>> -> memref<32x128xf32, #tpu.memory_space<vmem_shared>>
      tpu.wait_dma2 semaphore(%run_scoped3A : memref<!tpu.dma_semaphore, #tpu.memory_space<semaphore_mem>>) src(%arg11 : memref<32x128xf32, #tpu.memory_space<vmem>>) dst(%dma_wait3A_311 : memref<32x128xf32, #tpu.memory_space<vmem_shared>>)
      tpu.yield
    }) : () -> ()
    %mul3A_5 = arith.constant 640 : i32
    %mul3A_6 = arith.muli %arg1, %mul3A_5 : i32
    %add3A_7 = arith.constant 32 : i32
    %add3A_8 = arith.addi %mul3A_6, %add3A_7 : i32
    "tpu.region"() ({
      %run_scoped3A = tpu.sem_alloc : memref<!tpu.dma_semaphore, #tpu.memory_space<semaphore_mem>>
      %dma_start3A = arith.constant 0 : i32
      %dma_start3A_306 = tpu.memref_slice %arg12[%add3A_8, %dma_start3A] : memref<10240x128xf32, #tpu.memory_space<vmem_shared>> -> memref<32x128xf32, #tpu.memory_space<vmem_shared>>
      %dma_start3A_307 = arith.constant 0 : i32
      %dma_start3A_308 = tpu.memref_slice %arg12[%add3A_8, %dma_start3A_307] : memref<10240x128xf32, #tpu.memory_space<vmem_shared>> -> memref<32x128xf32, #tpu.memory_space<vmem_shared>>
      tpu.enqueue_dma source(%arg11 : memref<32x128xf32, #tpu.memory_space<vmem>>) target(%dma_start3A_308 : memref<32x128xf32, #tpu.memory_space<vmem_shared>>) target_semaphore(%run_scoped3A : memref<!tpu.dma_semaphore, #tpu.memory_space<semaphore_mem>>)
      %dma_wait3A = arith.constant 0 : i32
      %dma_wait3A_309 = tpu.memref_slice %arg12[%add3A_8, %dma_wait3A] : memref<10240x128xf32, #tpu.memory_space<vmem_shared>> -> memref<32x128xf32, #tpu.memory_space<vmem_shared>>
      %dma_wait3A_310 = arith.constant 0 : i32
      %dma_wait3A_311 = tpu.memref_slice %arg12[%add3A_8, %dma_wait3A_310] : memref<10240x128xf32, #tpu.memory_space<vmem_shared>> -> memref<32x128xf32, #tpu.memory_space<vmem_shared>>
      tpu.wait_dma2 semaphore(%run_scoped3A : memref<!tpu.dma_semaphore, #tpu.memory_space<semaphore_mem>>) src(%arg11 : memref<32x128xf32, #tpu.memory_space<vmem>>) dst(%dma_wait3A_311 : memref<32x128xf32, #tpu.memory_space<vmem_shared>>)
      tpu.yield
    }) : () -> ()
    %mul3A_9 = arith.constant 640 : i32
    %mul3A_10 = arith.muli %arg1, %mul3A_9 : i32
    %add3A_11 = arith.constant 64 : i32
    %add3A_12 = arith.addi %mul3A_10, %add3A_11 : i32
    "tpu.region"() ({
      %run_scoped3A = tpu.sem_alloc : memref<!tpu.dma_semaphore, #tpu.memory_space<semaphore_mem>>
      %dma_start3A = arith.constant 0 : i32
      %dma_start3A_306 = tpu.memref_slice %arg12[%add3A_12, %dma_start3A] : memref<10240x128xf32, #tpu.memory_space<vmem_shared>> -> memref<32x128xf32, #tpu.memory_space<vmem_shared>>
      %dma_start3A_307 = arith.constant 0 : i32
      %dma_start3A_308 = tpu.memref_slice %arg12[%add3A_12, %dma_start3A_307] : memref<10240x128xf32, #tpu.memory_space<vmem_shared>> -> memref<32x128xf32, #tpu.memory_space<vmem_shared>>
      tpu.enqueue_dma source(%arg11 : memref<32x128xf32, #tpu.memory_space<vmem>>) target(%dma_start3A_308 : memref<32x128xf32, #tpu.memory_space<vmem_shared>>) target_semaphore(%run_scoped3A : memref<!tpu.dma_semaphore, #tpu.memory_space<semaphore_mem>>)
      %dma_wait3A = arith.constant 0 : i32
      %dma_wait3A_309 = tpu.memref_slice %arg12[%add3A_12, %dma_wait3A] : memref<10240x128xf32, #tpu.memory_space<vmem_shared>> -> memref<32x128xf32, #tpu.memory_space<vmem_shared>>
      %dma_wait3A_310 = arith.constant 0 : i32
      %dma_wait3A_311 = tpu.memref_slice %arg12[%add3A_12, %dma_wait3A_310] : memref<10240x128xf32, #tpu.memory_space<vmem_shared>> -> memref<32x128xf32, #tpu.memory_space<vmem_shared>>
      tpu.wait_dma2 semaphore(%run_scoped3A : memref<!tpu.dma_semaphore, #tpu.memory_space<semaphore_mem>>) src(%arg11 : memref<32x128xf32, #tpu.memory_space<vmem>>) dst(%dma_wait3A_311 : memref<32x128xf32, #tpu.memory_space<vmem_shared>>)
      tpu.yield
    }) : () -> ()
    %mul3A_13 = arith.constant 640 : i32
    %mul3A_14 = arith.muli %arg1, %mul3A_13 : i32
    %add3A_15 = arith.constant 96 : i32
    %add3A_16 = arith.addi %mul3A_14, %add3A_15 : i32
    "tpu.region"() ({
      %run_scoped3A = tpu.sem_alloc : memref<!tpu.dma_semaphore, #tpu.memory_space<semaphore_mem>>
      %dma_start3A = arith.constant 0 : i32
      %dma_start3A_306 = tpu.memref_slice %arg12[%add3A_16, %dma_start3A] : memref<10240x128xf32, #tpu.memory_space<vmem_shared>> -> memref<32x128xf32, #tpu.memory_space<vmem_shared>>
      %dma_start3A_307 = arith.constant 0 : i32
      %dma_start3A_308 = tpu.memref_slice %arg12[%add3A_16, %dma_start3A_307] : memref<10240x128xf32, #tpu.memory_space<vmem_shared>> -> memref<32x128xf32, #tpu.memory_space<vmem_shared>>
      tpu.enqueue_dma source(%arg11 : memref<32x128xf32, #tpu.memory_space<vmem>>) target(%dma_start3A_308 : memref<32x128xf32, #tpu.memory_space<vmem_shared>>) target_semaphore(%run_scoped3A : memref<!tpu.dma_semaphore, #tpu.memory_space<semaphore_mem>>)
      %dma_wait3A = arith.constant 0 : i32
      %dma_wait3A_309 = tpu.memref_slice %arg12[%add3A_16, %dma_wait3A] : memref<10240x128xf32, #tpu.memory_space<vmem_shared>> -> memref<32x128xf32, #tpu.memory_space<vmem_shared>>
      %dma_wait3A_310 = arith.constant 0 : i32
      %dma_wait3A_311 = tpu.memref_slice %arg12[%add3A_16, %dma_wait3A_310] : memref<10240x128xf32, #tpu.memory_space<vmem_shared>> -> memref<32x128xf32, #tpu.memory_space<vmem_shared>>
      tpu.wait_dma2 semaphore(%run_scoped3A : memref<!tpu.dma_semaphore, #tpu.memory_space<semaphore_mem>>) src(%arg11 : memref<32x128xf32, #tpu.memory_space<vmem>>) dst(%dma_wait3A_311 : memref<32x128xf32, #tpu.memory_space<vmem_shared>>)
      tpu.yield
    }) : () -> ()
    %mul3A_17 = arith.constant 640 : i32
    %mul3A_18 = arith.muli %arg1, %mul3A_17 : i32
    %add3A_19 = arith.constant 128 : i32
    %add3A_20 = arith.addi %mul3A_18, %add3A_19 : i32
    "tpu.region"() ({
      %run_scoped3A = tpu.sem_alloc : memref<!tpu.dma_semaphore, #tpu.memory_space<semaphore_mem>>
      %dma_start3A = arith.constant 0 : i32
      %dma_start3A_306 = tpu.memref_slice %arg12[%add3A_20, %dma_start3A] : memref<10240x128xf32, #tpu.memory_space<vmem_shared>> -> memref<32x128xf32, #tpu.memory_space<vmem_shared>>
      %dma_start3A_307 = arith.constant 0 : i32
      %dma_start3A_308 = tpu.memref_slice %arg12[%add3A_20, %dma_start3A_307] : memref<10240x128xf32, #tpu.memory_space<vmem_shared>> -> memref<32x128xf32, #tpu.memory_space<vmem_shared>>
      tpu.enqueue_dma source(%arg11 : memref<32x128xf32, #tpu.memory_space<vmem>>) target(%dma_start3A_308 : memref<32x128xf32, #tpu.memory_space<vmem_shared>>) target_semaphore(%run_scoped3A : memref<!tpu.dma_semaphore, #tpu.memory_space<semaphore_mem>>)
      %dma_wait3A = arith.constant 0 : i32
      %dma_wait3A_309 = tpu.memref_slice %arg12[%add3A_20, %dma_wait3A] : memref<10240x128xf32, #tpu.memory_space<vmem_shared>> -> memref<32x128xf32, #tpu.memory_space<vmem_shared>>
      %dma_wait3A_310 = arith.constant 0 : i32
      %dma_wait3A_311 = tpu.memref_slice %arg12[%add3A_20, %dma_wait3A_310] : memref<10240x128xf32, #tpu.memory_space<vmem_shared>> -> memref<32x128xf32, #tpu.memory_space<vmem_shared>>
      tpu.wait_dma2 semaphore(%run_scoped3A : memref<!tpu.dma_semaphore, #tpu.memory_space<semaphore_mem>>) src(%arg11 : memref<32x128xf32, #tpu.memory_space<vmem>>) dst(%dma_wait3A_311 : memref<32x128xf32, #tpu.memory_space<vmem_shared>>)
      tpu.yield
    }) : () -> ()
    %mul3A_21 = arith.constant 640 : i32
    %mul3A_22 = arith.muli %arg1, %mul3A_21 : i32
    %add3A_23 = arith.constant 160 : i32
    %add3A_24 = arith.addi %mul3A_22, %add3A_23 : i32
    "tpu.region"() ({
      %run_scoped3A = tpu.sem_alloc : memref<!tpu.dma_semaphore, #tpu.memory_space<semaphore_mem>>
      %dma_start3A = arith.constant 0 : i32
      %dma_start3A_306 = tpu.memref_slice %arg12[%add3A_24, %dma_start3A] : memref<10240x128xf32, #tpu.memory_space<vmem_shared>> -> memref<32x128xf32, #tpu.memory_space<vmem_shared>>
      %dma_start3A_307 = arith.constant 0 : i32
      %dma_start3A_308 = tpu.memref_slice %arg12[%add3A_24, %dma_start3A_307] : memref<10240x128xf32, #tpu.memory_space<vmem_shared>> -> memref<32x128xf32, #tpu.memory_space<vmem_shared>>
      tpu.enqueue_dma source(%arg11 : memref<32x128xf32, #tpu.memory_space<vmem>>) target(%dma_start3A_308 : memref<32x128xf32, #tpu.memory_space<vmem_shared>>) target_semaphore(%run_scoped3A : memref<!tpu.dma_semaphore, #tpu.memory_space<semaphore_mem>>)
      %dma_wait3A = arith.constant 0 : i32
      %dma_wait3A_309 = tpu.memref_slice %arg12[%add3A_24, %dma_wait3A] : memref<10240x128xf32, #tpu.memory_space<vmem_shared>> -> memref<32x128xf32, #tpu.memory_space<vmem_shared>>
      %dma_wait3A_310 = arith.constant 0 : i32
      %dma_wait3A_311 = tpu.memref_slice %arg12[%add3A_24, %dma_wait3A_310] : memref<10240x128xf32, #tpu.memory_space<vmem_shared>> -> memref<32x128xf32, #tpu.memory_space<vmem_shared>>
      tpu.wait_dma2 semaphore(%run_scoped3A : memref<!tpu.dma_semaphore, #tpu.memory_space<semaphore_mem>>) src(%arg11 : memref<32x128xf32, #tpu.memory_space<vmem>>) dst(%dma_wait3A_311 : memref<32x128xf32, #tpu.memory_space<vmem_shared>>)
      tpu.yield
    }) : () -> ()
    %mul3A_25 = arith.constant 640 : i32
    %mul3A_26 = arith.muli %arg1, %mul3A_25 : i32
    %add3A_27 = arith.constant 192 : i32
    %add3A_28 = arith.addi %mul3A_26, %add3A_27 : i32
    "tpu.region"() ({
      %run_scoped3A = tpu.sem_alloc : memref<!tpu.dma_semaphore, #tpu.memory_space<semaphore_mem>>
      %dma_start3A = arith.constant 0 : i32
      %dma_start3A_306 = tpu.memref_slice %arg12[%add3A_28, %dma_start3A] : memref<10240x128xf32, #tpu.memory_space<vmem_shared>> -> memref<32x128xf32, #tpu.memory_space<vmem_shared>>
      %dma_start3A_307 = arith.constant 0 : i32
      %dma_start3A_308 = tpu.memref_slice %arg12[%add3A_28, %dma_start3A_307] : memref<10240x128xf32, #tpu.memory_space<vmem_shared>> -> memref<32x128xf32, #tpu.memory_space<vmem_shared>>
      tpu.enqueue_dma source(%arg11 : memref<32x128xf32, #tpu.memory_space<vmem>>) target(%dma_start3A_308 : memref<32x128xf32, #tpu.memory_space<vmem_shared>>) target_semaphore(%run_scoped3A : memref<!tpu.dma_semaphore, #tpu.memory_space<semaphore_mem>>)
      %dma_wait3A = arith.constant 0 : i32
      %dma_wait3A_309 = tpu.memref_slice %arg12[%add3A_28, %dma_wait3A] : memref<10240x128xf32, #tpu.memory_space<vmem_shared>> -> memref<32x128xf32, #tpu.memory_space<vmem_shared>>
      %dma_wait3A_310 = arith.constant 0 : i32
      %dma_wait3A_311 = tpu.memref_slice %arg12[%add3A_28, %dma_wait3A_310] : memref<10240x128xf32, #tpu.memory_space<vmem_shared>> -> memref<32x128xf32, #tpu.memory_space<vmem_shared>>
      tpu.wait_dma2 semaphore(%run_scoped3A : memref<!tpu.dma_semaphore, #tpu.memory_space<semaphore_mem>>) src(%arg11 : memref<32x128xf32, #tpu.memory_space<vmem>>) dst(%dma_wait3A_311 : memref<32x128xf32, #tpu.memory_space<vmem_shared>>)
      tpu.yield
    }) : () -> ()
    %mul3A_29 = arith.constant 640 : i32
    %mul3A_30 = arith.muli %arg1, %mul3A_29 : i32
    %add3A_31 = arith.constant 224 : i32
    %add3A_32 = arith.addi %mul3A_30, %add3A_31 : i32
    "tpu.region"() ({
      %run_scoped3A = tpu.sem_alloc : memref<!tpu.dma_semaphore, #tpu.memory_space<semaphore_mem>>
      %dma_start3A = arith.constant 0 : i32
      %dma_start3A_306 = tpu.memref_slice %arg12[%add3A_32, %dma_start3A] : memref<10240x128xf32, #tpu.memory_space<vmem_shared>> -> memref<32x128xf32, #tpu.memory_space<vmem_shared>>
      %dma_start3A_307 = arith.constant 0 : i32
      %dma_start3A_308 = tpu.memref_slice %arg12[%add3A_32, %dma_start3A_307] : memref<10240x128xf32, #tpu.memory_space<vmem_shared>> -> memref<32x128xf32, #tpu.memory_space<vmem_shared>>
      tpu.enqueue_dma source(%arg11 : memref<32x128xf32, #tpu.memory_space<vmem>>) target(%dma_start3A_308 : memref<32x128xf32, #tpu.memory_space<vmem_shared>>) target_semaphore(%run_scoped3A : memref<!tpu.dma_semaphore, #tpu.memory_space<semaphore_mem>>)
      %dma_wait3A = arith.constant 0 : i32
      %dma_wait3A_309 = tpu.memref_slice %arg12[%add3A_32, %dma_wait3A] : memref<10240x128xf32, #tpu.memory_space<vmem_shared>> -> memref<32x128xf32, #tpu.memory_space<vmem_shared>>
      %dma_wait3A_310 = arith.constant 0 : i32
      %dma_wait3A_311 = tpu.memref_slice %arg12[%add3A_32, %dma_wait3A_310] : memref<10240x128xf32, #tpu.memory_space<vmem_shared>> -> memref<32x128xf32, #tpu.memory_space<vmem_shared>>
      tpu.wait_dma2 semaphore(%run_scoped3A : memref<!tpu.dma_semaphore, #tpu.memory_space<semaphore_mem>>) src(%arg11 : memref<32x128xf32, #tpu.memory_space<vmem>>) dst(%dma_wait3A_311 : memref<32x128xf32, #tpu.memory_space<vmem_shared>>)
      tpu.yield
    }) : () -> ()
    %mul3A_33 = arith.constant 640 : i32
    %mul3A_34 = arith.muli %arg1, %mul3A_33 : i32
    %add3A_35 = arith.constant 256 : i32
    %add3A_36 = arith.addi %mul3A_34, %add3A_35 : i32
    "tpu.region"() ({
      %run_scoped3A = tpu.sem_alloc : memref<!tpu.dma_semaphore, #tpu.memory_space<semaphore_mem>>
      %dma_start3A = arith.constant 0 : i32
      %dma_start3A_306 = tpu.memref_slice %arg12[%add3A_36, %dma_start3A] : memref<10240x128xf32, #tpu.memory_space<vmem_shared>> -> memref<32x128xf32, #tpu.memory_space<vmem_shared>>
      %dma_start3A_307 = arith.constant 0 : i32
      %dma_start3A_308 = tpu.memref_slice %arg12[%add3A_36, %dma_start3A_307] : memref<10240x128xf32, #tpu.memory_space<vmem_shared>> -> memref<32x128xf32, #tpu.memory_space<vmem_shared>>
      tpu.enqueue_dma source(%arg11 : memref<32x128xf32, #tpu.memory_space<vmem>>) target(%dma_start3A_308 : memref<32x128xf32, #tpu.memory_space<vmem_shared>>) target_semaphore(%run_scoped3A : memref<!tpu.dma_semaphore, #tpu.memory_space<semaphore_mem>>)
      %dma_wait3A = arith.constant 0 : i32
      %dma_wait3A_309 = tpu.memref_slice %arg12[%add3A_36, %dma_wait3A] : memref<10240x128xf32, #tpu.memory_space<vmem_shared>> -> memref<32x128xf32, #tpu.memory_space<vmem_shared>>
      %dma_wait3A_310 = arith.constant 0 : i32
      %dma_wait3A_311 = tpu.memref_slice %arg12[%add3A_36, %dma_wait3A_310] : memref<10240x128xf32, #tpu.memory_space<vmem_shared>> -> memref<32x128xf32, #tpu.memory_space<vmem_shared>>
      tpu.wait_dma2 semaphore(%run_scoped3A : memref<!tpu.dma_semaphore, #tpu.memory_space<semaphore_mem>>) src(%arg11 : memref<32x128xf32, #tpu.memory_space<vmem>>) dst(%dma_wait3A_311 : memref<32x128xf32, #tpu.memory_space<vmem_shared>>)
      tpu.yield
    }) : () -> ()
    %mul3A_37 = arith.constant 640 : i32
    %mul3A_38 = arith.muli %arg1, %mul3A_37 : i32
    %add3A_39 = arith.constant 288 : i32
    %add3A_40 = arith.addi %mul3A_38, %add3A_39 : i32
    "tpu.region"() ({
      %run_scoped3A = tpu.sem_alloc : memref<!tpu.dma_semaphore, #tpu.memory_space<semaphore_mem>>
      %dma_start3A = arith.constant 0 : i32
      %dma_start3A_306 = tpu.memref_slice %arg12[%add3A_40, %dma_start3A] : memref<10240x128xf32, #tpu.memory_space<vmem_shared>> -> memref<32x128xf32, #tpu.memory_space<vmem_shared>>
      %dma_start3A_307 = arith.constant 0 : i32
      %dma_start3A_308 = tpu.memref_slice %arg12[%add3A_40, %dma_start3A_307] : memref<10240x128xf32, #tpu.memory_space<vmem_shared>> -> memref<32x128xf32, #tpu.memory_space<vmem_shared>>
      tpu.enqueue_dma source(%arg11 : memref<32x128xf32, #tpu.memory_space<vmem>>) target(%dma_start3A_308 : memref<32x128xf32, #tpu.memory_space<vmem_shared>>) target_semaphore(%run_scoped3A : memref<!tpu.dma_semaphore, #tpu.memory_space<semaphore_mem>>)
      %dma_wait3A = arith.constant 0 : i32
      %dma_wait3A_309 = tpu.memref_slice %arg12[%add3A_40, %dma_wait3A] : memref<10240x128xf32, #tpu.memory_space<vmem_shared>> -> memref<32x128xf32, #tpu.memory_space<vmem_shared>>
      %dma_wait3A_310 = arith.constant 0 : i32
      %dma_wait3A_311 = tpu.memref_slice %arg12[%add3A_40, %dma_wait3A_310] : memref<10240x128xf32, #tpu.memory_space<vmem_shared>> -> memref<32x128xf32, #tpu.memory_space<vmem_shared>>
      tpu.wait_dma2 semaphore(%run_scoped3A : memref<!tpu.dma_semaphore, #tpu.memory_space<semaphore_mem>>) src(%arg11 : memref<32x128xf32, #tpu.memory_space<vmem>>) dst(%dma_wait3A_311 : memref<32x128xf32, #tpu.memory_space<vmem_shared>>)
      tpu.yield
    }) : () -> ()
    %mul3A_41 = arith.constant 640 : i32
    %mul3A_42 = arith.muli %arg1, %mul3A_41 : i32
    %add3A_43 = arith.constant 320 : i32
    %add3A_44 = arith.addi %mul3A_42, %add3A_43 : i32
    "tpu.region"() ({
      %run_scoped3A = tpu.sem_alloc : memref<!tpu.dma_semaphore, #tpu.memory_space<semaphore_mem>>
      %dma_start3A = arith.constant 0 : i32
      %dma_start3A_306 = tpu.memref_slice %arg12[%add3A_44, %dma_start3A] : memref<10240x128xf32, #tpu.memory_space<vmem_shared>> -> memref<32x128xf32, #tpu.memory_space<vmem_shared>>
      %dma_start3A_307 = arith.constant 0 : i32
      %dma_start3A_308 = tpu.memref_slice %arg12[%add3A_44, %dma_start3A_307] : memref<10240x128xf32, #tpu.memory_space<vmem_shared>> -> memref<32x128xf32, #tpu.memory_space<vmem_shared>>
      tpu.enqueue_dma source(%arg11 : memref<32x128xf32, #tpu.memory_space<vmem>>) target(%dma_start3A_308 : memref<32x128xf32, #tpu.memory_space<vmem_shared>>) target_semaphore(%run_scoped3A : memref<!tpu.dma_semaphore, #tpu.memory_space<semaphore_mem>>)
      %dma_wait3A = arith.constant 0 : i32
      %dma_wait3A_309 = tpu.memref_slice %arg12[%add3A_44, %dma_wait3A] : memref<10240x128xf32, #tpu.memory_space<vmem_shared>> -> memref<32x128xf32, #tpu.memory_space<vmem_shared>>
      %dma_wait3A_310 = arith.constant 0 : i32
      %dma_wait3A_311 = tpu.memref_slice %arg12[%add3A_44, %dma_wait3A_310] : memref<10240x128xf32, #tpu.memory_space<vmem_shared>> -> memref<32x128xf32, #tpu.memory_space<vmem_shared>>
      tpu.wait_dma2 semaphore(%run_scoped3A : memref<!tpu.dma_semaphore, #tpu.memory_space<semaphore_mem>>) src(%arg11 : memref<32x128xf32, #tpu.memory_space<vmem>>) dst(%dma_wait3A_311 : memref<32x128xf32, #tpu.memory_space<vmem_shared>>)
      tpu.yield
    }) : () -> ()
    %mul3A_45 = arith.constant 640 : i32
    %mul3A_46 = arith.muli %arg1, %mul3A_45 : i32
    %add3A_47 = arith.constant 352 : i32
    %add3A_48 = arith.addi %mul3A_46, %add3A_47 : i32
    "tpu.region"() ({
      %run_scoped3A = tpu.sem_alloc : memref<!tpu.dma_semaphore, #tpu.memory_space<semaphore_mem>>
      %dma_start3A = arith.constant 0 : i32
      %dma_start3A_306 = tpu.memref_slice %arg12[%add3A_48, %dma_start3A] : memref<10240x128xf32, #tpu.memory_space<vmem_shared>> -> memref<32x128xf32, #tpu.memory_space<vmem_shared>>
      %dma_start3A_307 = arith.constant 0 : i32
      %dma_start3A_308 = tpu.memref_slice %arg12[%add3A_48, %dma_start3A_307] : memref<10240x128xf32, #tpu.memory_space<vmem_shared>> -> memref<32x128xf32, #tpu.memory_space<vmem_shared>>
      tpu.enqueue_dma source(%arg11 : memref<32x128xf32, #tpu.memory_space<vmem>>) target(%dma_start3A_308 : memref<32x128xf32, #tpu.memory_space<vmem_shared>>) target_semaphore(%run_scoped3A : memref<!tpu.dma_semaphore, #tpu.memory_space<semaphore_mem>>)
      %dma_wait3A = arith.constant 0 : i32
      %dma_wait3A_309 = tpu.memref_slice %arg12[%add3A_48, %dma_wait3A] : memref<10240x128xf32, #tpu.memory_space<vmem_shared>> -> memref<32x128xf32, #tpu.memory_space<vmem_shared>>
      %dma_wait3A_310 = arith.constant 0 : i32
      %dma_wait3A_311 = tpu.memref_slice %arg12[%add3A_48, %dma_wait3A_310] : memref<10240x128xf32, #tpu.memory_space<vmem_shared>> -> memref<32x128xf32, #tpu.memory_space<vmem_shared>>
      tpu.wait_dma2 semaphore(%run_scoped3A : memref<!tpu.dma_semaphore, #tpu.memory_space<semaphore_mem>>) src(%arg11 : memref<32x128xf32, #tpu.memory_space<vmem>>) dst(%dma_wait3A_311 : memref<32x128xf32, #tpu.memory_space<vmem_shared>>)
      tpu.yield
    }) : () -> ()
    %mul3A_49 = arith.constant 640 : i32
    %mul3A_50 = arith.muli %arg1, %mul3A_49 : i32
    %add3A_51 = arith.constant 384 : i32
    %add3A_52 = arith.addi %mul3A_50, %add3A_51 : i32
    "tpu.region"() ({
      %run_scoped3A = tpu.sem_alloc : memref<!tpu.dma_semaphore, #tpu.memory_space<semaphore_mem>>
      %dma_start3A = arith.constant 0 : i32
      %dma_start3A_306 = tpu.memref_slice %arg12[%add3A_52, %dma_start3A] : memref<10240x128xf32, #tpu.memory_space<vmem_shared>> -> memref<32x128xf32, #tpu.memory_space<vmem_shared>>
      %dma_start3A_307 = arith.constant 0 : i32
      %dma_start3A_308 = tpu.memref_slice %arg12[%add3A_52, %dma_start3A_307] : memref<10240x128xf32, #tpu.memory_space<vmem_shared>> -> memref<32x128xf32, #tpu.memory_space<vmem_shared>>
      tpu.enqueue_dma source(%arg11 : memref<32x128xf32, #tpu.memory_space<vmem>>) target(%dma_start3A_308 : memref<32x128xf32, #tpu.memory_space<vmem_shared>>) target_semaphore(%run_scoped3A : memref<!tpu.dma_semaphore, #tpu.memory_space<semaphore_mem>>)
      %dma_wait3A = arith.constant 0 : i32
      %dma_wait3A_309 = tpu.memref_slice %arg12[%add3A_52, %dma_wait3A] : memref<10240x128xf32, #tpu.memory_space<vmem_shared>> -> memref<32x128xf32, #tpu.memory_space<vmem_shared>>
      %dma_wait3A_310 = arith.constant 0 : i32
      %dma_wait3A_311 = tpu.memref_slice %arg12[%add3A_52, %dma_wait3A_310] : memref<10240x128xf32, #tpu.memory_space<vmem_shared>> -> memref<32x128xf32, #tpu.memory_space<vmem_shared>>
      tpu.wait_dma2 semaphore(%run_scoped3A : memref<!tpu.dma_semaphore, #tpu.memory_space<semaphore_mem>>) src(%arg11 : memref<32x128xf32, #tpu.memory_space<vmem>>) dst(%dma_wait3A_311 : memref<32x128xf32, #tpu.memory_space<vmem_shared>>)
      tpu.yield
    }) : () -> ()
    %mul3A_53 = arith.constant 640 : i32
    %mul3A_54 = arith.muli %arg1, %mul3A_53 : i32
    %add3A_55 = arith.constant 416 : i32
    %add3A_56 = arith.addi %mul3A_54, %add3A_55 : i32
    "tpu.region"() ({
      %run_scoped3A = tpu.sem_alloc : memref<!tpu.dma_semaphore, #tpu.memory_space<semaphore_mem>>
      %dma_start3A = arith.constant 0 : i32
      %dma_start3A_306 = tpu.memref_slice %arg12[%add3A_56, %dma_start3A] : memref<10240x128xf32, #tpu.memory_space<vmem_shared>> -> memref<32x128xf32, #tpu.memory_space<vmem_shared>>
      %dma_start3A_307 = arith.constant 0 : i32
      %dma_start3A_308 = tpu.memref_slice %arg12[%add3A_56, %dma_start3A_307] : memref<10240x128xf32, #tpu.memory_space<vmem_shared>> -> memref<32x128xf32, #tpu.memory_space<vmem_shared>>
      tpu.enqueue_dma source(%arg11 : memref<32x128xf32, #tpu.memory_space<vmem>>) target(%dma_start3A_308 : memref<32x128xf32, #tpu.memory_space<vmem_shared>>) target_semaphore(%run_scoped3A : memref<!tpu.dma_semaphore, #tpu.memory_space<semaphore_mem>>)
      %dma_wait3A = arith.constant 0 : i32
      %dma_wait3A_309 = tpu.memref_slice %arg12[%add3A_56, %dma_wait3A] : memref<10240x128xf32, #tpu.memory_space<vmem_shared>> -> memref<32x128xf32, #tpu.memory_space<vmem_shared>>
      %dma_wait3A_310 = arith.constant 0 : i32
      %dma_wait3A_311 = tpu.memref_slice %arg12[%add3A_56, %dma_wait3A_310] : memref<10240x128xf32, #tpu.memory_space<vmem_shared>> -> memref<32x128xf32, #tpu.memory_space<vmem_shared>>
      tpu.wait_dma2 semaphore(%run_scoped3A : memref<!tpu.dma_semaphore, #tpu.memory_space<semaphore_mem>>) src(%arg11 : memref<32x128xf32, #tpu.memory_space<vmem>>) dst(%dma_wait3A_311 : memref<32x128xf32, #tpu.memory_space<vmem_shared>>)
      tpu.yield
    }) : () -> ()
    %mul3A_57 = arith.constant 640 : i32
    %mul3A_58 = arith.muli %arg1, %mul3A_57 : i32
    %add3A_59 = arith.constant 448 : i32
    %add3A_60 = arith.addi %mul3A_58, %add3A_59 : i32
    "tpu.region"() ({
      %run_scoped3A = tpu.sem_alloc : memref<!tpu.dma_semaphore, #tpu.memory_space<semaphore_mem>>
      %dma_start3A = arith.constant 0 : i32
      %dma_start3A_306 = tpu.memref_slice %arg12[%add3A_60, %dma_start3A] : memref<10240x128xf32, #tpu.memory_space<vmem_shared>> -> memref<32x128xf32, #tpu.memory_space<vmem_shared>>
      %dma_start3A_307 = arith.constant 0 : i32
      %dma_start3A_308 = tpu.memref_slice %arg12[%add3A_60, %dma_start3A_307] : memref<10240x128xf32, #tpu.memory_space<vmem_shared>> -> memref<32x128xf32, #tpu.memory_space<vmem_shared>>
      tpu.enqueue_dma source(%arg11 : memref<32x128xf32, #tpu.memory_space<vmem>>) target(%dma_start3A_308 : memref<32x128xf32, #tpu.memory_space<vmem_shared>>) target_semaphore(%run_scoped3A : memref<!tpu.dma_semaphore, #tpu.memory_space<semaphore_mem>>)
      %dma_wait3A = arith.constant 0 : i32
      %dma_wait3A_309 = tpu.memref_slice %arg12[%add3A_60, %dma_wait3A] : memref<10240x128xf32, #tpu.memory_space<vmem_shared>> -> memref<32x128xf32, #tpu.memory_space<vmem_shared>>
      %dma_wait3A_310 = arith.constant 0 : i32
      %dma_wait3A_311 = tpu.memref_slice %arg12[%add3A_60, %dma_wait3A_310] : memref<10240x128xf32, #tpu.memory_space<vmem_shared>> -> memref<32x128xf32, #tpu.memory_space<vmem_shared>>
      tpu.wait_dma2 semaphore(%run_scoped3A : memref<!tpu.dma_semaphore, #tpu.memory_space<semaphore_mem>>) src(%arg11 : memref<32x128xf32, #tpu.memory_space<vmem>>) dst(%dma_wait3A_311 : memref<32x128xf32, #tpu.memory_space<vmem_shared>>)
      tpu.yield
    }) : () -> ()
    %mul3A_61 = arith.constant 640 : i32
    %mul3A_62 = arith.muli %arg1, %mul3A_61 : i32
    %add3A_63 = arith.constant 480 : i32
    %add3A_64 = arith.addi %mul3A_62, %add3A_63 : i32
    "tpu.region"() ({
      %run_scoped3A = tpu.sem_alloc : memref<!tpu.dma_semaphore, #tpu.memory_space<semaphore_mem>>
      %dma_start3A = arith.constant 0 : i32
      %dma_start3A_306 = tpu.memref_slice %arg12[%add3A_64, %dma_start3A] : memref<10240x128xf32, #tpu.memory_space<vmem_shared>> -> memref<32x128xf32, #tpu.memory_space<vmem_shared>>
      %dma_start3A_307 = arith.constant 0 : i32
      %dma_start3A_308 = tpu.memref_slice %arg12[%add3A_64, %dma_start3A_307] : memref<10240x128xf32, #tpu.memory_space<vmem_shared>> -> memref<32x128xf32, #tpu.memory_space<vmem_shared>>
      tpu.enqueue_dma source(%arg11 : memref<32x128xf32, #tpu.memory_space<vmem>>) target(%dma_start3A_308 : memref<32x128xf32, #tpu.memory_space<vmem_shared>>) target_semaphore(%run_scoped3A : memref<!tpu.dma_semaphore, #tpu.memory_space<semaphore_mem>>)
      %dma_wait3A = arith.constant 0 : i32
      %dma_wait3A_309 = tpu.memref_slice %arg12[%add3A_64, %dma_wait3A] : memref<10240x128xf32, #tpu.memory_space<vmem_shared>> -> memref<32x128xf32, #tpu.memory_space<vmem_shared>>
      %dma_wait3A_310 = arith.constant 0 : i32
      %dma_wait3A_311 = tpu.memref_slice %arg12[%add3A_64, %dma_wait3A_310] : memref<10240x128xf32, #tpu.memory_space<vmem_shared>> -> memref<32x128xf32, #tpu.memory_space<vmem_shared>>
      tpu.wait_dma2 semaphore(%run_scoped3A : memref<!tpu.dma_semaphore, #tpu.memory_space<semaphore_mem>>) src(%arg11 : memref<32x128xf32, #tpu.memory_space<vmem>>) dst(%dma_wait3A_311 : memref<32x128xf32, #tpu.memory_space<vmem_shared>>)
      tpu.yield
    }) : () -> ()
    %mul3A_65 = arith.constant 640 : i32
    %mul3A_66 = arith.muli %arg1, %mul3A_65 : i32
    %add3A_67 = arith.constant 512 : i32
    %add3A_68 = arith.addi %mul3A_66, %add3A_67 : i32
    "tpu.region"() ({
      %run_scoped3A = tpu.sem_alloc : memref<!tpu.dma_semaphore, #tpu.memory_space<semaphore_mem>>
      %dma_start3A = arith.constant 0 : i32
      %dma_start3A_306 = tpu.memref_slice %arg12[%add3A_68, %dma_start3A] : memref<10240x128xf32, #tpu.memory_space<vmem_shared>> -> memref<32x128xf32, #tpu.memory_space<vmem_shared>>
      %dma_start3A_307 = arith.constant 0 : i32
      %dma_start3A_308 = tpu.memref_slice %arg12[%add3A_68, %dma_start3A_307] : memref<10240x128xf32, #tpu.memory_space<vmem_shared>> -> memref<32x128xf32, #tpu.memory_space<vmem_shared>>
      tpu.enqueue_dma source(%arg11 : memref<32x128xf32, #tpu.memory_space<vmem>>) target(%dma_start3A_308 : memref<32x128xf32, #tpu.memory_space<vmem_shared>>) target_semaphore(%run_scoped3A : memref<!tpu.dma_semaphore, #tpu.memory_space<semaphore_mem>>)
      %dma_wait3A = arith.constant 0 : i32
      %dma_wait3A_309 = tpu.memref_slice %arg12[%add3A_68, %dma_wait3A] : memref<10240x128xf32, #tpu.memory_space<vmem_shared>> -> memref<32x128xf32, #tpu.memory_space<vmem_shared>>
      %dma_wait3A_310 = arith.constant 0 : i32
      %dma_wait3A_311 = tpu.memref_slice %arg12[%add3A_68, %dma_wait3A_310] : memref<10240x128xf32, #tpu.memory_space<vmem_shared>> -> memref<32x128xf32, #tpu.memory_space<vmem_shared>>
      tpu.wait_dma2 semaphore(%run_scoped3A : memref<!tpu.dma_semaphore, #tpu.memory_space<semaphore_mem>>) src(%arg11 : memref<32x128xf32, #tpu.memory_space<vmem>>) dst(%dma_wait3A_311 : memref<32x128xf32, #tpu.memory_space<vmem_shared>>)
      tpu.yield
    }) : () -> ()
    %mul3A_69 = arith.constant 640 : i32
    %mul3A_70 = arith.muli %arg1, %mul3A_69 : i32
    %add3A_71 = arith.constant 544 : i32
    %add3A_72 = arith.addi %mul3A_70, %add3A_71 : i32
    "tpu.region"() ({
      %run_scoped3A = tpu.sem_alloc : memref<!tpu.dma_semaphore, #tpu.memory_space<semaphore_mem>>
      %dma_start3A = arith.constant 0 : i32
      %dma_start3A_306 = tpu.memref_slice %arg12[%add3A_72, %dma_start3A] : memref<10240x128xf32, #tpu.memory_space<vmem_shared>> -> memref<32x128xf32, #tpu.memory_space<vmem_shared>>
      %dma_start3A_307 = arith.constant 0 : i32
      %dma_start3A_308 = tpu.memref_slice %arg12[%add3A_72, %dma_start3A_307] : memref<10240x128xf32, #tpu.memory_space<vmem_shared>> -> memref<32x128xf32, #tpu.memory_space<vmem_shared>>
      tpu.enqueue_dma source(%arg11 : memref<32x128xf32, #tpu.memory_space<vmem>>) target(%dma_start3A_308 : memref<32x128xf32, #tpu.memory_space<vmem_shared>>) target_semaphore(%run_scoped3A : memref<!tpu.dma_semaphore, #tpu.memory_space<semaphore_mem>>)
      %dma_wait3A = arith.constant 0 : i32
      %dma_wait3A_309 = tpu.memref_slice %arg12[%add3A_72, %dma_wait3A] : memref<10240x128xf32, #tpu.memory_space<vmem_shared>> -> memref<32x128xf32, #tpu.memory_space<vmem_shared>>
      %dma_wait3A_310 = arith.constant 0 : i32
      %dma_wait3A_311 = tpu.memref_slice %arg12[%add3A_72, %dma_wait3A_310] : memref<10240x128xf32, #tpu.memory_space<vmem_shared>> -> memref<32x128xf32, #tpu.memory_space<vmem_shared>>
      tpu.wait_dma2 semaphore(%run_scoped3A : memref<!tpu.dma_semaphore, #tpu.memory_space<semaphore_mem>>) src(%arg11 : memref<32x128xf32, #tpu.memory_space<vmem>>) dst(%dma_wait3A_311 : memref<32x128xf32, #tpu.memory_space<vmem_shared>>)
      tpu.yield
    }) : () -> ()
    %mul3A_73 = arith.constant 640 : i32
    %mul3A_74 = arith.muli %arg1, %mul3A_73 : i32
    %add3A_75 = arith.constant 576 : i32
    %add3A_76 = arith.addi %mul3A_74, %add3A_75 : i32
    "tpu.region"() ({
      %run_scoped3A = tpu.sem_alloc : memref<!tpu.dma_semaphore, #tpu.memory_space<semaphore_mem>>
      %dma_start3A = arith.constant 0 : i32
      %dma_start3A_306 = tpu.memref_slice %arg12[%add3A_76, %dma_start3A] : memref<10240x128xf32, #tpu.memory_space<vmem_shared>> -> memref<32x128xf32, #tpu.memory_space<vmem_shared>>
      %dma_start3A_307 = arith.constant 0 : i32
      %dma_start3A_308 = tpu.memref_slice %arg12[%add3A_76, %dma_start3A_307] : memref<10240x128xf32, #tpu.memory_space<vmem_shared>> -> memref<32x128xf32, #tpu.memory_space<vmem_shared>>
      tpu.enqueue_dma source(%arg11 : memref<32x128xf32, #tpu.memory_space<vmem>>) target(%dma_start3A_308 : memref<32x128xf32, #tpu.memory_space<vmem_shared>>) target_semaphore(%run_scoped3A : memref<!tpu.dma_semaphore, #tpu.memory_space<semaphore_mem>>)
      %dma_wait3A = arith.constant 0 : i32
      %dma_wait3A_309 = tpu.memref_slice %arg12[%add3A_76, %dma_wait3A] : memref<10240x128xf32, #tpu.memory_space<vmem_shared>> -> memref<32x128xf32, #tpu.memory_space<vmem_shared>>
      %dma_wait3A_310 = arith.constant 0 : i32
      %dma_wait3A_311 = tpu.memref_slice %arg12[%add3A_76, %dma_wait3A_310] : memref<10240x128xf32, #tpu.memory_space<vmem_shared>> -> memref<32x128xf32, #tpu.memory_space<vmem_shared>>
      tpu.wait_dma2 semaphore(%run_scoped3A : memref<!tpu.dma_semaphore, #tpu.memory_space<semaphore_mem>>) src(%arg11 : memref<32x128xf32, #tpu.memory_space<vmem>>) dst(%dma_wait3A_311 : memref<32x128xf32, #tpu.memory_space<vmem_shared>>)
      tpu.yield
    }) : () -> ()
    %mul3A_77 = arith.constant 640 : i32
    %mul3A_78 = arith.muli %arg1, %mul3A_77 : i32
    %add3A_79 = arith.constant 608 : i32
    %add3A_80 = arith.addi %mul3A_78, %add3A_79 : i32
    "tpu.region"() ({
      %run_scoped3A = tpu.sem_alloc : memref<!tpu.dma_semaphore, #tpu.memory_space<semaphore_mem>>
      %dma_start3A = arith.constant 0 : i32
      %dma_start3A_306 = tpu.memref_slice %arg12[%add3A_80, %dma_start3A] : memref<10240x128xf32, #tpu.memory_space<vmem_shared>> -> memref<32x128xf32, #tpu.memory_space<vmem_shared>>
      %dma_start3A_307 = arith.constant 0 : i32
      %dma_start3A_308 = tpu.memref_slice %arg12[%add3A_80, %dma_start3A_307] : memref<10240x128xf32, #tpu.memory_space<vmem_shared>> -> memref<32x128xf32, #tpu.memory_space<vmem_shared>>
      tpu.enqueue_dma source(%arg11 : memref<32x128xf32, #tpu.memory_space<vmem>>) target(%dma_start3A_308 : memref<32x128xf32, #tpu.memory_space<vmem_shared>>) target_semaphore(%run_scoped3A : memref<!tpu.dma_semaphore, #tpu.memory_space<semaphore_mem>>)
      %dma_wait3A = arith.constant 0 : i32
      %dma_wait3A_309 = tpu.memref_slice %arg12[%add3A_80, %dma_wait3A] : memref<10240x128xf32, #tpu.memory_space<vmem_shared>> -> memref<32x128xf32, #tpu.memory_space<vmem_shared>>
      %dma_wait3A_310 = arith.constant 0 : i32
      %dma_wait3A_311 = tpu.memref_slice %arg12[%add3A_80, %dma_wait3A_310] : memref<10240x128xf32, #tpu.memory_space<vmem_shared>> -> memref<32x128xf32, #tpu.memory_space<vmem_shared>>
      tpu.wait_dma2 semaphore(%run_scoped3A : memref<!tpu.dma_semaphore, #tpu.memory_space<semaphore_mem>>) src(%arg11 : memref<32x128xf32, #tpu.memory_space<vmem>>) dst(%dma_wait3A_311 : memref<32x128xf32, #tpu.memory_space<vmem_shared>>)
      tpu.yield
    }) : () -> ()
    %barrier3A = arith.constant 0 : index
    tpu.barrier barrier_id(%barrier3A)
    %scan3A = arith.constant 0 : i32
    %scan3A_81 = arith.constant 10 : i32
    %scan3A_82 = arith.addi %scan3A, %scan3A_81 : i32
    %scan3A_83 = arith.constant 1 : i32
    scf.for %scan3A_306 = %scan3A to %scan3A_82 step %scan3A_83  : i32 {
      %mul3A_307 = arith.constant 1 : i32
      %mul3A_308 = arith.muli %scan3A_306, %mul3A_307 : i32
      %add3A_309 = arith.constant 0 : i32
      %add3A_310 = arith.addi %add3A_309, %mul3A_308 : i32
      "tpu.region"() ({
        %run_scoped3A = tpu.sem_alloc : memref<!tpu.dma_semaphore, #tpu.memory_space<semaphore_mem>>
        %dma_start3A_589 = arith.constant 0 : i32
        %dma_start3A_590 = arith.constant 0 : i32
        %dma_start3A_591 = tpu.memref_slice %arg3[%add3A, %add3A_310, %dma_start3A_589, %dma_start3A_590] : memref<32x10x10x100xi32, #tpu.memory_space<hbm>> -> memref<1x1x10x100xi32, #tpu.memory_space<hbm>>
        %dma_start3A_592 = tpu.memref_squeeze %dma_start3A_591 : memref<1x1x10x100xi32, #tpu.memory_space<hbm>> -> memref<10x100xi32, #tpu.memory_space<hbm>>
        %dma_start3A_593 = arith.constant 0 : i32
        %dma_start3A_594 = arith.constant 0 : i32
        %dma_start3A_595 = tpu.memref_slice %arg3[%add3A, %add3A_310, %dma_start3A_593, %dma_start3A_594] : memref<32x10x10x100xi32, #tpu.memory_space<hbm>> -> memref<1x1x10x100xi32, #tpu.memory_space<hbm>>
        %dma_start3A_596 = tpu.memref_squeeze %dma_start3A_595 : memref<1x1x10x100xi32, #tpu.memory_space<hbm>> -> memref<10x100xi32, #tpu.memory_space<hbm>>
        tpu.enqueue_dma source(%dma_start3A_596 : memref<10x100xi32, #tpu.memory_space<hbm>>) target(%arg7 : memref<10x100xi32, #tpu.memory_space<vmem>>) target_semaphore(%run_scoped3A : memref<!tpu.dma_semaphore, #tpu.memory_space<semaphore_mem>>)
        %dma_wait3A_597 = arith.constant 0 : i32
        %dma_wait3A_598 = arith.constant 0 : i32
        %dma_wait3A_599 = tpu.memref_slice %arg3[%add3A, %add3A_310, %dma_wait3A_597, %dma_wait3A_598] : memref<32x10x10x100xi32, #tpu.memory_space<hbm>> -> memref<1x1x10x100xi32, #tpu.memory_space<hbm>>
        %dma_wait3A_600 = tpu.memref_squeeze %dma_wait3A_599 : memref<1x1x10x100xi32, #tpu.memory_space<hbm>> -> memref<10x100xi32, #tpu.memory_space<hbm>>
        %dma_wait3A_601 = arith.constant 0 : i32
        %dma_wait3A_602 = arith.constant 0 : i32
        %dma_wait3A_603 = tpu.memref_slice %arg3[%add3A, %add3A_310, %dma_wait3A_601, %dma_wait3A_602] : memref<32x10x10x100xi32, #tpu.memory_space<hbm>> -> memref<1x1x10x100xi32, #tpu.memory_space<hbm>>
        %dma_wait3A_604 = tpu.memref_squeeze %dma_wait3A_603 : memref<1x1x10x100xi32, #tpu.memory_space<hbm>> -> memref<10x100xi32, #tpu.memory_space<hbm>>
        tpu.wait_dma2 semaphore(%run_scoped3A : memref<!tpu.dma_semaphore, #tpu.memory_space<semaphore_mem>>) src(%dma_wait3A_604 : memref<10x100xi32, #tpu.memory_space<hbm>>) dst(%arg7 : memref<10x100xi32, #tpu.memory_space<vmem>>)
        tpu.yield
      }) : () -> ()
      "tpu.region"() ({
        %run_scoped3A = tpu.sem_alloc : memref<!tpu.dma_semaphore, #tpu.memory_space<semaphore_mem>>
        %dma_start3A_589 = arith.constant 0 : i32
        %dma_start3A_590 = arith.constant 0 : i32
        %dma_start3A_591 = tpu.memref_slice %arg4[%add3A, %add3A_310, %dma_start3A_589, %dma_start3A_590] : memref<32x10x10x100xi32, #tpu.memory_space<hbm>> -> memref<1x1x10x100xi32, #tpu.memory_space<hbm>>
        %dma_start3A_592 = tpu.memref_squeeze %dma_start3A_591 : memref<1x1x10x100xi32, #tpu.memory_space<hbm>> -> memref<10x100xi32, #tpu.memory_space<hbm>>
        %dma_start3A_593 = arith.constant 0 : i32
        %dma_start3A_594 = arith.constant 0 : i32
        %dma_start3A_595 = tpu.memref_slice %arg4[%add3A, %add3A_310, %dma_start3A_593, %dma_start3A_594] : memref<32x10x10x100xi32, #tpu.memory_space<hbm>> -> memref<1x1x10x100xi32, #tpu.memory_space<hbm>>
        %dma_start3A_596 = tpu.memref_squeeze %dma_start3A_595 : memref<1x1x10x100xi32, #tpu.memory_space<hbm>> -> memref<10x100xi32, #tpu.memory_space<hbm>>
        tpu.enqueue_dma source(%dma_start3A_596 : memref<10x100xi32, #tpu.memory_space<hbm>>) target(%arg8 : memref<10x100xi32, #tpu.memory_space<vmem>>) target_semaphore(%run_scoped3A : memref<!tpu.dma_semaphore, #tpu.memory_space<semaphore_mem>>)
        %dma_wait3A_597 = arith.constant 0 : i32
        %dma_wait3A_598 = arith.constant 0 : i32
        %dma_wait3A_599 = tpu.memref_slice %arg4[%add3A, %add3A_310, %dma_wait3A_597, %dma_wait3A_598] : memref<32x10x10x100xi32, #tpu.memory_space<hbm>> -> memref<1x1x10x100xi32, #tpu.memory_space<hbm>>
        %dma_wait3A_600 = tpu.memref_squeeze %dma_wait3A_599 : memref<1x1x10x100xi32, #tpu.memory_space<hbm>> -> memref<10x100xi32, #tpu.memory_space<hbm>>
        %dma_wait3A_601 = arith.constant 0 : i32
        %dma_wait3A_602 = arith.constant 0 : i32
        %dma_wait3A_603 = tpu.memref_slice %arg4[%add3A, %add3A_310, %dma_wait3A_601, %dma_wait3A_602] : memref<32x10x10x100xi32, #tpu.memory_space<hbm>> -> memref<1x1x10x100xi32, #tpu.memory_space<hbm>>
        %dma_wait3A_604 = tpu.memref_squeeze %dma_wait3A_603 : memref<1x1x10x100xi32, #tpu.memory_space<hbm>> -> memref<10x100xi32, #tpu.memory_space<hbm>>
        tpu.wait_dma2 semaphore(%run_scoped3A : memref<!tpu.dma_semaphore, #tpu.memory_space<semaphore_mem>>) src(%dma_wait3A_604 : memref<10x100xi32, #tpu.memory_space<hbm>>) dst(%arg8 : memref<10x100xi32, #tpu.memory_space<vmem>>)
        tpu.yield
      }) : () -> ()
      %dma_start3A = arith.constant 0 : i32
      %dma_start3A_311 = arith.constant 0 : i32
      %dma_start3A_312 = tpu.memref_slice %arg7[%dma_start3A, %dma_start3A_311] : memref<10x100xi32, #tpu.memory_space<vmem>> -> memref<1x100xi32, #tpu.memory_space<vmem>>
      %dma_start3A_313 = tpu.memref_squeeze %dma_start3A_312 : memref<1x100xi32, #tpu.memory_space<vmem>> -> memref<100xi32, #tpu.memory_space<vmem>>
      %dma_start3A_314 = arith.constant 0 : i32
      %dma_start3A_315 = arith.constant 0 : i32
      %dma_start3A_316 = tpu.memref_slice %arg2[%dma_start3A_314, %dma_start3A_315] : memref<10000x128xf32, #tpu.memory_space<hbm>> -> memref<10000x128xf32, #tpu.memory_space<hbm>>
      tpu.enqueue_indirect_dma source(%dma_start3A_316 : memref<10000x128xf32, #tpu.memory_space<hbm>>) target(%arg9 : memref<100x128xf32, #tpu.memory_space<vmem>>) offsets(%dma_start3A_313 : memref<100xi32, #tpu.memory_space<vmem>>) semaphore(%arg13 : memref<!tpu.dma_semaphore, #tpu.memory_space<semaphore_mem>>)
      %dma_wait3A = arith.constant 0 : i32
      %dma_wait3A_317 = arith.constant 0 : i32
      %dma_wait3A_318 = tpu.memref_slice %arg7[%dma_wait3A, %dma_wait3A_317] : memref<10x100xi32, #tpu.memory_space<vmem>> -> memref<1x100xi32, #tpu.memory_space<vmem>>
      %dma_wait3A_319 = tpu.memref_squeeze %dma_wait3A_318 : memref<1x100xi32, #tpu.memory_space<vmem>> -> memref<100xi32, #tpu.memory_space<vmem>>
      %dma_wait3A_320 = arith.constant 0 : i32
      %dma_wait3A_321 = arith.constant 0 : i32
      %dma_wait3A_322 = tpu.memref_slice %arg2[%dma_wait3A_320, %dma_wait3A_321] : memref<10000x128xf32, #tpu.memory_space<hbm>> -> memref<10000x128xf32, #tpu.memory_space<hbm>>
      tpu.wait_indirect_dma semaphore(%arg13 : memref<!tpu.dma_semaphore, #tpu.memory_space<semaphore_mem>>) src(%dma_wait3A_322 : memref<10000x128xf32, #tpu.memory_space<hbm>>) dst(%arg9 : memref<100x128xf32, #tpu.memory_space<vmem>>)
      %dma_start3A_323 = arith.constant 0 : i32
      %dma_start3A_324 = arith.constant 0 : i32
      %dma_start3A_325 = tpu.memref_slice %arg8[%dma_start3A_323, %dma_start3A_324] : memref<10x100xi32, #tpu.memory_space<vmem>> -> memref<1x100xi32, #tpu.memory_space<vmem>>
      %dma_start3A_326 = tpu.memref_squeeze %dma_start3A_325 : memref<1x100xi32, #tpu.memory_space<vmem>> -> memref<100xi32, #tpu.memory_space<vmem>>
      %dma_start3A_327 = arith.constant 0 : i32
      %dma_start3A_328 = arith.constant 0 : i32
      %dma_start3A_329 = tpu.memref_slice %arg12[%dma_start3A_327, %dma_start3A_328] : memref<10240x128xf32, #tpu.memory_space<vmem_shared>> -> memref<10240x128xf32, #tpu.memory_space<vmem_shared>>
      tpu.enqueue_indirect_dma source(%arg9 : memref<100x128xf32, #tpu.memory_space<vmem>>) target(%dma_start3A_329 : memref<10240x128xf32, #tpu.memory_space<vmem_shared>>) offsets(%dma_start3A_326 : memref<100xi32, #tpu.memory_space<vmem>>) semaphore(%arg15 : memref<!tpu.dma_semaphore, #tpu.memory_space<semaphore_mem>>) {add = true}
      %dma_start3A_330 = arith.constant 1 : i32
      %dma_start3A_331 = arith.constant 0 : i32
      %dma_start3A_332 = tpu.memref_slice %arg7[%dma_start3A_330, %dma_start3A_331] : memref<10x100xi32, #tpu.memory_space<vmem>> -> memref<1x100xi32, #tpu.memory_space<vmem>>
      %dma_start3A_333 = tpu.memref_squeeze %dma_start3A_332 : memref<1x100xi32, #tpu.memory_space<vmem>> -> memref<100xi32, #tpu.memory_space<vmem>>
      %dma_start3A_334 = arith.constant 0 : i32
      %dma_start3A_335 = arith.constant 0 : i32
      %dma_start3A_336 = tpu.memref_slice %arg2[%dma_start3A_334, %dma_start3A_335] : memref<10000x128xf32, #tpu.memory_space<hbm>> -> memref<10000x128xf32, #tpu.memory_space<hbm>>
      tpu.enqueue_indirect_dma source(%dma_start3A_336 : memref<10000x128xf32, #tpu.memory_space<hbm>>) target(%arg10 : memref<100x128xf32, #tpu.memory_space<vmem>>) offsets(%dma_start3A_333 : memref<100xi32, #tpu.memory_space<vmem>>) semaphore(%arg14 : memref<!tpu.dma_semaphore, #tpu.memory_space<semaphore_mem>>)
      %dma_wait3A_337 = arith.constant 1 : i32
      %dma_wait3A_338 = arith.constant 0 : i32
      %dma_wait3A_339 = tpu.memref_slice %arg7[%dma_wait3A_337, %dma_wait3A_338] : memref<10x100xi32, #tpu.memory_space<vmem>> -> memref<1x100xi32, #tpu.memory_space<vmem>>
      %dma_wait3A_340 = tpu.memref_squeeze %dma_wait3A_339 : memref<1x100xi32, #tpu.memory_space<vmem>> -> memref<100xi32, #tpu.memory_space<vmem>>
      %dma_wait3A_341 = arith.constant 0 : i32
      %dma_wait3A_342 = arith.constant 0 : i32
      %dma_wait3A_343 = tpu.memref_slice %arg2[%dma_wait3A_341, %dma_wait3A_342] : memref<10000x128xf32, #tpu.memory_space<hbm>> -> memref<10000x128xf32, #tpu.memory_space<hbm>>
      tpu.wait_indirect_dma semaphore(%arg14 : memref<!tpu.dma_semaphore, #tpu.memory_space<semaphore_mem>>) src(%dma_wait3A_343 : memref<10000x128xf32, #tpu.memory_space<hbm>>) dst(%arg10 : memref<100x128xf32, #tpu.memory_space<vmem>>)
      %dma_start3A_344 = arith.constant 1 : i32
      %dma_start3A_345 = arith.constant 0 : i32
      %dma_start3A_346 = tpu.memref_slice %arg8[%dma_start3A_344, %dma_start3A_345] : memref<10x100xi32, #tpu.memory_space<vmem>> -> memref<1x100xi32, #tpu.memory_space<vmem>>
      %dma_start3A_347 = tpu.memref_squeeze %dma_start3A_346 : memref<1x100xi32, #tpu.memory_space<vmem>> -> memref<100xi32, #tpu.memory_space<vmem>>
      %dma_start3A_348 = arith.constant 0 : i32
      %dma_start3A_349 = arith.constant 0 : i32
      %dma_start3A_350 = tpu.memref_slice %arg12[%dma_start3A_348, %dma_start3A_349] : memref<10240x128xf32, #tpu.memory_space<vmem_shared>> -> memref<10240x128xf32, #tpu.memory_space<vmem_shared>>
      tpu.enqueue_indirect_dma source(%arg10 : memref<100x128xf32, #tpu.memory_space<vmem>>) target(%dma_start3A_350 : memref<10240x128xf32, #tpu.memory_space<vmem_shared>>) offsets(%dma_start3A_347 : memref<100xi32, #tpu.memory_space<vmem>>) semaphore(%arg16 : memref<!tpu.dma_semaphore, #tpu.memory_space<semaphore_mem>>) {add = true}
      %dma_wait3A_351 = arith.constant 0 : i32
      %dma_wait3A_352 = arith.constant 0 : i32
      %dma_wait3A_353 = tpu.memref_slice %arg8[%dma_wait3A_351, %dma_wait3A_352] : memref<10x100xi32, #tpu.memory_space<vmem>> -> memref<1x100xi32, #tpu.memory_space<vmem>>
      %dma_wait3A_354 = tpu.memref_squeeze %dma_wait3A_353 : memref<1x100xi32, #tpu.memory_space<vmem>> -> memref<100xi32, #tpu.memory_space<vmem>>
      %dma_wait3A_355 = arith.constant 0 : i32
      %dma_wait3A_356 = arith.constant 0 : i32
      %dma_wait3A_357 = tpu.memref_slice %arg12[%dma_wait3A_355, %dma_wait3A_356] : memref<10240x128xf32, #tpu.memory_space<vmem_shared>> -> memref<10240x128xf32, #tpu.memory_space<vmem_shared>>
      tpu.wait_indirect_dma semaphore(%arg15 : memref<!tpu.dma_semaphore, #tpu.memory_space<semaphore_mem>>) src(%arg9 : memref<100x128xf32, #tpu.memory_space<vmem>>) dst(%dma_wait3A_357 : memref<10240x128xf32, #tpu.memory_space<vmem_shared>>)
      %dma_start3A_358 = arith.constant 2 : i32
      %dma_start3A_359 = arith.constant 0 : i32
      %dma_start3A_360 = tpu.memref_slice %arg7[%dma_start3A_358, %dma_start3A_359] : memref<10x100xi32, #tpu.memory_space<vmem>> -> memref<1x100xi32, #tpu.memory_space<vmem>>
      %dma_start3A_361 = tpu.memref_squeeze %dma_start3A_360 : memref<1x100xi32, #tpu.memory_space<vmem>> -> memref<100xi32, #tpu.memory_space<vmem>>
      %dma_start3A_362 = arith.constant 0 : i32
      %dma_start3A_363 = arith.constant 0 : i32
      %dma_start3A_364 = tpu.memref_slice %arg2[%dma_start3A_362, %dma_start3A_363] : memref<10000x128xf32, #tpu.memory_space<hbm>> -> memref<10000x128xf32, #tpu.memory_space<hbm>>
      tpu.enqueue_indirect_dma source(%dma_start3A_364 : memref<10000x128xf32, #tpu.memory_space<hbm>>) target(%arg9 : memref<100x128xf32, #tpu.memory_space<vmem>>) offsets(%dma_start3A_361 : memref<100xi32, #tpu.memory_space<vmem>>) semaphore(%arg13 : memref<!tpu.dma_semaphore, #tpu.memory_space<semaphore_mem>>)
      %dma_wait3A_365 = arith.constant 2 : i32
      %dma_wait3A_366 = arith.constant 0 : i32
      %dma_wait3A_367 = tpu.memref_slice %arg7[%dma_wait3A_365, %dma_wait3A_366] : memref<10x100xi32, #tpu.memory_space<vmem>> -> memref<1x100xi32, #tpu.memory_space<vmem>>
      %dma_wait3A_368 = tpu.memref_squeeze %dma_wait3A_367 : memref<1x100xi32, #tpu.memory_space<vmem>> -> memref<100xi32, #tpu.memory_space<vmem>>
      %dma_wait3A_369 = arith.constant 0 : i32
      %dma_wait3A_370 = arith.constant 0 : i32
      %dma_wait3A_371 = tpu.memref_slice %arg2[%dma_wait3A_369, %dma_wait3A_370] : memref<10000x128xf32, #tpu.memory_space<hbm>> -> memref<10000x128xf32, #tpu.memory_space<hbm>>
      tpu.wait_indirect_dma semaphore(%arg13 : memref<!tpu.dma_semaphore, #tpu.memory_space<semaphore_mem>>) src(%dma_wait3A_371 : memref<10000x128xf32, #tpu.memory_space<hbm>>) dst(%arg9 : memref<100x128xf32, #tpu.memory_space<vmem>>)
      %dma_start3A_372 = arith.constant 2 : i32
      %dma_start3A_373 = arith.constant 0 : i32
      %dma_start3A_374 = tpu.memref_slice %arg8[%dma_start3A_372, %dma_start3A_373] : memref<10x100xi32, #tpu.memory_space<vmem>> -> memref<1x100xi32, #tpu.memory_space<vmem>>
      %dma_start3A_375 = tpu.memref_squeeze %dma_start3A_374 : memref<1x100xi32, #tpu.memory_space<vmem>> -> memref<100xi32, #tpu.memory_space<vmem>>
      %dma_start3A_376 = arith.constant 0 : i32
      %dma_start3A_377 = arith.constant 0 : i32
      %dma_start3A_378 = tpu.memref_slice %arg12[%dma_start3A_376, %dma_start3A_377] : memref<10240x128xf32, #tpu.memory_space<vmem_shared>> -> memref<10240x128xf32, #tpu.memory_space<vmem_shared>>
      tpu.enqueue_indirect_dma source(%arg9 : memref<100x128xf32, #tpu.memory_space<vmem>>) target(%dma_start3A_378 : memref<10240x128xf32, #tpu.memory_space<vmem_shared>>) offsets(%dma_start3A_375 : memref<100xi32, #tpu.memory_space<vmem>>) semaphore(%arg15 : memref<!tpu.dma_semaphore, #tpu.memory_space<semaphore_mem>>) {add = true}
      %dma_wait3A_379 = arith.constant 1 : i32
      %dma_wait3A_380 = arith.constant 0 : i32
      %dma_wait3A_381 = tpu.memref_slice %arg8[%dma_wait3A_379, %dma_wait3A_380] : memref<10x100xi32, #tpu.memory_space<vmem>> -> memref<1x100xi32, #tpu.memory_space<vmem>>
      %dma_wait3A_382 = tpu.memref_squeeze %dma_wait3A_381 : memref<1x100xi32, #tpu.memory_space<vmem>> -> memref<100xi32, #tpu.memory_space<vmem>>
      %dma_wait3A_383 = arith.constant 0 : i32
      %dma_wait3A_384 = arith.constant 0 : i32
      %dma_wait3A_385 = tpu.memref_slice %arg12[%dma_wait3A_383, %dma_wait3A_384] : memref<10240x128xf32, #tpu.memory_space<vmem_shared>> -> memref<10240x128xf32, #tpu.memory_space<vmem_shared>>
      tpu.wait_indirect_dma semaphore(%arg16 : memref<!tpu.dma_semaphore, #tpu.memory_space<semaphore_mem>>) src(%arg10 : memref<100x128xf32, #tpu.memory_space<vmem>>) dst(%dma_wait3A_385 : memref<10240x128xf32, #tpu.memory_space<vmem_shared>>)
      %dma_start3A_386 = arith.constant 3 : i32
      %dma_start3A_387 = arith.constant 0 : i32
      %dma_start3A_388 = tpu.memref_slice %arg7[%dma_start3A_386, %dma_start3A_387] : memref<10x100xi32, #tpu.memory_space<vmem>> -> memref<1x100xi32, #tpu.memory_space<vmem>>
      %dma_start3A_389 = tpu.memref_squeeze %dma_start3A_388 : memref<1x100xi32, #tpu.memory_space<vmem>> -> memref<100xi32, #tpu.memory_space<vmem>>
      %dma_start3A_390 = arith.constant 0 : i32
      %dma_start3A_391 = arith.constant 0 : i32
      %dma_start3A_392 = tpu.memref_slice %arg2[%dma_start3A_390, %dma_start3A_391] : memref<10000x128xf32, #tpu.memory_space<hbm>> -> memref<10000x128xf32, #tpu.memory_space<hbm>>
      tpu.enqueue_indirect_dma source(%dma_start3A_392 : memref<10000x128xf32, #tpu.memory_space<hbm>>) target(%arg10 : memref<100x128xf32, #tpu.memory_space<vmem>>) offsets(%dma_start3A_389 : memref<100xi32, #tpu.memory_space<vmem>>) semaphore(%arg14 : memref<!tpu.dma_semaphore, #tpu.memory_space<semaphore_mem>>)
      %dma_wait3A_393 = arith.constant 3 : i32
      %dma_wait3A_394 = arith.constant 0 : i32
      %dma_wait3A_395 = tpu.memref_slice %arg7[%dma_wait3A_393, %dma_wait3A_394] : memref<10x100xi32, #tpu.memory_space<vmem>> -> memref<1x100xi32, #tpu.memory_space<vmem>>
      %dma_wait3A_396 = tpu.memref_squeeze %dma_wait3A_395 : memref<1x100xi32, #tpu.memory_space<vmem>> -> memref<100xi32, #tpu.memory_space<vmem>>
      %dma_wait3A_397 = arith.constant 0 : i32
      %dma_wait3A_398 = arith.constant 0 : i32
      %dma_wait3A_399 = tpu.memref_slice %arg2[%dma_wait3A_397, %dma_wait3A_398] : memref<10000x128xf32, #tpu.memory_space<hbm>> -> memref<10000x128xf32, #tpu.memory_space<hbm>>
      tpu.wait_indirect_dma semaphore(%arg14 : memref<!tpu.dma_semaphore, #tpu.memory_space<semaphore_mem>>) src(%dma_wait3A_399 : memref<10000x128xf32, #tpu.memory_space<hbm>>) dst(%arg10 : memref<100x128xf32, #tpu.memory_space<vmem>>)
      %dma_start3A_400 = arith.constant 3 : i32
      %dma_start3A_401 = arith.constant 0 : i32
      %dma_start3A_402 = tpu.memref_slice %arg8[%dma_start3A_400, %dma_start3A_401] : memref<10x100xi32, #tpu.memory_space<vmem>> -> memref<1x100xi32, #tpu.memory_space<vmem>>
      %dma_start3A_403 = tpu.memref_squeeze %dma_start3A_402 : memref<1x100xi32, #tpu.memory_space<vmem>> -> memref<100xi32, #tpu.memory_space<vmem>>
      %dma_start3A_404 = arith.constant 0 : i32
      %dma_start3A_405 = arith.constant 0 : i32
      %dma_start3A_406 = tpu.memref_slice %arg12[%dma_start3A_404, %dma_start3A_405] : memref<10240x128xf32, #tpu.memory_space<vmem_shared>> -> memref<10240x128xf32, #tpu.memory_space<vmem_shared>>
      tpu.enqueue_indirect_dma source(%arg10 : memref<100x128xf32, #tpu.memory_space<vmem>>) target(%dma_start3A_406 : memref<10240x128xf32, #tpu.memory_space<vmem_shared>>) offsets(%dma_start3A_403 : memref<100xi32, #tpu.memory_space<vmem>>) semaphore(%arg16 : memref<!tpu.dma_semaphore, #tpu.memory_space<semaphore_mem>>) {add = true}
      %dma_wait3A_407 = arith.constant 2 : i32
      %dma_wait3A_408 = arith.constant 0 : i32
      %dma_wait3A_409 = tpu.memref_slice %arg8[%dma_wait3A_407, %dma_wait3A_408] : memref<10x100xi32, #tpu.memory_space<vmem>> -> memref<1x100xi32, #tpu.memory_space<vmem>>
      %dma_wait3A_410 = tpu.memref_squeeze %dma_wait3A_409 : memref<1x100xi32, #tpu.memory_space<vmem>> -> memref<100xi32, #tpu.memory_space<vmem>>
      %dma_wait3A_411 = arith.constant 0 : i32
      %dma_wait3A_412 = arith.constant 0 : i32
      %dma_wait3A_413 = tpu.memref_slice %arg12[%dma_wait3A_411, %dma_wait3A_412] : memref<10240x128xf32, #tpu.memory_space<vmem_shared>> -> memref<10240x128xf32, #tpu.memory_space<vmem_shared>>
      tpu.wait_indirect_dma semaphore(%arg15 : memref<!tpu.dma_semaphore, #tpu.memory_space<semaphore_mem>>) src(%arg9 : memref<100x128xf32, #tpu.memory_space<vmem>>) dst(%dma_wait3A_413 : memref<10240x128xf32, #tpu.memory_space<vmem_shared>>)
      %dma_start3A_414 = arith.constant 4 : i32
      %dma_start3A_415 = arith.constant 0 : i32
      %dma_start3A_416 = tpu.memref_slice %arg7[%dma_start3A_414, %dma_start3A_415] : memref<10x100xi32, #tpu.memory_space<vmem>> -> memref<1x100xi32, #tpu.memory_space<vmem>>
      %dma_start3A_417 = tpu.memref_squeeze %dma_start3A_416 : memref<1x100xi32, #tpu.memory_space<vmem>> -> memref<100xi32, #tpu.memory_space<vmem>>
      %dma_start3A_418 = arith.constant 0 : i32
      %dma_start3A_419 = arith.constant 0 : i32
      %dma_start3A_420 = tpu.memref_slice %arg2[%dma_start3A_418, %dma_start3A_419] : memref<10000x128xf32, #tpu.memory_space<hbm>> -> memref<10000x128xf32, #tpu.memory_space<hbm>>
      tpu.enqueue_indirect_dma source(%dma_start3A_420 : memref<10000x128xf32, #tpu.memory_space<hbm>>) target(%arg9 : memref<100x128xf32, #tpu.memory_space<vmem>>) offsets(%dma_start3A_417 : memref<100xi32, #tpu.memory_space<vmem>>) semaphore(%arg13 : memref<!tpu.dma_semaphore, #tpu.memory_space<semaphore_mem>>)
      %dma_wait3A_421 = arith.constant 4 : i32
      %dma_wait3A_422 = arith.constant 0 : i32
      %dma_wait3A_423 = tpu.memref_slice %arg7[%dma_wait3A_421, %dma_wait3A_422] : memref<10x100xi32, #tpu.memory_space<vmem>> -> memref<1x100xi32, #tpu.memory_space<vmem>>
      %dma_wait3A_424 = tpu.memref_squeeze %dma_wait3A_423 : memref<1x100xi32, #tpu.memory_space<vmem>> -> memref<100xi32, #tpu.memory_space<vmem>>
      %dma_wait3A_425 = arith.constant 0 : i32
      %dma_wait3A_426 = arith.constant 0 : i32
      %dma_wait3A_427 = tpu.memref_slice %arg2[%dma_wait3A_425, %dma_wait3A_426] : memref<10000x128xf32, #tpu.memory_space<hbm>> -> memref<10000x128xf32, #tpu.memory_space<hbm>>
      tpu.wait_indirect_dma semaphore(%arg13 : memref<!tpu.dma_semaphore, #tpu.memory_space<semaphore_mem>>) src(%dma_wait3A_427 : memref<10000x128xf32, #tpu.memory_space<hbm>>) dst(%arg9 : memref<100x128xf32, #tpu.memory_space<vmem>>)
      %dma_start3A_428 = arith.constant 4 : i32
      %dma_start3A_429 = arith.constant 0 : i32
      %dma_start3A_430 = tpu.memref_slice %arg8[%dma_start3A_428, %dma_start3A_429] : memref<10x100xi32, #tpu.memory_space<vmem>> -> memref<1x100xi32, #tpu.memory_space<vmem>>
      %dma_start3A_431 = tpu.memref_squeeze %dma_start3A_430 : memref<1x100xi32, #tpu.memory_space<vmem>> -> memref<100xi32, #tpu.memory_space<vmem>>
      %dma_start3A_432 = arith.constant 0 : i32
      %dma_start3A_433 = arith.constant 0 : i32
      %dma_start3A_434 = tpu.memref_slice %arg12[%dma_start3A_432, %dma_start3A_433] : memref<10240x128xf32, #tpu.memory_space<vmem_shared>> -> memref<10240x128xf32, #tpu.memory_space<vmem_shared>>
      tpu.enqueue_indirect_dma source(%arg9 : memref<100x128xf32, #tpu.memory_space<vmem>>) target(%dma_start3A_434 : memref<10240x128xf32, #tpu.memory_space<vmem_shared>>) offsets(%dma_start3A_431 : memref<100xi32, #tpu.memory_space<vmem>>) semaphore(%arg15 : memref<!tpu.dma_semaphore, #tpu.memory_space<semaphore_mem>>) {add = true}
      %dma_wait3A_435 = arith.constant 3 : i32
      %dma_wait3A_436 = arith.constant 0 : i32
      %dma_wait3A_437 = tpu.memref_slice %arg8[%dma_wait3A_435, %dma_wait3A_436] : memref<10x100xi32, #tpu.memory_space<vmem>> -> memref<1x100xi32, #tpu.memory_space<vmem>>
      %dma_wait3A_438 = tpu.memref_squeeze %dma_wait3A_437 : memref<1x100xi32, #tpu.memory_space<vmem>> -> memref<100xi32, #tpu.memory_space<vmem>>
      %dma_wait3A_439 = arith.constant 0 : i32
      %dma_wait3A_440 = arith.constant 0 : i32
      %dma_wait3A_441 = tpu.memref_slice %arg12[%dma_wait3A_439, %dma_wait3A_440] : memref<10240x128xf32, #tpu.memory_space<vmem_shared>> -> memref<10240x128xf32, #tpu.memory_space<vmem_shared>>
      tpu.wait_indirect_dma semaphore(%arg16 : memref<!tpu.dma_semaphore, #tpu.memory_space<semaphore_mem>>) src(%arg10 : memref<100x128xf32, #tpu.memory_space<vmem>>) dst(%dma_wait3A_441 : memref<10240x128xf32, #tpu.memory_space<vmem_shared>>)
      %dma_start3A_442 = arith.constant 5 : i32
      %dma_start3A_443 = arith.constant 0 : i32
      %dma_start3A_444 = tpu.memref_slice %arg7[%dma_start3A_442, %dma_start3A_443] : memref<10x100xi32, #tpu.memory_space<vmem>> -> memref<1x100xi32, #tpu.memory_space<vmem>>
      %dma_start3A_445 = tpu.memref_squeeze %dma_start3A_444 : memref<1x100xi32, #tpu.memory_space<vmem>> -> memref<100xi32, #tpu.memory_space<vmem>>
      %dma_start3A_446 = arith.constant 0 : i32
      %dma_start3A_447 = arith.constant 0 : i32
      %dma_start3A_448 = tpu.memref_slice %arg2[%dma_start3A_446, %dma_start3A_447] : memref<10000x128xf32, #tpu.memory_space<hbm>> -> memref<10000x128xf32, #tpu.memory_space<hbm>>
      tpu.enqueue_indirect_dma source(%dma_start3A_448 : memref<10000x128xf32, #tpu.memory_space<hbm>>) target(%arg10 : memref<100x128xf32, #tpu.memory_space<vmem>>) offsets(%dma_start3A_445 : memref<100xi32, #tpu.memory_space<vmem>>) semaphore(%arg14 : memref<!tpu.dma_semaphore, #tpu.memory_space<semaphore_mem>>)
      %dma_wait3A_449 = arith.constant 5 : i32
      %dma_wait3A_450 = arith.constant 0 : i32
      %dma_wait3A_451 = tpu.memref_slice %arg7[%dma_wait3A_449, %dma_wait3A_450] : memref<10x100xi32, #tpu.memory_space<vmem>> -> memref<1x100xi32, #tpu.memory_space<vmem>>
      %dma_wait3A_452 = tpu.memref_squeeze %dma_wait3A_451 : memref<1x100xi32, #tpu.memory_space<vmem>> -> memref<100xi32, #tpu.memory_space<vmem>>
      %dma_wait3A_453 = arith.constant 0 : i32
      %dma_wait3A_454 = arith.constant 0 : i32
      %dma_wait3A_455 = tpu.memref_slice %arg2[%dma_wait3A_453, %dma_wait3A_454] : memref<10000x128xf32, #tpu.memory_space<hbm>> -> memref<10000x128xf32, #tpu.memory_space<hbm>>
      tpu.wait_indirect_dma semaphore(%arg14 : memref<!tpu.dma_semaphore, #tpu.memory_space<semaphore_mem>>) src(%dma_wait3A_455 : memref<10000x128xf32, #tpu.memory_space<hbm>>) dst(%arg10 : memref<100x128xf32, #tpu.memory_space<vmem>>)
      %dma_start3A_456 = arith.constant 5 : i32
      %dma_start3A_457 = arith.constant 0 : i32
      %dma_start3A_458 = tpu.memref_slice %arg8[%dma_start3A_456, %dma_start3A_457] : memref<10x100xi32, #tpu.memory_space<vmem>> -> memref<1x100xi32, #tpu.memory_space<vmem>>
      %dma_start3A_459 = tpu.memref_squeeze %dma_start3A_458 : memref<1x100xi32, #tpu.memory_space<vmem>> -> memref<100xi32, #tpu.memory_space<vmem>>
      %dma_start3A_460 = arith.constant 0 : i32
      %dma_start3A_461 = arith.constant 0 : i32
      %dma_start3A_462 = tpu.memref_slice %arg12[%dma_start3A_460, %dma_start3A_461] : memref<10240x128xf32, #tpu.memory_space<vmem_shared>> -> memref<10240x128xf32, #tpu.memory_space<vmem_shared>>
      tpu.enqueue_indirect_dma source(%arg10 : memref<100x128xf32, #tpu.memory_space<vmem>>) target(%dma_start3A_462 : memref<10240x128xf32, #tpu.memory_space<vmem_shared>>) offsets(%dma_start3A_459 : memref<100xi32, #tpu.memory_space<vmem>>) semaphore(%arg16 : memref<!tpu.dma_semaphore, #tpu.memory_space<semaphore_mem>>) {add = true}
      %dma_wait3A_463 = arith.constant 4 : i32
      %dma_wait3A_464 = arith.constant 0 : i32
      %dma_wait3A_465 = tpu.memref_slice %arg8[%dma_wait3A_463, %dma_wait3A_464] : memref<10x100xi32, #tpu.memory_space<vmem>> -> memref<1x100xi32, #tpu.memory_space<vmem>>
      %dma_wait3A_466 = tpu.memref_squeeze %dma_wait3A_465 : memref<1x100xi32, #tpu.memory_space<vmem>> -> memref<100xi32, #tpu.memory_space<vmem>>
      %dma_wait3A_467 = arith.constant 0 : i32
      %dma_wait3A_468 = arith.constant 0 : i32
      %dma_wait3A_469 = tpu.memref_slice %arg12[%dma_wait3A_467, %dma_wait3A_468] : memref<10240x128xf32, #tpu.memory_space<vmem_shared>> -> memref<10240x128xf32, #tpu.memory_space<vmem_shared>>
      tpu.wait_indirect_dma semaphore(%arg15 : memref<!tpu.dma_semaphore, #tpu.memory_space<semaphore_mem>>) src(%arg9 : memref<100x128xf32, #tpu.memory_space<vmem>>) dst(%dma_wait3A_469 : memref<10240x128xf32, #tpu.memory_space<vmem_shared>>)
      %dma_start3A_470 = arith.constant 6 : i32
      %dma_start3A_471 = arith.constant 0 : i32
      %dma_start3A_472 = tpu.memref_slice %arg7[%dma_start3A_470, %dma_start3A_471] : memref<10x100xi32, #tpu.memory_space<vmem>> -> memref<1x100xi32, #tpu.memory_space<vmem>>
      %dma_start3A_473 = tpu.memref_squeeze %dma_start3A_472 : memref<1x100xi32, #tpu.memory_space<vmem>> -> memref<100xi32, #tpu.memory_space<vmem>>
      %dma_start3A_474 = arith.constant 0 : i32
      %dma_start3A_475 = arith.constant 0 : i32
      %dma_start3A_476 = tpu.memref_slice %arg2[%dma_start3A_474, %dma_start3A_475] : memref<10000x128xf32, #tpu.memory_space<hbm>> -> memref<10000x128xf32, #tpu.memory_space<hbm>>
      tpu.enqueue_indirect_dma source(%dma_start3A_476 : memref<10000x128xf32, #tpu.memory_space<hbm>>) target(%arg9 : memref<100x128xf32, #tpu.memory_space<vmem>>) offsets(%dma_start3A_473 : memref<100xi32, #tpu.memory_space<vmem>>) semaphore(%arg13 : memref<!tpu.dma_semaphore, #tpu.memory_space<semaphore_mem>>)
      %dma_wait3A_477 = arith.constant 6 : i32
      %dma_wait3A_478 = arith.constant 0 : i32
      %dma_wait3A_479 = tpu.memref_slice %arg7[%dma_wait3A_477, %dma_wait3A_478] : memref<10x100xi32, #tpu.memory_space<vmem>> -> memref<1x100xi32, #tpu.memory_space<vmem>>
      %dma_wait3A_480 = tpu.memref_squeeze %dma_wait3A_479 : memref<1x100xi32, #tpu.memory_space<vmem>> -> memref<100xi32, #tpu.memory_space<vmem>>
      %dma_wait3A_481 = arith.constant 0 : i32
      %dma_wait3A_482 = arith.constant 0 : i32
      %dma_wait3A_483 = tpu.memref_slice %arg2[%dma_wait3A_481, %dma_wait3A_482] : memref<10000x128xf32, #tpu.memory_space<hbm>> -> memref<10000x128xf32, #tpu.memory_space<hbm>>
      tpu.wait_indirect_dma semaphore(%arg13 : memref<!tpu.dma_semaphore, #tpu.memory_space<semaphore_mem>>) src(%dma_wait3A_483 : memref<10000x128xf32, #tpu.memory_space<hbm>>) dst(%arg9 : memref<100x128xf32, #tpu.memory_space<vmem>>)
      %dma_start3A_484 = arith.constant 6 : i32
      %dma_start3A_485 = arith.constant 0 : i32
      %dma_start3A_486 = tpu.memref_slice %arg8[%dma_start3A_484, %dma_start3A_485] : memref<10x100xi32, #tpu.memory_space<vmem>> -> memref<1x100xi32, #tpu.memory_space<vmem>>
      %dma_start3A_487 = tpu.memref_squeeze %dma_start3A_486 : memref<1x100xi32, #tpu.memory_space<vmem>> -> memref<100xi32, #tpu.memory_space<vmem>>
      %dma_start3A_488 = arith.constant 0 : i32
      %dma_start3A_489 = arith.constant 0 : i32
      %dma_start3A_490 = tpu.memref_slice %arg12[%dma_start3A_488, %dma_start3A_489] : memref<10240x128xf32, #tpu.memory_space<vmem_shared>> -> memref<10240x128xf32, #tpu.memory_space<vmem_shared>>
      tpu.enqueue_indirect_dma source(%arg9 : memref<100x128xf32, #tpu.memory_space<vmem>>) target(%dma_start3A_490 : memref<10240x128xf32, #tpu.memory_space<vmem_shared>>) offsets(%dma_start3A_487 : memref<100xi32, #tpu.memory_space<vmem>>) semaphore(%arg15 : memref<!tpu.dma_semaphore, #tpu.memory_space<semaphore_mem>>) {add = true}
      %dma_wait3A_491 = arith.constant 5 : i32
      %dma_wait3A_492 = arith.constant 0 : i32
      %dma_wait3A_493 = tpu.memref_slice %arg8[%dma_wait3A_491, %dma_wait3A_492] : memref<10x100xi32, #tpu.memory_space<vmem>> -> memref<1x100xi32, #tpu.memory_space<vmem>>
      %dma_wait3A_494 = tpu.memref_squeeze %dma_wait3A_493 : memref<1x100xi32, #tpu.memory_space<vmem>> -> memref<100xi32, #tpu.memory_space<vmem>>
      %dma_wait3A_495 = arith.constant 0 : i32
      %dma_wait3A_496 = arith.constant 0 : i32
      %dma_wait3A_497 = tpu.memref_slice %arg12[%dma_wait3A_495, %dma_wait3A_496] : memref<10240x128xf32, #tpu.memory_space<vmem_shared>> -> memref<10240x128xf32, #tpu.memory_space<vmem_shared>>
      tpu.wait_indirect_dma semaphore(%arg16 : memref<!tpu.dma_semaphore, #tpu.memory_space<semaphore_mem>>) src(%arg10 : memref<100x128xf32, #tpu.memory_space<vmem>>) dst(%dma_wait3A_497 : memref<10240x128xf32, #tpu.memory_space<vmem_shared>>)
      %dma_start3A_498 = arith.constant 7 : i32
      %dma_start3A_499 = arith.constant 0 : i32
      %dma_start3A_500 = tpu.memref_slice %arg7[%dma_start3A_498, %dma_start3A_499] : memref<10x100xi32, #tpu.memory_space<vmem>> -> memref<1x100xi32, #tpu.memory_space<vmem>>
      %dma_start3A_501 = tpu.memref_squeeze %dma_start3A_500 : memref<1x100xi32, #tpu.memory_space<vmem>> -> memref<100xi32, #tpu.memory_space<vmem>>
      %dma_start3A_502 = arith.constant 0 : i32
      %dma_start3A_503 = arith.constant 0 : i32
      %dma_start3A_504 = tpu.memref_slice %arg2[%dma_start3A_502, %dma_start3A_503] : memref<10000x128xf32, #tpu.memory_space<hbm>> -> memref<10000x128xf32, #tpu.memory_space<hbm>>
      tpu.enqueue_indirect_dma source(%dma_start3A_504 : memref<10000x128xf32, #tpu.memory_space<hbm>>) target(%arg10 : memref<100x128xf32, #tpu.memory_space<vmem>>) offsets(%dma_start3A_501 : memref<100xi32, #tpu.memory_space<vmem>>) semaphore(%arg14 : memref<!tpu.dma_semaphore, #tpu.memory_space<semaphore_mem>>)
      %dma_wait3A_505 = arith.constant 7 : i32
      %dma_wait3A_506 = arith.constant 0 : i32
      %dma_wait3A_507 = tpu.memref_slice %arg7[%dma_wait3A_505, %dma_wait3A_506] : memref<10x100xi32, #tpu.memory_space<vmem>> -> memref<1x100xi32, #tpu.memory_space<vmem>>
      %dma_wait3A_508 = tpu.memref_squeeze %dma_wait3A_507 : memref<1x100xi32, #tpu.memory_space<vmem>> -> memref<100xi32, #tpu.memory_space<vmem>>
      %dma_wait3A_509 = arith.constant 0 : i32
      %dma_wait3A_510 = arith.constant 0 : i32
      %dma_wait3A_511 = tpu.memref_slice %arg2[%dma_wait3A_509, %dma_wait3A_510] : memref<10000x128xf32, #tpu.memory_space<hbm>> -> memref<10000x128xf32, #tpu.memory_space<hbm>>
      tpu.wait_indirect_dma semaphore(%arg14 : memref<!tpu.dma_semaphore, #tpu.memory_space<semaphore_mem>>) src(%dma_wait3A_511 : memref<10000x128xf32, #tpu.memory_space<hbm>>) dst(%arg10 : memref<100x128xf32, #tpu.memory_space<vmem>>)
      %dma_start3A_512 = arith.constant 7 : i32
      %dma_start3A_513 = arith.constant 0 : i32
      %dma_start3A_514 = tpu.memref_slice %arg8[%dma_start3A_512, %dma_start3A_513] : memref<10x100xi32, #tpu.memory_space<vmem>> -> memref<1x100xi32, #tpu.memory_space<vmem>>
      %dma_start3A_515 = tpu.memref_squeeze %dma_start3A_514 : memref<1x100xi32, #tpu.memory_space<vmem>> -> memref<100xi32, #tpu.memory_space<vmem>>
      %dma_start3A_516 = arith.constant 0 : i32
      %dma_start3A_517 = arith.constant 0 : i32
      %dma_start3A_518 = tpu.memref_slice %arg12[%dma_start3A_516, %dma_start3A_517] : memref<10240x128xf32, #tpu.memory_space<vmem_shared>> -> memref<10240x128xf32, #tpu.memory_space<vmem_shared>>
      tpu.enqueue_indirect_dma source(%arg10 : memref<100x128xf32, #tpu.memory_space<vmem>>) target(%dma_start3A_518 : memref<10240x128xf32, #tpu.memory_space<vmem_shared>>) offsets(%dma_start3A_515 : memref<100xi32, #tpu.memory_space<vmem>>) semaphore(%arg16 : memref<!tpu.dma_semaphore, #tpu.memory_space<semaphore_mem>>) {add = true}
      %dma_wait3A_519 = arith.constant 6 : i32
      %dma_wait3A_520 = arith.constant 0 : i32
      %dma_wait3A_521 = tpu.memref_slice %arg8[%dma_wait3A_519, %dma_wait3A_520] : memref<10x100xi32, #tpu.memory_space<vmem>> -> memref<1x100xi32, #tpu.memory_space<vmem>>
      %dma_wait3A_522 = tpu.memref_squeeze %dma_wait3A_521 : memref<1x100xi32, #tpu.memory_space<vmem>> -> memref<100xi32, #tpu.memory_space<vmem>>
      %dma_wait3A_523 = arith.constant 0 : i32
      %dma_wait3A_524 = arith.constant 0 : i32
      %dma_wait3A_525 = tpu.memref_slice %arg12[%dma_wait3A_523, %dma_wait3A_524] : memref<10240x128xf32, #tpu.memory_space<vmem_shared>> -> memref<10240x128xf32, #tpu.memory_space<vmem_shared>>
      tpu.wait_indirect_dma semaphore(%arg15 : memref<!tpu.dma_semaphore, #tpu.memory_space<semaphore_mem>>) src(%arg9 : memref<100x128xf32, #tpu.memory_space<vmem>>) dst(%dma_wait3A_525 : memref<10240x128xf32, #tpu.memory_space<vmem_shared>>)
      %dma_start3A_526 = arith.constant 8 : i32
      %dma_start3A_527 = arith.constant 0 : i32
      %dma_start3A_528 = tpu.memref_slice %arg7[%dma_start3A_526, %dma_start3A_527] : memref<10x100xi32, #tpu.memory_space<vmem>> -> memref<1x100xi32, #tpu.memory_space<vmem>>
      %dma_start3A_529 = tpu.memref_squeeze %dma_start3A_528 : memref<1x100xi32, #tpu.memory_space<vmem>> -> memref<100xi32, #tpu.memory_space<vmem>>
      %dma_start3A_530 = arith.constant 0 : i32
      %dma_start3A_531 = arith.constant 0 : i32
      %dma_start3A_532 = tpu.memref_slice %arg2[%dma_start3A_530, %dma_start3A_531] : memref<10000x128xf32, #tpu.memory_space<hbm>> -> memref<10000x128xf32, #tpu.memory_space<hbm>>
      tpu.enqueue_indirect_dma source(%dma_start3A_532 : memref<10000x128xf32, #tpu.memory_space<hbm>>) target(%arg9 : memref<100x128xf32, #tpu.memory_space<vmem>>) offsets(%dma_start3A_529 : memref<100xi32, #tpu.memory_space<vmem>>) semaphore(%arg13 : memref<!tpu.dma_semaphore, #tpu.memory_space<semaphore_mem>>)
      %dma_wait3A_533 = arith.constant 8 : i32
      %dma_wait3A_534 = arith.constant 0 : i32
      %dma_wait3A_535 = tpu.memref_slice %arg7[%dma_wait3A_533, %dma_wait3A_534] : memref<10x100xi32, #tpu.memory_space<vmem>> -> memref<1x100xi32, #tpu.memory_space<vmem>>
      %dma_wait3A_536 = tpu.memref_squeeze %dma_wait3A_535 : memref<1x100xi32, #tpu.memory_space<vmem>> -> memref<100xi32, #tpu.memory_space<vmem>>
      %dma_wait3A_537 = arith.constant 0 : i32
      %dma_wait3A_538 = arith.constant 0 : i32
      %dma_wait3A_539 = tpu.memref_slice %arg2[%dma_wait3A_537, %dma_wait3A_538] : memref<10000x128xf32, #tpu.memory_space<hbm>> -> memref<10000x128xf32, #tpu.memory_space<hbm>>
      tpu.wait_indirect_dma semaphore(%arg13 : memref<!tpu.dma_semaphore, #tpu.memory_space<semaphore_mem>>) src(%dma_wait3A_539 : memref<10000x128xf32, #tpu.memory_space<hbm>>) dst(%arg9 : memref<100x128xf32, #tpu.memory_space<vmem>>)
      %dma_start3A_540 = arith.constant 8 : i32
      %dma_start3A_541 = arith.constant 0 : i32
      %dma_start3A_542 = tpu.memref_slice %arg8[%dma_start3A_540, %dma_start3A_541] : memref<10x100xi32, #tpu.memory_space<vmem>> -> memref<1x100xi32, #tpu.memory_space<vmem>>
      %dma_start3A_543 = tpu.memref_squeeze %dma_start3A_542 : memref<1x100xi32, #tpu.memory_space<vmem>> -> memref<100xi32, #tpu.memory_space<vmem>>
      %dma_start3A_544 = arith.constant 0 : i32
      %dma_start3A_545 = arith.constant 0 : i32
      %dma_start3A_546 = tpu.memref_slice %arg12[%dma_start3A_544, %dma_start3A_545] : memref<10240x128xf32, #tpu.memory_space<vmem_shared>> -> memref<10240x128xf32, #tpu.memory_space<vmem_shared>>
      tpu.enqueue_indirect_dma source(%arg9 : memref<100x128xf32, #tpu.memory_space<vmem>>) target(%dma_start3A_546 : memref<10240x128xf32, #tpu.memory_space<vmem_shared>>) offsets(%dma_start3A_543 : memref<100xi32, #tpu.memory_space<vmem>>) semaphore(%arg15 : memref<!tpu.dma_semaphore, #tpu.memory_space<semaphore_mem>>) {add = true}
      %dma_wait3A_547 = arith.constant 7 : i32
      %dma_wait3A_548 = arith.constant 0 : i32
      %dma_wait3A_549 = tpu.memref_slice %arg8[%dma_wait3A_547, %dma_wait3A_548] : memref<10x100xi32, #tpu.memory_space<vmem>> -> memref<1x100xi32, #tpu.memory_space<vmem>>
      %dma_wait3A_550 = tpu.memref_squeeze %dma_wait3A_549 : memref<1x100xi32, #tpu.memory_space<vmem>> -> memref<100xi32, #tpu.memory_space<vmem>>
      %dma_wait3A_551 = arith.constant 0 : i32
      %dma_wait3A_552 = arith.constant 0 : i32
      %dma_wait3A_553 = tpu.memref_slice %arg12[%dma_wait3A_551, %dma_wait3A_552] : memref<10240x128xf32, #tpu.memory_space<vmem_shared>> -> memref<10240x128xf32, #tpu.memory_space<vmem_shared>>
      tpu.wait_indirect_dma semaphore(%arg16 : memref<!tpu.dma_semaphore, #tpu.memory_space<semaphore_mem>>) src(%arg10 : memref<100x128xf32, #tpu.memory_space<vmem>>) dst(%dma_wait3A_553 : memref<10240x128xf32, #tpu.memory_space<vmem_shared>>)
      %dma_start3A_554 = arith.constant 9 : i32
      %dma_start3A_555 = arith.constant 0 : i32
      %dma_start3A_556 = tpu.memref_slice %arg7[%dma_start3A_554, %dma_start3A_555] : memref<10x100xi32, #tpu.memory_space<vmem>> -> memref<1x100xi32, #tpu.memory_space<vmem>>
      %dma_start3A_557 = tpu.memref_squeeze %dma_start3A_556 : memref<1x100xi32, #tpu.memory_space<vmem>> -> memref<100xi32, #tpu.memory_space<vmem>>
      %dma_start3A_558 = arith.constant 0 : i32
      %dma_start3A_559 = arith.constant 0 : i32
      %dma_start3A_560 = tpu.memref_slice %arg2[%dma_start3A_558, %dma_start3A_559] : memref<10000x128xf32, #tpu.memory_space<hbm>> -> memref<10000x128xf32, #tpu.memory_space<hbm>>
      tpu.enqueue_indirect_dma source(%dma_start3A_560 : memref<10000x128xf32, #tpu.memory_space<hbm>>) target(%arg10 : memref<100x128xf32, #tpu.memory_space<vmem>>) offsets(%dma_start3A_557 : memref<100xi32, #tpu.memory_space<vmem>>) semaphore(%arg14 : memref<!tpu.dma_semaphore, #tpu.memory_space<semaphore_mem>>)
      %dma_wait3A_561 = arith.constant 9 : i32
      %dma_wait3A_562 = arith.constant 0 : i32
      %dma_wait3A_563 = tpu.memref_slice %arg7[%dma_wait3A_561, %dma_wait3A_562] : memref<10x100xi32, #tpu.memory_space<vmem>> -> memref<1x100xi32, #tpu.memory_space<vmem>>
      %dma_wait3A_564 = tpu.memref_squeeze %dma_wait3A_563 : memref<1x100xi32, #tpu.memory_space<vmem>> -> memref<100xi32, #tpu.memory_space<vmem>>
      %dma_wait3A_565 = arith.constant 0 : i32
      %dma_wait3A_566 = arith.constant 0 : i32
      %dma_wait3A_567 = tpu.memref_slice %arg2[%dma_wait3A_565, %dma_wait3A_566] : memref<10000x128xf32, #tpu.memory_space<hbm>> -> memref<10000x128xf32, #tpu.memory_space<hbm>>
      tpu.wait_indirect_dma semaphore(%arg14 : memref<!tpu.dma_semaphore, #tpu.memory_space<semaphore_mem>>) src(%dma_wait3A_567 : memref<10000x128xf32, #tpu.memory_space<hbm>>) dst(%arg10 : memref<100x128xf32, #tpu.memory_space<vmem>>)
      %dma_start3A_568 = arith.constant 9 : i32
      %dma_start3A_569 = arith.constant 0 : i32
      %dma_start3A_570 = tpu.memref_slice %arg8[%dma_start3A_568, %dma_start3A_569] : memref<10x100xi32, #tpu.memory_space<vmem>> -> memref<1x100xi32, #tpu.memory_space<vmem>>
      %dma_start3A_571 = tpu.memref_squeeze %dma_start3A_570 : memref<1x100xi32, #tpu.memory_space<vmem>> -> memref<100xi32, #tpu.memory_space<vmem>>
      %dma_start3A_572 = arith.constant 0 : i32
      %dma_start3A_573 = arith.constant 0 : i32
      %dma_start3A_574 = tpu.memref_slice %arg12[%dma_start3A_572, %dma_start3A_573] : memref<10240x128xf32, #tpu.memory_space<vmem_shared>> -> memref<10240x128xf32, #tpu.memory_space<vmem_shared>>
      tpu.enqueue_indirect_dma source(%arg10 : memref<100x128xf32, #tpu.memory_space<vmem>>) target(%dma_start3A_574 : memref<10240x128xf32, #tpu.memory_space<vmem_shared>>) offsets(%dma_start3A_571 : memref<100xi32, #tpu.memory_space<vmem>>) semaphore(%arg16 : memref<!tpu.dma_semaphore, #tpu.memory_space<semaphore_mem>>) {add = true}
      %dma_wait3A_575 = arith.constant 8 : i32
      %dma_wait3A_576 = arith.constant 0 : i32
      %dma_wait3A_577 = tpu.memref_slice %arg8[%dma_wait3A_575, %dma_wait3A_576] : memref<10x100xi32, #tpu.memory_space<vmem>> -> memref<1x100xi32, #tpu.memory_space<vmem>>
      %dma_wait3A_578 = tpu.memref_squeeze %dma_wait3A_577 : memref<1x100xi32, #tpu.memory_space<vmem>> -> memref<100xi32, #tpu.memory_space<vmem>>
      %dma_wait3A_579 = arith.constant 0 : i32
      %dma_wait3A_580 = arith.constant 0 : i32
      %dma_wait3A_581 = tpu.memref_slice %arg12[%dma_wait3A_579, %dma_wait3A_580] : memref<10240x128xf32, #tpu.memory_space<vmem_shared>> -> memref<10240x128xf32, #tpu.memory_space<vmem_shared>>
      tpu.wait_indirect_dma semaphore(%arg15 : memref<!tpu.dma_semaphore, #tpu.memory_space<semaphore_mem>>) src(%arg9 : memref<100x128xf32, #tpu.memory_space<vmem>>) dst(%dma_wait3A_581 : memref<10240x128xf32, #tpu.memory_space<vmem_shared>>)
      %dma_wait3A_582 = arith.constant 9 : i32
      %dma_wait3A_583 = arith.constant 0 : i32
      %dma_wait3A_584 = tpu.memref_slice %arg8[%dma_wait3A_582, %dma_wait3A_583] : memref<10x100xi32, #tpu.memory_space<vmem>> -> memref<1x100xi32, #tpu.memory_space<vmem>>
      %dma_wait3A_585 = tpu.memref_squeeze %dma_wait3A_584 : memref<1x100xi32, #tpu.memory_space<vmem>> -> memref<100xi32, #tpu.memory_space<vmem>>
      %dma_wait3A_586 = arith.constant 0 : i32
      %dma_wait3A_587 = arith.constant 0 : i32
      %dma_wait3A_588 = tpu.memref_slice %arg12[%dma_wait3A_586, %dma_wait3A_587] : memref<10240x128xf32, #tpu.memory_space<vmem_shared>> -> memref<10240x128xf32, #tpu.memory_space<vmem_shared>>
      tpu.wait_indirect_dma semaphore(%arg16 : memref<!tpu.dma_semaphore, #tpu.memory_space<semaphore_mem>>) src(%arg10 : memref<100x128xf32, #tpu.memory_space<vmem>>) dst(%dma_wait3A_588 : memref<10240x128xf32, #tpu.memory_space<vmem_shared>>)
    }
    %scan3A_84 = arith.constant 10 : i32
    %barrier3A_85 = arith.constant 0 : index
    tpu.barrier barrier_id(%barrier3A_85)
    %mul3A_86 = arith.constant 640 : i32
    %mul3A_87 = arith.muli %arg1, %mul3A_86 : i32
    %add3A_88 = arith.constant 0 : i32
    %add3A_89 = arith.addi %mul3A_87, %add3A_88 : i32
    "tpu.region"() ({
      %run_scoped3A = tpu.sem_alloc : memref<!tpu.dma_semaphore, #tpu.memory_space<semaphore_mem>>
      %dma_start3A = arith.constant 0 : i32
      %dma_start3A_306 = tpu.memref_slice %arg12[%add3A_89, %dma_start3A] : memref<10240x128xf32, #tpu.memory_space<vmem_shared>> -> memref<32x128xf32, #tpu.memory_space<vmem_shared>>
      %dma_start3A_307 = arith.constant 0 : i32
      %dma_start3A_308 = tpu.memref_slice %arg12[%add3A_89, %dma_start3A_307] : memref<10240x128xf32, #tpu.memory_space<vmem_shared>> -> memref<32x128xf32, #tpu.memory_space<vmem_shared>>
      tpu.enqueue_dma source(%dma_start3A_308 : memref<32x128xf32, #tpu.memory_space<vmem_shared>>) target(%arg11 : memref<32x128xf32, #tpu.memory_space<vmem>>) target_semaphore(%run_scoped3A : memref<!tpu.dma_semaphore, #tpu.memory_space<semaphore_mem>>)
      %dma_wait3A = arith.constant 0 : i32
      %dma_wait3A_309 = tpu.memref_slice %arg12[%add3A_89, %dma_wait3A] : memref<10240x128xf32, #tpu.memory_space<vmem_shared>> -> memref<32x128xf32, #tpu.memory_space<vmem_shared>>
      %dma_wait3A_310 = arith.constant 0 : i32
      %dma_wait3A_311 = tpu.memref_slice %arg12[%add3A_89, %dma_wait3A_310] : memref<10240x128xf32, #tpu.memory_space<vmem_shared>> -> memref<32x128xf32, #tpu.memory_space<vmem_shared>>
      tpu.wait_dma2 semaphore(%run_scoped3A : memref<!tpu.dma_semaphore, #tpu.memory_space<semaphore_mem>>) src(%dma_wait3A_311 : memref<32x128xf32, #tpu.memory_space<vmem_shared>>) dst(%arg11 : memref<32x128xf32, #tpu.memory_space<vmem>>)
      tpu.yield
    }) : () -> ()
    %mul3A_90 = arith.constant 10240 : i32
    %mul3A_91 = arith.muli %arg0, %mul3A_90 : i32
    %mul3A_92 = arith.constant 640 : i32
    %mul3A_93 = arith.muli %arg1, %mul3A_92 : i32
    %add3A_94 = arith.addi %mul3A_91, %mul3A_93 : i32
    %add3A_95 = arith.constant 0 : i32
    %add3A_96 = arith.addi %add3A_94, %add3A_95 : i32
    "tpu.region"() ({
      %run_scoped3A = tpu.sem_alloc : memref<!tpu.dma_semaphore, #tpu.memory_space<semaphore_mem>>
      %dma_start3A = arith.constant 0 : i32
      %dma_start3A_306 = tpu.memref_slice %arg6[%add3A_96, %dma_start3A] : memref<20480x128xf32, #tpu.memory_space<hbm>> -> memref<32x128xf32, #tpu.memory_space<hbm>>
      %dma_start3A_307 = arith.constant 0 : i32
      %dma_start3A_308 = tpu.memref_slice %arg6[%add3A_96, %dma_start3A_307] : memref<20480x128xf32, #tpu.memory_space<hbm>> -> memref<32x128xf32, #tpu.memory_space<hbm>>
      tpu.enqueue_dma source(%arg11 : memref<32x128xf32, #tpu.memory_space<vmem>>) target(%dma_start3A_308 : memref<32x128xf32, #tpu.memory_space<hbm>>) target_semaphore(%run_scoped3A : memref<!tpu.dma_semaphore, #tpu.memory_space<semaphore_mem>>)
      %dma_wait3A = arith.constant 0 : i32
      %dma_wait3A_309 = tpu.memref_slice %arg6[%add3A_96, %dma_wait3A] : memref<20480x128xf32, #tpu.memory_space<hbm>> -> memref<32x128xf32, #tpu.memory_space<hbm>>
      %dma_wait3A_310 = arith.constant 0 : i32
      %dma_wait3A_311 = tpu.memref_slice %arg6[%add3A_96, %dma_wait3A_310] : memref<20480x128xf32, #tpu.memory_space<hbm>> -> memref<32x128xf32, #tpu.memory_space<hbm>>
      tpu.wait_dma2 semaphore(%run_scoped3A : memref<!tpu.dma_semaphore, #tpu.memory_space<semaphore_mem>>) src(%arg11 : memref<32x128xf32, #tpu.memory_space<vmem>>) dst(%dma_wait3A_311 : memref<32x128xf32, #tpu.memory_space<hbm>>)
      tpu.yield
    }) : () -> ()
    %mul3A_97 = arith.constant 640 : i32
    %mul3A_98 = arith.muli %arg1, %mul3A_97 : i32
    %add3A_99 = arith.constant 32 : i32
    %add3A_100 = arith.addi %mul3A_98, %add3A_99 : i32
    "tpu.region"() ({
      %run_scoped3A = tpu.sem_alloc : memref<!tpu.dma_semaphore, #tpu.memory_space<semaphore_mem>>
      %dma_start3A = arith.constant 0 : i32
      %dma_start3A_306 = tpu.memref_slice %arg12[%add3A_100, %dma_start3A] : memref<10240x128xf32, #tpu.memory_space<vmem_shared>> -> memref<32x128xf32, #tpu.memory_space<vmem_shared>>
      %dma_start3A_307 = arith.constant 0 : i32
      %dma_start3A_308 = tpu.memref_slice %arg12[%add3A_100, %dma_start3A_307] : memref<10240x128xf32, #tpu.memory_space<vmem_shared>> -> memref<32x128xf32, #tpu.memory_space<vmem_shared>>
      tpu.enqueue_dma source(%dma_start3A_308 : memref<32x128xf32, #tpu.memory_space<vmem_shared>>) target(%arg11 : memref<32x128xf32, #tpu.memory_space<vmem>>) target_semaphore(%run_scoped3A : memref<!tpu.dma_semaphore, #tpu.memory_space<semaphore_mem>>)
      %dma_wait3A = arith.constant 0 : i32
      %dma_wait3A_309 = tpu.memref_slice %arg12[%add3A_100, %dma_wait3A] : memref<10240x128xf32, #tpu.memory_space<vmem_shared>> -> memref<32x128xf32, #tpu.memory_space<vmem_shared>>
      %dma_wait3A_310 = arith.constant 0 : i32
      %dma_wait3A_311 = tpu.memref_slice %arg12[%add3A_100, %dma_wait3A_310] : memref<10240x128xf32, #tpu.memory_space<vmem_shared>> -> memref<32x128xf32, #tpu.memory_space<vmem_shared>>
      tpu.wait_dma2 semaphore(%run_scoped3A : memref<!tpu.dma_semaphore, #tpu.memory_space<semaphore_mem>>) src(%dma_wait3A_311 : memref<32x128xf32, #tpu.memory_space<vmem_shared>>) dst(%arg11 : memref<32x128xf32, #tpu.memory_space<vmem>>)
      tpu.yield
    }) : () -> ()
    %mul3A_101 = arith.constant 10240 : i32
    %mul3A_102 = arith.muli %arg0, %mul3A_101 : i32
    %mul3A_103 = arith.constant 640 : i32
    %mul3A_104 = arith.muli %arg1, %mul3A_103 : i32
    %add3A_105 = arith.addi %mul3A_102, %mul3A_104 : i32
    %add3A_106 = arith.constant 32 : i32
    %add3A_107 = arith.addi %add3A_105, %add3A_106 : i32
    "tpu.region"() ({
      %run_scoped3A = tpu.sem_alloc : memref<!tpu.dma_semaphore, #tpu.memory_space<semaphore_mem>>
      %dma_start3A = arith.constant 0 : i32
      %dma_start3A_306 = tpu.memref_slice %arg6[%add3A_107, %dma_start3A] : memref<20480x128xf32, #tpu.memory_space<hbm>> -> memref<32x128xf32, #tpu.memory_space<hbm>>
      %dma_start3A_307 = arith.constant 0 : i32
      %dma_start3A_308 = tpu.memref_slice %arg6[%add3A_107, %dma_start3A_307] : memref<20480x128xf32, #tpu.memory_space<hbm>> -> memref<32x128xf32, #tpu.memory_space<hbm>>
      tpu.enqueue_dma source(%arg11 : memref<32x128xf32, #tpu.memory_space<vmem>>) target(%dma_start3A_308 : memref<32x128xf32, #tpu.memory_space<hbm>>) target_semaphore(%run_scoped3A : memref<!tpu.dma_semaphore, #tpu.memory_space<semaphore_mem>>)
      %dma_wait3A = arith.constant 0 : i32
      %dma_wait3A_309 = tpu.memref_slice %arg6[%add3A_107, %dma_wait3A] : memref<20480x128xf32, #tpu.memory_space<hbm>> -> memref<32x128xf32, #tpu.memory_space<hbm>>
      %dma_wait3A_310 = arith.constant 0 : i32
      %dma_wait3A_311 = tpu.memref_slice %arg6[%add3A_107, %dma_wait3A_310] : memref<20480x128xf32, #tpu.memory_space<hbm>> -> memref<32x128xf32, #tpu.memory_space<hbm>>
      tpu.wait_dma2 semaphore(%run_scoped3A : memref<!tpu.dma_semaphore, #tpu.memory_space<semaphore_mem>>) src(%arg11 : memref<32x128xf32, #tpu.memory_space<vmem>>) dst(%dma_wait3A_311 : memref<32x128xf32, #tpu.memory_space<hbm>>)
      tpu.yield
    }) : () -> ()
    %mul3A_108 = arith.constant 640 : i32
    %mul3A_109 = arith.muli %arg1, %mul3A_108 : i32
    %add3A_110 = arith.constant 64 : i32
    %add3A_111 = arith.addi %mul3A_109, %add3A_110 : i32
    "tpu.region"() ({
      %run_scoped3A = tpu.sem_alloc : memref<!tpu.dma_semaphore, #tpu.memory_space<semaphore_mem>>
      %dma_start3A = arith.constant 0 : i32
      %dma_start3A_306 = tpu.memref_slice %arg12[%add3A_111, %dma_start3A] : memref<10240x128xf32, #tpu.memory_space<vmem_shared>> -> memref<32x128xf32, #tpu.memory_space<vmem_shared>>
      %dma_start3A_307 = arith.constant 0 : i32
      %dma_start3A_308 = tpu.memref_slice %arg12[%add3A_111, %dma_start3A_307] : memref<10240x128xf32, #tpu.memory_space<vmem_shared>> -> memref<32x128xf32, #tpu.memory_space<vmem_shared>>
      tpu.enqueue_dma source(%dma_start3A_308 : memref<32x128xf32, #tpu.memory_space<vmem_shared>>) target(%arg11 : memref<32x128xf32, #tpu.memory_space<vmem>>) target_semaphore(%run_scoped3A : memref<!tpu.dma_semaphore, #tpu.memory_space<semaphore_mem>>)
      %dma_wait3A = arith.constant 0 : i32
      %dma_wait3A_309 = tpu.memref_slice %arg12[%add3A_111, %dma_wait3A] : memref<10240x128xf32, #tpu.memory_space<vmem_shared>> -> memref<32x128xf32, #tpu.memory_space<vmem_shared>>
      %dma_wait3A_310 = arith.constant 0 : i32
      %dma_wait3A_311 = tpu.memref_slice %arg12[%add3A_111, %dma_wait3A_310] : memref<10240x128xf32, #tpu.memory_space<vmem_shared>> -> memref<32x128xf32, #tpu.memory_space<vmem_shared>>
      tpu.wait_dma2 semaphore(%run_scoped3A : memref<!tpu.dma_semaphore, #tpu.memory_space<semaphore_mem>>) src(%dma_wait3A_311 : memref<32x128xf32, #tpu.memory_space<vmem_shared>>) dst(%arg11 : memref<32x128xf32, #tpu.memory_space<vmem>>)
      tpu.yield
    }) : () -> ()
    %mul3A_112 = arith.constant 10240 : i32
    %mul3A_113 = arith.muli %arg0, %mul3A_112 : i32
    %mul3A_114 = arith.constant 640 : i32
    %mul3A_115 = arith.muli %arg1, %mul3A_114 : i32
    %add3A_116 = arith.addi %mul3A_113, %mul3A_115 : i32
    %add3A_117 = arith.constant 64 : i32
    %add3A_118 = arith.addi %add3A_116, %add3A_117 : i32
    "tpu.region"() ({
      %run_scoped3A = tpu.sem_alloc : memref<!tpu.dma_semaphore, #tpu.memory_space<semaphore_mem>>
      %dma_start3A = arith.constant 0 : i32
      %dma_start3A_306 = tpu.memref_slice %arg6[%add3A_118, %dma_start3A] : memref<20480x128xf32, #tpu.memory_space<hbm>> -> memref<32x128xf32, #tpu.memory_space<hbm>>
      %dma_start3A_307 = arith.constant 0 : i32
      %dma_start3A_308 = tpu.memref_slice %arg6[%add3A_118, %dma_start3A_307] : memref<20480x128xf32, #tpu.memory_space<hbm>> -> memref<32x128xf32, #tpu.memory_space<hbm>>
      tpu.enqueue_dma source(%arg11 : memref<32x128xf32, #tpu.memory_space<vmem>>) target(%dma_start3A_308 : memref<32x128xf32, #tpu.memory_space<hbm>>) target_semaphore(%run_scoped3A : memref<!tpu.dma_semaphore, #tpu.memory_space<semaphore_mem>>)
      %dma_wait3A = arith.constant 0 : i32
      %dma_wait3A_309 = tpu.memref_slice %arg6[%add3A_118, %dma_wait3A] : memref<20480x128xf32, #tpu.memory_space<hbm>> -> memref<32x128xf32, #tpu.memory_space<hbm>>
      %dma_wait3A_310 = arith.constant 0 : i32
      %dma_wait3A_311 = tpu.memref_slice %arg6[%add3A_118, %dma_wait3A_310] : memref<20480x128xf32, #tpu.memory_space<hbm>> -> memref<32x128xf32, #tpu.memory_space<hbm>>
      tpu.wait_dma2 semaphore(%run_scoped3A : memref<!tpu.dma_semaphore, #tpu.memory_space<semaphore_mem>>) src(%arg11 : memref<32x128xf32, #tpu.memory_space<vmem>>) dst(%dma_wait3A_311 : memref<32x128xf32, #tpu.memory_space<hbm>>)
      tpu.yield
    }) : () -> ()
    %mul3A_119 = arith.constant 640 : i32
    %mul3A_120 = arith.muli %arg1, %mul3A_119 : i32
    %add3A_121 = arith.constant 96 : i32
    %add3A_122 = arith.addi %mul3A_120, %add3A_121 : i32
    "tpu.region"() ({
      %run_scoped3A = tpu.sem_alloc : memref<!tpu.dma_semaphore, #tpu.memory_space<semaphore_mem>>
      %dma_start3A = arith.constant 0 : i32
      %dma_start3A_306 = tpu.memref_slice %arg12[%add3A_122, %dma_start3A] : memref<10240x128xf32, #tpu.memory_space<vmem_shared>> -> memref<32x128xf32, #tpu.memory_space<vmem_shared>>
      %dma_start3A_307 = arith.constant 0 : i32
      %dma_start3A_308 = tpu.memref_slice %arg12[%add3A_122, %dma_start3A_307] : memref<10240x128xf32, #tpu.memory_space<vmem_shared>> -> memref<32x128xf32, #tpu.memory_space<vmem_shared>>
      tpu.enqueue_dma source(%dma_start3A_308 : memref<32x128xf32, #tpu.memory_space<vmem_shared>>) target(%arg11 : memref<32x128xf32, #tpu.memory_space<vmem>>) target_semaphore(%run_scoped3A : memref<!tpu.dma_semaphore, #tpu.memory_space<semaphore_mem>>)
      %dma_wait3A = arith.constant 0 : i32
      %dma_wait3A_309 = tpu.memref_slice %arg12[%add3A_122, %dma_wait3A] : memref<10240x128xf32, #tpu.memory_space<vmem_shared>> -> memref<32x128xf32, #tpu.memory_space<vmem_shared>>
      %dma_wait3A_310 = arith.constant 0 : i32
      %dma_wait3A_311 = tpu.memref_slice %arg12[%add3A_122, %dma_wait3A_310] : memref<10240x128xf32, #tpu.memory_space<vmem_shared>> -> memref<32x128xf32, #tpu.memory_space<vmem_shared>>
      tpu.wait_dma2 semaphore(%run_scoped3A : memref<!tpu.dma_semaphore, #tpu.memory_space<semaphore_mem>>) src(%dma_wait3A_311 : memref<32x128xf32, #tpu.memory_space<vmem_shared>>) dst(%arg11 : memref<32x128xf32, #tpu.memory_space<vmem>>)
      tpu.yield
    }) : () -> ()
    %mul3A_123 = arith.constant 10240 : i32
    %mul3A_124 = arith.muli %arg0, %mul3A_123 : i32
    %mul3A_125 = arith.constant 640 : i32
    %mul3A_126 = arith.muli %arg1, %mul3A_125 : i32
    %add3A_127 = arith.addi %mul3A_124, %mul3A_126 : i32
    %add3A_128 = arith.constant 96 : i32
    %add3A_129 = arith.addi %add3A_127, %add3A_128 : i32
    "tpu.region"() ({
      %run_scoped3A = tpu.sem_alloc : memref<!tpu.dma_semaphore, #tpu.memory_space<semaphore_mem>>
      %dma_start3A = arith.constant 0 : i32
      %dma_start3A_306 = tpu.memref_slice %arg6[%add3A_129, %dma_start3A] : memref<20480x128xf32, #tpu.memory_space<hbm>> -> memref<32x128xf32, #tpu.memory_space<hbm>>
      %dma_start3A_307 = arith.constant 0 : i32
      %dma_start3A_308 = tpu.memref_slice %arg6[%add3A_129, %dma_start3A_307] : memref<20480x128xf32, #tpu.memory_space<hbm>> -> memref<32x128xf32, #tpu.memory_space<hbm>>
      tpu.enqueue_dma source(%arg11 : memref<32x128xf32, #tpu.memory_space<vmem>>) target(%dma_start3A_308 : memref<32x128xf32, #tpu.memory_space<hbm>>) target_semaphore(%run_scoped3A : memref<!tpu.dma_semaphore, #tpu.memory_space<semaphore_mem>>)
      %dma_wait3A = arith.constant 0 : i32
      %dma_wait3A_309 = tpu.memref_slice %arg6[%add3A_129, %dma_wait3A] : memref<20480x128xf32, #tpu.memory_space<hbm>> -> memref<32x128xf32, #tpu.memory_space<hbm>>
      %dma_wait3A_310 = arith.constant 0 : i32
      %dma_wait3A_311 = tpu.memref_slice %arg6[%add3A_129, %dma_wait3A_310] : memref<20480x128xf32, #tpu.memory_space<hbm>> -> memref<32x128xf32, #tpu.memory_space<hbm>>
      tpu.wait_dma2 semaphore(%run_scoped3A : memref<!tpu.dma_semaphore, #tpu.memory_space<semaphore_mem>>) src(%arg11 : memref<32x128xf32, #tpu.memory_space<vmem>>) dst(%dma_wait3A_311 : memref<32x128xf32, #tpu.memory_space<hbm>>)
      tpu.yield
    }) : () -> ()
    %mul3A_130 = arith.constant 640 : i32
    %mul3A_131 = arith.muli %arg1, %mul3A_130 : i32
    %add3A_132 = arith.constant 128 : i32
    %add3A_133 = arith.addi %mul3A_131, %add3A_132 : i32
    "tpu.region"() ({
      %run_scoped3A = tpu.sem_alloc : memref<!tpu.dma_semaphore, #tpu.memory_space<semaphore_mem>>
      %dma_start3A = arith.constant 0 : i32
      %dma_start3A_306 = tpu.memref_slice %arg12[%add3A_133, %dma_start3A] : memref<10240x128xf32, #tpu.memory_space<vmem_shared>> -> memref<32x128xf32, #tpu.memory_space<vmem_shared>>
      %dma_start3A_307 = arith.constant 0 : i32
      %dma_start3A_308 = tpu.memref_slice %arg12[%add3A_133, %dma_start3A_307] : memref<10240x128xf32, #tpu.memory_space<vmem_shared>> -> memref<32x128xf32, #tpu.memory_space<vmem_shared>>
      tpu.enqueue_dma source(%dma_start3A_308 : memref<32x128xf32, #tpu.memory_space<vmem_shared>>) target(%arg11 : memref<32x128xf32, #tpu.memory_space<vmem>>) target_semaphore(%run_scoped3A : memref<!tpu.dma_semaphore, #tpu.memory_space<semaphore_mem>>)
      %dma_wait3A = arith.constant 0 : i32
      %dma_wait3A_309 = tpu.memref_slice %arg12[%add3A_133, %dma_wait3A] : memref<10240x128xf32, #tpu.memory_space<vmem_shared>> -> memref<32x128xf32, #tpu.memory_space<vmem_shared>>
      %dma_wait3A_310 = arith.constant 0 : i32
      %dma_wait3A_311 = tpu.memref_slice %arg12[%add3A_133, %dma_wait3A_310] : memref<10240x128xf32, #tpu.memory_space<vmem_shared>> -> memref<32x128xf32, #tpu.memory_space<vmem_shared>>
      tpu.wait_dma2 semaphore(%run_scoped3A : memref<!tpu.dma_semaphore, #tpu.memory_space<semaphore_mem>>) src(%dma_wait3A_311 : memref<32x128xf32, #tpu.memory_space<vmem_shared>>) dst(%arg11 : memref<32x128xf32, #tpu.memory_space<vmem>>)
      tpu.yield
    }) : () -> ()
    %mul3A_134 = arith.constant 10240 : i32
    %mul3A_135 = arith.muli %arg0, %mul3A_134 : i32
    %mul3A_136 = arith.constant 640 : i32
    %mul3A_137 = arith.muli %arg1, %mul3A_136 : i32
    %add3A_138 = arith.addi %mul3A_135, %mul3A_137 : i32
    %add3A_139 = arith.constant 128 : i32
    %add3A_140 = arith.addi %add3A_138, %add3A_139 : i32
    "tpu.region"() ({
      %run_scoped3A = tpu.sem_alloc : memref<!tpu.dma_semaphore, #tpu.memory_space<semaphore_mem>>
      %dma_start3A = arith.constant 0 : i32
      %dma_start3A_306 = tpu.memref_slice %arg6[%add3A_140, %dma_start3A] : memref<20480x128xf32, #tpu.memory_space<hbm>> -> memref<32x128xf32, #tpu.memory_space<hbm>>
      %dma_start3A_307 = arith.constant 0 : i32
      %dma_start3A_308 = tpu.memref_slice %arg6[%add3A_140, %dma_start3A_307] : memref<20480x128xf32, #tpu.memory_space<hbm>> -> memref<32x128xf32, #tpu.memory_space<hbm>>
      tpu.enqueue_dma source(%arg11 : memref<32x128xf32, #tpu.memory_space<vmem>>) target(%dma_start3A_308 : memref<32x128xf32, #tpu.memory_space<hbm>>) target_semaphore(%run_scoped3A : memref<!tpu.dma_semaphore, #tpu.memory_space<semaphore_mem>>)
      %dma_wait3A = arith.constant 0 : i32
      %dma_wait3A_309 = tpu.memref_slice %arg6[%add3A_140, %dma_wait3A] : memref<20480x128xf32, #tpu.memory_space<hbm>> -> memref<32x128xf32, #tpu.memory_space<hbm>>
      %dma_wait3A_310 = arith.constant 0 : i32
      %dma_wait3A_311 = tpu.memref_slice %arg6[%add3A_140, %dma_wait3A_310] : memref<20480x128xf32, #tpu.memory_space<hbm>> -> memref<32x128xf32, #tpu.memory_space<hbm>>
      tpu.wait_dma2 semaphore(%run_scoped3A : memref<!tpu.dma_semaphore, #tpu.memory_space<semaphore_mem>>) src(%arg11 : memref<32x128xf32, #tpu.memory_space<vmem>>) dst(%dma_wait3A_311 : memref<32x128xf32, #tpu.memory_space<hbm>>)
      tpu.yield
    }) : () -> ()
    %mul3A_141 = arith.constant 640 : i32
    %mul3A_142 = arith.muli %arg1, %mul3A_141 : i32
    %add3A_143 = arith.constant 160 : i32
    %add3A_144 = arith.addi %mul3A_142, %add3A_143 : i32
    "tpu.region"() ({
      %run_scoped3A = tpu.sem_alloc : memref<!tpu.dma_semaphore, #tpu.memory_space<semaphore_mem>>
      %dma_start3A = arith.constant 0 : i32
      %dma_start3A_306 = tpu.memref_slice %arg12[%add3A_144, %dma_start3A] : memref<10240x128xf32, #tpu.memory_space<vmem_shared>> -> memref<32x128xf32, #tpu.memory_space<vmem_shared>>
      %dma_start3A_307 = arith.constant 0 : i32
      %dma_start3A_308 = tpu.memref_slice %arg12[%add3A_144, %dma_start3A_307] : memref<10240x128xf32, #tpu.memory_space<vmem_shared>> -> memref<32x128xf32, #tpu.memory_space<vmem_shared>>
      tpu.enqueue_dma source(%dma_start3A_308 : memref<32x128xf32, #tpu.memory_space<vmem_shared>>) target(%arg11 : memref<32x128xf32, #tpu.memory_space<vmem>>) target_semaphore(%run_scoped3A : memref<!tpu.dma_semaphore, #tpu.memory_space<semaphore_mem>>)
      %dma_wait3A = arith.constant 0 : i32
      %dma_wait3A_309 = tpu.memref_slice %arg12[%add3A_144, %dma_wait3A] : memref<10240x128xf32, #tpu.memory_space<vmem_shared>> -> memref<32x128xf32, #tpu.memory_space<vmem_shared>>
      %dma_wait3A_310 = arith.constant 0 : i32
      %dma_wait3A_311 = tpu.memref_slice %arg12[%add3A_144, %dma_wait3A_310] : memref<10240x128xf32, #tpu.memory_space<vmem_shared>> -> memref<32x128xf32, #tpu.memory_space<vmem_shared>>
      tpu.wait_dma2 semaphore(%run_scoped3A : memref<!tpu.dma_semaphore, #tpu.memory_space<semaphore_mem>>) src(%dma_wait3A_311 : memref<32x128xf32, #tpu.memory_space<vmem_shared>>) dst(%arg11 : memref<32x128xf32, #tpu.memory_space<vmem>>)
      tpu.yield
    }) : () -> ()
    %mul3A_145 = arith.constant 10240 : i32
    %mul3A_146 = arith.muli %arg0, %mul3A_145 : i32
    %mul3A_147 = arith.constant 640 : i32
    %mul3A_148 = arith.muli %arg1, %mul3A_147 : i32
    %add3A_149 = arith.addi %mul3A_146, %mul3A_148 : i32
    %add3A_150 = arith.constant 160 : i32
    %add3A_151 = arith.addi %add3A_149, %add3A_150 : i32
    "tpu.region"() ({
      %run_scoped3A = tpu.sem_alloc : memref<!tpu.dma_semaphore, #tpu.memory_space<semaphore_mem>>
      %dma_start3A = arith.constant 0 : i32
      %dma_start3A_306 = tpu.memref_slice %arg6[%add3A_151, %dma_start3A] : memref<20480x128xf32, #tpu.memory_space<hbm>> -> memref<32x128xf32, #tpu.memory_space<hbm>>
      %dma_start3A_307 = arith.constant 0 : i32
      %dma_start3A_308 = tpu.memref_slice %arg6[%add3A_151, %dma_start3A_307] : memref<20480x128xf32, #tpu.memory_space<hbm>> -> memref<32x128xf32, #tpu.memory_space<hbm>>
      tpu.enqueue_dma source(%arg11 : memref<32x128xf32, #tpu.memory_space<vmem>>) target(%dma_start3A_308 : memref<32x128xf32, #tpu.memory_space<hbm>>) target_semaphore(%run_scoped3A : memref<!tpu.dma_semaphore, #tpu.memory_space<semaphore_mem>>)
      %dma_wait3A = arith.constant 0 : i32
      %dma_wait3A_309 = tpu.memref_slice %arg6[%add3A_151, %dma_wait3A] : memref<20480x128xf32, #tpu.memory_space<hbm>> -> memref<32x128xf32, #tpu.memory_space<hbm>>
      %dma_wait3A_310 = arith.constant 0 : i32
      %dma_wait3A_311 = tpu.memref_slice %arg6[%add3A_151, %dma_wait3A_310] : memref<20480x128xf32, #tpu.memory_space<hbm>> -> memref<32x128xf32, #tpu.memory_space<hbm>>
      tpu.wait_dma2 semaphore(%run_scoped3A : memref<!tpu.dma_semaphore, #tpu.memory_space<semaphore_mem>>) src(%arg11 : memref<32x128xf32, #tpu.memory_space<vmem>>) dst(%dma_wait3A_311 : memref<32x128xf32, #tpu.memory_space<hbm>>)
      tpu.yield
    }) : () -> ()
    %mul3A_152 = arith.constant 640 : i32
    %mul3A_153 = arith.muli %arg1, %mul3A_152 : i32
    %add3A_154 = arith.constant 192 : i32
    %add3A_155 = arith.addi %mul3A_153, %add3A_154 : i32
    "tpu.region"() ({
      %run_scoped3A = tpu.sem_alloc : memref<!tpu.dma_semaphore, #tpu.memory_space<semaphore_mem>>
      %dma_start3A = arith.constant 0 : i32
      %dma_start3A_306 = tpu.memref_slice %arg12[%add3A_155, %dma_start3A] : memref<10240x128xf32, #tpu.memory_space<vmem_shared>> -> memref<32x128xf32, #tpu.memory_space<vmem_shared>>
      %dma_start3A_307 = arith.constant 0 : i32
      %dma_start3A_308 = tpu.memref_slice %arg12[%add3A_155, %dma_start3A_307] : memref<10240x128xf32, #tpu.memory_space<vmem_shared>> -> memref<32x128xf32, #tpu.memory_space<vmem_shared>>
      tpu.enqueue_dma source(%dma_start3A_308 : memref<32x128xf32, #tpu.memory_space<vmem_shared>>) target(%arg11 : memref<32x128xf32, #tpu.memory_space<vmem>>) target_semaphore(%run_scoped3A : memref<!tpu.dma_semaphore, #tpu.memory_space<semaphore_mem>>)
      %dma_wait3A = arith.constant 0 : i32
      %dma_wait3A_309 = tpu.memref_slice %arg12[%add3A_155, %dma_wait3A] : memref<10240x128xf32, #tpu.memory_space<vmem_shared>> -> memref<32x128xf32, #tpu.memory_space<vmem_shared>>
      %dma_wait3A_310 = arith.constant 0 : i32
      %dma_wait3A_311 = tpu.memref_slice %arg12[%add3A_155, %dma_wait3A_310] : memref<10240x128xf32, #tpu.memory_space<vmem_shared>> -> memref<32x128xf32, #tpu.memory_space<vmem_shared>>
      tpu.wait_dma2 semaphore(%run_scoped3A : memref<!tpu.dma_semaphore, #tpu.memory_space<semaphore_mem>>) src(%dma_wait3A_311 : memref<32x128xf32, #tpu.memory_space<vmem_shared>>) dst(%arg11 : memref<32x128xf32, #tpu.memory_space<vmem>>)
      tpu.yield
    }) : () -> ()
    %mul3A_156 = arith.constant 10240 : i32
    %mul3A_157 = arith.muli %arg0, %mul3A_156 : i32
    %mul3A_158 = arith.constant 640 : i32
    %mul3A_159 = arith.muli %arg1, %mul3A_158 : i32
    %add3A_160 = arith.addi %mul3A_157, %mul3A_159 : i32
    %add3A_161 = arith.constant 192 : i32
    %add3A_162 = arith.addi %add3A_160, %add3A_161 : i32
    "tpu.region"() ({
      %run_scoped3A = tpu.sem_alloc : memref<!tpu.dma_semaphore, #tpu.memory_space<semaphore_mem>>
      %dma_start3A = arith.constant 0 : i32
      %dma_start3A_306 = tpu.memref_slice %arg6[%add3A_162, %dma_start3A] : memref<20480x128xf32, #tpu.memory_space<hbm>> -> memref<32x128xf32, #tpu.memory_space<hbm>>
      %dma_start3A_307 = arith.constant 0 : i32
      %dma_start3A_308 = tpu.memref_slice %arg6[%add3A_162, %dma_start3A_307] : memref<20480x128xf32, #tpu.memory_space<hbm>> -> memref<32x128xf32, #tpu.memory_space<hbm>>
      tpu.enqueue_dma source(%arg11 : memref<32x128xf32, #tpu.memory_space<vmem>>) target(%dma_start3A_308 : memref<32x128xf32, #tpu.memory_space<hbm>>) target_semaphore(%run_scoped3A : memref<!tpu.dma_semaphore, #tpu.memory_space<semaphore_mem>>)
      %dma_wait3A = arith.constant 0 : i32
      %dma_wait3A_309 = tpu.memref_slice %arg6[%add3A_162, %dma_wait3A] : memref<20480x128xf32, #tpu.memory_space<hbm>> -> memref<32x128xf32, #tpu.memory_space<hbm>>
      %dma_wait3A_310 = arith.constant 0 : i32
      %dma_wait3A_311 = tpu.memref_slice %arg6[%add3A_162, %dma_wait3A_310] : memref<20480x128xf32, #tpu.memory_space<hbm>> -> memref<32x128xf32, #tpu.memory_space<hbm>>
      tpu.wait_dma2 semaphore(%run_scoped3A : memref<!tpu.dma_semaphore, #tpu.memory_space<semaphore_mem>>) src(%arg11 : memref<32x128xf32, #tpu.memory_space<vmem>>) dst(%dma_wait3A_311 : memref<32x128xf32, #tpu.memory_space<hbm>>)
      tpu.yield
    }) : () -> ()
    %mul3A_163 = arith.constant 640 : i32
    %mul3A_164 = arith.muli %arg1, %mul3A_163 : i32
    %add3A_165 = arith.constant 224 : i32
    %add3A_166 = arith.addi %mul3A_164, %add3A_165 : i32
    "tpu.region"() ({
      %run_scoped3A = tpu.sem_alloc : memref<!tpu.dma_semaphore, #tpu.memory_space<semaphore_mem>>
      %dma_start3A = arith.constant 0 : i32
      %dma_start3A_306 = tpu.memref_slice %arg12[%add3A_166, %dma_start3A] : memref<10240x128xf32, #tpu.memory_space<vmem_shared>> -> memref<32x128xf32, #tpu.memory_space<vmem_shared>>
      %dma_start3A_307 = arith.constant 0 : i32
      %dma_start3A_308 = tpu.memref_slice %arg12[%add3A_166, %dma_start3A_307] : memref<10240x128xf32, #tpu.memory_space<vmem_shared>> -> memref<32x128xf32, #tpu.memory_space<vmem_shared>>
      tpu.enqueue_dma source(%dma_start3A_308 : memref<32x128xf32, #tpu.memory_space<vmem_shared>>) target(%arg11 : memref<32x128xf32, #tpu.memory_space<vmem>>) target_semaphore(%run_scoped3A : memref<!tpu.dma_semaphore, #tpu.memory_space<semaphore_mem>>)
      %dma_wait3A = arith.constant 0 : i32
      %dma_wait3A_309 = tpu.memref_slice %arg12[%add3A_166, %dma_wait3A] : memref<10240x128xf32, #tpu.memory_space<vmem_shared>> -> memref<32x128xf32, #tpu.memory_space<vmem_shared>>
      %dma_wait3A_310 = arith.constant 0 : i32
      %dma_wait3A_311 = tpu.memref_slice %arg12[%add3A_166, %dma_wait3A_310] : memref<10240x128xf32, #tpu.memory_space<vmem_shared>> -> memref<32x128xf32, #tpu.memory_space<vmem_shared>>
      tpu.wait_dma2 semaphore(%run_scoped3A : memref<!tpu.dma_semaphore, #tpu.memory_space<semaphore_mem>>) src(%dma_wait3A_311 : memref<32x128xf32, #tpu.memory_space<vmem_shared>>) dst(%arg11 : memref<32x128xf32, #tpu.memory_space<vmem>>)
      tpu.yield
    }) : () -> ()
    %mul3A_167 = arith.constant 10240 : i32
    %mul3A_168 = arith.muli %arg0, %mul3A_167 : i32
    %mul3A_169 = arith.constant 640 : i32
    %mul3A_170 = arith.muli %arg1, %mul3A_169 : i32
    %add3A_171 = arith.addi %mul3A_168, %mul3A_170 : i32
    %add3A_172 = arith.constant 224 : i32
    %add3A_173 = arith.addi %add3A_171, %add3A_172 : i32
    "tpu.region"() ({
      %run_scoped3A = tpu.sem_alloc : memref<!tpu.dma_semaphore, #tpu.memory_space<semaphore_mem>>
      %dma_start3A = arith.constant 0 : i32
      %dma_start3A_306 = tpu.memref_slice %arg6[%add3A_173, %dma_start3A] : memref<20480x128xf32, #tpu.memory_space<hbm>> -> memref<32x128xf32, #tpu.memory_space<hbm>>
      %dma_start3A_307 = arith.constant 0 : i32
      %dma_start3A_308 = tpu.memref_slice %arg6[%add3A_173, %dma_start3A_307] : memref<20480x128xf32, #tpu.memory_space<hbm>> -> memref<32x128xf32, #tpu.memory_space<hbm>>
      tpu.enqueue_dma source(%arg11 : memref<32x128xf32, #tpu.memory_space<vmem>>) target(%dma_start3A_308 : memref<32x128xf32, #tpu.memory_space<hbm>>) target_semaphore(%run_scoped3A : memref<!tpu.dma_semaphore, #tpu.memory_space<semaphore_mem>>)
      %dma_wait3A = arith.constant 0 : i32
      %dma_wait3A_309 = tpu.memref_slice %arg6[%add3A_173, %dma_wait3A] : memref<20480x128xf32, #tpu.memory_space<hbm>> -> memref<32x128xf32, #tpu.memory_space<hbm>>
      %dma_wait3A_310 = arith.constant 0 : i32
      %dma_wait3A_311 = tpu.memref_slice %arg6[%add3A_173, %dma_wait3A_310] : memref<20480x128xf32, #tpu.memory_space<hbm>> -> memref<32x128xf32, #tpu.memory_space<hbm>>
      tpu.wait_dma2 semaphore(%run_scoped3A : memref<!tpu.dma_semaphore, #tpu.memory_space<semaphore_mem>>) src(%arg11 : memref<32x128xf32, #tpu.memory_space<vmem>>) dst(%dma_wait3A_311 : memref<32x128xf32, #tpu.memory_space<hbm>>)
      tpu.yield
    }) : () -> ()
    %mul3A_174 = arith.constant 640 : i32
    %mul3A_175 = arith.muli %arg1, %mul3A_174 : i32
    %add3A_176 = arith.constant 256 : i32
    %add3A_177 = arith.addi %mul3A_175, %add3A_176 : i32
    "tpu.region"() ({
      %run_scoped3A = tpu.sem_alloc : memref<!tpu.dma_semaphore, #tpu.memory_space<semaphore_mem>>
      %dma_start3A = arith.constant 0 : i32
      %dma_start3A_306 = tpu.memref_slice %arg12[%add3A_177, %dma_start3A] : memref<10240x128xf32, #tpu.memory_space<vmem_shared>> -> memref<32x128xf32, #tpu.memory_space<vmem_shared>>
      %dma_start3A_307 = arith.constant 0 : i32
      %dma_start3A_308 = tpu.memref_slice %arg12[%add3A_177, %dma_start3A_307] : memref<10240x128xf32, #tpu.memory_space<vmem_shared>> -> memref<32x128xf32, #tpu.memory_space<vmem_shared>>
      tpu.enqueue_dma source(%dma_start3A_308 : memref<32x128xf32, #tpu.memory_space<vmem_shared>>) target(%arg11 : memref<32x128xf32, #tpu.memory_space<vmem>>) target_semaphore(%run_scoped3A : memref<!tpu.dma_semaphore, #tpu.memory_space<semaphore_mem>>)
      %dma_wait3A = arith.constant 0 : i32
      %dma_wait3A_309 = tpu.memref_slice %arg12[%add3A_177, %dma_wait3A] : memref<10240x128xf32, #tpu.memory_space<vmem_shared>> -> memref<32x128xf32, #tpu.memory_space<vmem_shared>>
      %dma_wait3A_310 = arith.constant 0 : i32
      %dma_wait3A_311 = tpu.memref_slice %arg12[%add3A_177, %dma_wait3A_310] : memref<10240x128xf32, #tpu.memory_space<vmem_shared>> -> memref<32x128xf32, #tpu.memory_space<vmem_shared>>
      tpu.wait_dma2 semaphore(%run_scoped3A : memref<!tpu.dma_semaphore, #tpu.memory_space<semaphore_mem>>) src(%dma_wait3A_311 : memref<32x128xf32, #tpu.memory_space<vmem_shared>>) dst(%arg11 : memref<32x128xf32, #tpu.memory_space<vmem>>)
      tpu.yield
    }) : () -> ()
    %mul3A_178 = arith.constant 10240 : i32
    %mul3A_179 = arith.muli %arg0, %mul3A_178 : i32
    %mul3A_180 = arith.constant 640 : i32
    %mul3A_181 = arith.muli %arg1, %mul3A_180 : i32
    %add3A_182 = arith.addi %mul3A_179, %mul3A_181 : i32
    %add3A_183 = arith.constant 256 : i32
    %add3A_184 = arith.addi %add3A_182, %add3A_183 : i32
    "tpu.region"() ({
      %run_scoped3A = tpu.sem_alloc : memref<!tpu.dma_semaphore, #tpu.memory_space<semaphore_mem>>
      %dma_start3A = arith.constant 0 : i32
      %dma_start3A_306 = tpu.memref_slice %arg6[%add3A_184, %dma_start3A] : memref<20480x128xf32, #tpu.memory_space<hbm>> -> memref<32x128xf32, #tpu.memory_space<hbm>>
      %dma_start3A_307 = arith.constant 0 : i32
      %dma_start3A_308 = tpu.memref_slice %arg6[%add3A_184, %dma_start3A_307] : memref<20480x128xf32, #tpu.memory_space<hbm>> -> memref<32x128xf32, #tpu.memory_space<hbm>>
      tpu.enqueue_dma source(%arg11 : memref<32x128xf32, #tpu.memory_space<vmem>>) target(%dma_start3A_308 : memref<32x128xf32, #tpu.memory_space<hbm>>) target_semaphore(%run_scoped3A : memref<!tpu.dma_semaphore, #tpu.memory_space<semaphore_mem>>)
      %dma_wait3A = arith.constant 0 : i32
      %dma_wait3A_309 = tpu.memref_slice %arg6[%add3A_184, %dma_wait3A] : memref<20480x128xf32, #tpu.memory_space<hbm>> -> memref<32x128xf32, #tpu.memory_space<hbm>>
      %dma_wait3A_310 = arith.constant 0 : i32
      %dma_wait3A_311 = tpu.memref_slice %arg6[%add3A_184, %dma_wait3A_310] : memref<20480x128xf32, #tpu.memory_space<hbm>> -> memref<32x128xf32, #tpu.memory_space<hbm>>
      tpu.wait_dma2 semaphore(%run_scoped3A : memref<!tpu.dma_semaphore, #tpu.memory_space<semaphore_mem>>) src(%arg11 : memref<32x128xf32, #tpu.memory_space<vmem>>) dst(%dma_wait3A_311 : memref<32x128xf32, #tpu.memory_space<hbm>>)
      tpu.yield
    }) : () -> ()
    %mul3A_185 = arith.constant 640 : i32
    %mul3A_186 = arith.muli %arg1, %mul3A_185 : i32
    %add3A_187 = arith.constant 288 : i32
    %add3A_188 = arith.addi %mul3A_186, %add3A_187 : i32
    "tpu.region"() ({
      %run_scoped3A = tpu.sem_alloc : memref<!tpu.dma_semaphore, #tpu.memory_space<semaphore_mem>>
      %dma_start3A = arith.constant 0 : i32
      %dma_start3A_306 = tpu.memref_slice %arg12[%add3A_188, %dma_start3A] : memref<10240x128xf32, #tpu.memory_space<vmem_shared>> -> memref<32x128xf32, #tpu.memory_space<vmem_shared>>
      %dma_start3A_307 = arith.constant 0 : i32
      %dma_start3A_308 = tpu.memref_slice %arg12[%add3A_188, %dma_start3A_307] : memref<10240x128xf32, #tpu.memory_space<vmem_shared>> -> memref<32x128xf32, #tpu.memory_space<vmem_shared>>
      tpu.enqueue_dma source(%dma_start3A_308 : memref<32x128xf32, #tpu.memory_space<vmem_shared>>) target(%arg11 : memref<32x128xf32, #tpu.memory_space<vmem>>) target_semaphore(%run_scoped3A : memref<!tpu.dma_semaphore, #tpu.memory_space<semaphore_mem>>)
      %dma_wait3A = arith.constant 0 : i32
      %dma_wait3A_309 = tpu.memref_slice %arg12[%add3A_188, %dma_wait3A] : memref<10240x128xf32, #tpu.memory_space<vmem_shared>> -> memref<32x128xf32, #tpu.memory_space<vmem_shared>>
      %dma_wait3A_310 = arith.constant 0 : i32
      %dma_wait3A_311 = tpu.memref_slice %arg12[%add3A_188, %dma_wait3A_310] : memref<10240x128xf32, #tpu.memory_space<vmem_shared>> -> memref<32x128xf32, #tpu.memory_space<vmem_shared>>
      tpu.wait_dma2 semaphore(%run_scoped3A : memref<!tpu.dma_semaphore, #tpu.memory_space<semaphore_mem>>) src(%dma_wait3A_311 : memref<32x128xf32, #tpu.memory_space<vmem_shared>>) dst(%arg11 : memref<32x128xf32, #tpu.memory_space<vmem>>)
      tpu.yield
    }) : () -> ()
    %mul3A_189 = arith.constant 10240 : i32
    %mul3A_190 = arith.muli %arg0, %mul3A_189 : i32
    %mul3A_191 = arith.constant 640 : i32
    %mul3A_192 = arith.muli %arg1, %mul3A_191 : i32
    %add3A_193 = arith.addi %mul3A_190, %mul3A_192 : i32
    %add3A_194 = arith.constant 288 : i32
    %add3A_195 = arith.addi %add3A_193, %add3A_194 : i32
    "tpu.region"() ({
      %run_scoped3A = tpu.sem_alloc : memref<!tpu.dma_semaphore, #tpu.memory_space<semaphore_mem>>
      %dma_start3A = arith.constant 0 : i32
      %dma_start3A_306 = tpu.memref_slice %arg6[%add3A_195, %dma_start3A] : memref<20480x128xf32, #tpu.memory_space<hbm>> -> memref<32x128xf32, #tpu.memory_space<hbm>>
      %dma_start3A_307 = arith.constant 0 : i32
      %dma_start3A_308 = tpu.memref_slice %arg6[%add3A_195, %dma_start3A_307] : memref<20480x128xf32, #tpu.memory_space<hbm>> -> memref<32x128xf32, #tpu.memory_space<hbm>>
      tpu.enqueue_dma source(%arg11 : memref<32x128xf32, #tpu.memory_space<vmem>>) target(%dma_start3A_308 : memref<32x128xf32, #tpu.memory_space<hbm>>) target_semaphore(%run_scoped3A : memref<!tpu.dma_semaphore, #tpu.memory_space<semaphore_mem>>)
      %dma_wait3A = arith.constant 0 : i32
      %dma_wait3A_309 = tpu.memref_slice %arg6[%add3A_195, %dma_wait3A] : memref<20480x128xf32, #tpu.memory_space<hbm>> -> memref<32x128xf32, #tpu.memory_space<hbm>>
      %dma_wait3A_310 = arith.constant 0 : i32
      %dma_wait3A_311 = tpu.memref_slice %arg6[%add3A_195, %dma_wait3A_310] : memref<20480x128xf32, #tpu.memory_space<hbm>> -> memref<32x128xf32, #tpu.memory_space<hbm>>
      tpu.wait_dma2 semaphore(%run_scoped3A : memref<!tpu.dma_semaphore, #tpu.memory_space<semaphore_mem>>) src(%arg11 : memref<32x128xf32, #tpu.memory_space<vmem>>) dst(%dma_wait3A_311 : memref<32x128xf32, #tpu.memory_space<hbm>>)
      tpu.yield
    }) : () -> ()
    %mul3A_196 = arith.constant 640 : i32
    %mul3A_197 = arith.muli %arg1, %mul3A_196 : i32
    %add3A_198 = arith.constant 320 : i32
    %add3A_199 = arith.addi %mul3A_197, %add3A_198 : i32
    "tpu.region"() ({
      %run_scoped3A = tpu.sem_alloc : memref<!tpu.dma_semaphore, #tpu.memory_space<semaphore_mem>>
      %dma_start3A = arith.constant 0 : i32
      %dma_start3A_306 = tpu.memref_slice %arg12[%add3A_199, %dma_start3A] : memref<10240x128xf32, #tpu.memory_space<vmem_shared>> -> memref<32x128xf32, #tpu.memory_space<vmem_shared>>
      %dma_start3A_307 = arith.constant 0 : i32
      %dma_start3A_308 = tpu.memref_slice %arg12[%add3A_199, %dma_start3A_307] : memref<10240x128xf32, #tpu.memory_space<vmem_shared>> -> memref<32x128xf32, #tpu.memory_space<vmem_shared>>
      tpu.enqueue_dma source(%dma_start3A_308 : memref<32x128xf32, #tpu.memory_space<vmem_shared>>) target(%arg11 : memref<32x128xf32, #tpu.memory_space<vmem>>) target_semaphore(%run_scoped3A : memref<!tpu.dma_semaphore, #tpu.memory_space<semaphore_mem>>)
      %dma_wait3A = arith.constant 0 : i32
      %dma_wait3A_309 = tpu.memref_slice %arg12[%add3A_199, %dma_wait3A] : memref<10240x128xf32, #tpu.memory_space<vmem_shared>> -> memref<32x128xf32, #tpu.memory_space<vmem_shared>>
      %dma_wait3A_310 = arith.constant 0 : i32
      %dma_wait3A_311 = tpu.memref_slice %arg12[%add3A_199, %dma_wait3A_310] : memref<10240x128xf32, #tpu.memory_space<vmem_shared>> -> memref<32x128xf32, #tpu.memory_space<vmem_shared>>
      tpu.wait_dma2 semaphore(%run_scoped3A : memref<!tpu.dma_semaphore, #tpu.memory_space<semaphore_mem>>) src(%dma_wait3A_311 : memref<32x128xf32, #tpu.memory_space<vmem_shared>>) dst(%arg11 : memref<32x128xf32, #tpu.memory_space<vmem>>)
      tpu.yield
    }) : () -> ()
    %mul3A_200 = arith.constant 10240 : i32
    %mul3A_201 = arith.muli %arg0, %mul3A_200 : i32
    %mul3A_202 = arith.constant 640 : i32
    %mul3A_203 = arith.muli %arg1, %mul3A_202 : i32
    %add3A_204 = arith.addi %mul3A_201, %mul3A_203 : i32
    %add3A_205 = arith.constant 320 : i32
    %add3A_206 = arith.addi %add3A_204, %add3A_205 : i32
    "tpu.region"() ({
      %run_scoped3A = tpu.sem_alloc : memref<!tpu.dma_semaphore, #tpu.memory_space<semaphore_mem>>
      %dma_start3A = arith.constant 0 : i32
      %dma_start3A_306 = tpu.memref_slice %arg6[%add3A_206, %dma_start3A] : memref<20480x128xf32, #tpu.memory_space<hbm>> -> memref<32x128xf32, #tpu.memory_space<hbm>>
      %dma_start3A_307 = arith.constant 0 : i32
      %dma_start3A_308 = tpu.memref_slice %arg6[%add3A_206, %dma_start3A_307] : memref<20480x128xf32, #tpu.memory_space<hbm>> -> memref<32x128xf32, #tpu.memory_space<hbm>>
      tpu.enqueue_dma source(%arg11 : memref<32x128xf32, #tpu.memory_space<vmem>>) target(%dma_start3A_308 : memref<32x128xf32, #tpu.memory_space<hbm>>) target_semaphore(%run_scoped3A : memref<!tpu.dma_semaphore, #tpu.memory_space<semaphore_mem>>)
      %dma_wait3A = arith.constant 0 : i32
      %dma_wait3A_309 = tpu.memref_slice %arg6[%add3A_206, %dma_wait3A] : memref<20480x128xf32, #tpu.memory_space<hbm>> -> memref<32x128xf32, #tpu.memory_space<hbm>>
      %dma_wait3A_310 = arith.constant 0 : i32
      %dma_wait3A_311 = tpu.memref_slice %arg6[%add3A_206, %dma_wait3A_310] : memref<20480x128xf32, #tpu.memory_space<hbm>> -> memref<32x128xf32, #tpu.memory_space<hbm>>
      tpu.wait_dma2 semaphore(%run_scoped3A : memref<!tpu.dma_semaphore, #tpu.memory_space<semaphore_mem>>) src(%arg11 : memref<32x128xf32, #tpu.memory_space<vmem>>) dst(%dma_wait3A_311 : memref<32x128xf32, #tpu.memory_space<hbm>>)
      tpu.yield
    }) : () -> ()
    %mul3A_207 = arith.constant 640 : i32
    %mul3A_208 = arith.muli %arg1, %mul3A_207 : i32
    %add3A_209 = arith.constant 352 : i32
    %add3A_210 = arith.addi %mul3A_208, %add3A_209 : i32
    "tpu.region"() ({
      %run_scoped3A = tpu.sem_alloc : memref<!tpu.dma_semaphore, #tpu.memory_space<semaphore_mem>>
      %dma_start3A = arith.constant 0 : i32
      %dma_start3A_306 = tpu.memref_slice %arg12[%add3A_210, %dma_start3A] : memref<10240x128xf32, #tpu.memory_space<vmem_shared>> -> memref<32x128xf32, #tpu.memory_space<vmem_shared>>
      %dma_start3A_307 = arith.constant 0 : i32
      %dma_start3A_308 = tpu.memref_slice %arg12[%add3A_210, %dma_start3A_307] : memref<10240x128xf32, #tpu.memory_space<vmem_shared>> -> memref<32x128xf32, #tpu.memory_space<vmem_shared>>
      tpu.enqueue_dma source(%dma_start3A_308 : memref<32x128xf32, #tpu.memory_space<vmem_shared>>) target(%arg11 : memref<32x128xf32, #tpu.memory_space<vmem>>) target_semaphore(%run_scoped3A : memref<!tpu.dma_semaphore, #tpu.memory_space<semaphore_mem>>)
      %dma_wait3A = arith.constant 0 : i32
      %dma_wait3A_309 = tpu.memref_slice %arg12[%add3A_210, %dma_wait3A] : memref<10240x128xf32, #tpu.memory_space<vmem_shared>> -> memref<32x128xf32, #tpu.memory_space<vmem_shared>>
      %dma_wait3A_310 = arith.constant 0 : i32
      %dma_wait3A_311 = tpu.memref_slice %arg12[%add3A_210, %dma_wait3A_310] : memref<10240x128xf32, #tpu.memory_space<vmem_shared>> -> memref<32x128xf32, #tpu.memory_space<vmem_shared>>
      tpu.wait_dma2 semaphore(%run_scoped3A : memref<!tpu.dma_semaphore, #tpu.memory_space<semaphore_mem>>) src(%dma_wait3A_311 : memref<32x128xf32, #tpu.memory_space<vmem_shared>>) dst(%arg11 : memref<32x128xf32, #tpu.memory_space<vmem>>)
      tpu.yield
    }) : () -> ()
    %mul3A_211 = arith.constant 10240 : i32
    %mul3A_212 = arith.muli %arg0, %mul3A_211 : i32
    %mul3A_213 = arith.constant 640 : i32
    %mul3A_214 = arith.muli %arg1, %mul3A_213 : i32
    %add3A_215 = arith.addi %mul3A_212, %mul3A_214 : i32
    %add3A_216 = arith.constant 352 : i32
    %add3A_217 = arith.addi %add3A_215, %add3A_216 : i32
    "tpu.region"() ({
      %run_scoped3A = tpu.sem_alloc : memref<!tpu.dma_semaphore, #tpu.memory_space<semaphore_mem>>
      %dma_start3A = arith.constant 0 : i32
      %dma_start3A_306 = tpu.memref_slice %arg6[%add3A_217, %dma_start3A] : memref<20480x128xf32, #tpu.memory_space<hbm>> -> memref<32x128xf32, #tpu.memory_space<hbm>>
      %dma_start3A_307 = arith.constant 0 : i32
      %dma_start3A_308 = tpu.memref_slice %arg6[%add3A_217, %dma_start3A_307] : memref<20480x128xf32, #tpu.memory_space<hbm>> -> memref<32x128xf32, #tpu.memory_space<hbm>>
      tpu.enqueue_dma source(%arg11 : memref<32x128xf32, #tpu.memory_space<vmem>>) target(%dma_start3A_308 : memref<32x128xf32, #tpu.memory_space<hbm>>) target_semaphore(%run_scoped3A : memref<!tpu.dma_semaphore, #tpu.memory_space<semaphore_mem>>)
      %dma_wait3A = arith.constant 0 : i32
      %dma_wait3A_309 = tpu.memref_slice %arg6[%add3A_217, %dma_wait3A] : memref<20480x128xf32, #tpu.memory_space<hbm>> -> memref<32x128xf32, #tpu.memory_space<hbm>>
      %dma_wait3A_310 = arith.constant 0 : i32
      %dma_wait3A_311 = tpu.memref_slice %arg6[%add3A_217, %dma_wait3A_310] : memref<20480x128xf32, #tpu.memory_space<hbm>> -> memref<32x128xf32, #tpu.memory_space<hbm>>
      tpu.wait_dma2 semaphore(%run_scoped3A : memref<!tpu.dma_semaphore, #tpu.memory_space<semaphore_mem>>) src(%arg11 : memref<32x128xf32, #tpu.memory_space<vmem>>) dst(%dma_wait3A_311 : memref<32x128xf32, #tpu.memory_space<hbm>>)
      tpu.yield
    }) : () -> ()
    %mul3A_218 = arith.constant 640 : i32
    %mul3A_219 = arith.muli %arg1, %mul3A_218 : i32
    %add3A_220 = arith.constant 384 : i32
    %add3A_221 = arith.addi %mul3A_219, %add3A_220 : i32
    "tpu.region"() ({
      %run_scoped3A = tpu.sem_alloc : memref<!tpu.dma_semaphore, #tpu.memory_space<semaphore_mem>>
      %dma_start3A = arith.constant 0 : i32
      %dma_start3A_306 = tpu.memref_slice %arg12[%add3A_221, %dma_start3A] : memref<10240x128xf32, #tpu.memory_space<vmem_shared>> -> memref<32x128xf32, #tpu.memory_space<vmem_shared>>
      %dma_start3A_307 = arith.constant 0 : i32
      %dma_start3A_308 = tpu.memref_slice %arg12[%add3A_221, %dma_start3A_307] : memref<10240x128xf32, #tpu.memory_space<vmem_shared>> -> memref<32x128xf32, #tpu.memory_space<vmem_shared>>
      tpu.enqueue_dma source(%dma_start3A_308 : memref<32x128xf32, #tpu.memory_space<vmem_shared>>) target(%arg11 : memref<32x128xf32, #tpu.memory_space<vmem>>) target_semaphore(%run_scoped3A : memref<!tpu.dma_semaphore, #tpu.memory_space<semaphore_mem>>)
      %dma_wait3A = arith.constant 0 : i32
      %dma_wait3A_309 = tpu.memref_slice %arg12[%add3A_221, %dma_wait3A] : memref<10240x128xf32, #tpu.memory_space<vmem_shared>> -> memref<32x128xf32, #tpu.memory_space<vmem_shared>>
      %dma_wait3A_310 = arith.constant 0 : i32
      %dma_wait3A_311 = tpu.memref_slice %arg12[%add3A_221, %dma_wait3A_310] : memref<10240x128xf32, #tpu.memory_space<vmem_shared>> -> memref<32x128xf32, #tpu.memory_space<vmem_shared>>
      tpu.wait_dma2 semaphore(%run_scoped3A : memref<!tpu.dma_semaphore, #tpu.memory_space<semaphore_mem>>) src(%dma_wait3A_311 : memref<32x128xf32, #tpu.memory_space<vmem_shared>>) dst(%arg11 : memref<32x128xf32, #tpu.memory_space<vmem>>)
      tpu.yield
    }) : () -> ()
    %mul3A_222 = arith.constant 10240 : i32
    %mul3A_223 = arith.muli %arg0, %mul3A_222 : i32
    %mul3A_224 = arith.constant 640 : i32
    %mul3A_225 = arith.muli %arg1, %mul3A_224 : i32
    %add3A_226 = arith.addi %mul3A_223, %mul3A_225 : i32
    %add3A_227 = arith.constant 384 : i32
    %add3A_228 = arith.addi %add3A_226, %add3A_227 : i32
    "tpu.region"() ({
      %run_scoped3A = tpu.sem_alloc : memref<!tpu.dma_semaphore, #tpu.memory_space<semaphore_mem>>
      %dma_start3A = arith.constant 0 : i32
      %dma_start3A_306 = tpu.memref_slice %arg6[%add3A_228, %dma_start3A] : memref<20480x128xf32, #tpu.memory_space<hbm>> -> memref<32x128xf32, #tpu.memory_space<hbm>>
      %dma_start3A_307 = arith.constant 0 : i32
      %dma_start3A_308 = tpu.memref_slice %arg6[%add3A_228, %dma_start3A_307] : memref<20480x128xf32, #tpu.memory_space<hbm>> -> memref<32x128xf32, #tpu.memory_space<hbm>>
      tpu.enqueue_dma source(%arg11 : memref<32x128xf32, #tpu.memory_space<vmem>>) target(%dma_start3A_308 : memref<32x128xf32, #tpu.memory_space<hbm>>) target_semaphore(%run_scoped3A : memref<!tpu.dma_semaphore, #tpu.memory_space<semaphore_mem>>)
      %dma_wait3A = arith.constant 0 : i32
      %dma_wait3A_309 = tpu.memref_slice %arg6[%add3A_228, %dma_wait3A] : memref<20480x128xf32, #tpu.memory_space<hbm>> -> memref<32x128xf32, #tpu.memory_space<hbm>>
      %dma_wait3A_310 = arith.constant 0 : i32
      %dma_wait3A_311 = tpu.memref_slice %arg6[%add3A_228, %dma_wait3A_310] : memref<20480x128xf32, #tpu.memory_space<hbm>> -> memref<32x128xf32, #tpu.memory_space<hbm>>
      tpu.wait_dma2 semaphore(%run_scoped3A : memref<!tpu.dma_semaphore, #tpu.memory_space<semaphore_mem>>) src(%arg11 : memref<32x128xf32, #tpu.memory_space<vmem>>) dst(%dma_wait3A_311 : memref<32x128xf32, #tpu.memory_space<hbm>>)
      tpu.yield
    }) : () -> ()
    %mul3A_229 = arith.constant 640 : i32
    %mul3A_230 = arith.muli %arg1, %mul3A_229 : i32
    %add3A_231 = arith.constant 416 : i32
    %add3A_232 = arith.addi %mul3A_230, %add3A_231 : i32
    "tpu.region"() ({
      %run_scoped3A = tpu.sem_alloc : memref<!tpu.dma_semaphore, #tpu.memory_space<semaphore_mem>>
      %dma_start3A = arith.constant 0 : i32
      %dma_start3A_306 = tpu.memref_slice %arg12[%add3A_232, %dma_start3A] : memref<10240x128xf32, #tpu.memory_space<vmem_shared>> -> memref<32x128xf32, #tpu.memory_space<vmem_shared>>
      %dma_start3A_307 = arith.constant 0 : i32
      %dma_start3A_308 = tpu.memref_slice %arg12[%add3A_232, %dma_start3A_307] : memref<10240x128xf32, #tpu.memory_space<vmem_shared>> -> memref<32x128xf32, #tpu.memory_space<vmem_shared>>
      tpu.enqueue_dma source(%dma_start3A_308 : memref<32x128xf32, #tpu.memory_space<vmem_shared>>) target(%arg11 : memref<32x128xf32, #tpu.memory_space<vmem>>) target_semaphore(%run_scoped3A : memref<!tpu.dma_semaphore, #tpu.memory_space<semaphore_mem>>)
      %dma_wait3A = arith.constant 0 : i32
      %dma_wait3A_309 = tpu.memref_slice %arg12[%add3A_232, %dma_wait3A] : memref<10240x128xf32, #tpu.memory_space<vmem_shared>> -> memref<32x128xf32, #tpu.memory_space<vmem_shared>>
      %dma_wait3A_310 = arith.constant 0 : i32
      %dma_wait3A_311 = tpu.memref_slice %arg12[%add3A_232, %dma_wait3A_310] : memref<10240x128xf32, #tpu.memory_space<vmem_shared>> -> memref<32x128xf32, #tpu.memory_space<vmem_shared>>
      tpu.wait_dma2 semaphore(%run_scoped3A : memref<!tpu.dma_semaphore, #tpu.memory_space<semaphore_mem>>) src(%dma_wait3A_311 : memref<32x128xf32, #tpu.memory_space<vmem_shared>>) dst(%arg11 : memref<32x128xf32, #tpu.memory_space<vmem>>)
      tpu.yield
    }) : () -> ()
    %mul3A_233 = arith.constant 10240 : i32
    %mul3A_234 = arith.muli %arg0, %mul3A_233 : i32
    %mul3A_235 = arith.constant 640 : i32
    %mul3A_236 = arith.muli %arg1, %mul3A_235 : i32
    %add3A_237 = arith.addi %mul3A_234, %mul3A_236 : i32
    %add3A_238 = arith.constant 416 : i32
    %add3A_239 = arith.addi %add3A_237, %add3A_238 : i32
    "tpu.region"() ({
      %run_scoped3A = tpu.sem_alloc : memref<!tpu.dma_semaphore, #tpu.memory_space<semaphore_mem>>
      %dma_start3A = arith.constant 0 : i32
      %dma_start3A_306 = tpu.memref_slice %arg6[%add3A_239, %dma_start3A] : memref<20480x128xf32, #tpu.memory_space<hbm>> -> memref<32x128xf32, #tpu.memory_space<hbm>>
      %dma_start3A_307 = arith.constant 0 : i32
      %dma_start3A_308 = tpu.memref_slice %arg6[%add3A_239, %dma_start3A_307] : memref<20480x128xf32, #tpu.memory_space<hbm>> -> memref<32x128xf32, #tpu.memory_space<hbm>>
      tpu.enqueue_dma source(%arg11 : memref<32x128xf32, #tpu.memory_space<vmem>>) target(%dma_start3A_308 : memref<32x128xf32, #tpu.memory_space<hbm>>) target_semaphore(%run_scoped3A : memref<!tpu.dma_semaphore, #tpu.memory_space<semaphore_mem>>)
      %dma_wait3A = arith.constant 0 : i32
      %dma_wait3A_309 = tpu.memref_slice %arg6[%add3A_239, %dma_wait3A] : memref<20480x128xf32, #tpu.memory_space<hbm>> -> memref<32x128xf32, #tpu.memory_space<hbm>>
      %dma_wait3A_310 = arith.constant 0 : i32
      %dma_wait3A_311 = tpu.memref_slice %arg6[%add3A_239, %dma_wait3A_310] : memref<20480x128xf32, #tpu.memory_space<hbm>> -> memref<32x128xf32, #tpu.memory_space<hbm>>
      tpu.wait_dma2 semaphore(%run_scoped3A : memref<!tpu.dma_semaphore, #tpu.memory_space<semaphore_mem>>) src(%arg11 : memref<32x128xf32, #tpu.memory_space<vmem>>) dst(%dma_wait3A_311 : memref<32x128xf32, #tpu.memory_space<hbm>>)
      tpu.yield
    }) : () -> ()
    %mul3A_240 = arith.constant 640 : i32
    %mul3A_241 = arith.muli %arg1, %mul3A_240 : i32
    %add3A_242 = arith.constant 448 : i32
    %add3A_243 = arith.addi %mul3A_241, %add3A_242 : i32
    "tpu.region"() ({
      %run_scoped3A = tpu.sem_alloc : memref<!tpu.dma_semaphore, #tpu.memory_space<semaphore_mem>>
      %dma_start3A = arith.constant 0 : i32
      %dma_start3A_306 = tpu.memref_slice %arg12[%add3A_243, %dma_start3A] : memref<10240x128xf32, #tpu.memory_space<vmem_shared>> -> memref<32x128xf32, #tpu.memory_space<vmem_shared>>
      %dma_start3A_307 = arith.constant 0 : i32
      %dma_start3A_308 = tpu.memref_slice %arg12[%add3A_243, %dma_start3A_307] : memref<10240x128xf32, #tpu.memory_space<vmem_shared>> -> memref<32x128xf32, #tpu.memory_space<vmem_shared>>
      tpu.enqueue_dma source(%dma_start3A_308 : memref<32x128xf32, #tpu.memory_space<vmem_shared>>) target(%arg11 : memref<32x128xf32, #tpu.memory_space<vmem>>) target_semaphore(%run_scoped3A : memref<!tpu.dma_semaphore, #tpu.memory_space<semaphore_mem>>)
      %dma_wait3A = arith.constant 0 : i32
      %dma_wait3A_309 = tpu.memref_slice %arg12[%add3A_243, %dma_wait3A] : memref<10240x128xf32, #tpu.memory_space<vmem_shared>> -> memref<32x128xf32, #tpu.memory_space<vmem_shared>>
      %dma_wait3A_310 = arith.constant 0 : i32
      %dma_wait3A_311 = tpu.memref_slice %arg12[%add3A_243, %dma_wait3A_310] : memref<10240x128xf32, #tpu.memory_space<vmem_shared>> -> memref<32x128xf32, #tpu.memory_space<vmem_shared>>
      tpu.wait_dma2 semaphore(%run_scoped3A : memref<!tpu.dma_semaphore, #tpu.memory_space<semaphore_mem>>) src(%dma_wait3A_311 : memref<32x128xf32, #tpu.memory_space<vmem_shared>>) dst(%arg11 : memref<32x128xf32, #tpu.memory_space<vmem>>)
      tpu.yield
    }) : () -> ()
    %mul3A_244 = arith.constant 10240 : i32
    %mul3A_245 = arith.muli %arg0, %mul3A_244 : i32
    %mul3A_246 = arith.constant 640 : i32
    %mul3A_247 = arith.muli %arg1, %mul3A_246 : i32
    %add3A_248 = arith.addi %mul3A_245, %mul3A_247 : i32
    %add3A_249 = arith.constant 448 : i32
    %add3A_250 = arith.addi %add3A_248, %add3A_249 : i32
    "tpu.region"() ({
      %run_scoped3A = tpu.sem_alloc : memref<!tpu.dma_semaphore, #tpu.memory_space<semaphore_mem>>
      %dma_start3A = arith.constant 0 : i32
      %dma_start3A_306 = tpu.memref_slice %arg6[%add3A_250, %dma_start3A] : memref<20480x128xf32, #tpu.memory_space<hbm>> -> memref<32x128xf32, #tpu.memory_space<hbm>>
      %dma_start3A_307 = arith.constant 0 : i32
      %dma_start3A_308 = tpu.memref_slice %arg6[%add3A_250, %dma_start3A_307] : memref<20480x128xf32, #tpu.memory_space<hbm>> -> memref<32x128xf32, #tpu.memory_space<hbm>>
      tpu.enqueue_dma source(%arg11 : memref<32x128xf32, #tpu.memory_space<vmem>>) target(%dma_start3A_308 : memref<32x128xf32, #tpu.memory_space<hbm>>) target_semaphore(%run_scoped3A : memref<!tpu.dma_semaphore, #tpu.memory_space<semaphore_mem>>)
      %dma_wait3A = arith.constant 0 : i32
      %dma_wait3A_309 = tpu.memref_slice %arg6[%add3A_250, %dma_wait3A] : memref<20480x128xf32, #tpu.memory_space<hbm>> -> memref<32x128xf32, #tpu.memory_space<hbm>>
      %dma_wait3A_310 = arith.constant 0 : i32
      %dma_wait3A_311 = tpu.memref_slice %arg6[%add3A_250, %dma_wait3A_310] : memref<20480x128xf32, #tpu.memory_space<hbm>> -> memref<32x128xf32, #tpu.memory_space<hbm>>
      tpu.wait_dma2 semaphore(%run_scoped3A : memref<!tpu.dma_semaphore, #tpu.memory_space<semaphore_mem>>) src(%arg11 : memref<32x128xf32, #tpu.memory_space<vmem>>) dst(%dma_wait3A_311 : memref<32x128xf32, #tpu.memory_space<hbm>>)
      tpu.yield
    }) : () -> ()
    %mul3A_251 = arith.constant 640 : i32
    %mul3A_252 = arith.muli %arg1, %mul3A_251 : i32
    %add3A_253 = arith.constant 480 : i32
    %add3A_254 = arith.addi %mul3A_252, %add3A_253 : i32
    "tpu.region"() ({
      %run_scoped3A = tpu.sem_alloc : memref<!tpu.dma_semaphore, #tpu.memory_space<semaphore_mem>>
      %dma_start3A = arith.constant 0 : i32
      %dma_start3A_306 = tpu.memref_slice %arg12[%add3A_254, %dma_start3A] : memref<10240x128xf32, #tpu.memory_space<vmem_shared>> -> memref<32x128xf32, #tpu.memory_space<vmem_shared>>
      %dma_start3A_307 = arith.constant 0 : i32
      %dma_start3A_308 = tpu.memref_slice %arg12[%add3A_254, %dma_start3A_307] : memref<10240x128xf32, #tpu.memory_space<vmem_shared>> -> memref<32x128xf32, #tpu.memory_space<vmem_shared>>
      tpu.enqueue_dma source(%dma_start3A_308 : memref<32x128xf32, #tpu.memory_space<vmem_shared>>) target(%arg11 : memref<32x128xf32, #tpu.memory_space<vmem>>) target_semaphore(%run_scoped3A : memref<!tpu.dma_semaphore, #tpu.memory_space<semaphore_mem>>)
      %dma_wait3A = arith.constant 0 : i32
      %dma_wait3A_309 = tpu.memref_slice %arg12[%add3A_254, %dma_wait3A] : memref<10240x128xf32, #tpu.memory_space<vmem_shared>> -> memref<32x128xf32, #tpu.memory_space<vmem_shared>>
      %dma_wait3A_310 = arith.constant 0 : i32
      %dma_wait3A_311 = tpu.memref_slice %arg12[%add3A_254, %dma_wait3A_310] : memref<10240x128xf32, #tpu.memory_space<vmem_shared>> -> memref<32x128xf32, #tpu.memory_space<vmem_shared>>
      tpu.wait_dma2 semaphore(%run_scoped3A : memref<!tpu.dma_semaphore, #tpu.memory_space<semaphore_mem>>) src(%dma_wait3A_311 : memref<32x128xf32, #tpu.memory_space<vmem_shared>>) dst(%arg11 : memref<32x128xf32, #tpu.memory_space<vmem>>)
      tpu.yield
    }) : () -> ()
    %mul3A_255 = arith.constant 10240 : i32
    %mul3A_256 = arith.muli %arg0, %mul3A_255 : i32
    %mul3A_257 = arith.constant 640 : i32
    %mul3A_258 = arith.muli %arg1, %mul3A_257 : i32
    %add3A_259 = arith.addi %mul3A_256, %mul3A_258 : i32
    %add3A_260 = arith.constant 480 : i32
    %add3A_261 = arith.addi %add3A_259, %add3A_260 : i32
    "tpu.region"() ({
      %run_scoped3A = tpu.sem_alloc : memref<!tpu.dma_semaphore, #tpu.memory_space<semaphore_mem>>
      %dma_start3A = arith.constant 0 : i32
      %dma_start3A_306 = tpu.memref_slice %arg6[%add3A_261, %dma_start3A] : memref<20480x128xf32, #tpu.memory_space<hbm>> -> memref<32x128xf32, #tpu.memory_space<hbm>>
      %dma_start3A_307 = arith.constant 0 : i32
      %dma_start3A_308 = tpu.memref_slice %arg6[%add3A_261, %dma_start3A_307] : memref<20480x128xf32, #tpu.memory_space<hbm>> -> memref<32x128xf32, #tpu.memory_space<hbm>>
      tpu.enqueue_dma source(%arg11 : memref<32x128xf32, #tpu.memory_space<vmem>>) target(%dma_start3A_308 : memref<32x128xf32, #tpu.memory_space<hbm>>) target_semaphore(%run_scoped3A : memref<!tpu.dma_semaphore, #tpu.memory_space<semaphore_mem>>)
      %dma_wait3A = arith.constant 0 : i32
      %dma_wait3A_309 = tpu.memref_slice %arg6[%add3A_261, %dma_wait3A] : memref<20480x128xf32, #tpu.memory_space<hbm>> -> memref<32x128xf32, #tpu.memory_space<hbm>>
      %dma_wait3A_310 = arith.constant 0 : i32
      %dma_wait3A_311 = tpu.memref_slice %arg6[%add3A_261, %dma_wait3A_310] : memref<20480x128xf32, #tpu.memory_space<hbm>> -> memref<32x128xf32, #tpu.memory_space<hbm>>
      tpu.wait_dma2 semaphore(%run_scoped3A : memref<!tpu.dma_semaphore, #tpu.memory_space<semaphore_mem>>) src(%arg11 : memref<32x128xf32, #tpu.memory_space<vmem>>) dst(%dma_wait3A_311 : memref<32x128xf32, #tpu.memory_space<hbm>>)
      tpu.yield
    }) : () -> ()
    %mul3A_262 = arith.constant 640 : i32
    %mul3A_263 = arith.muli %arg1, %mul3A_262 : i32
    %add3A_264 = arith.constant 512 : i32
    %add3A_265 = arith.addi %mul3A_263, %add3A_264 : i32
    "tpu.region"() ({
      %run_scoped3A = tpu.sem_alloc : memref<!tpu.dma_semaphore, #tpu.memory_space<semaphore_mem>>
      %dma_start3A = arith.constant 0 : i32
      %dma_start3A_306 = tpu.memref_slice %arg12[%add3A_265, %dma_start3A] : memref<10240x128xf32, #tpu.memory_space<vmem_shared>> -> memref<32x128xf32, #tpu.memory_space<vmem_shared>>
      %dma_start3A_307 = arith.constant 0 : i32
      %dma_start3A_308 = tpu.memref_slice %arg12[%add3A_265, %dma_start3A_307] : memref<10240x128xf32, #tpu.memory_space<vmem_shared>> -> memref<32x128xf32, #tpu.memory_space<vmem_shared>>
      tpu.enqueue_dma source(%dma_start3A_308 : memref<32x128xf32, #tpu.memory_space<vmem_shared>>) target(%arg11 : memref<32x128xf32, #tpu.memory_space<vmem>>) target_semaphore(%run_scoped3A : memref<!tpu.dma_semaphore, #tpu.memory_space<semaphore_mem>>)
      %dma_wait3A = arith.constant 0 : i32
      %dma_wait3A_309 = tpu.memref_slice %arg12[%add3A_265, %dma_wait3A] : memref<10240x128xf32, #tpu.memory_space<vmem_shared>> -> memref<32x128xf32, #tpu.memory_space<vmem_shared>>
      %dma_wait3A_310 = arith.constant 0 : i32
      %dma_wait3A_311 = tpu.memref_slice %arg12[%add3A_265, %dma_wait3A_310] : memref<10240x128xf32, #tpu.memory_space<vmem_shared>> -> memref<32x128xf32, #tpu.memory_space<vmem_shared>>
      tpu.wait_dma2 semaphore(%run_scoped3A : memref<!tpu.dma_semaphore, #tpu.memory_space<semaphore_mem>>) src(%dma_wait3A_311 : memref<32x128xf32, #tpu.memory_space<vmem_shared>>) dst(%arg11 : memref<32x128xf32, #tpu.memory_space<vmem>>)
      tpu.yield
    }) : () -> ()
    %mul3A_266 = arith.constant 10240 : i32
    %mul3A_267 = arith.muli %arg0, %mul3A_266 : i32
    %mul3A_268 = arith.constant 640 : i32
    %mul3A_269 = arith.muli %arg1, %mul3A_268 : i32
    %add3A_270 = arith.addi %mul3A_267, %mul3A_269 : i32
    %add3A_271 = arith.constant 512 : i32
    %add3A_272 = arith.addi %add3A_270, %add3A_271 : i32
    "tpu.region"() ({
      %run_scoped3A = tpu.sem_alloc : memref<!tpu.dma_semaphore, #tpu.memory_space<semaphore_mem>>
      %dma_start3A = arith.constant 0 : i32
      %dma_start3A_306 = tpu.memref_slice %arg6[%add3A_272, %dma_start3A] : memref<20480x128xf32, #tpu.memory_space<hbm>> -> memref<32x128xf32, #tpu.memory_space<hbm>>
      %dma_start3A_307 = arith.constant 0 : i32
      %dma_start3A_308 = tpu.memref_slice %arg6[%add3A_272, %dma_start3A_307] : memref<20480x128xf32, #tpu.memory_space<hbm>> -> memref<32x128xf32, #tpu.memory_space<hbm>>
      tpu.enqueue_dma source(%arg11 : memref<32x128xf32, #tpu.memory_space<vmem>>) target(%dma_start3A_308 : memref<32x128xf32, #tpu.memory_space<hbm>>) target_semaphore(%run_scoped3A : memref<!tpu.dma_semaphore, #tpu.memory_space<semaphore_mem>>)
      %dma_wait3A = arith.constant 0 : i32
      %dma_wait3A_309 = tpu.memref_slice %arg6[%add3A_272, %dma_wait3A] : memref<20480x128xf32, #tpu.memory_space<hbm>> -> memref<32x128xf32, #tpu.memory_space<hbm>>
      %dma_wait3A_310 = arith.constant 0 : i32
      %dma_wait3A_311 = tpu.memref_slice %arg6[%add3A_272, %dma_wait3A_310] : memref<20480x128xf32, #tpu.memory_space<hbm>> -> memref<32x128xf32, #tpu.memory_space<hbm>>
      tpu.wait_dma2 semaphore(%run_scoped3A : memref<!tpu.dma_semaphore, #tpu.memory_space<semaphore_mem>>) src(%arg11 : memref<32x128xf32, #tpu.memory_space<vmem>>) dst(%dma_wait3A_311 : memref<32x128xf32, #tpu.memory_space<hbm>>)
      tpu.yield
    }) : () -> ()
    %mul3A_273 = arith.constant 640 : i32
    %mul3A_274 = arith.muli %arg1, %mul3A_273 : i32
    %add3A_275 = arith.constant 544 : i32
    %add3A_276 = arith.addi %mul3A_274, %add3A_275 : i32
    "tpu.region"() ({
      %run_scoped3A = tpu.sem_alloc : memref<!tpu.dma_semaphore, #tpu.memory_space<semaphore_mem>>
      %dma_start3A = arith.constant 0 : i32
      %dma_start3A_306 = tpu.memref_slice %arg12[%add3A_276, %dma_start3A] : memref<10240x128xf32, #tpu.memory_space<vmem_shared>> -> memref<32x128xf32, #tpu.memory_space<vmem_shared>>
      %dma_start3A_307 = arith.constant 0 : i32
      %dma_start3A_308 = tpu.memref_slice %arg12[%add3A_276, %dma_start3A_307] : memref<10240x128xf32, #tpu.memory_space<vmem_shared>> -> memref<32x128xf32, #tpu.memory_space<vmem_shared>>
      tpu.enqueue_dma source(%dma_start3A_308 : memref<32x128xf32, #tpu.memory_space<vmem_shared>>) target(%arg11 : memref<32x128xf32, #tpu.memory_space<vmem>>) target_semaphore(%run_scoped3A : memref<!tpu.dma_semaphore, #tpu.memory_space<semaphore_mem>>)
      %dma_wait3A = arith.constant 0 : i32
      %dma_wait3A_309 = tpu.memref_slice %arg12[%add3A_276, %dma_wait3A] : memref<10240x128xf32, #tpu.memory_space<vmem_shared>> -> memref<32x128xf32, #tpu.memory_space<vmem_shared>>
      %dma_wait3A_310 = arith.constant 0 : i32
      %dma_wait3A_311 = tpu.memref_slice %arg12[%add3A_276, %dma_wait3A_310] : memref<10240x128xf32, #tpu.memory_space<vmem_shared>> -> memref<32x128xf32, #tpu.memory_space<vmem_shared>>
      tpu.wait_dma2 semaphore(%run_scoped3A : memref<!tpu.dma_semaphore, #tpu.memory_space<semaphore_mem>>) src(%dma_wait3A_311 : memref<32x128xf32, #tpu.memory_space<vmem_shared>>) dst(%arg11 : memref<32x128xf32, #tpu.memory_space<vmem>>)
      tpu.yield
    }) : () -> ()
    %mul3A_277 = arith.constant 10240 : i32
    %mul3A_278 = arith.muli %arg0, %mul3A_277 : i32
    %mul3A_279 = arith.constant 640 : i32
    %mul3A_280 = arith.muli %arg1, %mul3A_279 : i32
    %add3A_281 = arith.addi %mul3A_278, %mul3A_280 : i32
    %add3A_282 = arith.constant 544 : i32
    %add3A_283 = arith.addi %add3A_281, %add3A_282 : i32
    "tpu.region"() ({
      %run_scoped3A = tpu.sem_alloc : memref<!tpu.dma_semaphore, #tpu.memory_space<semaphore_mem>>
      %dma_start3A = arith.constant 0 : i32
      %dma_start3A_306 = tpu.memref_slice %arg6[%add3A_283, %dma_start3A] : memref<20480x128xf32, #tpu.memory_space<hbm>> -> memref<32x128xf32, #tpu.memory_space<hbm>>
      %dma_start3A_307 = arith.constant 0 : i32
      %dma_start3A_308 = tpu.memref_slice %arg6[%add3A_283, %dma_start3A_307] : memref<20480x128xf32, #tpu.memory_space<hbm>> -> memref<32x128xf32, #tpu.memory_space<hbm>>
      tpu.enqueue_dma source(%arg11 : memref<32x128xf32, #tpu.memory_space<vmem>>) target(%dma_start3A_308 : memref<32x128xf32, #tpu.memory_space<hbm>>) target_semaphore(%run_scoped3A : memref<!tpu.dma_semaphore, #tpu.memory_space<semaphore_mem>>)
      %dma_wait3A = arith.constant 0 : i32
      %dma_wait3A_309 = tpu.memref_slice %arg6[%add3A_283, %dma_wait3A] : memref<20480x128xf32, #tpu.memory_space<hbm>> -> memref<32x128xf32, #tpu.memory_space<hbm>>
      %dma_wait3A_310 = arith.constant 0 : i32
      %dma_wait3A_311 = tpu.memref_slice %arg6[%add3A_283, %dma_wait3A_310] : memref<20480x128xf32, #tpu.memory_space<hbm>> -> memref<32x128xf32, #tpu.memory_space<hbm>>
      tpu.wait_dma2 semaphore(%run_scoped3A : memref<!tpu.dma_semaphore, #tpu.memory_space<semaphore_mem>>) src(%arg11 : memref<32x128xf32, #tpu.memory_space<vmem>>) dst(%dma_wait3A_311 : memref<32x128xf32, #tpu.memory_space<hbm>>)
      tpu.yield
    }) : () -> ()
    %mul3A_284 = arith.constant 640 : i32
    %mul3A_285 = arith.muli %arg1, %mul3A_284 : i32
    %add3A_286 = arith.constant 576 : i32
    %add3A_287 = arith.addi %mul3A_285, %add3A_286 : i32
    "tpu.region"() ({
      %run_scoped3A = tpu.sem_alloc : memref<!tpu.dma_semaphore, #tpu.memory_space<semaphore_mem>>
      %dma_start3A = arith.constant 0 : i32
      %dma_start3A_306 = tpu.memref_slice %arg12[%add3A_287, %dma_start3A] : memref<10240x128xf32, #tpu.memory_space<vmem_shared>> -> memref<32x128xf32, #tpu.memory_space<vmem_shared>>
      %dma_start3A_307 = arith.constant 0 : i32
      %dma_start3A_308 = tpu.memref_slice %arg12[%add3A_287, %dma_start3A_307] : memref<10240x128xf32, #tpu.memory_space<vmem_shared>> -> memref<32x128xf32, #tpu.memory_space<vmem_shared>>
      tpu.enqueue_dma source(%dma_start3A_308 : memref<32x128xf32, #tpu.memory_space<vmem_shared>>) target(%arg11 : memref<32x128xf32, #tpu.memory_space<vmem>>) target_semaphore(%run_scoped3A : memref<!tpu.dma_semaphore, #tpu.memory_space<semaphore_mem>>)
      %dma_wait3A = arith.constant 0 : i32
      %dma_wait3A_309 = tpu.memref_slice %arg12[%add3A_287, %dma_wait3A] : memref<10240x128xf32, #tpu.memory_space<vmem_shared>> -> memref<32x128xf32, #tpu.memory_space<vmem_shared>>
      %dma_wait3A_310 = arith.constant 0 : i32
      %dma_wait3A_311 = tpu.memref_slice %arg12[%add3A_287, %dma_wait3A_310] : memref<10240x128xf32, #tpu.memory_space<vmem_shared>> -> memref<32x128xf32, #tpu.memory_space<vmem_shared>>
      tpu.wait_dma2 semaphore(%run_scoped3A : memref<!tpu.dma_semaphore, #tpu.memory_space<semaphore_mem>>) src(%dma_wait3A_311 : memref<32x128xf32, #tpu.memory_space<vmem_shared>>) dst(%arg11 : memref<32x128xf32, #tpu.memory_space<vmem>>)
      tpu.yield
    }) : () -> ()
    %mul3A_288 = arith.constant 10240 : i32
    %mul3A_289 = arith.muli %arg0, %mul3A_288 : i32
    %mul3A_290 = arith.constant 640 : i32
    %mul3A_291 = arith.muli %arg1, %mul3A_290 : i32
    %add3A_292 = arith.addi %mul3A_289, %mul3A_291 : i32
    %add3A_293 = arith.constant 576 : i32
    %add3A_294 = arith.addi %add3A_292, %add3A_293 : i32
    "tpu.region"() ({
      %run_scoped3A = tpu.sem_alloc : memref<!tpu.dma_semaphore, #tpu.memory_space<semaphore_mem>>
      %dma_start3A = arith.constant 0 : i32
      %dma_start3A_306 = tpu.memref_slice %arg6[%add3A_294, %dma_start3A] : memref<20480x128xf32, #tpu.memory_space<hbm>> -> memref<32x128xf32, #tpu.memory_space<hbm>>
      %dma_start3A_307 = arith.constant 0 : i32
      %dma_start3A_308 = tpu.memref_slice %arg6[%add3A_294, %dma_start3A_307] : memref<20480x128xf32, #tpu.memory_space<hbm>> -> memref<32x128xf32, #tpu.memory_space<hbm>>
      tpu.enqueue_dma source(%arg11 : memref<32x128xf32, #tpu.memory_space<vmem>>) target(%dma_start3A_308 : memref<32x128xf32, #tpu.memory_space<hbm>>) target_semaphore(%run_scoped3A : memref<!tpu.dma_semaphore, #tpu.memory_space<semaphore_mem>>)
      %dma_wait3A = arith.constant 0 : i32
      %dma_wait3A_309 = tpu.memref_slice %arg6[%add3A_294, %dma_wait3A] : memref<20480x128xf32, #tpu.memory_space<hbm>> -> memref<32x128xf32, #tpu.memory_space<hbm>>
      %dma_wait3A_310 = arith.constant 0 : i32
      %dma_wait3A_311 = tpu.memref_slice %arg6[%add3A_294, %dma_wait3A_310] : memref<20480x128xf32, #tpu.memory_space<hbm>> -> memref<32x128xf32, #tpu.memory_space<hbm>>
      tpu.wait_dma2 semaphore(%run_scoped3A : memref<!tpu.dma_semaphore, #tpu.memory_space<semaphore_mem>>) src(%arg11 : memref<32x128xf32, #tpu.memory_space<vmem>>) dst(%dma_wait3A_311 : memref<32x128xf32, #tpu.memory_space<hbm>>)
      tpu.yield
    }) : () -> ()
    %mul3A_295 = arith.constant 640 : i32
    %mul3A_296 = arith.muli %arg1, %mul3A_295 : i32
    %add3A_297 = arith.constant 608 : i32
    %add3A_298 = arith.addi %mul3A_296, %add3A_297 : i32
    "tpu.region"() ({
      %run_scoped3A = tpu.sem_alloc : memref<!tpu.dma_semaphore, #tpu.memory_space<semaphore_mem>>
      %dma_start3A = arith.constant 0 : i32
      %dma_start3A_306 = tpu.memref_slice %arg12[%add3A_298, %dma_start3A] : memref<10240x128xf32, #tpu.memory_space<vmem_shared>> -> memref<32x128xf32, #tpu.memory_space<vmem_shared>>
      %dma_start3A_307 = arith.constant 0 : i32
      %dma_start3A_308 = tpu.memref_slice %arg12[%add3A_298, %dma_start3A_307] : memref<10240x128xf32, #tpu.memory_space<vmem_shared>> -> memref<32x128xf32, #tpu.memory_space<vmem_shared>>
      tpu.enqueue_dma source(%dma_start3A_308 : memref<32x128xf32, #tpu.memory_space<vmem_shared>>) target(%arg11 : memref<32x128xf32, #tpu.memory_space<vmem>>) target_semaphore(%run_scoped3A : memref<!tpu.dma_semaphore, #tpu.memory_space<semaphore_mem>>)
      %dma_wait3A = arith.constant 0 : i32
      %dma_wait3A_309 = tpu.memref_slice %arg12[%add3A_298, %dma_wait3A] : memref<10240x128xf32, #tpu.memory_space<vmem_shared>> -> memref<32x128xf32, #tpu.memory_space<vmem_shared>>
      %dma_wait3A_310 = arith.constant 0 : i32
      %dma_wait3A_311 = tpu.memref_slice %arg12[%add3A_298, %dma_wait3A_310] : memref<10240x128xf32, #tpu.memory_space<vmem_shared>> -> memref<32x128xf32, #tpu.memory_space<vmem_shared>>
      tpu.wait_dma2 semaphore(%run_scoped3A : memref<!tpu.dma_semaphore, #tpu.memory_space<semaphore_mem>>) src(%dma_wait3A_311 : memref<32x128xf32, #tpu.memory_space<vmem_shared>>) dst(%arg11 : memref<32x128xf32, #tpu.memory_space<vmem>>)
      tpu.yield
    }) : () -> ()
    %mul3A_299 = arith.constant 10240 : i32
    %mul3A_300 = arith.muli %arg0, %mul3A_299 : i32
    %mul3A_301 = arith.constant 640 : i32
    %mul3A_302 = arith.muli %arg1, %mul3A_301 : i32
    %add3A_303 = arith.addi %mul3A_300, %mul3A_302 : i32
    %add3A_304 = arith.constant 608 : i32
    %add3A_305 = arith.addi %add3A_303, %add3A_304 : i32
    "tpu.region"() ({
      %run_scoped3A = tpu.sem_alloc : memref<!tpu.dma_semaphore, #tpu.memory_space<semaphore_mem>>
      %dma_start3A = arith.constant 0 : i32
      %dma_start3A_306 = tpu.memref_slice %arg6[%add3A_305, %dma_start3A] : memref<20480x128xf32, #tpu.memory_space<hbm>> -> memref<32x128xf32, #tpu.memory_space<hbm>>
      %dma_start3A_307 = arith.constant 0 : i32
      %dma_start3A_308 = tpu.memref_slice %arg6[%add3A_305, %dma_start3A_307] : memref<20480x128xf32, #tpu.memory_space<hbm>> -> memref<32x128xf32, #tpu.memory_space<hbm>>
      tpu.enqueue_dma source(%arg11 : memref<32x128xf32, #tpu.memory_space<vmem>>) target(%dma_start3A_308 : memref<32x128xf32, #tpu.memory_space<hbm>>) target_semaphore(%run_scoped3A : memref<!tpu.dma_semaphore, #tpu.memory_space<semaphore_mem>>)
      %dma_wait3A = arith.constant 0 : i32
      %dma_wait3A_309 = tpu.memref_slice %arg6[%add3A_305, %dma_wait3A] : memref<20480x128xf32, #tpu.memory_space<hbm>> -> memref<32x128xf32, #tpu.memory_space<hbm>>
      %dma_wait3A_310 = arith.constant 0 : i32
      %dma_wait3A_311 = tpu.memref_slice %arg6[%add3A_305, %dma_wait3A_310] : memref<20480x128xf32, #tpu.memory_space<hbm>> -> memref<32x128xf32, #tpu.memory_space<hbm>>
      tpu.wait_dma2 semaphore(%run_scoped3A : memref<!tpu.dma_semaphore, #tpu.memory_space<semaphore_mem>>) src(%arg11 : memref<32x128xf32, #tpu.memory_space<vmem>>) dst(%dma_wait3A_311 : memref<32x128xf32, #tpu.memory_space<hbm>>)
      tpu.yield
    }) : () -> ()
    return
  }
}

#map = affine_map<(d0, d1) -> (0, 0)>
#map1 = affine_map<(d0, d1) -> (0, 0, 0, 0)>
module attributes {stable_mosaic.version = 14 : i64} {
  func.func @_conv_body(%arg0: i32, %arg1: i32, %arg2: memref<10000x128xf32, #tpu.memory_space<hbm>>, %arg3: memref<32x10x10x100xi32, #tpu.memory_space<hbm>>, %arg4: memref<32x10x10x100xi32, #tpu.memory_space<hbm>>, %arg5: memref<32x128xf32, #tpu.memory_space<hbm>>, %arg6: memref<20480x128xf32, #tpu.memory_space<hbm>>, %arg7: memref<10x100xi32, #tpu.memory_space<vmem>>, %arg8: memref<10x100xi32, #tpu.memory_space<vmem>>, %arg9: memref<100x128xf32, #tpu.memory_space<vmem>>, %arg10: memref<100x128xf32, #tpu.memory_space<vmem>>, %arg11: memref<32x128xf32, #tpu.memory_space<vmem>>, %arg12: memref<10240x128xf32, #tpu.memory_space<vmem_shared>>, %arg13: memref<!tpu.dma_semaphore, #tpu.memory_space<semaphore_mem>>, %arg14: memref<!tpu.dma_semaphore, #tpu.memory_space<semaphore_mem>>, %arg15: memref<!tpu.dma_semaphore, #tpu.memory_space<semaphore_mem>>, %arg16: memref<!tpu.dma_semaphore, #tpu.memory_space<semaphore_mem>>) attributes {dimension_semantics = [#tpu.dimension_semantics<core_parallel>, #tpu.dimension_semantics<subcore_parallel>], iteration_bounds = array<i64: 2, 16>, scalar_prefetch = 0 : i64, scratch_operands = 10 : i64, tpu.core_type = #tpu.core_type<sc_vector_subcore>, window_params = [{transform_indices = #map}, {transform_indices = #map1}, {transform_indices = #map1}, {transform_indices = #map}, {transform_indices = #map}]} {
    %mul3A = arith.constant 16 : i32
    %mul3A_0 = arith.muli %arg0, %mul3A : i32
    %add3A = arith.addi %mul3A_0, %arg1 : i32
    "tpu.region"() ({
      %run_scoped3A = tpu.sem_alloc : memref<!tpu.dma_semaphore, #tpu.memory_space<semaphore_mem>>
      tpu.enqueue_dma source(%arg5 : memref<32x128xf32, #tpu.memory_space<hbm>>) target(%arg11 : memref<32x128xf32, #tpu.memory_space<vmem>>) target_semaphore(%run_scoped3A : memref<!tpu.dma_semaphore, #tpu.memory_space<semaphore_mem>>)
      tpu.wait_dma2 semaphore(%run_scoped3A : memref<!tpu.dma_semaphore, #tpu.memory_space<semaphore_mem>>) src(%arg5 : memref<32x128xf32, #tpu.memory_space<hbm>>) dst(%arg11 : memref<32x128xf32, #tpu.memory_space<vmem>>)
      tpu.yield
    }) : () -> ()
    %mul3A_1 = arith.constant 640 : i32
    %mul3A_2 = arith.muli %arg1, %mul3A_1 : i32
    %add3A_3 = arith.constant 0 : i32
    %add3A_4 = arith.addi %mul3A_2, %add3A_3 : i32
    "tpu.region"() ({
      %run_scoped3A = tpu.sem_alloc : memref<!tpu.dma_semaphore, #tpu.memory_space<semaphore_mem>>
      %dma_start3A = arith.constant 0 : i32
      %dma_start3A_306 = tpu.memref_slice %arg12[%add3A_4, %dma_start3A] : memref<10240x128xf32, #tpu.memory_space<vmem_shared>> -> memref<32x128xf32, #tpu.memory_space<vmem_shared>>
      %dma_start3A_307 = arith.constant 0 : i32
      %dma_start3A_308 = tpu.memref_slice %arg12[%add3A_4, %dma_start3A_307] : memref<10240x128xf32, #tpu.memory_space<vmem_shared>> -> memref<32x128xf32, #tpu.memory_space<vmem_shared>>
      tpu.enqueue_dma source(%arg11 : memref<32x128xf32, #tpu.memory_space<vmem>>) target(%dma_start3A_308 : memref<32x128xf32, #tpu.memory_space<vmem_shared>>) target_semaphore(%run_scoped3A : memref<!tpu.dma_semaphore, #tpu.memory_space<semaphore_mem>>)
      %dma_wait3A = arith.constant 0 : i32
      %dma_wait3A_309 = tpu.memref_slice %arg12[%add3A_4, %dma_wait3A] : memref<10240x128xf32, #tpu.memory_space<vmem_shared>> -> memref<32x128xf32, #tpu.memory_space<vmem_shared>>
      %dma_wait3A_310 = arith.constant 0 : i32
      %dma_wait3A_311 = tpu.memref_slice %arg12[%add3A_4, %dma_wait3A_310] : memref<10240x128xf32, #tpu.memory_space<vmem_shared>> -> memref<32x128xf32, #tpu.memory_space<vmem_shared>>
      tpu.wait_dma2 semaphore(%run_scoped3A : memref<!tpu.dma_semaphore, #tpu.memory_space<semaphore_mem>>) src(%arg11 : memref<32x128xf32, #tpu.memory_space<vmem>>) dst(%dma_wait3A_311 : memref<32x128xf32, #tpu.memory_space<vmem_shared>>)
      tpu.yield
    }) : () -> ()
    %mul3A_5 = arith.constant 640 : i32
    %mul3A_6 = arith.muli %arg1, %mul3A_5 : i32
    %add3A_7 = arith.constant 32 : i32
    %add3A_8 = arith.addi %mul3A_6, %add3A_7 : i32
    "tpu.region"() ({
      %run_scoped3A = tpu.sem_alloc : memref<!tpu.dma_semaphore, #tpu.memory_space<semaphore_mem>>
      %dma_start3A = arith.constant 0 : i32
      %dma_start3A_306 = tpu.memref_slice %arg12[%add3A_8, %dma_start3A] : memref<10240x128xf32, #tpu.memory_space<vmem_shared>> -> memref<32x128xf32, #tpu.memory_space<vmem_shared>>
      %dma_start3A_307 = arith.constant 0 : i32
      %dma_start3A_308 = tpu.memref_slice %arg12[%add3A_8, %dma_start3A_307] : memref<10240x128xf32, #tpu.memory_space<vmem_shared>> -> memref<32x128xf32, #tpu.memory_space<vmem_shared>>
      tpu.enqueue_dma source(%arg11 : memref<32x128xf32, #tpu.memory_space<vmem>>) target(%dma_start3A_308 : memref<32x128xf32, #tpu.memory_space<vmem_shared>>) target_semaphore(%run_scoped3A : memref<!tpu.dma_semaphore, #tpu.memory_space<semaphore_mem>>)
      %dma_wait3A = arith.constant 0 : i32
      %dma_wait3A_309 = tpu.memref_slice %arg12[%add3A_8, %dma_wait3A] : memref<10240x128xf32, #tpu.memory_space<vmem_shared>> -> memref<32x128xf32, #tpu.memory_space<vmem_shared>>
      %dma_wait3A_310 = arith.constant 0 : i32
      %dma_wait3A_311 = tpu.memref_slice %arg12[%add3A_8, %dma_wait3A_310] : memref<10240x128xf32, #tpu.memory_space<vmem_shared>> -> memref<32x128xf32, #tpu.memory_space<vmem_shared>>
      tpu.wait_dma2 semaphore(%run_scoped3A : memref<!tpu.dma_semaphore, #tpu.memory_space<semaphore_mem>>) src(%arg11 : memref<32x128xf32, #tpu.memory_space<vmem>>) dst(%dma_wait3A_311 : memref<32x128xf32, #tpu.memory_space<vmem_shared>>)
      tpu.yield
    }) : () -> ()
    %mul3A_9 = arith.constant 640 : i32
    %mul3A_10 = arith.muli %arg1, %mul3A_9 : i32
    %add3A_11 = arith.constant 64 : i32
    %add3A_12 = arith.addi %mul3A_10, %add3A_11 : i32
    "tpu.region"() ({
      %run_scoped3A = tpu.sem_alloc : memref<!tpu.dma_semaphore, #tpu.memory_space<semaphore_mem>>
      %dma_start3A = arith.constant 0 : i32
      %dma_start3A_306 = tpu.memref_slice %arg12[%add3A_12, %dma_start3A] : memref<10240x128xf32, #tpu.memory_space<vmem_shared>> -> memref<32x128xf32, #tpu.memory_space<vmem_shared>>
      %dma_start3A_307 = arith.constant 0 : i32
      %dma_start3A_308 = tpu.memref_slice %arg12[%add3A_12, %dma_start3A_307] : memref<10240x128xf32, #tpu.memory_space<vmem_shared>> -> memref<32x128xf32, #tpu.memory_space<vmem_shared>>
      tpu.enqueue_dma source(%arg11 : memref<32x128xf32, #tpu.memory_space<vmem>>) target(%dma_start3A_308 : memref<32x128xf32, #tpu.memory_space<vmem_shared>>) target_semaphore(%run_scoped3A : memref<!tpu.dma_semaphore, #tpu.memory_space<semaphore_mem>>)
      %dma_wait3A = arith.constant 0 : i32
      %dma_wait3A_309 = tpu.memref_slice %arg12[%add3A_12, %dma_wait3A] : memref<10240x128xf32, #tpu.memory_space<vmem_shared>> -> memref<32x128xf32, #tpu.memory_space<vmem_shared>>
      %dma_wait3A_310 = arith.constant 0 : i32
      %dma_wait3A_311 = tpu.memref_slice %arg12[%add3A_12, %dma_wait3A_310] : memref<10240x128xf32, #tpu.memory_space<vmem_shared>> -> memref<32x128xf32, #tpu.memory_space<vmem_shared>>
      tpu.wait_dma2 semaphore(%run_scoped3A : memref<!tpu.dma_semaphore, #tpu.memory_space<semaphore_mem>>) src(%arg11 : memref<32x128xf32, #tpu.memory_space<vmem>>) dst(%dma_wait3A_311 : memref<32x128xf32, #tpu.memory_space<vmem_shared>>)
      tpu.yield
    }) : () -> ()
    %mul3A_13 = arith.constant 640 : i32
    %mul3A_14 = arith.muli %arg1, %mul3A_13 : i32
    %add3A_15 = arith.constant 96 : i32
    %add3A_16 = arith.addi %mul3A_14, %add3A_15 : i32
    "tpu.region"() ({
      %run_scoped3A = tpu.sem_alloc : memref<!tpu.dma_semaphore, #tpu.memory_space<semaphore_mem>>
      %dma_start3A = arith.constant 0 : i32
      %dma_start3A_306 = tpu.memref_slice %arg12[%add3A_16, %dma_start3A] : memref<10240x128xf32, #tpu.memory_space<vmem_shared>> -> memref<32x128xf32, #tpu.memory_space<vmem_shared>>
      %dma_start3A_307 = arith.constant 0 : i32
      %dma_start3A_308 = tpu.memref_slice %arg12[%add3A_16, %dma_start3A_307] : memref<10240x128xf32, #tpu.memory_space<vmem_shared>> -> memref<32x128xf32, #tpu.memory_space<vmem_shared>>
      tpu.enqueue_dma source(%arg11 : memref<32x128xf32, #tpu.memory_space<vmem>>) target(%dma_start3A_308 : memref<32x128xf32, #tpu.memory_space<vmem_shared>>) target_semaphore(%run_scoped3A : memref<!tpu.dma_semaphore, #tpu.memory_space<semaphore_mem>>)
      %dma_wait3A = arith.constant 0 : i32
      %dma_wait3A_309 = tpu.memref_slice %arg12[%add3A_16, %dma_wait3A] : memref<10240x128xf32, #tpu.memory_space<vmem_shared>> -> memref<32x128xf32, #tpu.memory_space<vmem_shared>>
      %dma_wait3A_310 = arith.constant 0 : i32
      %dma_wait3A_311 = tpu.memref_slice %arg12[%add3A_16, %dma_wait3A_310] : memref<10240x128xf32, #tpu.memory_space<vmem_shared>> -> memref<32x128xf32, #tpu.memory_space<vmem_shared>>
      tpu.wait_dma2 semaphore(%run_scoped3A : memref<!tpu.dma_semaphore, #tpu.memory_space<semaphore_mem>>) src(%arg11 : memref<32x128xf32, #tpu.memory_space<vmem>>) dst(%dma_wait3A_311 : memref<32x128xf32, #tpu.memory_space<vmem_shared>>)
      tpu.yield
    }) : () -> ()
    %mul3A_17 = arith.constant 640 : i32
    %mul3A_18 = arith.muli %arg1, %mul3A_17 : i32
    %add3A_19 = arith.constant 128 : i32
    %add3A_20 = arith.addi %mul3A_18, %add3A_19 : i32
    "tpu.region"() ({
      %run_scoped3A = tpu.sem_alloc : memref<!tpu.dma_semaphore, #tpu.memory_space<semaphore_mem>>
      %dma_start3A = arith.constant 0 : i32
      %dma_start3A_306 = tpu.memref_slice %arg12[%add3A_20, %dma_start3A] : memref<10240x128xf32, #tpu.memory_space<vmem_shared>> -> memref<32x128xf32, #tpu.memory_space<vmem_shared>>
      %dma_start3A_307 = arith.constant 0 : i32
      %dma_start3A_308 = tpu.memref_slice %arg12[%add3A_20, %dma_start3A_307] : memref<10240x128xf32, #tpu.memory_space<vmem_shared>> -> memref<32x128xf32, #tpu.memory_space<vmem_shared>>
      tpu.enqueue_dma source(%arg11 : memref<32x128xf32, #tpu.memory_space<vmem>>) target(%dma_start3A_308 : memref<32x128xf32, #tpu.memory_space<vmem_shared>>) target_semaphore(%run_scoped3A : memref<!tpu.dma_semaphore, #tpu.memory_space<semaphore_mem>>)
      %dma_wait3A = arith.constant 0 : i32
      %dma_wait3A_309 = tpu.memref_slice %arg12[%add3A_20, %dma_wait3A] : memref<10240x128xf32, #tpu.memory_space<vmem_shared>> -> memref<32x128xf32, #tpu.memory_space<vmem_shared>>
      %dma_wait3A_310 = arith.constant 0 : i32
      %dma_wait3A_311 = tpu.memref_slice %arg12[%add3A_20, %dma_wait3A_310] : memref<10240x128xf32, #tpu.memory_space<vmem_shared>> -> memref<32x128xf32, #tpu.memory_space<vmem_shared>>
      tpu.wait_dma2 semaphore(%run_scoped3A : memref<!tpu.dma_semaphore, #tpu.memory_space<semaphore_mem>>) src(%arg11 : memref<32x128xf32, #tpu.memory_space<vmem>>) dst(%dma_wait3A_311 : memref<32x128xf32, #tpu.memory_space<vmem_shared>>)
      tpu.yield
    }) : () -> ()
    %mul3A_21 = arith.constant 640 : i32
    %mul3A_22 = arith.muli %arg1, %mul3A_21 : i32
    %add3A_23 = arith.constant 160 : i32
    %add3A_24 = arith.addi %mul3A_22, %add3A_23 : i32
    "tpu.region"() ({
      %run_scoped3A = tpu.sem_alloc : memref<!tpu.dma_semaphore, #tpu.memory_space<semaphore_mem>>
      %dma_start3A = arith.constant 0 : i32
      %dma_start3A_306 = tpu.memref_slice %arg12[%add3A_24, %dma_start3A] : memref<10240x128xf32, #tpu.memory_space<vmem_shared>> -> memref<32x128xf32, #tpu.memory_space<vmem_shared>>
      %dma_start3A_307 = arith.constant 0 : i32
      %dma_start3A_308 = tpu.memref_slice %arg12[%add3A_24, %dma_start3A_307] : memref<10240x128xf32, #tpu.memory_space<vmem_shared>> -> memref<32x128xf32, #tpu.memory_space<vmem_shared>>
      tpu.enqueue_dma source(%arg11 : memref<32x128xf32, #tpu.memory_space<vmem>>) target(%dma_start3A_308 : memref<32x128xf32, #tpu.memory_space<vmem_shared>>) target_semaphore(%run_scoped3A : memref<!tpu.dma_semaphore, #tpu.memory_space<semaphore_mem>>)
      %dma_wait3A = arith.constant 0 : i32
      %dma_wait3A_309 = tpu.memref_slice %arg12[%add3A_24, %dma_wait3A] : memref<10240x128xf32, #tpu.memory_space<vmem_shared>> -> memref<32x128xf32, #tpu.memory_space<vmem_shared>>
      %dma_wait3A_310 = arith.constant 0 : i32
      %dma_wait3A_311 = tpu.memref_slice %arg12[%add3A_24, %dma_wait3A_310] : memref<10240x128xf32, #tpu.memory_space<vmem_shared>> -> memref<32x128xf32, #tpu.memory_space<vmem_shared>>
      tpu.wait_dma2 semaphore(%run_scoped3A : memref<!tpu.dma_semaphore, #tpu.memory_space<semaphore_mem>>) src(%arg11 : memref<32x128xf32, #tpu.memory_space<vmem>>) dst(%dma_wait3A_311 : memref<32x128xf32, #tpu.memory_space<vmem_shared>>)
      tpu.yield
    }) : () -> ()
    %mul3A_25 = arith.constant 640 : i32
    %mul3A_26 = arith.muli %arg1, %mul3A_25 : i32
    %add3A_27 = arith.constant 192 : i32
    %add3A_28 = arith.addi %mul3A_26, %add3A_27 : i32
    "tpu.region"() ({
      %run_scoped3A = tpu.sem_alloc : memref<!tpu.dma_semaphore, #tpu.memory_space<semaphore_mem>>
      %dma_start3A = arith.constant 0 : i32
      %dma_start3A_306 = tpu.memref_slice %arg12[%add3A_28, %dma_start3A] : memref<10240x128xf32, #tpu.memory_space<vmem_shared>> -> memref<32x128xf32, #tpu.memory_space<vmem_shared>>
      %dma_start3A_307 = arith.constant 0 : i32
      %dma_start3A_308 = tpu.memref_slice %arg12[%add3A_28, %dma_start3A_307] : memref<10240x128xf32, #tpu.memory_space<vmem_shared>> -> memref<32x128xf32, #tpu.memory_space<vmem_shared>>
      tpu.enqueue_dma source(%arg11 : memref<32x128xf32, #tpu.memory_space<vmem>>) target(%dma_start3A_308 : memref<32x128xf32, #tpu.memory_space<vmem_shared>>) target_semaphore(%run_scoped3A : memref<!tpu.dma_semaphore, #tpu.memory_space<semaphore_mem>>)
      %dma_wait3A = arith.constant 0 : i32
      %dma_wait3A_309 = tpu.memref_slice %arg12[%add3A_28, %dma_wait3A] : memref<10240x128xf32, #tpu.memory_space<vmem_shared>> -> memref<32x128xf32, #tpu.memory_space<vmem_shared>>
      %dma_wait3A_310 = arith.constant 0 : i32
      %dma_wait3A_311 = tpu.memref_slice %arg12[%add3A_28, %dma_wait3A_310] : memref<10240x128xf32, #tpu.memory_space<vmem_shared>> -> memref<32x128xf32, #tpu.memory_space<vmem_shared>>
      tpu.wait_dma2 semaphore(%run_scoped3A : memref<!tpu.dma_semaphore, #tpu.memory_space<semaphore_mem>>) src(%arg11 : memref<32x128xf32, #tpu.memory_space<vmem>>) dst(%dma_wait3A_311 : memref<32x128xf32, #tpu.memory_space<vmem_shared>>)
      tpu.yield
    }) : () -> ()
    %mul3A_29 = arith.constant 640 : i32
    %mul3A_30 = arith.muli %arg1, %mul3A_29 : i32
    %add3A_31 = arith.constant 224 : i32
    %add3A_32 = arith.addi %mul3A_30, %add3A_31 : i32
    "tpu.region"() ({
      %run_scoped3A = tpu.sem_alloc : memref<!tpu.dma_semaphore, #tpu.memory_space<semaphore_mem>>
      %dma_start3A = arith.constant 0 : i32
      %dma_start3A_306 = tpu.memref_slice %arg12[%add3A_32, %dma_start3A] : memref<10240x128xf32, #tpu.memory_space<vmem_shared>> -> memref<32x128xf32, #tpu.memory_space<vmem_shared>>
      %dma_start3A_307 = arith.constant 0 : i32
      %dma_start3A_308 = tpu.memref_slice %arg12[%add3A_32, %dma_start3A_307] : memref<10240x128xf32, #tpu.memory_space<vmem_shared>> -> memref<32x128xf32, #tpu.memory_space<vmem_shared>>
      tpu.enqueue_dma source(%arg11 : memref<32x128xf32, #tpu.memory_space<vmem>>) target(%dma_start3A_308 : memref<32x128xf32, #tpu.memory_space<vmem_shared>>) target_semaphore(%run_scoped3A : memref<!tpu.dma_semaphore, #tpu.memory_space<semaphore_mem>>)
      %dma_wait3A = arith.constant 0 : i32
      %dma_wait3A_309 = tpu.memref_slice %arg12[%add3A_32, %dma_wait3A] : memref<10240x128xf32, #tpu.memory_space<vmem_shared>> -> memref<32x128xf32, #tpu.memory_space<vmem_shared>>
      %dma_wait3A_310 = arith.constant 0 : i32
      %dma_wait3A_311 = tpu.memref_slice %arg12[%add3A_32, %dma_wait3A_310] : memref<10240x128xf32, #tpu.memory_space<vmem_shared>> -> memref<32x128xf32, #tpu.memory_space<vmem_shared>>
      tpu.wait_dma2 semaphore(%run_scoped3A : memref<!tpu.dma_semaphore, #tpu.memory_space<semaphore_mem>>) src(%arg11 : memref<32x128xf32, #tpu.memory_space<vmem>>) dst(%dma_wait3A_311 : memref<32x128xf32, #tpu.memory_space<vmem_shared>>)
      tpu.yield
    }) : () -> ()
    %mul3A_33 = arith.constant 640 : i32
    %mul3A_34 = arith.muli %arg1, %mul3A_33 : i32
    %add3A_35 = arith.constant 256 : i32
    %add3A_36 = arith.addi %mul3A_34, %add3A_35 : i32
    "tpu.region"() ({
      %run_scoped3A = tpu.sem_alloc : memref<!tpu.dma_semaphore, #tpu.memory_space<semaphore_mem>>
      %dma_start3A = arith.constant 0 : i32
      %dma_start3A_306 = tpu.memref_slice %arg12[%add3A_36, %dma_start3A] : memref<10240x128xf32, #tpu.memory_space<vmem_shared>> -> memref<32x128xf32, #tpu.memory_space<vmem_shared>>
      %dma_start3A_307 = arith.constant 0 : i32
      %dma_start3A_308 = tpu.memref_slice %arg12[%add3A_36, %dma_start3A_307] : memref<10240x128xf32, #tpu.memory_space<vmem_shared>> -> memref<32x128xf32, #tpu.memory_space<vmem_shared>>
      tpu.enqueue_dma source(%arg11 : memref<32x128xf32, #tpu.memory_space<vmem>>) target(%dma_start3A_308 : memref<32x128xf32, #tpu.memory_space<vmem_shared>>) target_semaphore(%run_scoped3A : memref<!tpu.dma_semaphore, #tpu.memory_space<semaphore_mem>>)
      %dma_wait3A = arith.constant 0 : i32
      %dma_wait3A_309 = tpu.memref_slice %arg12[%add3A_36, %dma_wait3A] : memref<10240x128xf32, #tpu.memory_space<vmem_shared>> -> memref<32x128xf32, #tpu.memory_space<vmem_shared>>
      %dma_wait3A_310 = arith.constant 0 : i32
      %dma_wait3A_311 = tpu.memref_slice %arg12[%add3A_36, %dma_wait3A_310] : memref<10240x128xf32, #tpu.memory_space<vmem_shared>> -> memref<32x128xf32, #tpu.memory_space<vmem_shared>>
      tpu.wait_dma2 semaphore(%run_scoped3A : memref<!tpu.dma_semaphore, #tpu.memory_space<semaphore_mem>>) src(%arg11 : memref<32x128xf32, #tpu.memory_space<vmem>>) dst(%dma_wait3A_311 : memref<32x128xf32, #tpu.memory_space<vmem_shared>>)
      tpu.yield
    }) : () -> ()
    %mul3A_37 = arith.constant 640 : i32
    %mul3A_38 = arith.muli %arg1, %mul3A_37 : i32
    %add3A_39 = arith.constant 288 : i32
    %add3A_40 = arith.addi %mul3A_38, %add3A_39 : i32
    "tpu.region"() ({
      %run_scoped3A = tpu.sem_alloc : memref<!tpu.dma_semaphore, #tpu.memory_space<semaphore_mem>>
      %dma_start3A = arith.constant 0 : i32
      %dma_start3A_306 = tpu.memref_slice %arg12[%add3A_40, %dma_start3A] : memref<10240x128xf32, #tpu.memory_space<vmem_shared>> -> memref<32x128xf32, #tpu.memory_space<vmem_shared>>
      %dma_start3A_307 = arith.constant 0 : i32
      %dma_start3A_308 = tpu.memref_slice %arg12[%add3A_40, %dma_start3A_307] : memref<10240x128xf32, #tpu.memory_space<vmem_shared>> -> memref<32x128xf32, #tpu.memory_space<vmem_shared>>
      tpu.enqueue_dma source(%arg11 : memref<32x128xf32, #tpu.memory_space<vmem>>) target(%dma_start3A_308 : memref<32x128xf32, #tpu.memory_space<vmem_shared>>) target_semaphore(%run_scoped3A : memref<!tpu.dma_semaphore, #tpu.memory_space<semaphore_mem>>)
      %dma_wait3A = arith.constant 0 : i32
      %dma_wait3A_309 = tpu.memref_slice %arg12[%add3A_40, %dma_wait3A] : memref<10240x128xf32, #tpu.memory_space<vmem_shared>> -> memref<32x128xf32, #tpu.memory_space<vmem_shared>>
      %dma_wait3A_310 = arith.constant 0 : i32
      %dma_wait3A_311 = tpu.memref_slice %arg12[%add3A_40, %dma_wait3A_310] : memref<10240x128xf32, #tpu.memory_space<vmem_shared>> -> memref<32x128xf32, #tpu.memory_space<vmem_shared>>
      tpu.wait_dma2 semaphore(%run_scoped3A : memref<!tpu.dma_semaphore, #tpu.memory_space<semaphore_mem>>) src(%arg11 : memref<32x128xf32, #tpu.memory_space<vmem>>) dst(%dma_wait3A_311 : memref<32x128xf32, #tpu.memory_space<vmem_shared>>)
      tpu.yield
    }) : () -> ()
    %mul3A_41 = arith.constant 640 : i32
    %mul3A_42 = arith.muli %arg1, %mul3A_41 : i32
    %add3A_43 = arith.constant 320 : i32
    %add3A_44 = arith.addi %mul3A_42, %add3A_43 : i32
    "tpu.region"() ({
      %run_scoped3A = tpu.sem_alloc : memref<!tpu.dma_semaphore, #tpu.memory_space<semaphore_mem>>
      %dma_start3A = arith.constant 0 : i32
      %dma_start3A_306 = tpu.memref_slice %arg12[%add3A_44, %dma_start3A] : memref<10240x128xf32, #tpu.memory_space<vmem_shared>> -> memref<32x128xf32, #tpu.memory_space<vmem_shared>>
      %dma_start3A_307 = arith.constant 0 : i32
      %dma_start3A_308 = tpu.memref_slice %arg12[%add3A_44, %dma_start3A_307] : memref<10240x128xf32, #tpu.memory_space<vmem_shared>> -> memref<32x128xf32, #tpu.memory_space<vmem_shared>>
      tpu.enqueue_dma source(%arg11 : memref<32x128xf32, #tpu.memory_space<vmem>>) target(%dma_start3A_308 : memref<32x128xf32, #tpu.memory_space<vmem_shared>>) target_semaphore(%run_scoped3A : memref<!tpu.dma_semaphore, #tpu.memory_space<semaphore_mem>>)
      %dma_wait3A = arith.constant 0 : i32
      %dma_wait3A_309 = tpu.memref_slice %arg12[%add3A_44, %dma_wait3A] : memref<10240x128xf32, #tpu.memory_space<vmem_shared>> -> memref<32x128xf32, #tpu.memory_space<vmem_shared>>
      %dma_wait3A_310 = arith.constant 0 : i32
      %dma_wait3A_311 = tpu.memref_slice %arg12[%add3A_44, %dma_wait3A_310] : memref<10240x128xf32, #tpu.memory_space<vmem_shared>> -> memref<32x128xf32, #tpu.memory_space<vmem_shared>>
      tpu.wait_dma2 semaphore(%run_scoped3A : memref<!tpu.dma_semaphore, #tpu.memory_space<semaphore_mem>>) src(%arg11 : memref<32x128xf32, #tpu.memory_space<vmem>>) dst(%dma_wait3A_311 : memref<32x128xf32, #tpu.memory_space<vmem_shared>>)
      tpu.yield
    }) : () -> ()
    %mul3A_45 = arith.constant 640 : i32
    %mul3A_46 = arith.muli %arg1, %mul3A_45 : i32
    %add3A_47 = arith.constant 352 : i32
    %add3A_48 = arith.addi %mul3A_46, %add3A_47 : i32
    "tpu.region"() ({
      %run_scoped3A = tpu.sem_alloc : memref<!tpu.dma_semaphore, #tpu.memory_space<semaphore_mem>>
      %dma_start3A = arith.constant 0 : i32
      %dma_start3A_306 = tpu.memref_slice %arg12[%add3A_48, %dma_start3A] : memref<10240x128xf32, #tpu.memory_space<vmem_shared>> -> memref<32x128xf32, #tpu.memory_space<vmem_shared>>
      %dma_start3A_307 = arith.constant 0 : i32
      %dma_start3A_308 = tpu.memref_slice %arg12[%add3A_48, %dma_start3A_307] : memref<10240x128xf32, #tpu.memory_space<vmem_shared>> -> memref<32x128xf32, #tpu.memory_space<vmem_shared>>
      tpu.enqueue_dma source(%arg11 : memref<32x128xf32, #tpu.memory_space<vmem>>) target(%dma_start3A_308 : memref<32x128xf32, #tpu.memory_space<vmem_shared>>) target_semaphore(%run_scoped3A : memref<!tpu.dma_semaphore, #tpu.memory_space<semaphore_mem>>)
      %dma_wait3A = arith.constant 0 : i32
      %dma_wait3A_309 = tpu.memref_slice %arg12[%add3A_48, %dma_wait3A] : memref<10240x128xf32, #tpu.memory_space<vmem_shared>> -> memref<32x128xf32, #tpu.memory_space<vmem_shared>>
      %dma_wait3A_310 = arith.constant 0 : i32
      %dma_wait3A_311 = tpu.memref_slice %arg12[%add3A_48, %dma_wait3A_310] : memref<10240x128xf32, #tpu.memory_space<vmem_shared>> -> memref<32x128xf32, #tpu.memory_space<vmem_shared>>
      tpu.wait_dma2 semaphore(%run_scoped3A : memref<!tpu.dma_semaphore, #tpu.memory_space<semaphore_mem>>) src(%arg11 : memref<32x128xf32, #tpu.memory_space<vmem>>) dst(%dma_wait3A_311 : memref<32x128xf32, #tpu.memory_space<vmem_shared>>)
      tpu.yield
    }) : () -> ()
    %mul3A_49 = arith.constant 640 : i32
    %mul3A_50 = arith.muli %arg1, %mul3A_49 : i32
    %add3A_51 = arith.constant 384 : i32
    %add3A_52 = arith.addi %mul3A_50, %add3A_51 : i32
    "tpu.region"() ({
      %run_scoped3A = tpu.sem_alloc : memref<!tpu.dma_semaphore, #tpu.memory_space<semaphore_mem>>
      %dma_start3A = arith.constant 0 : i32
      %dma_start3A_306 = tpu.memref_slice %arg12[%add3A_52, %dma_start3A] : memref<10240x128xf32, #tpu.memory_space<vmem_shared>> -> memref<32x128xf32, #tpu.memory_space<vmem_shared>>
      %dma_start3A_307 = arith.constant 0 : i32
      %dma_start3A_308 = tpu.memref_slice %arg12[%add3A_52, %dma_start3A_307] : memref<10240x128xf32, #tpu.memory_space<vmem_shared>> -> memref<32x128xf32, #tpu.memory_space<vmem_shared>>
      tpu.enqueue_dma source(%arg11 : memref<32x128xf32, #tpu.memory_space<vmem>>) target(%dma_start3A_308 : memref<32x128xf32, #tpu.memory_space<vmem_shared>>) target_semaphore(%run_scoped3A : memref<!tpu.dma_semaphore, #tpu.memory_space<semaphore_mem>>)
      %dma_wait3A = arith.constant 0 : i32
      %dma_wait3A_309 = tpu.memref_slice %arg12[%add3A_52, %dma_wait3A] : memref<10240x128xf32, #tpu.memory_space<vmem_shared>> -> memref<32x128xf32, #tpu.memory_space<vmem_shared>>
      %dma_wait3A_310 = arith.constant 0 : i32
      %dma_wait3A_311 = tpu.memref_slice %arg12[%add3A_52, %dma_wait3A_310] : memref<10240x128xf32, #tpu.memory_space<vmem_shared>> -> memref<32x128xf32, #tpu.memory_space<vmem_shared>>
      tpu.wait_dma2 semaphore(%run_scoped3A : memref<!tpu.dma_semaphore, #tpu.memory_space<semaphore_mem>>) src(%arg11 : memref<32x128xf32, #tpu.memory_space<vmem>>) dst(%dma_wait3A_311 : memref<32x128xf32, #tpu.memory_space<vmem_shared>>)
      tpu.yield
    }) : () -> ()
    %mul3A_53 = arith.constant 640 : i32
    %mul3A_54 = arith.muli %arg1, %mul3A_53 : i32
    %add3A_55 = arith.constant 416 : i32
    %add3A_56 = arith.addi %mul3A_54, %add3A_55 : i32
    "tpu.region"() ({
      %run_scoped3A = tpu.sem_alloc : memref<!tpu.dma_semaphore, #tpu.memory_space<semaphore_mem>>
      %dma_start3A = arith.constant 0 : i32
      %dma_start3A_306 = tpu.memref_slice %arg12[%add3A_56, %dma_start3A] : memref<10240x128xf32, #tpu.memory_space<vmem_shared>> -> memref<32x128xf32, #tpu.memory_space<vmem_shared>>
      %dma_start3A_307 = arith.constant 0 : i32
      %dma_start3A_308 = tpu.memref_slice %arg12[%add3A_56, %dma_start3A_307] : memref<10240x128xf32, #tpu.memory_space<vmem_shared>> -> memref<32x128xf32, #tpu.memory_space<vmem_shared>>
      tpu.enqueue_dma source(%arg11 : memref<32x128xf32, #tpu.memory_space<vmem>>) target(%dma_start3A_308 : memref<32x128xf32, #tpu.memory_space<vmem_shared>>) target_semaphore(%run_scoped3A : memref<!tpu.dma_semaphore, #tpu.memory_space<semaphore_mem>>)
      %dma_wait3A = arith.constant 0 : i32
      %dma_wait3A_309 = tpu.memref_slice %arg12[%add3A_56, %dma_wait3A] : memref<10240x128xf32, #tpu.memory_space<vmem_shared>> -> memref<32x128xf32, #tpu.memory_space<vmem_shared>>
      %dma_wait3A_310 = arith.constant 0 : i32
      %dma_wait3A_311 = tpu.memref_slice %arg12[%add3A_56, %dma_wait3A_310] : memref<10240x128xf32, #tpu.memory_space<vmem_shared>> -> memref<32x128xf32, #tpu.memory_space<vmem_shared>>
      tpu.wait_dma2 semaphore(%run_scoped3A : memref<!tpu.dma_semaphore, #tpu.memory_space<semaphore_mem>>) src(%arg11 : memref<32x128xf32, #tpu.memory_space<vmem>>) dst(%dma_wait3A_311 : memref<32x128xf32, #tpu.memory_space<vmem_shared>>)
      tpu.yield
    }) : () -> ()
    %mul3A_57 = arith.constant 640 : i32
    %mul3A_58 = arith.muli %arg1, %mul3A_57 : i32
    %add3A_59 = arith.constant 448 : i32
    %add3A_60 = arith.addi %mul3A_58, %add3A_59 : i32
    "tpu.region"() ({
      %run_scoped3A = tpu.sem_alloc : memref<!tpu.dma_semaphore, #tpu.memory_space<semaphore_mem>>
      %dma_start3A = arith.constant 0 : i32
      %dma_start3A_306 = tpu.memref_slice %arg12[%add3A_60, %dma_start3A] : memref<10240x128xf32, #tpu.memory_space<vmem_shared>> -> memref<32x128xf32, #tpu.memory_space<vmem_shared>>
      %dma_start3A_307 = arith.constant 0 : i32
      %dma_start3A_308 = tpu.memref_slice %arg12[%add3A_60, %dma_start3A_307] : memref<10240x128xf32, #tpu.memory_space<vmem_shared>> -> memref<32x128xf32, #tpu.memory_space<vmem_shared>>
      tpu.enqueue_dma source(%arg11 : memref<32x128xf32, #tpu.memory_space<vmem>>) target(%dma_start3A_308 : memref<32x128xf32, #tpu.memory_space<vmem_shared>>) target_semaphore(%run_scoped3A : memref<!tpu.dma_semaphore, #tpu.memory_space<semaphore_mem>>)
      %dma_wait3A = arith.constant 0 : i32
      %dma_wait3A_309 = tpu.memref_slice %arg12[%add3A_60, %dma_wait3A] : memref<10240x128xf32, #tpu.memory_space<vmem_shared>> -> memref<32x128xf32, #tpu.memory_space<vmem_shared>>
      %dma_wait3A_310 = arith.constant 0 : i32
      %dma_wait3A_311 = tpu.memref_slice %arg12[%add3A_60, %dma_wait3A_310] : memref<10240x128xf32, #tpu.memory_space<vmem_shared>> -> memref<32x128xf32, #tpu.memory_space<vmem_shared>>
      tpu.wait_dma2 semaphore(%run_scoped3A : memref<!tpu.dma_semaphore, #tpu.memory_space<semaphore_mem>>) src(%arg11 : memref<32x128xf32, #tpu.memory_space<vmem>>) dst(%dma_wait3A_311 : memref<32x128xf32, #tpu.memory_space<vmem_shared>>)
      tpu.yield
    }) : () -> ()
    %mul3A_61 = arith.constant 640 : i32
    %mul3A_62 = arith.muli %arg1, %mul3A_61 : i32
    %add3A_63 = arith.constant 480 : i32
    %add3A_64 = arith.addi %mul3A_62, %add3A_63 : i32
    "tpu.region"() ({
      %run_scoped3A = tpu.sem_alloc : memref<!tpu.dma_semaphore, #tpu.memory_space<semaphore_mem>>
      %dma_start3A = arith.constant 0 : i32
      %dma_start3A_306 = tpu.memref_slice %arg12[%add3A_64, %dma_start3A] : memref<10240x128xf32, #tpu.memory_space<vmem_shared>> -> memref<32x128xf32, #tpu.memory_space<vmem_shared>>
      %dma_start3A_307 = arith.constant 0 : i32
      %dma_start3A_308 = tpu.memref_slice %arg12[%add3A_64, %dma_start3A_307] : memref<10240x128xf32, #tpu.memory_space<vmem_shared>> -> memref<32x128xf32, #tpu.memory_space<vmem_shared>>
      tpu.enqueue_dma source(%arg11 : memref<32x128xf32, #tpu.memory_space<vmem>>) target(%dma_start3A_308 : memref<32x128xf32, #tpu.memory_space<vmem_shared>>) target_semaphore(%run_scoped3A : memref<!tpu.dma_semaphore, #tpu.memory_space<semaphore_mem>>)
      %dma_wait3A = arith.constant 0 : i32
      %dma_wait3A_309 = tpu.memref_slice %arg12[%add3A_64, %dma_wait3A] : memref<10240x128xf32, #tpu.memory_space<vmem_shared>> -> memref<32x128xf32, #tpu.memory_space<vmem_shared>>
      %dma_wait3A_310 = arith.constant 0 : i32
      %dma_wait3A_311 = tpu.memref_slice %arg12[%add3A_64, %dma_wait3A_310] : memref<10240x128xf32, #tpu.memory_space<vmem_shared>> -> memref<32x128xf32, #tpu.memory_space<vmem_shared>>
      tpu.wait_dma2 semaphore(%run_scoped3A : memref<!tpu.dma_semaphore, #tpu.memory_space<semaphore_mem>>) src(%arg11 : memref<32x128xf32, #tpu.memory_space<vmem>>) dst(%dma_wait3A_311 : memref<32x128xf32, #tpu.memory_space<vmem_shared>>)
      tpu.yield
    }) : () -> ()
    %mul3A_65 = arith.constant 640 : i32
    %mul3A_66 = arith.muli %arg1, %mul3A_65 : i32
    %add3A_67 = arith.constant 512 : i32
    %add3A_68 = arith.addi %mul3A_66, %add3A_67 : i32
    "tpu.region"() ({
      %run_scoped3A = tpu.sem_alloc : memref<!tpu.dma_semaphore, #tpu.memory_space<semaphore_mem>>
      %dma_start3A = arith.constant 0 : i32
      %dma_start3A_306 = tpu.memref_slice %arg12[%add3A_68, %dma_start3A] : memref<10240x128xf32, #tpu.memory_space<vmem_shared>> -> memref<32x128xf32, #tpu.memory_space<vmem_shared>>
      %dma_start3A_307 = arith.constant 0 : i32
      %dma_start3A_308 = tpu.memref_slice %arg12[%add3A_68, %dma_start3A_307] : memref<10240x128xf32, #tpu.memory_space<vmem_shared>> -> memref<32x128xf32, #tpu.memory_space<vmem_shared>>
      tpu.enqueue_dma source(%arg11 : memref<32x128xf32, #tpu.memory_space<vmem>>) target(%dma_start3A_308 : memref<32x128xf32, #tpu.memory_space<vmem_shared>>) target_semaphore(%run_scoped3A : memref<!tpu.dma_semaphore, #tpu.memory_space<semaphore_mem>>)
      %dma_wait3A = arith.constant 0 : i32
      %dma_wait3A_309 = tpu.memref_slice %arg12[%add3A_68, %dma_wait3A] : memref<10240x128xf32, #tpu.memory_space<vmem_shared>> -> memref<32x128xf32, #tpu.memory_space<vmem_shared>>
      %dma_wait3A_310 = arith.constant 0 : i32
      %dma_wait3A_311 = tpu.memref_slice %arg12[%add3A_68, %dma_wait3A_310] : memref<10240x128xf32, #tpu.memory_space<vmem_shared>> -> memref<32x128xf32, #tpu.memory_space<vmem_shared>>
      tpu.wait_dma2 semaphore(%run_scoped3A : memref<!tpu.dma_semaphore, #tpu.memory_space<semaphore_mem>>) src(%arg11 : memref<32x128xf32, #tpu.memory_space<vmem>>) dst(%dma_wait3A_311 : memref<32x128xf32, #tpu.memory_space<vmem_shared>>)
      tpu.yield
    }) : () -> ()
    %mul3A_69 = arith.constant 640 : i32
    %mul3A_70 = arith.muli %arg1, %mul3A_69 : i32
    %add3A_71 = arith.constant 544 : i32
    %add3A_72 = arith.addi %mul3A_70, %add3A_71 : i32
    "tpu.region"() ({
      %run_scoped3A = tpu.sem_alloc : memref<!tpu.dma_semaphore, #tpu.memory_space<semaphore_mem>>
      %dma_start3A = arith.constant 0 : i32
      %dma_start3A_306 = tpu.memref_slice %arg12[%add3A_72, %dma_start3A] : memref<10240x128xf32, #tpu.memory_space<vmem_shared>> -> memref<32x128xf32, #tpu.memory_space<vmem_shared>>
      %dma_start3A_307 = arith.constant 0 : i32
      %dma_start3A_308 = tpu.memref_slice %arg12[%add3A_72, %dma_start3A_307] : memref<10240x128xf32, #tpu.memory_space<vmem_shared>> -> memref<32x128xf32, #tpu.memory_space<vmem_shared>>
      tpu.enqueue_dma source(%arg11 : memref<32x128xf32, #tpu.memory_space<vmem>>) target(%dma_start3A_308 : memref<32x128xf32, #tpu.memory_space<vmem_shared>>) target_semaphore(%run_scoped3A : memref<!tpu.dma_semaphore, #tpu.memory_space<semaphore_mem>>)
      %dma_wait3A = arith.constant 0 : i32
      %dma_wait3A_309 = tpu.memref_slice %arg12[%add3A_72, %dma_wait3A] : memref<10240x128xf32, #tpu.memory_space<vmem_shared>> -> memref<32x128xf32, #tpu.memory_space<vmem_shared>>
      %dma_wait3A_310 = arith.constant 0 : i32
      %dma_wait3A_311 = tpu.memref_slice %arg12[%add3A_72, %dma_wait3A_310] : memref<10240x128xf32, #tpu.memory_space<vmem_shared>> -> memref<32x128xf32, #tpu.memory_space<vmem_shared>>
      tpu.wait_dma2 semaphore(%run_scoped3A : memref<!tpu.dma_semaphore, #tpu.memory_space<semaphore_mem>>) src(%arg11 : memref<32x128xf32, #tpu.memory_space<vmem>>) dst(%dma_wait3A_311 : memref<32x128xf32, #tpu.memory_space<vmem_shared>>)
      tpu.yield
    }) : () -> ()
    %mul3A_73 = arith.constant 640 : i32
    %mul3A_74 = arith.muli %arg1, %mul3A_73 : i32
    %add3A_75 = arith.constant 576 : i32
    %add3A_76 = arith.addi %mul3A_74, %add3A_75 : i32
    "tpu.region"() ({
      %run_scoped3A = tpu.sem_alloc : memref<!tpu.dma_semaphore, #tpu.memory_space<semaphore_mem>>
      %dma_start3A = arith.constant 0 : i32
      %dma_start3A_306 = tpu.memref_slice %arg12[%add3A_76, %dma_start3A] : memref<10240x128xf32, #tpu.memory_space<vmem_shared>> -> memref<32x128xf32, #tpu.memory_space<vmem_shared>>
      %dma_start3A_307 = arith.constant 0 : i32
      %dma_start3A_308 = tpu.memref_slice %arg12[%add3A_76, %dma_start3A_307] : memref<10240x128xf32, #tpu.memory_space<vmem_shared>> -> memref<32x128xf32, #tpu.memory_space<vmem_shared>>
      tpu.enqueue_dma source(%arg11 : memref<32x128xf32, #tpu.memory_space<vmem>>) target(%dma_start3A_308 : memref<32x128xf32, #tpu.memory_space<vmem_shared>>) target_semaphore(%run_scoped3A : memref<!tpu.dma_semaphore, #tpu.memory_space<semaphore_mem>>)
      %dma_wait3A = arith.constant 0 : i32
      %dma_wait3A_309 = tpu.memref_slice %arg12[%add3A_76, %dma_wait3A] : memref<10240x128xf32, #tpu.memory_space<vmem_shared>> -> memref<32x128xf32, #tpu.memory_space<vmem_shared>>
      %dma_wait3A_310 = arith.constant 0 : i32
      %dma_wait3A_311 = tpu.memref_slice %arg12[%add3A_76, %dma_wait3A_310] : memref<10240x128xf32, #tpu.memory_space<vmem_shared>> -> memref<32x128xf32, #tpu.memory_space<vmem_shared>>
      tpu.wait_dma2 semaphore(%run_scoped3A : memref<!tpu.dma_semaphore, #tpu.memory_space<semaphore_mem>>) src(%arg11 : memref<32x128xf32, #tpu.memory_space<vmem>>) dst(%dma_wait3A_311 : memref<32x128xf32, #tpu.memory_space<vmem_shared>>)
      tpu.yield
    }) : () -> ()
    %mul3A_77 = arith.constant 640 : i32
    %mul3A_78 = arith.muli %arg1, %mul3A_77 : i32
    %add3A_79 = arith.constant 608 : i32
    %add3A_80 = arith.addi %mul3A_78, %add3A_79 : i32
    "tpu.region"() ({
      %run_scoped3A = tpu.sem_alloc : memref<!tpu.dma_semaphore, #tpu.memory_space<semaphore_mem>>
      %dma_start3A = arith.constant 0 : i32
      %dma_start3A_306 = tpu.memref_slice %arg12[%add3A_80, %dma_start3A] : memref<10240x128xf32, #tpu.memory_space<vmem_shared>> -> memref<32x128xf32, #tpu.memory_space<vmem_shared>>
      %dma_start3A_307 = arith.constant 0 : i32
      %dma_start3A_308 = tpu.memref_slice %arg12[%add3A_80, %dma_start3A_307] : memref<10240x128xf32, #tpu.memory_space<vmem_shared>> -> memref<32x128xf32, #tpu.memory_space<vmem_shared>>
      tpu.enqueue_dma source(%arg11 : memref<32x128xf32, #tpu.memory_space<vmem>>) target(%dma_start3A_308 : memref<32x128xf32, #tpu.memory_space<vmem_shared>>) target_semaphore(%run_scoped3A : memref<!tpu.dma_semaphore, #tpu.memory_space<semaphore_mem>>)
      %dma_wait3A = arith.constant 0 : i32
      %dma_wait3A_309 = tpu.memref_slice %arg12[%add3A_80, %dma_wait3A] : memref<10240x128xf32, #tpu.memory_space<vmem_shared>> -> memref<32x128xf32, #tpu.memory_space<vmem_shared>>
      %dma_wait3A_310 = arith.constant 0 : i32
      %dma_wait3A_311 = tpu.memref_slice %arg12[%add3A_80, %dma_wait3A_310] : memref<10240x128xf32, #tpu.memory_space<vmem_shared>> -> memref<32x128xf32, #tpu.memory_space<vmem_shared>>
      tpu.wait_dma2 semaphore(%run_scoped3A : memref<!tpu.dma_semaphore, #tpu.memory_space<semaphore_mem>>) src(%arg11 : memref<32x128xf32, #tpu.memory_space<vmem>>) dst(%dma_wait3A_311 : memref<32x128xf32, #tpu.memory_space<vmem_shared>>)
      tpu.yield
    }) : () -> ()
    %barrier3A = arith.constant 0 : index
    tpu.barrier barrier_id(%barrier3A)
    %scan3A = arith.constant 0 : i32
    %scan3A_81 = arith.constant 10 : i32
    %scan3A_82 = arith.addi %scan3A, %scan3A_81 : i32
    %scan3A_83 = arith.constant 1 : i32
    scf.for %scan3A_306 = %scan3A to %scan3A_82 step %scan3A_83  : i32 {
      %mul3A_307 = arith.constant 1 : i32
      %mul3A_308 = arith.muli %scan3A_306, %mul3A_307 : i32
      %add3A_309 = arith.constant 0 : i32
      %add3A_310 = arith.addi %add3A_309, %mul3A_308 : i32
      "tpu.region"() ({
        %run_scoped3A = tpu.sem_alloc : memref<!tpu.dma_semaphore, #tpu.memory_space<semaphore_mem>>
        %dma_start3A_589 = arith.constant 0 : i32
        %dma_start3A_590 = arith.constant 0 : i32
        %dma_start3A_591 = tpu.memref_slice %arg3[%add3A, %add3A_310, %dma_start3A_589, %dma_start3A_590] : memref<32x10x10x100xi32, #tpu.memory_space<hbm>> -> memref<1x1x10x100xi32, #tpu.memory_space<hbm>>
        %dma_start3A_592 = tpu.memref_squeeze %dma_start3A_591 : memref<1x1x10x100xi32, #tpu.memory_space<hbm>> -> memref<10x100xi32, #tpu.memory_space<hbm>>
        %dma_start3A_593 = arith.constant 0 : i32
        %dma_start3A_594 = arith.constant 0 : i32
        %dma_start3A_595 = tpu.memref_slice %arg3[%add3A, %add3A_310, %dma_start3A_593, %dma_start3A_594] : memref<32x10x10x100xi32, #tpu.memory_space<hbm>> -> memref<1x1x10x100xi32, #tpu.memory_space<hbm>>
        %dma_start3A_596 = tpu.memref_squeeze %dma_start3A_595 : memref<1x1x10x100xi32, #tpu.memory_space<hbm>> -> memref<10x100xi32, #tpu.memory_space<hbm>>
        tpu.enqueue_dma source(%dma_start3A_596 : memref<10x100xi32, #tpu.memory_space<hbm>>) target(%arg7 : memref<10x100xi32, #tpu.memory_space<vmem>>) target_semaphore(%run_scoped3A : memref<!tpu.dma_semaphore, #tpu.memory_space<semaphore_mem>>)
        %dma_wait3A_597 = arith.constant 0 : i32
        %dma_wait3A_598 = arith.constant 0 : i32
        %dma_wait3A_599 = tpu.memref_slice %arg3[%add3A, %add3A_310, %dma_wait3A_597, %dma_wait3A_598] : memref<32x10x10x100xi32, #tpu.memory_space<hbm>> -> memref<1x1x10x100xi32, #tpu.memory_space<hbm>>
        %dma_wait3A_600 = tpu.memref_squeeze %dma_wait3A_599 : memref<1x1x10x100xi32, #tpu.memory_space<hbm>> -> memref<10x100xi32, #tpu.memory_space<hbm>>
        %dma_wait3A_601 = arith.constant 0 : i32
        %dma_wait3A_602 = arith.constant 0 : i32
        %dma_wait3A_603 = tpu.memref_slice %arg3[%add3A, %add3A_310, %dma_wait3A_601, %dma_wait3A_602] : memref<32x10x10x100xi32, #tpu.memory_space<hbm>> -> memref<1x1x10x100xi32, #tpu.memory_space<hbm>>
        %dma_wait3A_604 = tpu.memref_squeeze %dma_wait3A_603 : memref<1x1x10x100xi32, #tpu.memory_space<hbm>> -> memref<10x100xi32, #tpu.memory_space<hbm>>
        tpu.wait_dma2 semaphore(%run_scoped3A : memref<!tpu.dma_semaphore, #tpu.memory_space<semaphore_mem>>) src(%dma_wait3A_604 : memref<10x100xi32, #tpu.memory_space<hbm>>) dst(%arg7 : memref<10x100xi32, #tpu.memory_space<vmem>>)
        tpu.yield
      }) : () -> ()
      "tpu.region"() ({
        %run_scoped3A = tpu.sem_alloc : memref<!tpu.dma_semaphore, #tpu.memory_space<semaphore_mem>>
        %dma_start3A_589 = arith.constant 0 : i32
        %dma_start3A_590 = arith.constant 0 : i32
        %dma_start3A_591 = tpu.memref_slice %arg4[%add3A, %add3A_310, %dma_start3A_589, %dma_start3A_590] : memref<32x10x10x100xi32, #tpu.memory_space<hbm>> -> memref<1x1x10x100xi32, #tpu.memory_space<hbm>>
        %dma_start3A_592 = tpu.memref_squeeze %dma_start3A_591 : memref<1x1x10x100xi32, #tpu.memory_space<hbm>> -> memref<10x100xi32, #tpu.memory_space<hbm>>
        %dma_start3A_593 = arith.constant 0 : i32
        %dma_start3A_594 = arith.constant 0 : i32
        %dma_start3A_595 = tpu.memref_slice %arg4[%add3A, %add3A_310, %dma_start3A_593, %dma_start3A_594] : memref<32x10x10x100xi32, #tpu.memory_space<hbm>> -> memref<1x1x10x100xi32, #tpu.memory_space<hbm>>
        %dma_start3A_596 = tpu.memref_squeeze %dma_start3A_595 : memref<1x1x10x100xi32, #tpu.memory_space<hbm>> -> memref<10x100xi32, #tpu.memory_space<hbm>>
        tpu.enqueue_dma source(%dma_start3A_596 : memref<10x100xi32, #tpu.memory_space<hbm>>) target(%arg8 : memref<10x100xi32, #tpu.memory_space<vmem>>) target_semaphore(%run_scoped3A : memref<!tpu.dma_semaphore, #tpu.memory_space<semaphore_mem>>)
        %dma_wait3A_597 = arith.constant 0 : i32
        %dma_wait3A_598 = arith.constant 0 : i32
        %dma_wait3A_599 = tpu.memref_slice %arg4[%add3A, %add3A_310, %dma_wait3A_597, %dma_wait3A_598] : memref<32x10x10x100xi32, #tpu.memory_space<hbm>> -> memref<1x1x10x100xi32, #tpu.memory_space<hbm>>
        %dma_wait3A_600 = tpu.memref_squeeze %dma_wait3A_599 : memref<1x1x10x100xi32, #tpu.memory_space<hbm>> -> memref<10x100xi32, #tpu.memory_space<hbm>>
        %dma_wait3A_601 = arith.constant 0 : i32
        %dma_wait3A_602 = arith.constant 0 : i32
        %dma_wait3A_603 = tpu.memref_slice %arg4[%add3A, %add3A_310, %dma_wait3A_601, %dma_wait3A_602] : memref<32x10x10x100xi32, #tpu.memory_space<hbm>> -> memref<1x1x10x100xi32, #tpu.memory_space<hbm>>
        %dma_wait3A_604 = tpu.memref_squeeze %dma_wait3A_603 : memref<1x1x10x100xi32, #tpu.memory_space<hbm>> -> memref<10x100xi32, #tpu.memory_space<hbm>>
        tpu.wait_dma2 semaphore(%run_scoped3A : memref<!tpu.dma_semaphore, #tpu.memory_space<semaphore_mem>>) src(%dma_wait3A_604 : memref<10x100xi32, #tpu.memory_space<hbm>>) dst(%arg8 : memref<10x100xi32, #tpu.memory_space<vmem>>)
        tpu.yield
      }) : () -> ()
      %dma_start3A = arith.constant 0 : i32
      %dma_start3A_311 = arith.constant 0 : i32
      %dma_start3A_312 = tpu.memref_slice %arg7[%dma_start3A, %dma_start3A_311] : memref<10x100xi32, #tpu.memory_space<vmem>> -> memref<1x100xi32, #tpu.memory_space<vmem>>
      %dma_start3A_313 = tpu.memref_squeeze %dma_start3A_312 : memref<1x100xi32, #tpu.memory_space<vmem>> -> memref<100xi32, #tpu.memory_space<vmem>>
      %dma_start3A_314 = arith.constant 0 : i32
      %dma_start3A_315 = arith.constant 0 : i32
      %dma_start3A_316 = tpu.memref_slice %arg2[%dma_start3A_314, %dma_start3A_315] : memref<10000x128xf32, #tpu.memory_space<hbm>> -> memref<10000x128xf32, #tpu.memory_space<hbm>>
      tpu.enqueue_indirect_dma source(%dma_start3A_316 : memref<10000x128xf32, #tpu.memory_space<hbm>>) target(%arg9 : memref<100x128xf32, #tpu.memory_space<vmem>>) offsets(%dma_start3A_313 : memref<100xi32, #tpu.memory_space<vmem>>) semaphore(%arg13 : memref<!tpu.dma_semaphore, #tpu.memory_space<semaphore_mem>>)
      %dma_wait3A = arith.constant 0 : i32
      %dma_wait3A_317 = arith.constant 0 : i32
      %dma_wait3A_318 = tpu.memref_slice %arg7[%dma_wait3A, %dma_wait3A_317] : memref<10x100xi32, #tpu.memory_space<vmem>> -> memref<1x100xi32, #tpu.memory_space<vmem>>
      %dma_wait3A_319 = tpu.memref_squeeze %dma_wait3A_318 : memref<1x100xi32, #tpu.memory_space<vmem>> -> memref<100xi32, #tpu.memory_space<vmem>>
      %dma_wait3A_320 = arith.constant 0 : i32
      %dma_wait3A_321 = arith.constant 0 : i32
      %dma_wait3A_322 = tpu.memref_slice %arg2[%dma_wait3A_320, %dma_wait3A_321] : memref<10000x128xf32, #tpu.memory_space<hbm>> -> memref<10000x128xf32, #tpu.memory_space<hbm>>
      tpu.wait_indirect_dma semaphore(%arg13 : memref<!tpu.dma_semaphore, #tpu.memory_space<semaphore_mem>>) src(%dma_wait3A_322 : memref<10000x128xf32, #tpu.memory_space<hbm>>) dst(%arg9 : memref<100x128xf32, #tpu.memory_space<vmem>>)
      %dma_start3A_323 = arith.constant 0 : i32
      %dma_start3A_324 = arith.constant 0 : i32
      %dma_start3A_325 = tpu.memref_slice %arg8[%dma_start3A_323, %dma_start3A_324] : memref<10x100xi32, #tpu.memory_space<vmem>> -> memref<1x100xi32, #tpu.memory_space<vmem>>
      %dma_start3A_326 = tpu.memref_squeeze %dma_start3A_325 : memref<1x100xi32, #tpu.memory_space<vmem>> -> memref<100xi32, #tpu.memory_space<vmem>>
      %dma_start3A_327 = arith.constant 0 : i32
      %dma_start3A_328 = arith.constant 0 : i32
      %dma_start3A_329 = tpu.memref_slice %arg12[%dma_start3A_327, %dma_start3A_328] : memref<10240x128xf32, #tpu.memory_space<vmem_shared>> -> memref<10240x128xf32, #tpu.memory_space<vmem_shared>>
      tpu.enqueue_indirect_dma source(%arg9 : memref<100x128xf32, #tpu.memory_space<vmem>>) target(%dma_start3A_329 : memref<10240x128xf32, #tpu.memory_space<vmem_shared>>) offsets(%dma_start3A_326 : memref<100xi32, #tpu.memory_space<vmem>>) semaphore(%arg15 : memref<!tpu.dma_semaphore, #tpu.memory_space<semaphore_mem>>) {add = true}
      %dma_start3A_330 = arith.constant 1 : i32
      %dma_start3A_331 = arith.constant 0 : i32
      %dma_start3A_332 = tpu.memref_slice %arg7[%dma_start3A_330, %dma_start3A_331] : memref<10x100xi32, #tpu.memory_space<vmem>> -> memref<1x100xi32, #tpu.memory_space<vmem>>
      %dma_start3A_333 = tpu.memref_squeeze %dma_start3A_332 : memref<1x100xi32, #tpu.memory_space<vmem>> -> memref<100xi32, #tpu.memory_space<vmem>>
      %dma_start3A_334 = arith.constant 0 : i32
      %dma_start3A_335 = arith.constant 0 : i32
      %dma_start3A_336 = tpu.memref_slice %arg2[%dma_start3A_334, %dma_start3A_335] : memref<10000x128xf32, #tpu.memory_space<hbm>> -> memref<10000x128xf32, #tpu.memory_space<hbm>>
      tpu.enqueue_indirect_dma source(%dma_start3A_336 : memref<10000x128xf32, #tpu.memory_space<hbm>>) target(%arg10 : memref<100x128xf32, #tpu.memory_space<vmem>>) offsets(%dma_start3A_333 : memref<100xi32, #tpu.memory_space<vmem>>) semaphore(%arg14 : memref<!tpu.dma_semaphore, #tpu.memory_space<semaphore_mem>>)
      %dma_wait3A_337 = arith.constant 1 : i32
      %dma_wait3A_338 = arith.constant 0 : i32
      %dma_wait3A_339 = tpu.memref_slice %arg7[%dma_wait3A_337, %dma_wait3A_338] : memref<10x100xi32, #tpu.memory_space<vmem>> -> memref<1x100xi32, #tpu.memory_space<vmem>>
      %dma_wait3A_340 = tpu.memref_squeeze %dma_wait3A_339 : memref<1x100xi32, #tpu.memory_space<vmem>> -> memref<100xi32, #tpu.memory_space<vmem>>
      %dma_wait3A_341 = arith.constant 0 : i32
      %dma_wait3A_342 = arith.constant 0 : i32
      %dma_wait3A_343 = tpu.memref_slice %arg2[%dma_wait3A_341, %dma_wait3A_342] : memref<10000x128xf32, #tpu.memory_space<hbm>> -> memref<10000x128xf32, #tpu.memory_space<hbm>>
      tpu.wait_indirect_dma semaphore(%arg14 : memref<!tpu.dma_semaphore, #tpu.memory_space<semaphore_mem>>) src(%dma_wait3A_343 : memref<10000x128xf32, #tpu.memory_space<hbm>>) dst(%arg10 : memref<100x128xf32, #tpu.memory_space<vmem>>)
      %dma_start3A_344 = arith.constant 1 : i32
      %dma_start3A_345 = arith.constant 0 : i32
      %dma_start3A_346 = tpu.memref_slice %arg8[%dma_start3A_344, %dma_start3A_345] : memref<10x100xi32, #tpu.memory_space<vmem>> -> memref<1x100xi32, #tpu.memory_space<vmem>>
      %dma_start3A_347 = tpu.memref_squeeze %dma_start3A_346 : memref<1x100xi32, #tpu.memory_space<vmem>> -> memref<100xi32, #tpu.memory_space<vmem>>
      %dma_start3A_348 = arith.constant 0 : i32
      %dma_start3A_349 = arith.constant 0 : i32
      %dma_start3A_350 = tpu.memref_slice %arg12[%dma_start3A_348, %dma_start3A_349] : memref<10240x128xf32, #tpu.memory_space<vmem_shared>> -> memref<10240x128xf32, #tpu.memory_space<vmem_shared>>
      tpu.enqueue_indirect_dma source(%arg10 : memref<100x128xf32, #tpu.memory_space<vmem>>) target(%dma_start3A_350 : memref<10240x128xf32, #tpu.memory_space<vmem_shared>>) offsets(%dma_start3A_347 : memref<100xi32, #tpu.memory_space<vmem>>) semaphore(%arg16 : memref<!tpu.dma_semaphore, #tpu.memory_space<semaphore_mem>>) {add = true}
      %dma_wait3A_351 = arith.constant 0 : i32
      %dma_wait3A_352 = arith.constant 0 : i32
      %dma_wait3A_353 = tpu.memref_slice %arg8[%dma_wait3A_351, %dma_wait3A_352] : memref<10x100xi32, #tpu.memory_space<vmem>> -> memref<1x100xi32, #tpu.memory_space<vmem>>
      %dma_wait3A_354 = tpu.memref_squeeze %dma_wait3A_353 : memref<1x100xi32, #tpu.memory_space<vmem>> -> memref<100xi32, #tpu.memory_space<vmem>>
      %dma_wait3A_355 = arith.constant 0 : i32
      %dma_wait3A_356 = arith.constant 0 : i32
      %dma_wait3A_357 = tpu.memref_slice %arg12[%dma_wait3A_355, %dma_wait3A_356] : memref<10240x128xf32, #tpu.memory_space<vmem_shared>> -> memref<10240x128xf32, #tpu.memory_space<vmem_shared>>
      tpu.wait_indirect_dma semaphore(%arg15 : memref<!tpu.dma_semaphore, #tpu.memory_space<semaphore_mem>>) src(%arg9 : memref<100x128xf32, #tpu.memory_space<vmem>>) dst(%dma_wait3A_357 : memref<10240x128xf32, #tpu.memory_space<vmem_shared>>)
      %dma_start3A_358 = arith.constant 2 : i32
      %dma_start3A_359 = arith.constant 0 : i32
      %dma_start3A_360 = tpu.memref_slice %arg7[%dma_start3A_358, %dma_start3A_359] : memref<10x100xi32, #tpu.memory_space<vmem>> -> memref<1x100xi32, #tpu.memory_space<vmem>>
      %dma_start3A_361 = tpu.memref_squeeze %dma_start3A_360 : memref<1x100xi32, #tpu.memory_space<vmem>> -> memref<100xi32, #tpu.memory_space<vmem>>
      %dma_start3A_362 = arith.constant 0 : i32
      %dma_start3A_363 = arith.constant 0 : i32
      %dma_start3A_364 = tpu.memref_slice %arg2[%dma_start3A_362, %dma_start3A_363] : memref<10000x128xf32, #tpu.memory_space<hbm>> -> memref<10000x128xf32, #tpu.memory_space<hbm>>
      tpu.enqueue_indirect_dma source(%dma_start3A_364 : memref<10000x128xf32, #tpu.memory_space<hbm>>) target(%arg9 : memref<100x128xf32, #tpu.memory_space<vmem>>) offsets(%dma_start3A_361 : memref<100xi32, #tpu.memory_space<vmem>>) semaphore(%arg13 : memref<!tpu.dma_semaphore, #tpu.memory_space<semaphore_mem>>)
      %dma_wait3A_365 = arith.constant 2 : i32
      %dma_wait3A_366 = arith.constant 0 : i32
      %dma_wait3A_367 = tpu.memref_slice %arg7[%dma_wait3A_365, %dma_wait3A_366] : memref<10x100xi32, #tpu.memory_space<vmem>> -> memref<1x100xi32, #tpu.memory_space<vmem>>
      %dma_wait3A_368 = tpu.memref_squeeze %dma_wait3A_367 : memref<1x100xi32, #tpu.memory_space<vmem>> -> memref<100xi32, #tpu.memory_space<vmem>>
      %dma_wait3A_369 = arith.constant 0 : i32
      %dma_wait3A_370 = arith.constant 0 : i32
      %dma_wait3A_371 = tpu.memref_slice %arg2[%dma_wait3A_369, %dma_wait3A_370] : memref<10000x128xf32, #tpu.memory_space<hbm>> -> memref<10000x128xf32, #tpu.memory_space<hbm>>
      tpu.wait_indirect_dma semaphore(%arg13 : memref<!tpu.dma_semaphore, #tpu.memory_space<semaphore_mem>>) src(%dma_wait3A_371 : memref<10000x128xf32, #tpu.memory_space<hbm>>) dst(%arg9 : memref<100x128xf32, #tpu.memory_space<vmem>>)
      %dma_start3A_372 = arith.constant 2 : i32
      %dma_start3A_373 = arith.constant 0 : i32
      %dma_start3A_374 = tpu.memref_slice %arg8[%dma_start3A_372, %dma_start3A_373] : memref<10x100xi32, #tpu.memory_space<vmem>> -> memref<1x100xi32, #tpu.memory_space<vmem>>
      %dma_start3A_375 = tpu.memref_squeeze %dma_start3A_374 : memref<1x100xi32, #tpu.memory_space<vmem>> -> memref<100xi32, #tpu.memory_space<vmem>>
      %dma_start3A_376 = arith.constant 0 : i32
      %dma_start3A_377 = arith.constant 0 : i32
      %dma_start3A_378 = tpu.memref_slice %arg12[%dma_start3A_376, %dma_start3A_377] : memref<10240x128xf32, #tpu.memory_space<vmem_shared>> -> memref<10240x128xf32, #tpu.memory_space<vmem_shared>>
      tpu.enqueue_indirect_dma source(%arg9 : memref<100x128xf32, #tpu.memory_space<vmem>>) target(%dma_start3A_378 : memref<10240x128xf32, #tpu.memory_space<vmem_shared>>) offsets(%dma_start3A_375 : memref<100xi32, #tpu.memory_space<vmem>>) semaphore(%arg15 : memref<!tpu.dma_semaphore, #tpu.memory_space<semaphore_mem>>) {add = true}
      %dma_wait3A_379 = arith.constant 1 : i32
      %dma_wait3A_380 = arith.constant 0 : i32
      %dma_wait3A_381 = tpu.memref_slice %arg8[%dma_wait3A_379, %dma_wait3A_380] : memref<10x100xi32, #tpu.memory_space<vmem>> -> memref<1x100xi32, #tpu.memory_space<vmem>>
      %dma_wait3A_382 = tpu.memref_squeeze %dma_wait3A_381 : memref<1x100xi32, #tpu.memory_space<vmem>> -> memref<100xi32, #tpu.memory_space<vmem>>
      %dma_wait3A_383 = arith.constant 0 : i32
      %dma_wait3A_384 = arith.constant 0 : i32
      %dma_wait3A_385 = tpu.memref_slice %arg12[%dma_wait3A_383, %dma_wait3A_384] : memref<10240x128xf32, #tpu.memory_space<vmem_shared>> -> memref<10240x128xf32, #tpu.memory_space<vmem_shared>>
      tpu.wait_indirect_dma semaphore(%arg16 : memref<!tpu.dma_semaphore, #tpu.memory_space<semaphore_mem>>) src(%arg10 : memref<100x128xf32, #tpu.memory_space<vmem>>) dst(%dma_wait3A_385 : memref<10240x128xf32, #tpu.memory_space<vmem_shared>>)
      %dma_start3A_386 = arith.constant 3 : i32
      %dma_start3A_387 = arith.constant 0 : i32
      %dma_start3A_388 = tpu.memref_slice %arg7[%dma_start3A_386, %dma_start3A_387] : memref<10x100xi32, #tpu.memory_space<vmem>> -> memref<1x100xi32, #tpu.memory_space<vmem>>
      %dma_start3A_389 = tpu.memref_squeeze %dma_start3A_388 : memref<1x100xi32, #tpu.memory_space<vmem>> -> memref<100xi32, #tpu.memory_space<vmem>>
      %dma_start3A_390 = arith.constant 0 : i32
      %dma_start3A_391 = arith.constant 0 : i32
      %dma_start3A_392 = tpu.memref_slice %arg2[%dma_start3A_390, %dma_start3A_391] : memref<10000x128xf32, #tpu.memory_space<hbm>> -> memref<10000x128xf32, #tpu.memory_space<hbm>>
      tpu.enqueue_indirect_dma source(%dma_start3A_392 : memref<10000x128xf32, #tpu.memory_space<hbm>>) target(%arg10 : memref<100x128xf32, #tpu.memory_space<vmem>>) offsets(%dma_start3A_389 : memref<100xi32, #tpu.memory_space<vmem>>) semaphore(%arg14 : memref<!tpu.dma_semaphore, #tpu.memory_space<semaphore_mem>>)
      %dma_wait3A_393 = arith.constant 3 : i32
      %dma_wait3A_394 = arith.constant 0 : i32
      %dma_wait3A_395 = tpu.memref_slice %arg7[%dma_wait3A_393, %dma_wait3A_394] : memref<10x100xi32, #tpu.memory_space<vmem>> -> memref<1x100xi32, #tpu.memory_space<vmem>>
      %dma_wait3A_396 = tpu.memref_squeeze %dma_wait3A_395 : memref<1x100xi32, #tpu.memory_space<vmem>> -> memref<100xi32, #tpu.memory_space<vmem>>
      %dma_wait3A_397 = arith.constant 0 : i32
      %dma_wait3A_398 = arith.constant 0 : i32
      %dma_wait3A_399 = tpu.memref_slice %arg2[%dma_wait3A_397, %dma_wait3A_398] : memref<10000x128xf32, #tpu.memory_space<hbm>> -> memref<10000x128xf32, #tpu.memory_space<hbm>>
      tpu.wait_indirect_dma semaphore(%arg14 : memref<!tpu.dma_semaphore, #tpu.memory_space<semaphore_mem>>) src(%dma_wait3A_399 : memref<10000x128xf32, #tpu.memory_space<hbm>>) dst(%arg10 : memref<100x128xf32, #tpu.memory_space<vmem>>)
      %dma_start3A_400 = arith.constant 3 : i32
      %dma_start3A_401 = arith.constant 0 : i32
      %dma_start3A_402 = tpu.memref_slice %arg8[%dma_start3A_400, %dma_start3A_401] : memref<10x100xi32, #tpu.memory_space<vmem>> -> memref<1x100xi32, #tpu.memory_space<vmem>>
      %dma_start3A_403 = tpu.memref_squeeze %dma_start3A_402 : memref<1x100xi32, #tpu.memory_space<vmem>> -> memref<100xi32, #tpu.memory_space<vmem>>
      %dma_start3A_404 = arith.constant 0 : i32
      %dma_start3A_405 = arith.constant 0 : i32
      %dma_start3A_406 = tpu.memref_slice %arg12[%dma_start3A_404, %dma_start3A_405] : memref<10240x128xf32, #tpu.memory_space<vmem_shared>> -> memref<10240x128xf32, #tpu.memory_space<vmem_shared>>
      tpu.enqueue_indirect_dma source(%arg10 : memref<100x128xf32, #tpu.memory_space<vmem>>) target(%dma_start3A_406 : memref<10240x128xf32, #tpu.memory_space<vmem_shared>>) offsets(%dma_start3A_403 : memref<100xi32, #tpu.memory_space<vmem>>) semaphore(%arg16 : memref<!tpu.dma_semaphore, #tpu.memory_space<semaphore_mem>>) {add = true}
      %dma_wait3A_407 = arith.constant 2 : i32
      %dma_wait3A_408 = arith.constant 0 : i32
      %dma_wait3A_409 = tpu.memref_slice %arg8[%dma_wait3A_407, %dma_wait3A_408] : memref<10x100xi32, #tpu.memory_space<vmem>> -> memref<1x100xi32, #tpu.memory_space<vmem>>
      %dma_wait3A_410 = tpu.memref_squeeze %dma_wait3A_409 : memref<1x100xi32, #tpu.memory_space<vmem>> -> memref<100xi32, #tpu.memory_space<vmem>>
      %dma_wait3A_411 = arith.constant 0 : i32
      %dma_wait3A_412 = arith.constant 0 : i32
      %dma_wait3A_413 = tpu.memref_slice %arg12[%dma_wait3A_411, %dma_wait3A_412] : memref<10240x128xf32, #tpu.memory_space<vmem_shared>> -> memref<10240x128xf32, #tpu.memory_space<vmem_shared>>
      tpu.wait_indirect_dma semaphore(%arg15 : memref<!tpu.dma_semaphore, #tpu.memory_space<semaphore_mem>>) src(%arg9 : memref<100x128xf32, #tpu.memory_space<vmem>>) dst(%dma_wait3A_413 : memref<10240x128xf32, #tpu.memory_space<vmem_shared>>)
      %dma_start3A_414 = arith.constant 4 : i32
      %dma_start3A_415 = arith.constant 0 : i32
      %dma_start3A_416 = tpu.memref_slice %arg7[%dma_start3A_414, %dma_start3A_415] : memref<10x100xi32, #tpu.memory_space<vmem>> -> memref<1x100xi32, #tpu.memory_space<vmem>>
      %dma_start3A_417 = tpu.memref_squeeze %dma_start3A_416 : memref<1x100xi32, #tpu.memory_space<vmem>> -> memref<100xi32, #tpu.memory_space<vmem>>
      %dma_start3A_418 = arith.constant 0 : i32
      %dma_start3A_419 = arith.constant 0 : i32
      %dma_start3A_420 = tpu.memref_slice %arg2[%dma_start3A_418, %dma_start3A_419] : memref<10000x128xf32, #tpu.memory_space<hbm>> -> memref<10000x128xf32, #tpu.memory_space<hbm>>
      tpu.enqueue_indirect_dma source(%dma_start3A_420 : memref<10000x128xf32, #tpu.memory_space<hbm>>) target(%arg9 : memref<100x128xf32, #tpu.memory_space<vmem>>) offsets(%dma_start3A_417 : memref<100xi32, #tpu.memory_space<vmem>>) semaphore(%arg13 : memref<!tpu.dma_semaphore, #tpu.memory_space<semaphore_mem>>)
      %dma_wait3A_421 = arith.constant 4 : i32
      %dma_wait3A_422 = arith.constant 0 : i32
      %dma_wait3A_423 = tpu.memref_slice %arg7[%dma_wait3A_421, %dma_wait3A_422] : memref<10x100xi32, #tpu.memory_space<vmem>> -> memref<1x100xi32, #tpu.memory_space<vmem>>
      %dma_wait3A_424 = tpu.memref_squeeze %dma_wait3A_423 : memref<1x100xi32, #tpu.memory_space<vmem>> -> memref<100xi32, #tpu.memory_space<vmem>>
      %dma_wait3A_425 = arith.constant 0 : i32
      %dma_wait3A_426 = arith.constant 0 : i32
      %dma_wait3A_427 = tpu.memref_slice %arg2[%dma_wait3A_425, %dma_wait3A_426] : memref<10000x128xf32, #tpu.memory_space<hbm>> -> memref<10000x128xf32, #tpu.memory_space<hbm>>
      tpu.wait_indirect_dma semaphore(%arg13 : memref<!tpu.dma_semaphore, #tpu.memory_space<semaphore_mem>>) src(%dma_wait3A_427 : memref<10000x128xf32, #tpu.memory_space<hbm>>) dst(%arg9 : memref<100x128xf32, #tpu.memory_space<vmem>>)
      %dma_start3A_428 = arith.constant 4 : i32
      %dma_start3A_429 = arith.constant 0 : i32
      %dma_start3A_430 = tpu.memref_slice %arg8[%dma_start3A_428, %dma_start3A_429] : memref<10x100xi32, #tpu.memory_space<vmem>> -> memref<1x100xi32, #tpu.memory_space<vmem>>
      %dma_start3A_431 = tpu.memref_squeeze %dma_start3A_430 : memref<1x100xi32, #tpu.memory_space<vmem>> -> memref<100xi32, #tpu.memory_space<vmem>>
      %dma_start3A_432 = arith.constant 0 : i32
      %dma_start3A_433 = arith.constant 0 : i32
      %dma_start3A_434 = tpu.memref_slice %arg12[%dma_start3A_432, %dma_start3A_433] : memref<10240x128xf32, #tpu.memory_space<vmem_shared>> -> memref<10240x128xf32, #tpu.memory_space<vmem_shared>>
      tpu.enqueue_indirect_dma source(%arg9 : memref<100x128xf32, #tpu.memory_space<vmem>>) target(%dma_start3A_434 : memref<10240x128xf32, #tpu.memory_space<vmem_shared>>) offsets(%dma_start3A_431 : memref<100xi32, #tpu.memory_space<vmem>>) semaphore(%arg15 : memref<!tpu.dma_semaphore, #tpu.memory_space<semaphore_mem>>) {add = true}
      %dma_wait3A_435 = arith.constant 3 : i32
      %dma_wait3A_436 = arith.constant 0 : i32
      %dma_wait3A_437 = tpu.memref_slice %arg8[%dma_wait3A_435, %dma_wait3A_436] : memref<10x100xi32, #tpu.memory_space<vmem>> -> memref<1x100xi32, #tpu.memory_space<vmem>>
      %dma_wait3A_438 = tpu.memref_squeeze %dma_wait3A_437 : memref<1x100xi32, #tpu.memory_space<vmem>> -> memref<100xi32, #tpu.memory_space<vmem>>
      %dma_wait3A_439 = arith.constant 0 : i32
      %dma_wait3A_440 = arith.constant 0 : i32
      %dma_wait3A_441 = tpu.memref_slice %arg12[%dma_wait3A_439, %dma_wait3A_440] : memref<10240x128xf32, #tpu.memory_space<vmem_shared>> -> memref<10240x128xf32, #tpu.memory_space<vmem_shared>>
      tpu.wait_indirect_dma semaphore(%arg16 : memref<!tpu.dma_semaphore, #tpu.memory_space<semaphore_mem>>) src(%arg10 : memref<100x128xf32, #tpu.memory_space<vmem>>) dst(%dma_wait3A_441 : memref<10240x128xf32, #tpu.memory_space<vmem_shared>>)
      %dma_start3A_442 = arith.constant 5 : i32
      %dma_start3A_443 = arith.constant 0 : i32
      %dma_start3A_444 = tpu.memref_slice %arg7[%dma_start3A_442, %dma_start3A_443] : memref<10x100xi32, #tpu.memory_space<vmem>> -> memref<1x100xi32, #tpu.memory_space<vmem>>
      %dma_start3A_445 = tpu.memref_squeeze %dma_start3A_444 : memref<1x100xi32, #tpu.memory_space<vmem>> -> memref<100xi32, #tpu.memory_space<vmem>>
      %dma_start3A_446 = arith.constant 0 : i32
      %dma_start3A_447 = arith.constant 0 : i32
      %dma_start3A_448 = tpu.memref_slice %arg2[%dma_start3A_446, %dma_start3A_447] : memref<10000x128xf32, #tpu.memory_space<hbm>> -> memref<10000x128xf32, #tpu.memory_space<hbm>>
      tpu.enqueue_indirect_dma source(%dma_start3A_448 : memref<10000x128xf32, #tpu.memory_space<hbm>>) target(%arg10 : memref<100x128xf32, #tpu.memory_space<vmem>>) offsets(%dma_start3A_445 : memref<100xi32, #tpu.memory_space<vmem>>) semaphore(%arg14 : memref<!tpu.dma_semaphore, #tpu.memory_space<semaphore_mem>>)
      %dma_wait3A_449 = arith.constant 5 : i32
      %dma_wait3A_450 = arith.constant 0 : i32
      %dma_wait3A_451 = tpu.memref_slice %arg7[%dma_wait3A_449, %dma_wait3A_450] : memref<10x100xi32, #tpu.memory_space<vmem>> -> memref<1x100xi32, #tpu.memory_space<vmem>>
      %dma_wait3A_452 = tpu.memref_squeeze %dma_wait3A_451 : memref<1x100xi32, #tpu.memory_space<vmem>> -> memref<100xi32, #tpu.memory_space<vmem>>
      %dma_wait3A_453 = arith.constant 0 : i32
      %dma_wait3A_454 = arith.constant 0 : i32
      %dma_wait3A_455 = tpu.memref_slice %arg2[%dma_wait3A_453, %dma_wait3A_454] : memref<10000x128xf32, #tpu.memory_space<hbm>> -> memref<10000x128xf32, #tpu.memory_space<hbm>>
      tpu.wait_indirect_dma semaphore(%arg14 : memref<!tpu.dma_semaphore, #tpu.memory_space<semaphore_mem>>) src(%dma_wait3A_455 : memref<10000x128xf32, #tpu.memory_space<hbm>>) dst(%arg10 : memref<100x128xf32, #tpu.memory_space<vmem>>)
      %dma_start3A_456 = arith.constant 5 : i32
      %dma_start3A_457 = arith.constant 0 : i32
      %dma_start3A_458 = tpu.memref_slice %arg8[%dma_start3A_456, %dma_start3A_457] : memref<10x100xi32, #tpu.memory_space<vmem>> -> memref<1x100xi32, #tpu.memory_space<vmem>>
      %dma_start3A_459 = tpu.memref_squeeze %dma_start3A_458 : memref<1x100xi32, #tpu.memory_space<vmem>> -> memref<100xi32, #tpu.memory_space<vmem>>
      %dma_start3A_460 = arith.constant 0 : i32
      %dma_start3A_461 = arith.constant 0 : i32
      %dma_start3A_462 = tpu.memref_slice %arg12[%dma_start3A_460, %dma_start3A_461] : memref<10240x128xf32, #tpu.memory_space<vmem_shared>> -> memref<10240x128xf32, #tpu.memory_space<vmem_shared>>
      tpu.enqueue_indirect_dma source(%arg10 : memref<100x128xf32, #tpu.memory_space<vmem>>) target(%dma_start3A_462 : memref<10240x128xf32, #tpu.memory_space<vmem_shared>>) offsets(%dma_start3A_459 : memref<100xi32, #tpu.memory_space<vmem>>) semaphore(%arg16 : memref<!tpu.dma_semaphore, #tpu.memory_space<semaphore_mem>>) {add = true}
      %dma_wait3A_463 = arith.constant 4 : i32
      %dma_wait3A_464 = arith.constant 0 : i32
      %dma_wait3A_465 = tpu.memref_slice %arg8[%dma_wait3A_463, %dma_wait3A_464] : memref<10x100xi32, #tpu.memory_space<vmem>> -> memref<1x100xi32, #tpu.memory_space<vmem>>
      %dma_wait3A_466 = tpu.memref_squeeze %dma_wait3A_465 : memref<1x100xi32, #tpu.memory_space<vmem>> -> memref<100xi32, #tpu.memory_space<vmem>>
      %dma_wait3A_467 = arith.constant 0 : i32
      %dma_wait3A_468 = arith.constant 0 : i32
      %dma_wait3A_469 = tpu.memref_slice %arg12[%dma_wait3A_467, %dma_wait3A_468] : memref<10240x128xf32, #tpu.memory_space<vmem_shared>> -> memref<10240x128xf32, #tpu.memory_space<vmem_shared>>
      tpu.wait_indirect_dma semaphore(%arg15 : memref<!tpu.dma_semaphore, #tpu.memory_space<semaphore_mem>>) src(%arg9 : memref<100x128xf32, #tpu.memory_space<vmem>>) dst(%dma_wait3A_469 : memref<10240x128xf32, #tpu.memory_space<vmem_shared>>)
      %dma_start3A_470 = arith.constant 6 : i32
      %dma_start3A_471 = arith.constant 0 : i32
      %dma_start3A_472 = tpu.memref_slice %arg7[%dma_start3A_470, %dma_start3A_471] : memref<10x100xi32, #tpu.memory_space<vmem>> -> memref<1x100xi32, #tpu.memory_space<vmem>>
      %dma_start3A_473 = tpu.memref_squeeze %dma_start3A_472 : memref<1x100xi32, #tpu.memory_space<vmem>> -> memref<100xi32, #tpu.memory_space<vmem>>
      %dma_start3A_474 = arith.constant 0 : i32
      %dma_start3A_475 = arith.constant 0 : i32
      %dma_start3A_476 = tpu.memref_slice %arg2[%dma_start3A_474, %dma_start3A_475] : memref<10000x128xf32, #tpu.memory_space<hbm>> -> memref<10000x128xf32, #tpu.memory_space<hbm>>
      tpu.enqueue_indirect_dma source(%dma_start3A_476 : memref<10000x128xf32, #tpu.memory_space<hbm>>) target(%arg9 : memref<100x128xf32, #tpu.memory_space<vmem>>) offsets(%dma_start3A_473 : memref<100xi32, #tpu.memory_space<vmem>>) semaphore(%arg13 : memref<!tpu.dma_semaphore, #tpu.memory_space<semaphore_mem>>)
      %dma_wait3A_477 = arith.constant 6 : i32
      %dma_wait3A_478 = arith.constant 0 : i32
      %dma_wait3A_479 = tpu.memref_slice %arg7[%dma_wait3A_477, %dma_wait3A_478] : memref<10x100xi32, #tpu.memory_space<vmem>> -> memref<1x100xi32, #tpu.memory_space<vmem>>
      %dma_wait3A_480 = tpu.memref_squeeze %dma_wait3A_479 : memref<1x100xi32, #tpu.memory_space<vmem>> -> memref<100xi32, #tpu.memory_space<vmem>>
      %dma_wait3A_481 = arith.constant 0 : i32
      %dma_wait3A_482 = arith.constant 0 : i32
      %dma_wait3A_483 = tpu.memref_slice %arg2[%dma_wait3A_481, %dma_wait3A_482] : memref<10000x128xf32, #tpu.memory_space<hbm>> -> memref<10000x128xf32, #tpu.memory_space<hbm>>
      tpu.wait_indirect_dma semaphore(%arg13 : memref<!tpu.dma_semaphore, #tpu.memory_space<semaphore_mem>>) src(%dma_wait3A_483 : memref<10000x128xf32, #tpu.memory_space<hbm>>) dst(%arg9 : memref<100x128xf32, #tpu.memory_space<vmem>>)
      %dma_start3A_484 = arith.constant 6 : i32
      %dma_start3A_485 = arith.constant 0 : i32
      %dma_start3A_486 = tpu.memref_slice %arg8[%dma_start3A_484, %dma_start3A_485] : memref<10x100xi32, #tpu.memory_space<vmem>> -> memref<1x100xi32, #tpu.memory_space<vmem>>
      %dma_start3A_487 = tpu.memref_squeeze %dma_start3A_486 : memref<1x100xi32, #tpu.memory_space<vmem>> -> memref<100xi32, #tpu.memory_space<vmem>>
      %dma_start3A_488 = arith.constant 0 : i32
      %dma_start3A_489 = arith.constant 0 : i32
      %dma_start3A_490 = tpu.memref_slice %arg12[%dma_start3A_488, %dma_start3A_489] : memref<10240x128xf32, #tpu.memory_space<vmem_shared>> -> memref<10240x128xf32, #tpu.memory_space<vmem_shared>>
      tpu.enqueue_indirect_dma source(%arg9 : memref<100x128xf32, #tpu.memory_space<vmem>>) target(%dma_start3A_490 : memref<10240x128xf32, #tpu.memory_space<vmem_shared>>) offsets(%dma_start3A_487 : memref<100xi32, #tpu.memory_space<vmem>>) semaphore(%arg15 : memref<!tpu.dma_semaphore, #tpu.memory_space<semaphore_mem>>) {add = true}
      %dma_wait3A_491 = arith.constant 5 : i32
      %dma_wait3A_492 = arith.constant 0 : i32
      %dma_wait3A_493 = tpu.memref_slice %arg8[%dma_wait3A_491, %dma_wait3A_492] : memref<10x100xi32, #tpu.memory_space<vmem>> -> memref<1x100xi32, #tpu.memory_space<vmem>>
      %dma_wait3A_494 = tpu.memref_squeeze %dma_wait3A_493 : memref<1x100xi32, #tpu.memory_space<vmem>> -> memref<100xi32, #tpu.memory_space<vmem>>
      %dma_wait3A_495 = arith.constant 0 : i32
      %dma_wait3A_496 = arith.constant 0 : i32
      %dma_wait3A_497 = tpu.memref_slice %arg12[%dma_wait3A_495, %dma_wait3A_496] : memref<10240x128xf32, #tpu.memory_space<vmem_shared>> -> memref<10240x128xf32, #tpu.memory_space<vmem_shared>>
      tpu.wait_indirect_dma semaphore(%arg16 : memref<!tpu.dma_semaphore, #tpu.memory_space<semaphore_mem>>) src(%arg10 : memref<100x128xf32, #tpu.memory_space<vmem>>) dst(%dma_wait3A_497 : memref<10240x128xf32, #tpu.memory_space<vmem_shared>>)
      %dma_start3A_498 = arith.constant 7 : i32
      %dma_start3A_499 = arith.constant 0 : i32
      %dma_start3A_500 = tpu.memref_slice %arg7[%dma_start3A_498, %dma_start3A_499] : memref<10x100xi32, #tpu.memory_space<vmem>> -> memref<1x100xi32, #tpu.memory_space<vmem>>
      %dma_start3A_501 = tpu.memref_squeeze %dma_start3A_500 : memref<1x100xi32, #tpu.memory_space<vmem>> -> memref<100xi32, #tpu.memory_space<vmem>>
      %dma_start3A_502 = arith.constant 0 : i32
      %dma_start3A_503 = arith.constant 0 : i32
      %dma_start3A_504 = tpu.memref_slice %arg2[%dma_start3A_502, %dma_start3A_503] : memref<10000x128xf32, #tpu.memory_space<hbm>> -> memref<10000x128xf32, #tpu.memory_space<hbm>>
      tpu.enqueue_indirect_dma source(%dma_start3A_504 : memref<10000x128xf32, #tpu.memory_space<hbm>>) target(%arg10 : memref<100x128xf32, #tpu.memory_space<vmem>>) offsets(%dma_start3A_501 : memref<100xi32, #tpu.memory_space<vmem>>) semaphore(%arg14 : memref<!tpu.dma_semaphore, #tpu.memory_space<semaphore_mem>>)
      %dma_wait3A_505 = arith.constant 7 : i32
      %dma_wait3A_506 = arith.constant 0 : i32
      %dma_wait3A_507 = tpu.memref_slice %arg7[%dma_wait3A_505, %dma_wait3A_506] : memref<10x100xi32, #tpu.memory_space<vmem>> -> memref<1x100xi32, #tpu.memory_space<vmem>>
      %dma_wait3A_508 = tpu.memref_squeeze %dma_wait3A_507 : memref<1x100xi32, #tpu.memory_space<vmem>> -> memref<100xi32, #tpu.memory_space<vmem>>
      %dma_wait3A_509 = arith.constant 0 : i32
      %dma_wait3A_510 = arith.constant 0 : i32
      %dma_wait3A_511 = tpu.memref_slice %arg2[%dma_wait3A_509, %dma_wait3A_510] : memref<10000x128xf32, #tpu.memory_space<hbm>> -> memref<10000x128xf32, #tpu.memory_space<hbm>>
      tpu.wait_indirect_dma semaphore(%arg14 : memref<!tpu.dma_semaphore, #tpu.memory_space<semaphore_mem>>) src(%dma_wait3A_511 : memref<10000x128xf32, #tpu.memory_space<hbm>>) dst(%arg10 : memref<100x128xf32, #tpu.memory_space<vmem>>)
      %dma_start3A_512 = arith.constant 7 : i32
      %dma_start3A_513 = arith.constant 0 : i32
      %dma_start3A_514 = tpu.memref_slice %arg8[%dma_start3A_512, %dma_start3A_513] : memref<10x100xi32, #tpu.memory_space<vmem>> -> memref<1x100xi32, #tpu.memory_space<vmem>>
      %dma_start3A_515 = tpu.memref_squeeze %dma_start3A_514 : memref<1x100xi32, #tpu.memory_space<vmem>> -> memref<100xi32, #tpu.memory_space<vmem>>
      %dma_start3A_516 = arith.constant 0 : i32
      %dma_start3A_517 = arith.constant 0 : i32
      %dma_start3A_518 = tpu.memref_slice %arg12[%dma_start3A_516, %dma_start3A_517] : memref<10240x128xf32, #tpu.memory_space<vmem_shared>> -> memref<10240x128xf32, #tpu.memory_space<vmem_shared>>
      tpu.enqueue_indirect_dma source(%arg10 : memref<100x128xf32, #tpu.memory_space<vmem>>) target(%dma_start3A_518 : memref<10240x128xf32, #tpu.memory_space<vmem_shared>>) offsets(%dma_start3A_515 : memref<100xi32, #tpu.memory_space<vmem>>) semaphore(%arg16 : memref<!tpu.dma_semaphore, #tpu.memory_space<semaphore_mem>>) {add = true}
      %dma_wait3A_519 = arith.constant 6 : i32
      %dma_wait3A_520 = arith.constant 0 : i32
      %dma_wait3A_521 = tpu.memref_slice %arg8[%dma_wait3A_519, %dma_wait3A_520] : memref<10x100xi32, #tpu.memory_space<vmem>> -> memref<1x100xi32, #tpu.memory_space<vmem>>
      %dma_wait3A_522 = tpu.memref_squeeze %dma_wait3A_521 : memref<1x100xi32, #tpu.memory_space<vmem>> -> memref<100xi32, #tpu.memory_space<vmem>>
      %dma_wait3A_523 = arith.constant 0 : i32
      %dma_wait3A_524 = arith.constant 0 : i32
      %dma_wait3A_525 = tpu.memref_slice %arg12[%dma_wait3A_523, %dma_wait3A_524] : memref<10240x128xf32, #tpu.memory_space<vmem_shared>> -> memref<10240x128xf32, #tpu.memory_space<vmem_shared>>
      tpu.wait_indirect_dma semaphore(%arg15 : memref<!tpu.dma_semaphore, #tpu.memory_space<semaphore_mem>>) src(%arg9 : memref<100x128xf32, #tpu.memory_space<vmem>>) dst(%dma_wait3A_525 : memref<10240x128xf32, #tpu.memory_space<vmem_shared>>)
      %dma_start3A_526 = arith.constant 8 : i32
      %dma_start3A_527 = arith.constant 0 : i32
      %dma_start3A_528 = tpu.memref_slice %arg7[%dma_start3A_526, %dma_start3A_527] : memref<10x100xi32, #tpu.memory_space<vmem>> -> memref<1x100xi32, #tpu.memory_space<vmem>>
      %dma_start3A_529 = tpu.memref_squeeze %dma_start3A_528 : memref<1x100xi32, #tpu.memory_space<vmem>> -> memref<100xi32, #tpu.memory_space<vmem>>
      %dma_start3A_530 = arith.constant 0 : i32
      %dma_start3A_531 = arith.constant 0 : i32
      %dma_start3A_532 = tpu.memref_slice %arg2[%dma_start3A_530, %dma_start3A_531] : memref<10000x128xf32, #tpu.memory_space<hbm>> -> memref<10000x128xf32, #tpu.memory_space<hbm>>
      tpu.enqueue_indirect_dma source(%dma_start3A_532 : memref<10000x128xf32, #tpu.memory_space<hbm>>) target(%arg9 : memref<100x128xf32, #tpu.memory_space<vmem>>) offsets(%dma_start3A_529 : memref<100xi32, #tpu.memory_space<vmem>>) semaphore(%arg13 : memref<!tpu.dma_semaphore, #tpu.memory_space<semaphore_mem>>)
      %dma_wait3A_533 = arith.constant 8 : i32
      %dma_wait3A_534 = arith.constant 0 : i32
      %dma_wait3A_535 = tpu.memref_slice %arg7[%dma_wait3A_533, %dma_wait3A_534] : memref<10x100xi32, #tpu.memory_space<vmem>> -> memref<1x100xi32, #tpu.memory_space<vmem>>
      %dma_wait3A_536 = tpu.memref_squeeze %dma_wait3A_535 : memref<1x100xi32, #tpu.memory_space<vmem>> -> memref<100xi32, #tpu.memory_space<vmem>>
      %dma_wait3A_537 = arith.constant 0 : i32
      %dma_wait3A_538 = arith.constant 0 : i32
      %dma_wait3A_539 = tpu.memref_slice %arg2[%dma_wait3A_537, %dma_wait3A_538] : memref<10000x128xf32, #tpu.memory_space<hbm>> -> memref<10000x128xf32, #tpu.memory_space<hbm>>
      tpu.wait_indirect_dma semaphore(%arg13 : memref<!tpu.dma_semaphore, #tpu.memory_space<semaphore_mem>>) src(%dma_wait3A_539 : memref<10000x128xf32, #tpu.memory_space<hbm>>) dst(%arg9 : memref<100x128xf32, #tpu.memory_space<vmem>>)
      %dma_start3A_540 = arith.constant 8 : i32
      %dma_start3A_541 = arith.constant 0 : i32
      %dma_start3A_542 = tpu.memref_slice %arg8[%dma_start3A_540, %dma_start3A_541] : memref<10x100xi32, #tpu.memory_space<vmem>> -> memref<1x100xi32, #tpu.memory_space<vmem>>
      %dma_start3A_543 = tpu.memref_squeeze %dma_start3A_542 : memref<1x100xi32, #tpu.memory_space<vmem>> -> memref<100xi32, #tpu.memory_space<vmem>>
      %dma_start3A_544 = arith.constant 0 : i32
      %dma_start3A_545 = arith.constant 0 : i32
      %dma_start3A_546 = tpu.memref_slice %arg12[%dma_start3A_544, %dma_start3A_545] : memref<10240x128xf32, #tpu.memory_space<vmem_shared>> -> memref<10240x128xf32, #tpu.memory_space<vmem_shared>>
      tpu.enqueue_indirect_dma source(%arg9 : memref<100x128xf32, #tpu.memory_space<vmem>>) target(%dma_start3A_546 : memref<10240x128xf32, #tpu.memory_space<vmem_shared>>) offsets(%dma_start3A_543 : memref<100xi32, #tpu.memory_space<vmem>>) semaphore(%arg15 : memref<!tpu.dma_semaphore, #tpu.memory_space<semaphore_mem>>) {add = true}
      %dma_wait3A_547 = arith.constant 7 : i32
      %dma_wait3A_548 = arith.constant 0 : i32
      %dma_wait3A_549 = tpu.memref_slice %arg8[%dma_wait3A_547, %dma_wait3A_548] : memref<10x100xi32, #tpu.memory_space<vmem>> -> memref<1x100xi32, #tpu.memory_space<vmem>>
      %dma_wait3A_550 = tpu.memref_squeeze %dma_wait3A_549 : memref<1x100xi32, #tpu.memory_space<vmem>> -> memref<100xi32, #tpu.memory_space<vmem>>
      %dma_wait3A_551 = arith.constant 0 : i32
      %dma_wait3A_552 = arith.constant 0 : i32
      %dma_wait3A_553 = tpu.memref_slice %arg12[%dma_wait3A_551, %dma_wait3A_552] : memref<10240x128xf32, #tpu.memory_space<vmem_shared>> -> memref<10240x128xf32, #tpu.memory_space<vmem_shared>>
      tpu.wait_indirect_dma semaphore(%arg16 : memref<!tpu.dma_semaphore, #tpu.memory_space<semaphore_mem>>) src(%arg10 : memref<100x128xf32, #tpu.memory_space<vmem>>) dst(%dma_wait3A_553 : memref<10240x128xf32, #tpu.memory_space<vmem_shared>>)
      %dma_start3A_554 = arith.constant 9 : i32
      %dma_start3A_555 = arith.constant 0 : i32
      %dma_start3A_556 = tpu.memref_slice %arg7[%dma_start3A_554, %dma_start3A_555] : memref<10x100xi32, #tpu.memory_space<vmem>> -> memref<1x100xi32, #tpu.memory_space<vmem>>
      %dma_start3A_557 = tpu.memref_squeeze %dma_start3A_556 : memref<1x100xi32, #tpu.memory_space<vmem>> -> memref<100xi32, #tpu.memory_space<vmem>>
      %dma_start3A_558 = arith.constant 0 : i32
      %dma_start3A_559 = arith.constant 0 : i32
      %dma_start3A_560 = tpu.memref_slice %arg2[%dma_start3A_558, %dma_start3A_559] : memref<10000x128xf32, #tpu.memory_space<hbm>> -> memref<10000x128xf32, #tpu.memory_space<hbm>>
      tpu.enqueue_indirect_dma source(%dma_start3A_560 : memref<10000x128xf32, #tpu.memory_space<hbm>>) target(%arg10 : memref<100x128xf32, #tpu.memory_space<vmem>>) offsets(%dma_start3A_557 : memref<100xi32, #tpu.memory_space<vmem>>) semaphore(%arg14 : memref<!tpu.dma_semaphore, #tpu.memory_space<semaphore_mem>>)
      %dma_wait3A_561 = arith.constant 9 : i32
      %dma_wait3A_562 = arith.constant 0 : i32
      %dma_wait3A_563 = tpu.memref_slice %arg7[%dma_wait3A_561, %dma_wait3A_562] : memref<10x100xi32, #tpu.memory_space<vmem>> -> memref<1x100xi32, #tpu.memory_space<vmem>>
      %dma_wait3A_564 = tpu.memref_squeeze %dma_wait3A_563 : memref<1x100xi32, #tpu.memory_space<vmem>> -> memref<100xi32, #tpu.memory_space<vmem>>
      %dma_wait3A_565 = arith.constant 0 : i32
      %dma_wait3A_566 = arith.constant 0 : i32
      %dma_wait3A_567 = tpu.memref_slice %arg2[%dma_wait3A_565, %dma_wait3A_566] : memref<10000x128xf32, #tpu.memory_space<hbm>> -> memref<10000x128xf32, #tpu.memory_space<hbm>>
      tpu.wait_indirect_dma semaphore(%arg14 : memref<!tpu.dma_semaphore, #tpu.memory_space<semaphore_mem>>) src(%dma_wait3A_567 : memref<10000x128xf32, #tpu.memory_space<hbm>>) dst(%arg10 : memref<100x128xf32, #tpu.memory_space<vmem>>)
      %dma_start3A_568 = arith.constant 9 : i32
      %dma_start3A_569 = arith.constant 0 : i32
      %dma_start3A_570 = tpu.memref_slice %arg8[%dma_start3A_568, %dma_start3A_569] : memref<10x100xi32, #tpu.memory_space<vmem>> -> memref<1x100xi32, #tpu.memory_space<vmem>>
      %dma_start3A_571 = tpu.memref_squeeze %dma_start3A_570 : memref<1x100xi32, #tpu.memory_space<vmem>> -> memref<100xi32, #tpu.memory_space<vmem>>
      %dma_start3A_572 = arith.constant 0 : i32
      %dma_start3A_573 = arith.constant 0 : i32
      %dma_start3A_574 = tpu.memref_slice %arg12[%dma_start3A_572, %dma_start3A_573] : memref<10240x128xf32, #tpu.memory_space<vmem_shared>> -> memref<10240x128xf32, #tpu.memory_space<vmem_shared>>
      tpu.enqueue_indirect_dma source(%arg10 : memref<100x128xf32, #tpu.memory_space<vmem>>) target(%dma_start3A_574 : memref<10240x128xf32, #tpu.memory_space<vmem_shared>>) offsets(%dma_start3A_571 : memref<100xi32, #tpu.memory_space<vmem>>) semaphore(%arg16 : memref<!tpu.dma_semaphore, #tpu.memory_space<semaphore_mem>>) {add = true}
      %dma_wait3A_575 = arith.constant 8 : i32
      %dma_wait3A_576 = arith.constant 0 : i32
      %dma_wait3A_577 = tpu.memref_slice %arg8[%dma_wait3A_575, %dma_wait3A_576] : memref<10x100xi32, #tpu.memory_space<vmem>> -> memref<1x100xi32, #tpu.memory_space<vmem>>
      %dma_wait3A_578 = tpu.memref_squeeze %dma_wait3A_577 : memref<1x100xi32, #tpu.memory_space<vmem>> -> memref<100xi32, #tpu.memory_space<vmem>>
      %dma_wait3A_579 = arith.constant 0 : i32
      %dma_wait3A_580 = arith.constant 0 : i32
      %dma_wait3A_581 = tpu.memref_slice %arg12[%dma_wait3A_579, %dma_wait3A_580] : memref<10240x128xf32, #tpu.memory_space<vmem_shared>> -> memref<10240x128xf32, #tpu.memory_space<vmem_shared>>
      tpu.wait_indirect_dma semaphore(%arg15 : memref<!tpu.dma_semaphore, #tpu.memory_space<semaphore_mem>>) src(%arg9 : memref<100x128xf32, #tpu.memory_space<vmem>>) dst(%dma_wait3A_581 : memref<10240x128xf32, #tpu.memory_space<vmem_shared>>)
      %dma_wait3A_582 = arith.constant 9 : i32
      %dma_wait3A_583 = arith.constant 0 : i32
      %dma_wait3A_584 = tpu.memref_slice %arg8[%dma_wait3A_582, %dma_wait3A_583] : memref<10x100xi32, #tpu.memory_space<vmem>> -> memref<1x100xi32, #tpu.memory_space<vmem>>
      %dma_wait3A_585 = tpu.memref_squeeze %dma_wait3A_584 : memref<1x100xi32, #tpu.memory_space<vmem>> -> memref<100xi32, #tpu.memory_space<vmem>>
      %dma_wait3A_586 = arith.constant 0 : i32
      %dma_wait3A_587 = arith.constant 0 : i32
      %dma_wait3A_588 = tpu.memref_slice %arg12[%dma_wait3A_586, %dma_wait3A_587] : memref<10240x128xf32, #tpu.memory_space<vmem_shared>> -> memref<10240x128xf32, #tpu.memory_space<vmem_shared>>
      tpu.wait_indirect_dma semaphore(%arg16 : memref<!tpu.dma_semaphore, #tpu.memory_space<semaphore_mem>>) src(%arg10 : memref<100x128xf32, #tpu.memory_space<vmem>>) dst(%dma_wait3A_588 : memref<10240x128xf32, #tpu.memory_space<vmem_shared>>)
    }
    %scan3A_84 = arith.constant 10 : i32
    %barrier3A_85 = arith.constant 0 : index
    tpu.barrier barrier_id(%barrier3A_85)
    %mul3A_86 = arith.constant 640 : i32
    %mul3A_87 = arith.muli %arg1, %mul3A_86 : i32
    %add3A_88 = arith.constant 0 : i32
    %add3A_89 = arith.addi %mul3A_87, %add3A_88 : i32
    "tpu.region"() ({
      %run_scoped3A = tpu.sem_alloc : memref<!tpu.dma_semaphore, #tpu.memory_space<semaphore_mem>>
      %dma_start3A = arith.constant 0 : i32
      %dma_start3A_306 = tpu.memref_slice %arg12[%add3A_89, %dma_start3A] : memref<10240x128xf32, #tpu.memory_space<vmem_shared>> -> memref<32x128xf32, #tpu.memory_space<vmem_shared>>
      %dma_start3A_307 = arith.constant 0 : i32
      %dma_start3A_308 = tpu.memref_slice %arg12[%add3A_89, %dma_start3A_307] : memref<10240x128xf32, #tpu.memory_space<vmem_shared>> -> memref<32x128xf32, #tpu.memory_space<vmem_shared>>
      tpu.enqueue_dma source(%dma_start3A_308 : memref<32x128xf32, #tpu.memory_space<vmem_shared>>) target(%arg11 : memref<32x128xf32, #tpu.memory_space<vmem>>) target_semaphore(%run_scoped3A : memref<!tpu.dma_semaphore, #tpu.memory_space<semaphore_mem>>)
      %dma_wait3A = arith.constant 0 : i32
      %dma_wait3A_309 = tpu.memref_slice %arg12[%add3A_89, %dma_wait3A] : memref<10240x128xf32, #tpu.memory_space<vmem_shared>> -> memref<32x128xf32, #tpu.memory_space<vmem_shared>>
      %dma_wait3A_310 = arith.constant 0 : i32
      %dma_wait3A_311 = tpu.memref_slice %arg12[%add3A_89, %dma_wait3A_310] : memref<10240x128xf32, #tpu.memory_space<vmem_shared>> -> memref<32x128xf32, #tpu.memory_space<vmem_shared>>
      tpu.wait_dma2 semaphore(%run_scoped3A : memref<!tpu.dma_semaphore, #tpu.memory_space<semaphore_mem>>) src(%dma_wait3A_311 : memref<32x128xf32, #tpu.memory_space<vmem_shared>>) dst(%arg11 : memref<32x128xf32, #tpu.memory_space<vmem>>)
      tpu.yield
    }) : () -> ()
    %mul3A_90 = arith.constant 10240 : i32
    %mul3A_91 = arith.muli %arg0, %mul3A_90 : i32
    %mul3A_92 = arith.constant 640 : i32
    %mul3A_93 = arith.muli %arg1, %mul3A_92 : i32
    %add3A_94 = arith.addi %mul3A_91, %mul3A_93 : i32
    %add3A_95 = arith.constant 0 : i32
    %add3A_96 = arith.addi %add3A_94, %add3A_95 : i32
    "tpu.region"() ({
      %run_scoped3A = tpu.sem_alloc : memref<!tpu.dma_semaphore, #tpu.memory_space<semaphore_mem>>
      %dma_start3A = arith.constant 0 : i32
      %dma_start3A_306 = tpu.memref_slice %arg6[%add3A_96, %dma_start3A] : memref<20480x128xf32, #tpu.memory_space<hbm>> -> memref<32x128xf32, #tpu.memory_space<hbm>>
      %dma_start3A_307 = arith.constant 0 : i32
      %dma_start3A_308 = tpu.memref_slice %arg6[%add3A_96, %dma_start3A_307] : memref<20480x128xf32, #tpu.memory_space<hbm>> -> memref<32x128xf32, #tpu.memory_space<hbm>>
      tpu.enqueue_dma source(%arg11 : memref<32x128xf32, #tpu.memory_space<vmem>>) target(%dma_start3A_308 : memref<32x128xf32, #tpu.memory_space<hbm>>) target_semaphore(%run_scoped3A : memref<!tpu.dma_semaphore, #tpu.memory_space<semaphore_mem>>)
      %dma_wait3A = arith.constant 0 : i32
      %dma_wait3A_309 = tpu.memref_slice %arg6[%add3A_96, %dma_wait3A] : memref<20480x128xf32, #tpu.memory_space<hbm>> -> memref<32x128xf32, #tpu.memory_space<hbm>>
      %dma_wait3A_310 = arith.constant 0 : i32
      %dma_wait3A_311 = tpu.memref_slice %arg6[%add3A_96, %dma_wait3A_310] : memref<20480x128xf32, #tpu.memory_space<hbm>> -> memref<32x128xf32, #tpu.memory_space<hbm>>
      tpu.wait_dma2 semaphore(%run_scoped3A : memref<!tpu.dma_semaphore, #tpu.memory_space<semaphore_mem>>) src(%arg11 : memref<32x128xf32, #tpu.memory_space<vmem>>) dst(%dma_wait3A_311 : memref<32x128xf32, #tpu.memory_space<hbm>>)
      tpu.yield
    }) : () -> ()
    %mul3A_97 = arith.constant 640 : i32
    %mul3A_98 = arith.muli %arg1, %mul3A_97 : i32
    %add3A_99 = arith.constant 32 : i32
    %add3A_100 = arith.addi %mul3A_98, %add3A_99 : i32
    "tpu.region"() ({
      %run_scoped3A = tpu.sem_alloc : memref<!tpu.dma_semaphore, #tpu.memory_space<semaphore_mem>>
      %dma_start3A = arith.constant 0 : i32
      %dma_start3A_306 = tpu.memref_slice %arg12[%add3A_100, %dma_start3A] : memref<10240x128xf32, #tpu.memory_space<vmem_shared>> -> memref<32x128xf32, #tpu.memory_space<vmem_shared>>
      %dma_start3A_307 = arith.constant 0 : i32
      %dma_start3A_308 = tpu.memref_slice %arg12[%add3A_100, %dma_start3A_307] : memref<10240x128xf32, #tpu.memory_space<vmem_shared>> -> memref<32x128xf32, #tpu.memory_space<vmem_shared>>
      tpu.enqueue_dma source(%dma_start3A_308 : memref<32x128xf32, #tpu.memory_space<vmem_shared>>) target(%arg11 : memref<32x128xf32, #tpu.memory_space<vmem>>) target_semaphore(%run_scoped3A : memref<!tpu.dma_semaphore, #tpu.memory_space<semaphore_mem>>)
      %dma_wait3A = arith.constant 0 : i32
      %dma_wait3A_309 = tpu.memref_slice %arg12[%add3A_100, %dma_wait3A] : memref<10240x128xf32, #tpu.memory_space<vmem_shared>> -> memref<32x128xf32, #tpu.memory_space<vmem_shared>>
      %dma_wait3A_310 = arith.constant 0 : i32
      %dma_wait3A_311 = tpu.memref_slice %arg12[%add3A_100, %dma_wait3A_310] : memref<10240x128xf32, #tpu.memory_space<vmem_shared>> -> memref<32x128xf32, #tpu.memory_space<vmem_shared>>
      tpu.wait_dma2 semaphore(%run_scoped3A : memref<!tpu.dma_semaphore, #tpu.memory_space<semaphore_mem>>) src(%dma_wait3A_311 : memref<32x128xf32, #tpu.memory_space<vmem_shared>>) dst(%arg11 : memref<32x128xf32, #tpu.memory_space<vmem>>)
      tpu.yield
    }) : () -> ()
    %mul3A_101 = arith.constant 10240 : i32
    %mul3A_102 = arith.muli %arg0, %mul3A_101 : i32
    %mul3A_103 = arith.constant 640 : i32
    %mul3A_104 = arith.muli %arg1, %mul3A_103 : i32
    %add3A_105 = arith.addi %mul3A_102, %mul3A_104 : i32
    %add3A_106 = arith.constant 32 : i32
    %add3A_107 = arith.addi %add3A_105, %add3A_106 : i32
    "tpu.region"() ({
      %run_scoped3A = tpu.sem_alloc : memref<!tpu.dma_semaphore, #tpu.memory_space<semaphore_mem>>
      %dma_start3A = arith.constant 0 : i32
      %dma_start3A_306 = tpu.memref_slice %arg6[%add3A_107, %dma_start3A] : memref<20480x128xf32, #tpu.memory_space<hbm>> -> memref<32x128xf32, #tpu.memory_space<hbm>>
      %dma_start3A_307 = arith.constant 0 : i32
      %dma_start3A_308 = tpu.memref_slice %arg6[%add3A_107, %dma_start3A_307] : memref<20480x128xf32, #tpu.memory_space<hbm>> -> memref<32x128xf32, #tpu.memory_space<hbm>>
      tpu.enqueue_dma source(%arg11 : memref<32x128xf32, #tpu.memory_space<vmem>>) target(%dma_start3A_308 : memref<32x128xf32, #tpu.memory_space<hbm>>) target_semaphore(%run_scoped3A : memref<!tpu.dma_semaphore, #tpu.memory_space<semaphore_mem>>)
      %dma_wait3A = arith.constant 0 : i32
      %dma_wait3A_309 = tpu.memref_slice %arg6[%add3A_107, %dma_wait3A] : memref<20480x128xf32, #tpu.memory_space<hbm>> -> memref<32x128xf32, #tpu.memory_space<hbm>>
      %dma_wait3A_310 = arith.constant 0 : i32
      %dma_wait3A_311 = tpu.memref_slice %arg6[%add3A_107, %dma_wait3A_310] : memref<20480x128xf32, #tpu.memory_space<hbm>> -> memref<32x128xf32, #tpu.memory_space<hbm>>
      tpu.wait_dma2 semaphore(%run_scoped3A : memref<!tpu.dma_semaphore, #tpu.memory_space<semaphore_mem>>) src(%arg11 : memref<32x128xf32, #tpu.memory_space<vmem>>) dst(%dma_wait3A_311 : memref<32x128xf32, #tpu.memory_space<hbm>>)
      tpu.yield
    }) : () -> ()
    %mul3A_108 = arith.constant 640 : i32
    %mul3A_109 = arith.muli %arg1, %mul3A_108 : i32
    %add3A_110 = arith.constant 64 : i32
    %add3A_111 = arith.addi %mul3A_109, %add3A_110 : i32
    "tpu.region"() ({
      %run_scoped3A = tpu.sem_alloc : memref<!tpu.dma_semaphore, #tpu.memory_space<semaphore_mem>>
      %dma_start3A = arith.constant 0 : i32
      %dma_start3A_306 = tpu.memref_slice %arg12[%add3A_111, %dma_start3A] : memref<10240x128xf32, #tpu.memory_space<vmem_shared>> -> memref<32x128xf32, #tpu.memory_space<vmem_shared>>
      %dma_start3A_307 = arith.constant 0 : i32
      %dma_start3A_308 = tpu.memref_slice %arg12[%add3A_111, %dma_start3A_307] : memref<10240x128xf32, #tpu.memory_space<vmem_shared>> -> memref<32x128xf32, #tpu.memory_space<vmem_shared>>
      tpu.enqueue_dma source(%dma_start3A_308 : memref<32x128xf32, #tpu.memory_space<vmem_shared>>) target(%arg11 : memref<32x128xf32, #tpu.memory_space<vmem>>) target_semaphore(%run_scoped3A : memref<!tpu.dma_semaphore, #tpu.memory_space<semaphore_mem>>)
      %dma_wait3A = arith.constant 0 : i32
      %dma_wait3A_309 = tpu.memref_slice %arg12[%add3A_111, %dma_wait3A] : memref<10240x128xf32, #tpu.memory_space<vmem_shared>> -> memref<32x128xf32, #tpu.memory_space<vmem_shared>>
      %dma_wait3A_310 = arith.constant 0 : i32
      %dma_wait3A_311 = tpu.memref_slice %arg12[%add3A_111, %dma_wait3A_310] : memref<10240x128xf32, #tpu.memory_space<vmem_shared>> -> memref<32x128xf32, #tpu.memory_space<vmem_shared>>
      tpu.wait_dma2 semaphore(%run_scoped3A : memref<!tpu.dma_semaphore, #tpu.memory_space<semaphore_mem>>) src(%dma_wait3A_311 : memref<32x128xf32, #tpu.memory_space<vmem_shared>>) dst(%arg11 : memref<32x128xf32, #tpu.memory_space<vmem>>)
      tpu.yield
    }) : () -> ()
    %mul3A_112 = arith.constant 10240 : i32
    %mul3A_113 = arith.muli %arg0, %mul3A_112 : i32
    %mul3A_114 = arith.constant 640 : i32
    %mul3A_115 = arith.muli %arg1, %mul3A_114 : i32
    %add3A_116 = arith.addi %mul3A_113, %mul3A_115 : i32
    %add3A_117 = arith.constant 64 : i32
    %add3A_118 = arith.addi %add3A_116, %add3A_117 : i32
    "tpu.region"() ({
      %run_scoped3A = tpu.sem_alloc : memref<!tpu.dma_semaphore, #tpu.memory_space<semaphore_mem>>
      %dma_start3A = arith.constant 0 : i32
      %dma_start3A_306 = tpu.memref_slice %arg6[%add3A_118, %dma_start3A] : memref<20480x128xf32, #tpu.memory_space<hbm>> -> memref<32x128xf32, #tpu.memory_space<hbm>>
      %dma_start3A_307 = arith.constant 0 : i32
      %dma_start3A_308 = tpu.memref_slice %arg6[%add3A_118, %dma_start3A_307] : memref<20480x128xf32, #tpu.memory_space<hbm>> -> memref<32x128xf32, #tpu.memory_space<hbm>>
      tpu.enqueue_dma source(%arg11 : memref<32x128xf32, #tpu.memory_space<vmem>>) target(%dma_start3A_308 : memref<32x128xf32, #tpu.memory_space<hbm>>) target_semaphore(%run_scoped3A : memref<!tpu.dma_semaphore, #tpu.memory_space<semaphore_mem>>)
      %dma_wait3A = arith.constant 0 : i32
      %dma_wait3A_309 = tpu.memref_slice %arg6[%add3A_118, %dma_wait3A] : memref<20480x128xf32, #tpu.memory_space<hbm>> -> memref<32x128xf32, #tpu.memory_space<hbm>>
      %dma_wait3A_310 = arith.constant 0 : i32
      %dma_wait3A_311 = tpu.memref_slice %arg6[%add3A_118, %dma_wait3A_310] : memref<20480x128xf32, #tpu.memory_space<hbm>> -> memref<32x128xf32, #tpu.memory_space<hbm>>
      tpu.wait_dma2 semaphore(%run_scoped3A : memref<!tpu.dma_semaphore, #tpu.memory_space<semaphore_mem>>) src(%arg11 : memref<32x128xf32, #tpu.memory_space<vmem>>) dst(%dma_wait3A_311 : memref<32x128xf32, #tpu.memory_space<hbm>>)
      tpu.yield
    }) : () -> ()
    %mul3A_119 = arith.constant 640 : i32
    %mul3A_120 = arith.muli %arg1, %mul3A_119 : i32
    %add3A_121 = arith.constant 96 : i32
    %add3A_122 = arith.addi %mul3A_120, %add3A_121 : i32
    "tpu.region"() ({
      %run_scoped3A = tpu.sem_alloc : memref<!tpu.dma_semaphore, #tpu.memory_space<semaphore_mem>>
      %dma_start3A = arith.constant 0 : i32
      %dma_start3A_306 = tpu.memref_slice %arg12[%add3A_122, %dma_start3A] : memref<10240x128xf32, #tpu.memory_space<vmem_shared>> -> memref<32x128xf32, #tpu.memory_space<vmem_shared>>
      %dma_start3A_307 = arith.constant 0 : i32
      %dma_start3A_308 = tpu.memref_slice %arg12[%add3A_122, %dma_start3A_307] : memref<10240x128xf32, #tpu.memory_space<vmem_shared>> -> memref<32x128xf32, #tpu.memory_space<vmem_shared>>
      tpu.enqueue_dma source(%dma_start3A_308 : memref<32x128xf32, #tpu.memory_space<vmem_shared>>) target(%arg11 : memref<32x128xf32, #tpu.memory_space<vmem>>) target_semaphore(%run_scoped3A : memref<!tpu.dma_semaphore, #tpu.memory_space<semaphore_mem>>)
      %dma_wait3A = arith.constant 0 : i32
      %dma_wait3A_309 = tpu.memref_slice %arg12[%add3A_122, %dma_wait3A] : memref<10240x128xf32, #tpu.memory_space<vmem_shared>> -> memref<32x128xf32, #tpu.memory_space<vmem_shared>>
      %dma_wait3A_310 = arith.constant 0 : i32
      %dma_wait3A_311 = tpu.memref_slice %arg12[%add3A_122, %dma_wait3A_310] : memref<10240x128xf32, #tpu.memory_space<vmem_shared>> -> memref<32x128xf32, #tpu.memory_space<vmem_shared>>
      tpu.wait_dma2 semaphore(%run_scoped3A : memref<!tpu.dma_semaphore, #tpu.memory_space<semaphore_mem>>) src(%dma_wait3A_311 : memref<32x128xf32, #tpu.memory_space<vmem_shared>>) dst(%arg11 : memref<32x128xf32, #tpu.memory_space<vmem>>)
      tpu.yield
    }) : () -> ()
    %mul3A_123 = arith.constant 10240 : i32
    %mul3A_124 = arith.muli %arg0, %mul3A_123 : i32
    %mul3A_125 = arith.constant 640 : i32
    %mul3A_126 = arith.muli %arg1, %mul3A_125 : i32
    %add3A_127 = arith.addi %mul3A_124, %mul3A_126 : i32
    %add3A_128 = arith.constant 96 : i32
    %add3A_129 = arith.addi %add3A_127, %add3A_128 : i32
    "tpu.region"() ({
      %run_scoped3A = tpu.sem_alloc : memref<!tpu.dma_semaphore, #tpu.memory_space<semaphore_mem>>
      %dma_start3A = arith.constant 0 : i32
      %dma_start3A_306 = tpu.memref_slice %arg6[%add3A_129, %dma_start3A] : memref<20480x128xf32, #tpu.memory_space<hbm>> -> memref<32x128xf32, #tpu.memory_space<hbm>>
      %dma_start3A_307 = arith.constant 0 : i32
      %dma_start3A_308 = tpu.memref_slice %arg6[%add3A_129, %dma_start3A_307] : memref<20480x128xf32, #tpu.memory_space<hbm>> -> memref<32x128xf32, #tpu.memory_space<hbm>>
      tpu.enqueue_dma source(%arg11 : memref<32x128xf32, #tpu.memory_space<vmem>>) target(%dma_start3A_308 : memref<32x128xf32, #tpu.memory_space<hbm>>) target_semaphore(%run_scoped3A : memref<!tpu.dma_semaphore, #tpu.memory_space<semaphore_mem>>)
      %dma_wait3A = arith.constant 0 : i32
      %dma_wait3A_309 = tpu.memref_slice %arg6[%add3A_129, %dma_wait3A] : memref<20480x128xf32, #tpu.memory_space<hbm>> -> memref<32x128xf32, #tpu.memory_space<hbm>>
      %dma_wait3A_310 = arith.constant 0 : i32
      %dma_wait3A_311 = tpu.memref_slice %arg6[%add3A_129, %dma_wait3A_310] : memref<20480x128xf32, #tpu.memory_space<hbm>> -> memref<32x128xf32, #tpu.memory_space<hbm>>
      tpu.wait_dma2 semaphore(%run_scoped3A : memref<!tpu.dma_semaphore, #tpu.memory_space<semaphore_mem>>) src(%arg11 : memref<32x128xf32, #tpu.memory_space<vmem>>) dst(%dma_wait3A_311 : memref<32x128xf32, #tpu.memory_space<hbm>>)
      tpu.yield
    }) : () -> ()
    %mul3A_130 = arith.constant 640 : i32
    %mul3A_131 = arith.muli %arg1, %mul3A_130 : i32
    %add3A_132 = arith.constant 128 : i32
    %add3A_133 = arith.addi %mul3A_131, %add3A_132 : i32
    "tpu.region"() ({
      %run_scoped3A = tpu.sem_alloc : memref<!tpu.dma_semaphore, #tpu.memory_space<semaphore_mem>>
      %dma_start3A = arith.constant 0 : i32
      %dma_start3A_306 = tpu.memref_slice %arg12[%add3A_133, %dma_start3A] : memref<10240x128xf32, #tpu.memory_space<vmem_shared>> -> memref<32x128xf32, #tpu.memory_space<vmem_shared>>
      %dma_start3A_307 = arith.constant 0 : i32
      %dma_start3A_308 = tpu.memref_slice %arg12[%add3A_133, %dma_start3A_307] : memref<10240x128xf32, #tpu.memory_space<vmem_shared>> -> memref<32x128xf32, #tpu.memory_space<vmem_shared>>
      tpu.enqueue_dma source(%dma_start3A_308 : memref<32x128xf32, #tpu.memory_space<vmem_shared>>) target(%arg11 : memref<32x128xf32, #tpu.memory_space<vmem>>) target_semaphore(%run_scoped3A : memref<!tpu.dma_semaphore, #tpu.memory_space<semaphore_mem>>)
      %dma_wait3A = arith.constant 0 : i32
      %dma_wait3A_309 = tpu.memref_slice %arg12[%add3A_133, %dma_wait3A] : memref<10240x128xf32, #tpu.memory_space<vmem_shared>> -> memref<32x128xf32, #tpu.memory_space<vmem_shared>>
      %dma_wait3A_310 = arith.constant 0 : i32
      %dma_wait3A_311 = tpu.memref_slice %arg12[%add3A_133, %dma_wait3A_310] : memref<10240x128xf32, #tpu.memory_space<vmem_shared>> -> memref<32x128xf32, #tpu.memory_space<vmem_shared>>
      tpu.wait_dma2 semaphore(%run_scoped3A : memref<!tpu.dma_semaphore, #tpu.memory_space<semaphore_mem>>) src(%dma_wait3A_311 : memref<32x128xf32, #tpu.memory_space<vmem_shared>>) dst(%arg11 : memref<32x128xf32, #tpu.memory_space<vmem>>)
      tpu.yield
    }) : () -> ()
    %mul3A_134 = arith.constant 10240 : i32
    %mul3A_135 = arith.muli %arg0, %mul3A_134 : i32
    %mul3A_136 = arith.constant 640 : i32
    %mul3A_137 = arith.muli %arg1, %mul3A_136 : i32
    %add3A_138 = arith.addi %mul3A_135, %mul3A_137 : i32
    %add3A_139 = arith.constant 128 : i32
    %add3A_140 = arith.addi %add3A_138, %add3A_139 : i32
    "tpu.region"() ({
      %run_scoped3A = tpu.sem_alloc : memref<!tpu.dma_semaphore, #tpu.memory_space<semaphore_mem>>
      %dma_start3A = arith.constant 0 : i32
      %dma_start3A_306 = tpu.memref_slice %arg6[%add3A_140, %dma_start3A] : memref<20480x128xf32, #tpu.memory_space<hbm>> -> memref<32x128xf32, #tpu.memory_space<hbm>>
      %dma_start3A_307 = arith.constant 0 : i32
      %dma_start3A_308 = tpu.memref_slice %arg6[%add3A_140, %dma_start3A_307] : memref<20480x128xf32, #tpu.memory_space<hbm>> -> memref<32x128xf32, #tpu.memory_space<hbm>>
      tpu.enqueue_dma source(%arg11 : memref<32x128xf32, #tpu.memory_space<vmem>>) target(%dma_start3A_308 : memref<32x128xf32, #tpu.memory_space<hbm>>) target_semaphore(%run_scoped3A : memref<!tpu.dma_semaphore, #tpu.memory_space<semaphore_mem>>)
      %dma_wait3A = arith.constant 0 : i32
      %dma_wait3A_309 = tpu.memref_slice %arg6[%add3A_140, %dma_wait3A] : memref<20480x128xf32, #tpu.memory_space<hbm>> -> memref<32x128xf32, #tpu.memory_space<hbm>>
      %dma_wait3A_310 = arith.constant 0 : i32
      %dma_wait3A_311 = tpu.memref_slice %arg6[%add3A_140, %dma_wait3A_310] : memref<20480x128xf32, #tpu.memory_space<hbm>> -> memref<32x128xf32, #tpu.memory_space<hbm>>
      tpu.wait_dma2 semaphore(%run_scoped3A : memref<!tpu.dma_semaphore, #tpu.memory_space<semaphore_mem>>) src(%arg11 : memref<32x128xf32, #tpu.memory_space<vmem>>) dst(%dma_wait3A_311 : memref<32x128xf32, #tpu.memory_space<hbm>>)
      tpu.yield
    }) : () -> ()
    %mul3A_141 = arith.constant 640 : i32
    %mul3A_142 = arith.muli %arg1, %mul3A_141 : i32
    %add3A_143 = arith.constant 160 : i32
    %add3A_144 = arith.addi %mul3A_142, %add3A_143 : i32
    "tpu.region"() ({
      %run_scoped3A = tpu.sem_alloc : memref<!tpu.dma_semaphore, #tpu.memory_space<semaphore_mem>>
      %dma_start3A = arith.constant 0 : i32
      %dma_start3A_306 = tpu.memref_slice %arg12[%add3A_144, %dma_start3A] : memref<10240x128xf32, #tpu.memory_space<vmem_shared>> -> memref<32x128xf32, #tpu.memory_space<vmem_shared>>
      %dma_start3A_307 = arith.constant 0 : i32
      %dma_start3A_308 = tpu.memref_slice %arg12[%add3A_144, %dma_start3A_307] : memref<10240x128xf32, #tpu.memory_space<vmem_shared>> -> memref<32x128xf32, #tpu.memory_space<vmem_shared>>
      tpu.enqueue_dma source(%dma_start3A_308 : memref<32x128xf32, #tpu.memory_space<vmem_shared>>) target(%arg11 : memref<32x128xf32, #tpu.memory_space<vmem>>) target_semaphore(%run_scoped3A : memref<!tpu.dma_semaphore, #tpu.memory_space<semaphore_mem>>)
      %dma_wait3A = arith.constant 0 : i32
      %dma_wait3A_309 = tpu.memref_slice %arg12[%add3A_144, %dma_wait3A] : memref<10240x128xf32, #tpu.memory_space<vmem_shared>> -> memref<32x128xf32, #tpu.memory_space<vmem_shared>>
      %dma_wait3A_310 = arith.constant 0 : i32
      %dma_wait3A_311 = tpu.memref_slice %arg12[%add3A_144, %dma_wait3A_310] : memref<10240x128xf32, #tpu.memory_space<vmem_shared>> -> memref<32x128xf32, #tpu.memory_space<vmem_shared>>
      tpu.wait_dma2 semaphore(%run_scoped3A : memref<!tpu.dma_semaphore, #tpu.memory_space<semaphore_mem>>) src(%dma_wait3A_311 : memref<32x128xf32, #tpu.memory_space<vmem_shared>>) dst(%arg11 : memref<32x128xf32, #tpu.memory_space<vmem>>)
      tpu.yield
    }) : () -> ()
    %mul3A_145 = arith.constant 10240 : i32
    %mul3A_146 = arith.muli %arg0, %mul3A_145 : i32
    %mul3A_147 = arith.constant 640 : i32
    %mul3A_148 = arith.muli %arg1, %mul3A_147 : i32
    %add3A_149 = arith.addi %mul3A_146, %mul3A_148 : i32
    %add3A_150 = arith.constant 160 : i32
    %add3A_151 = arith.addi %add3A_149, %add3A_150 : i32
    "tpu.region"() ({
      %run_scoped3A = tpu.sem_alloc : memref<!tpu.dma_semaphore, #tpu.memory_space<semaphore_mem>>
      %dma_start3A = arith.constant 0 : i32
      %dma_start3A_306 = tpu.memref_slice %arg6[%add3A_151, %dma_start3A] : memref<20480x128xf32, #tpu.memory_space<hbm>> -> memref<32x128xf32, #tpu.memory_space<hbm>>
      %dma_start3A_307 = arith.constant 0 : i32
      %dma_start3A_308 = tpu.memref_slice %arg6[%add3A_151, %dma_start3A_307] : memref<20480x128xf32, #tpu.memory_space<hbm>> -> memref<32x128xf32, #tpu.memory_space<hbm>>
      tpu.enqueue_dma source(%arg11 : memref<32x128xf32, #tpu.memory_space<vmem>>) target(%dma_start3A_308 : memref<32x128xf32, #tpu.memory_space<hbm>>) target_semaphore(%run_scoped3A : memref<!tpu.dma_semaphore, #tpu.memory_space<semaphore_mem>>)
      %dma_wait3A = arith.constant 0 : i32
      %dma_wait3A_309 = tpu.memref_slice %arg6[%add3A_151, %dma_wait3A] : memref<20480x128xf32, #tpu.memory_space<hbm>> -> memref<32x128xf32, #tpu.memory_space<hbm>>
      %dma_wait3A_310 = arith.constant 0 : i32
      %dma_wait3A_311 = tpu.memref_slice %arg6[%add3A_151, %dma_wait3A_310] : memref<20480x128xf32, #tpu.memory_space<hbm>> -> memref<32x128xf32, #tpu.memory_space<hbm>>
      tpu.wait_dma2 semaphore(%run_scoped3A : memref<!tpu.dma_semaphore, #tpu.memory_space<semaphore_mem>>) src(%arg11 : memref<32x128xf32, #tpu.memory_space<vmem>>) dst(%dma_wait3A_311 : memref<32x128xf32, #tpu.memory_space<hbm>>)
      tpu.yield
    }) : () -> ()
    %mul3A_152 = arith.constant 640 : i32
    %mul3A_153 = arith.muli %arg1, %mul3A_152 : i32
    %add3A_154 = arith.constant 192 : i32
    %add3A_155 = arith.addi %mul3A_153, %add3A_154 : i32
    "tpu.region"() ({
      %run_scoped3A = tpu.sem_alloc : memref<!tpu.dma_semaphore, #tpu.memory_space<semaphore_mem>>
      %dma_start3A = arith.constant 0 : i32
      %dma_start3A_306 = tpu.memref_slice %arg12[%add3A_155, %dma_start3A] : memref<10240x128xf32, #tpu.memory_space<vmem_shared>> -> memref<32x128xf32, #tpu.memory_space<vmem_shared>>
      %dma_start3A_307 = arith.constant 0 : i32
      %dma_start3A_308 = tpu.memref_slice %arg12[%add3A_155, %dma_start3A_307] : memref<10240x128xf32, #tpu.memory_space<vmem_shared>> -> memref<32x128xf32, #tpu.memory_space<vmem_shared>>
      tpu.enqueue_dma source(%dma_start3A_308 : memref<32x128xf32, #tpu.memory_space<vmem_shared>>) target(%arg11 : memref<32x128xf32, #tpu.memory_space<vmem>>) target_semaphore(%run_scoped3A : memref<!tpu.dma_semaphore, #tpu.memory_space<semaphore_mem>>)
      %dma_wait3A = arith.constant 0 : i32
      %dma_wait3A_309 = tpu.memref_slice %arg12[%add3A_155, %dma_wait3A] : memref<10240x128xf32, #tpu.memory_space<vmem_shared>> -> memref<32x128xf32, #tpu.memory_space<vmem_shared>>
      %dma_wait3A_310 = arith.constant 0 : i32
      %dma_wait3A_311 = tpu.memref_slice %arg12[%add3A_155, %dma_wait3A_310] : memref<10240x128xf32, #tpu.memory_space<vmem_shared>> -> memref<32x128xf32, #tpu.memory_space<vmem_shared>>
      tpu.wait_dma2 semaphore(%run_scoped3A : memref<!tpu.dma_semaphore, #tpu.memory_space<semaphore_mem>>) src(%dma_wait3A_311 : memref<32x128xf32, #tpu.memory_space<vmem_shared>>) dst(%arg11 : memref<32x128xf32, #tpu.memory_space<vmem>>)
      tpu.yield
    }) : () -> ()
    %mul3A_156 = arith.constant 10240 : i32
    %mul3A_157 = arith.muli %arg0, %mul3A_156 : i32
    %mul3A_158 = arith.constant 640 : i32
    %mul3A_159 = arith.muli %arg1, %mul3A_158 : i32
    %add3A_160 = arith.addi %mul3A_157, %mul3A_159 : i32
    %add3A_161 = arith.constant 192 : i32
    %add3A_162 = arith.addi %add3A_160, %add3A_161 : i32
    "tpu.region"() ({
      %run_scoped3A = tpu.sem_alloc : memref<!tpu.dma_semaphore, #tpu.memory_space<semaphore_mem>>
      %dma_start3A = arith.constant 0 : i32
      %dma_start3A_306 = tpu.memref_slice %arg6[%add3A_162, %dma_start3A] : memref<20480x128xf32, #tpu.memory_space<hbm>> -> memref<32x128xf32, #tpu.memory_space<hbm>>
      %dma_start3A_307 = arith.constant 0 : i32
      %dma_start3A_308 = tpu.memref_slice %arg6[%add3A_162, %dma_start3A_307] : memref<20480x128xf32, #tpu.memory_space<hbm>> -> memref<32x128xf32, #tpu.memory_space<hbm>>
      tpu.enqueue_dma source(%arg11 : memref<32x128xf32, #tpu.memory_space<vmem>>) target(%dma_start3A_308 : memref<32x128xf32, #tpu.memory_space<hbm>>) target_semaphore(%run_scoped3A : memref<!tpu.dma_semaphore, #tpu.memory_space<semaphore_mem>>)
      %dma_wait3A = arith.constant 0 : i32
      %dma_wait3A_309 = tpu.memref_slice %arg6[%add3A_162, %dma_wait3A] : memref<20480x128xf32, #tpu.memory_space<hbm>> -> memref<32x128xf32, #tpu.memory_space<hbm>>
      %dma_wait3A_310 = arith.constant 0 : i32
      %dma_wait3A_311 = tpu.memref_slice %arg6[%add3A_162, %dma_wait3A_310] : memref<20480x128xf32, #tpu.memory_space<hbm>> -> memref<32x128xf32, #tpu.memory_space<hbm>>
      tpu.wait_dma2 semaphore(%run_scoped3A : memref<!tpu.dma_semaphore, #tpu.memory_space<semaphore_mem>>) src(%arg11 : memref<32x128xf32, #tpu.memory_space<vmem>>) dst(%dma_wait3A_311 : memref<32x128xf32, #tpu.memory_space<hbm>>)
      tpu.yield
    }) : () -> ()
    %mul3A_163 = arith.constant 640 : i32
    %mul3A_164 = arith.muli %arg1, %mul3A_163 : i32
    %add3A_165 = arith.constant 224 : i32
    %add3A_166 = arith.addi %mul3A_164, %add3A_165 : i32
    "tpu.region"() ({
      %run_scoped3A = tpu.sem_alloc : memref<!tpu.dma_semaphore, #tpu.memory_space<semaphore_mem>>
      %dma_start3A = arith.constant 0 : i32
      %dma_start3A_306 = tpu.memref_slice %arg12[%add3A_166, %dma_start3A] : memref<10240x128xf32, #tpu.memory_space<vmem_shared>> -> memref<32x128xf32, #tpu.memory_space<vmem_shared>>
      %dma_start3A_307 = arith.constant 0 : i32
      %dma_start3A_308 = tpu.memref_slice %arg12[%add3A_166, %dma_start3A_307] : memref<10240x128xf32, #tpu.memory_space<vmem_shared>> -> memref<32x128xf32, #tpu.memory_space<vmem_shared>>
      tpu.enqueue_dma source(%dma_start3A_308 : memref<32x128xf32, #tpu.memory_space<vmem_shared>>) target(%arg11 : memref<32x128xf32, #tpu.memory_space<vmem>>) target_semaphore(%run_scoped3A : memref<!tpu.dma_semaphore, #tpu.memory_space<semaphore_mem>>)
      %dma_wait3A = arith.constant 0 : i32
      %dma_wait3A_309 = tpu.memref_slice %arg12[%add3A_166, %dma_wait3A] : memref<10240x128xf32, #tpu.memory_space<vmem_shared>> -> memref<32x128xf32, #tpu.memory_space<vmem_shared>>
      %dma_wait3A_310 = arith.constant 0 : i32
      %dma_wait3A_311 = tpu.memref_slice %arg12[%add3A_166, %dma_wait3A_310] : memref<10240x128xf32, #tpu.memory_space<vmem_shared>> -> memref<32x128xf32, #tpu.memory_space<vmem_shared>>
      tpu.wait_dma2 semaphore(%run_scoped3A : memref<!tpu.dma_semaphore, #tpu.memory_space<semaphore_mem>>) src(%dma_wait3A_311 : memref<32x128xf32, #tpu.memory_space<vmem_shared>>) dst(%arg11 : memref<32x128xf32, #tpu.memory_space<vmem>>)
      tpu.yield
    }) : () -> ()
    %mul3A_167 = arith.constant 10240 : i32
    %mul3A_168 = arith.muli %arg0, %mul3A_167 : i32
    %mul3A_169 = arith.constant 640 : i32
    %mul3A_170 = arith.muli %arg1, %mul3A_169 : i32
    %add3A_171 = arith.addi %mul3A_168, %mul3A_170 : i32
    %add3A_172 = arith.constant 224 : i32
    %add3A_173 = arith.addi %add3A_171, %add3A_172 : i32
    "tpu.region"() ({
      %run_scoped3A = tpu.sem_alloc : memref<!tpu.dma_semaphore, #tpu.memory_space<semaphore_mem>>
      %dma_start3A = arith.constant 0 : i32
      %dma_start3A_306 = tpu.memref_slice %arg6[%add3A_173, %dma_start3A] : memref<20480x128xf32, #tpu.memory_space<hbm>> -> memref<32x128xf32, #tpu.memory_space<hbm>>
      %dma_start3A_307 = arith.constant 0 : i32
      %dma_start3A_308 = tpu.memref_slice %arg6[%add3A_173, %dma_start3A_307] : memref<20480x128xf32, #tpu.memory_space<hbm>> -> memref<32x128xf32, #tpu.memory_space<hbm>>
      tpu.enqueue_dma source(%arg11 : memref<32x128xf32, #tpu.memory_space<vmem>>) target(%dma_start3A_308 : memref<32x128xf32, #tpu.memory_space<hbm>>) target_semaphore(%run_scoped3A : memref<!tpu.dma_semaphore, #tpu.memory_space<semaphore_mem>>)
      %dma_wait3A = arith.constant 0 : i32
      %dma_wait3A_309 = tpu.memref_slice %arg6[%add3A_173, %dma_wait3A] : memref<20480x128xf32, #tpu.memory_space<hbm>> -> memref<32x128xf32, #tpu.memory_space<hbm>>
      %dma_wait3A_310 = arith.constant 0 : i32
      %dma_wait3A_311 = tpu.memref_slice %arg6[%add3A_173, %dma_wait3A_310] : memref<20480x128xf32, #tpu.memory_space<hbm>> -> memref<32x128xf32, #tpu.memory_space<hbm>>
      tpu.wait_dma2 semaphore(%run_scoped3A : memref<!tpu.dma_semaphore, #tpu.memory_space<semaphore_mem>>) src(%arg11 : memref<32x128xf32, #tpu.memory_space<vmem>>) dst(%dma_wait3A_311 : memref<32x128xf32, #tpu.memory_space<hbm>>)
      tpu.yield
    }) : () -> ()
    %mul3A_174 = arith.constant 640 : i32
    %mul3A_175 = arith.muli %arg1, %mul3A_174 : i32
    %add3A_176 = arith.constant 256 : i32
    %add3A_177 = arith.addi %mul3A_175, %add3A_176 : i32
    "tpu.region"() ({
      %run_scoped3A = tpu.sem_alloc : memref<!tpu.dma_semaphore, #tpu.memory_space<semaphore_mem>>
      %dma_start3A = arith.constant 0 : i32
      %dma_start3A_306 = tpu.memref_slice %arg12[%add3A_177, %dma_start3A] : memref<10240x128xf32, #tpu.memory_space<vmem_shared>> -> memref<32x128xf32, #tpu.memory_space<vmem_shared>>
      %dma_start3A_307 = arith.constant 0 : i32
      %dma_start3A_308 = tpu.memref_slice %arg12[%add3A_177, %dma_start3A_307] : memref<10240x128xf32, #tpu.memory_space<vmem_shared>> -> memref<32x128xf32, #tpu.memory_space<vmem_shared>>
      tpu.enqueue_dma source(%dma_start3A_308 : memref<32x128xf32, #tpu.memory_space<vmem_shared>>) target(%arg11 : memref<32x128xf32, #tpu.memory_space<vmem>>) target_semaphore(%run_scoped3A : memref<!tpu.dma_semaphore, #tpu.memory_space<semaphore_mem>>)
      %dma_wait3A = arith.constant 0 : i32
      %dma_wait3A_309 = tpu.memref_slice %arg12[%add3A_177, %dma_wait3A] : memref<10240x128xf32, #tpu.memory_space<vmem_shared>> -> memref<32x128xf32, #tpu.memory_space<vmem_shared>>
      %dma_wait3A_310 = arith.constant 0 : i32
      %dma_wait3A_311 = tpu.memref_slice %arg12[%add3A_177, %dma_wait3A_310] : memref<10240x128xf32, #tpu.memory_space<vmem_shared>> -> memref<32x128xf32, #tpu.memory_space<vmem_shared>>
      tpu.wait_dma2 semaphore(%run_scoped3A : memref<!tpu.dma_semaphore, #tpu.memory_space<semaphore_mem>>) src(%dma_wait3A_311 : memref<32x128xf32, #tpu.memory_space<vmem_shared>>) dst(%arg11 : memref<32x128xf32, #tpu.memory_space<vmem>>)
      tpu.yield
    }) : () -> ()
    %mul3A_178 = arith.constant 10240 : i32
    %mul3A_179 = arith.muli %arg0, %mul3A_178 : i32
    %mul3A_180 = arith.constant 640 : i32
    %mul3A_181 = arith.muli %arg1, %mul3A_180 : i32
    %add3A_182 = arith.addi %mul3A_179, %mul3A_181 : i32
    %add3A_183 = arith.constant 256 : i32
    %add3A_184 = arith.addi %add3A_182, %add3A_183 : i32
    "tpu.region"() ({
      %run_scoped3A = tpu.sem_alloc : memref<!tpu.dma_semaphore, #tpu.memory_space<semaphore_mem>>
      %dma_start3A = arith.constant 0 : i32
      %dma_start3A_306 = tpu.memref_slice %arg6[%add3A_184, %dma_start3A] : memref<20480x128xf32, #tpu.memory_space<hbm>> -> memref<32x128xf32, #tpu.memory_space<hbm>>
      %dma_start3A_307 = arith.constant 0 : i32
      %dma_start3A_308 = tpu.memref_slice %arg6[%add3A_184, %dma_start3A_307] : memref<20480x128xf32, #tpu.memory_space<hbm>> -> memref<32x128xf32, #tpu.memory_space<hbm>>
      tpu.enqueue_dma source(%arg11 : memref<32x128xf32, #tpu.memory_space<vmem>>) target(%dma_start3A_308 : memref<32x128xf32, #tpu.memory_space<hbm>>) target_semaphore(%run_scoped3A : memref<!tpu.dma_semaphore, #tpu.memory_space<semaphore_mem>>)
      %dma_wait3A = arith.constant 0 : i32
      %dma_wait3A_309 = tpu.memref_slice %arg6[%add3A_184, %dma_wait3A] : memref<20480x128xf32, #tpu.memory_space<hbm>> -> memref<32x128xf32, #tpu.memory_space<hbm>>
      %dma_wait3A_310 = arith.constant 0 : i32
      %dma_wait3A_311 = tpu.memref_slice %arg6[%add3A_184, %dma_wait3A_310] : memref<20480x128xf32, #tpu.memory_space<hbm>> -> memref<32x128xf32, #tpu.memory_space<hbm>>
      tpu.wait_dma2 semaphore(%run_scoped3A : memref<!tpu.dma_semaphore, #tpu.memory_space<semaphore_mem>>) src(%arg11 : memref<32x128xf32, #tpu.memory_space<vmem>>) dst(%dma_wait3A_311 : memref<32x128xf32, #tpu.memory_space<hbm>>)
      tpu.yield
    }) : () -> ()
    %mul3A_185 = arith.constant 640 : i32
    %mul3A_186 = arith.muli %arg1, %mul3A_185 : i32
    %add3A_187 = arith.constant 288 : i32
    %add3A_188 = arith.addi %mul3A_186, %add3A_187 : i32
    "tpu.region"() ({
      %run_scoped3A = tpu.sem_alloc : memref<!tpu.dma_semaphore, #tpu.memory_space<semaphore_mem>>
      %dma_start3A = arith.constant 0 : i32
      %dma_start3A_306 = tpu.memref_slice %arg12[%add3A_188, %dma_start3A] : memref<10240x128xf32, #tpu.memory_space<vmem_shared>> -> memref<32x128xf32, #tpu.memory_space<vmem_shared>>
      %dma_start3A_307 = arith.constant 0 : i32
      %dma_start3A_308 = tpu.memref_slice %arg12[%add3A_188, %dma_start3A_307] : memref<10240x128xf32, #tpu.memory_space<vmem_shared>> -> memref<32x128xf32, #tpu.memory_space<vmem_shared>>
      tpu.enqueue_dma source(%dma_start3A_308 : memref<32x128xf32, #tpu.memory_space<vmem_shared>>) target(%arg11 : memref<32x128xf32, #tpu.memory_space<vmem>>) target_semaphore(%run_scoped3A : memref<!tpu.dma_semaphore, #tpu.memory_space<semaphore_mem>>)
      %dma_wait3A = arith.constant 0 : i32
      %dma_wait3A_309 = tpu.memref_slice %arg12[%add3A_188, %dma_wait3A] : memref<10240x128xf32, #tpu.memory_space<vmem_shared>> -> memref<32x128xf32, #tpu.memory_space<vmem_shared>>
      %dma_wait3A_310 = arith.constant 0 : i32
      %dma_wait3A_311 = tpu.memref_slice %arg12[%add3A_188, %dma_wait3A_310] : memref<10240x128xf32, #tpu.memory_space<vmem_shared>> -> memref<32x128xf32, #tpu.memory_space<vmem_shared>>
      tpu.wait_dma2 semaphore(%run_scoped3A : memref<!tpu.dma_semaphore, #tpu.memory_space<semaphore_mem>>) src(%dma_wait3A_311 : memref<32x128xf32, #tpu.memory_space<vmem_shared>>) dst(%arg11 : memref<32x128xf32, #tpu.memory_space<vmem>>)
      tpu.yield
    }) : () -> ()
    %mul3A_189 = arith.constant 10240 : i32
    %mul3A_190 = arith.muli %arg0, %mul3A_189 : i32
    %mul3A_191 = arith.constant 640 : i32
    %mul3A_192 = arith.muli %arg1, %mul3A_191 : i32
    %add3A_193 = arith.addi %mul3A_190, %mul3A_192 : i32
    %add3A_194 = arith.constant 288 : i32
    %add3A_195 = arith.addi %add3A_193, %add3A_194 : i32
    "tpu.region"() ({
      %run_scoped3A = tpu.sem_alloc : memref<!tpu.dma_semaphore, #tpu.memory_space<semaphore_mem>>
      %dma_start3A = arith.constant 0 : i32
      %dma_start3A_306 = tpu.memref_slice %arg6[%add3A_195, %dma_start3A] : memref<20480x128xf32, #tpu.memory_space<hbm>> -> memref<32x128xf32, #tpu.memory_space<hbm>>
      %dma_start3A_307 = arith.constant 0 : i32
      %dma_start3A_308 = tpu.memref_slice %arg6[%add3A_195, %dma_start3A_307] : memref<20480x128xf32, #tpu.memory_space<hbm>> -> memref<32x128xf32, #tpu.memory_space<hbm>>
      tpu.enqueue_dma source(%arg11 : memref<32x128xf32, #tpu.memory_space<vmem>>) target(%dma_start3A_308 : memref<32x128xf32, #tpu.memory_space<hbm>>) target_semaphore(%run_scoped3A : memref<!tpu.dma_semaphore, #tpu.memory_space<semaphore_mem>>)
      %dma_wait3A = arith.constant 0 : i32
      %dma_wait3A_309 = tpu.memref_slice %arg6[%add3A_195, %dma_wait3A] : memref<20480x128xf32, #tpu.memory_space<hbm>> -> memref<32x128xf32, #tpu.memory_space<hbm>>
      %dma_wait3A_310 = arith.constant 0 : i32
      %dma_wait3A_311 = tpu.memref_slice %arg6[%add3A_195, %dma_wait3A_310] : memref<20480x128xf32, #tpu.memory_space<hbm>> -> memref<32x128xf32, #tpu.memory_space<hbm>>
      tpu.wait_dma2 semaphore(%run_scoped3A : memref<!tpu.dma_semaphore, #tpu.memory_space<semaphore_mem>>) src(%arg11 : memref<32x128xf32, #tpu.memory_space<vmem>>) dst(%dma_wait3A_311 : memref<32x128xf32, #tpu.memory_space<hbm>>)
      tpu.yield
    }) : () -> ()
    %mul3A_196 = arith.constant 640 : i32
    %mul3A_197 = arith.muli %arg1, %mul3A_196 : i32
    %add3A_198 = arith.constant 320 : i32
    %add3A_199 = arith.addi %mul3A_197, %add3A_198 : i32
    "tpu.region"() ({
      %run_scoped3A = tpu.sem_alloc : memref<!tpu.dma_semaphore, #tpu.memory_space<semaphore_mem>>
      %dma_start3A = arith.constant 0 : i32
      %dma_start3A_306 = tpu.memref_slice %arg12[%add3A_199, %dma_start3A] : memref<10240x128xf32, #tpu.memory_space<vmem_shared>> -> memref<32x128xf32, #tpu.memory_space<vmem_shared>>
      %dma_start3A_307 = arith.constant 0 : i32
      %dma_start3A_308 = tpu.memref_slice %arg12[%add3A_199, %dma_start3A_307] : memref<10240x128xf32, #tpu.memory_space<vmem_shared>> -> memref<32x128xf32, #tpu.memory_space<vmem_shared>>
      tpu.enqueue_dma source(%dma_start3A_308 : memref<32x128xf32, #tpu.memory_space<vmem_shared>>) target(%arg11 : memref<32x128xf32, #tpu.memory_space<vmem>>) target_semaphore(%run_scoped3A : memref<!tpu.dma_semaphore, #tpu.memory_space<semaphore_mem>>)
      %dma_wait3A = arith.constant 0 : i32
      %dma_wait3A_309 = tpu.memref_slice %arg12[%add3A_199, %dma_wait3A] : memref<10240x128xf32, #tpu.memory_space<vmem_shared>> -> memref<32x128xf32, #tpu.memory_space<vmem_shared>>
      %dma_wait3A_310 = arith.constant 0 : i32
      %dma_wait3A_311 = tpu.memref_slice %arg12[%add3A_199, %dma_wait3A_310] : memref<10240x128xf32, #tpu.memory_space<vmem_shared>> -> memref<32x128xf32, #tpu.memory_space<vmem_shared>>
      tpu.wait_dma2 semaphore(%run_scoped3A : memref<!tpu.dma_semaphore, #tpu.memory_space<semaphore_mem>>) src(%dma_wait3A_311 : memref<32x128xf32, #tpu.memory_space<vmem_shared>>) dst(%arg11 : memref<32x128xf32, #tpu.memory_space<vmem>>)
      tpu.yield
    }) : () -> ()
    %mul3A_200 = arith.constant 10240 : i32
    %mul3A_201 = arith.muli %arg0, %mul3A_200 : i32
    %mul3A_202 = arith.constant 640 : i32
    %mul3A_203 = arith.muli %arg1, %mul3A_202 : i32
    %add3A_204 = arith.addi %mul3A_201, %mul3A_203 : i32
    %add3A_205 = arith.constant 320 : i32
    %add3A_206 = arith.addi %add3A_204, %add3A_205 : i32
    "tpu.region"() ({
      %run_scoped3A = tpu.sem_alloc : memref<!tpu.dma_semaphore, #tpu.memory_space<semaphore_mem>>
      %dma_start3A = arith.constant 0 : i32
      %dma_start3A_306 = tpu.memref_slice %arg6[%add3A_206, %dma_start3A] : memref<20480x128xf32, #tpu.memory_space<hbm>> -> memref<32x128xf32, #tpu.memory_space<hbm>>
      %dma_start3A_307 = arith.constant 0 : i32
      %dma_start3A_308 = tpu.memref_slice %arg6[%add3A_206, %dma_start3A_307] : memref<20480x128xf32, #tpu.memory_space<hbm>> -> memref<32x128xf32, #tpu.memory_space<hbm>>
      tpu.enqueue_dma source(%arg11 : memref<32x128xf32, #tpu.memory_space<vmem>>) target(%dma_start3A_308 : memref<32x128xf32, #tpu.memory_space<hbm>>) target_semaphore(%run_scoped3A : memref<!tpu.dma_semaphore, #tpu.memory_space<semaphore_mem>>)
      %dma_wait3A = arith.constant 0 : i32
      %dma_wait3A_309 = tpu.memref_slice %arg6[%add3A_206, %dma_wait3A] : memref<20480x128xf32, #tpu.memory_space<hbm>> -> memref<32x128xf32, #tpu.memory_space<hbm>>
      %dma_wait3A_310 = arith.constant 0 : i32
      %dma_wait3A_311 = tpu.memref_slice %arg6[%add3A_206, %dma_wait3A_310] : memref<20480x128xf32, #tpu.memory_space<hbm>> -> memref<32x128xf32, #tpu.memory_space<hbm>>
      tpu.wait_dma2 semaphore(%run_scoped3A : memref<!tpu.dma_semaphore, #tpu.memory_space<semaphore_mem>>) src(%arg11 : memref<32x128xf32, #tpu.memory_space<vmem>>) dst(%dma_wait3A_311 : memref<32x128xf32, #tpu.memory_space<hbm>>)
      tpu.yield
    }) : () -> ()
    %mul3A_207 = arith.constant 640 : i32
    %mul3A_208 = arith.muli %arg1, %mul3A_207 : i32
    %add3A_209 = arith.constant 352 : i32
    %add3A_210 = arith.addi %mul3A_208, %add3A_209 : i32
    "tpu.region"() ({
      %run_scoped3A = tpu.sem_alloc : memref<!tpu.dma_semaphore, #tpu.memory_space<semaphore_mem>>
      %dma_start3A = arith.constant 0 : i32
      %dma_start3A_306 = tpu.memref_slice %arg12[%add3A_210, %dma_start3A] : memref<10240x128xf32, #tpu.memory_space<vmem_shared>> -> memref<32x128xf32, #tpu.memory_space<vmem_shared>>
      %dma_start3A_307 = arith.constant 0 : i32
      %dma_start3A_308 = tpu.memref_slice %arg12[%add3A_210, %dma_start3A_307] : memref<10240x128xf32, #tpu.memory_space<vmem_shared>> -> memref<32x128xf32, #tpu.memory_space<vmem_shared>>
      tpu.enqueue_dma source(%dma_start3A_308 : memref<32x128xf32, #tpu.memory_space<vmem_shared>>) target(%arg11 : memref<32x128xf32, #tpu.memory_space<vmem>>) target_semaphore(%run_scoped3A : memref<!tpu.dma_semaphore, #tpu.memory_space<semaphore_mem>>)
      %dma_wait3A = arith.constant 0 : i32
      %dma_wait3A_309 = tpu.memref_slice %arg12[%add3A_210, %dma_wait3A] : memref<10240x128xf32, #tpu.memory_space<vmem_shared>> -> memref<32x128xf32, #tpu.memory_space<vmem_shared>>
      %dma_wait3A_310 = arith.constant 0 : i32
      %dma_wait3A_311 = tpu.memref_slice %arg12[%add3A_210, %dma_wait3A_310] : memref<10240x128xf32, #tpu.memory_space<vmem_shared>> -> memref<32x128xf32, #tpu.memory_space<vmem_shared>>
      tpu.wait_dma2 semaphore(%run_scoped3A : memref<!tpu.dma_semaphore, #tpu.memory_space<semaphore_mem>>) src(%dma_wait3A_311 : memref<32x128xf32, #tpu.memory_space<vmem_shared>>) dst(%arg11 : memref<32x128xf32, #tpu.memory_space<vmem>>)
      tpu.yield
    }) : () -> ()
    %mul3A_211 = arith.constant 10240 : i32
    %mul3A_212 = arith.muli %arg0, %mul3A_211 : i32
    %mul3A_213 = arith.constant 640 : i32
    %mul3A_214 = arith.muli %arg1, %mul3A_213 : i32
    %add3A_215 = arith.addi %mul3A_212, %mul3A_214 : i32
    %add3A_216 = arith.constant 352 : i32
    %add3A_217 = arith.addi %add3A_215, %add3A_216 : i32
    "tpu.region"() ({
      %run_scoped3A = tpu.sem_alloc : memref<!tpu.dma_semaphore, #tpu.memory_space<semaphore_mem>>
      %dma_start3A = arith.constant 0 : i32
      %dma_start3A_306 = tpu.memref_slice %arg6[%add3A_217, %dma_start3A] : memref<20480x128xf32, #tpu.memory_space<hbm>> -> memref<32x128xf32, #tpu.memory_space<hbm>>
      %dma_start3A_307 = arith.constant 0 : i32
      %dma_start3A_308 = tpu.memref_slice %arg6[%add3A_217, %dma_start3A_307] : memref<20480x128xf32, #tpu.memory_space<hbm>> -> memref<32x128xf32, #tpu.memory_space<hbm>>
      tpu.enqueue_dma source(%arg11 : memref<32x128xf32, #tpu.memory_space<vmem>>) target(%dma_start3A_308 : memref<32x128xf32, #tpu.memory_space<hbm>>) target_semaphore(%run_scoped3A : memref<!tpu.dma_semaphore, #tpu.memory_space<semaphore_mem>>)
      %dma_wait3A = arith.constant 0 : i32
      %dma_wait3A_309 = tpu.memref_slice %arg6[%add3A_217, %dma_wait3A] : memref<20480x128xf32, #tpu.memory_space<hbm>> -> memref<32x128xf32, #tpu.memory_space<hbm>>
      %dma_wait3A_310 = arith.constant 0 : i32
      %dma_wait3A_311 = tpu.memref_slice %arg6[%add3A_217, %dma_wait3A_310] : memref<20480x128xf32, #tpu.memory_space<hbm>> -> memref<32x128xf32, #tpu.memory_space<hbm>>
      tpu.wait_dma2 semaphore(%run_scoped3A : memref<!tpu.dma_semaphore, #tpu.memory_space<semaphore_mem>>) src(%arg11 : memref<32x128xf32, #tpu.memory_space<vmem>>) dst(%dma_wait3A_311 : memref<32x128xf32, #tpu.memory_space<hbm>>)
      tpu.yield
    }) : () -> ()
    %mul3A_218 = arith.constant 640 : i32
    %mul3A_219 = arith.muli %arg1, %mul3A_218 : i32
    %add3A_220 = arith.constant 384 : i32
    %add3A_221 = arith.addi %mul3A_219, %add3A_220 : i32
    "tpu.region"() ({
      %run_scoped3A = tpu.sem_alloc : memref<!tpu.dma_semaphore, #tpu.memory_space<semaphore_mem>>
      %dma_start3A = arith.constant 0 : i32
      %dma_start3A_306 = tpu.memref_slice %arg12[%add3A_221, %dma_start3A] : memref<10240x128xf32, #tpu.memory_space<vmem_shared>> -> memref<32x128xf32, #tpu.memory_space<vmem_shared>>
      %dma_start3A_307 = arith.constant 0 : i32
      %dma_start3A_308 = tpu.memref_slice %arg12[%add3A_221, %dma_start3A_307] : memref<10240x128xf32, #tpu.memory_space<vmem_shared>> -> memref<32x128xf32, #tpu.memory_space<vmem_shared>>
      tpu.enqueue_dma source(%dma_start3A_308 : memref<32x128xf32, #tpu.memory_space<vmem_shared>>) target(%arg11 : memref<32x128xf32, #tpu.memory_space<vmem>>) target_semaphore(%run_scoped3A : memref<!tpu.dma_semaphore, #tpu.memory_space<semaphore_mem>>)
      %dma_wait3A = arith.constant 0 : i32
      %dma_wait3A_309 = tpu.memref_slice %arg12[%add3A_221, %dma_wait3A] : memref<10240x128xf32, #tpu.memory_space<vmem_shared>> -> memref<32x128xf32, #tpu.memory_space<vmem_shared>>
      %dma_wait3A_310 = arith.constant 0 : i32
      %dma_wait3A_311 = tpu.memref_slice %arg12[%add3A_221, %dma_wait3A_310] : memref<10240x128xf32, #tpu.memory_space<vmem_shared>> -> memref<32x128xf32, #tpu.memory_space<vmem_shared>>
      tpu.wait_dma2 semaphore(%run_scoped3A : memref<!tpu.dma_semaphore, #tpu.memory_space<semaphore_mem>>) src(%dma_wait3A_311 : memref<32x128xf32, #tpu.memory_space<vmem_shared>>) dst(%arg11 : memref<32x128xf32, #tpu.memory_space<vmem>>)
      tpu.yield
    }) : () -> ()
    %mul3A_222 = arith.constant 10240 : i32
    %mul3A_223 = arith.muli %arg0, %mul3A_222 : i32
    %mul3A_224 = arith.constant 640 : i32
    %mul3A_225 = arith.muli %arg1, %mul3A_224 : i32
    %add3A_226 = arith.addi %mul3A_223, %mul3A_225 : i32
    %add3A_227 = arith.constant 384 : i32
    %add3A_228 = arith.addi %add3A_226, %add3A_227 : i32
    "tpu.region"() ({
      %run_scoped3A = tpu.sem_alloc : memref<!tpu.dma_semaphore, #tpu.memory_space<semaphore_mem>>
      %dma_start3A = arith.constant 0 : i32
      %dma_start3A_306 = tpu.memref_slice %arg6[%add3A_228, %dma_start3A] : memref<20480x128xf32, #tpu.memory_space<hbm>> -> memref<32x128xf32, #tpu.memory_space<hbm>>
      %dma_start3A_307 = arith.constant 0 : i32
      %dma_start3A_308 = tpu.memref_slice %arg6[%add3A_228, %dma_start3A_307] : memref<20480x128xf32, #tpu.memory_space<hbm>> -> memref<32x128xf32, #tpu.memory_space<hbm>>
      tpu.enqueue_dma source(%arg11 : memref<32x128xf32, #tpu.memory_space<vmem>>) target(%dma_start3A_308 : memref<32x128xf32, #tpu.memory_space<hbm>>) target_semaphore(%run_scoped3A : memref<!tpu.dma_semaphore, #tpu.memory_space<semaphore_mem>>)
      %dma_wait3A = arith.constant 0 : i32
      %dma_wait3A_309 = tpu.memref_slice %arg6[%add3A_228, %dma_wait3A] : memref<20480x128xf32, #tpu.memory_space<hbm>> -> memref<32x128xf32, #tpu.memory_space<hbm>>
      %dma_wait3A_310 = arith.constant 0 : i32
      %dma_wait3A_311 = tpu.memref_slice %arg6[%add3A_228, %dma_wait3A_310] : memref<20480x128xf32, #tpu.memory_space<hbm>> -> memref<32x128xf32, #tpu.memory_space<hbm>>
      tpu.wait_dma2 semaphore(%run_scoped3A : memref<!tpu.dma_semaphore, #tpu.memory_space<semaphore_mem>>) src(%arg11 : memref<32x128xf32, #tpu.memory_space<vmem>>) dst(%dma_wait3A_311 : memref<32x128xf32, #tpu.memory_space<hbm>>)
      tpu.yield
    }) : () -> ()
    %mul3A_229 = arith.constant 640 : i32
    %mul3A_230 = arith.muli %arg1, %mul3A_229 : i32
    %add3A_231 = arith.constant 416 : i32
    %add3A_232 = arith.addi %mul3A_230, %add3A_231 : i32
    "tpu.region"() ({
      %run_scoped3A = tpu.sem_alloc : memref<!tpu.dma_semaphore, #tpu.memory_space<semaphore_mem>>
      %dma_start3A = arith.constant 0 : i32
      %dma_start3A_306 = tpu.memref_slice %arg12[%add3A_232, %dma_start3A] : memref<10240x128xf32, #tpu.memory_space<vmem_shared>> -> memref<32x128xf32, #tpu.memory_space<vmem_shared>>
      %dma_start3A_307 = arith.constant 0 : i32
      %dma_start3A_308 = tpu.memref_slice %arg12[%add3A_232, %dma_start3A_307] : memref<10240x128xf32, #tpu.memory_space<vmem_shared>> -> memref<32x128xf32, #tpu.memory_space<vmem_shared>>
      tpu.enqueue_dma source(%dma_start3A_308 : memref<32x128xf32, #tpu.memory_space<vmem_shared>>) target(%arg11 : memref<32x128xf32, #tpu.memory_space<vmem>>) target_semaphore(%run_scoped3A : memref<!tpu.dma_semaphore, #tpu.memory_space<semaphore_mem>>)
      %dma_wait3A = arith.constant 0 : i32
      %dma_wait3A_309 = tpu.memref_slice %arg12[%add3A_232, %dma_wait3A] : memref<10240x128xf32, #tpu.memory_space<vmem_shared>> -> memref<32x128xf32, #tpu.memory_space<vmem_shared>>
      %dma_wait3A_310 = arith.constant 0 : i32
      %dma_wait3A_311 = tpu.memref_slice %arg12[%add3A_232, %dma_wait3A_310] : memref<10240x128xf32, #tpu.memory_space<vmem_shared>> -> memref<32x128xf32, #tpu.memory_space<vmem_shared>>
      tpu.wait_dma2 semaphore(%run_scoped3A : memref<!tpu.dma_semaphore, #tpu.memory_space<semaphore_mem>>) src(%dma_wait3A_311 : memref<32x128xf32, #tpu.memory_space<vmem_shared>>) dst(%arg11 : memref<32x128xf32, #tpu.memory_space<vmem>>)
      tpu.yield
    }) : () -> ()
    %mul3A_233 = arith.constant 10240 : i32
    %mul3A_234 = arith.muli %arg0, %mul3A_233 : i32
    %mul3A_235 = arith.constant 640 : i32
    %mul3A_236 = arith.muli %arg1, %mul3A_235 : i32
    %add3A_237 = arith.addi %mul3A_234, %mul3A_236 : i32
    %add3A_238 = arith.constant 416 : i32
    %add3A_239 = arith.addi %add3A_237, %add3A_238 : i32
    "tpu.region"() ({
      %run_scoped3A = tpu.sem_alloc : memref<!tpu.dma_semaphore, #tpu.memory_space<semaphore_mem>>
      %dma_start3A = arith.constant 0 : i32
      %dma_start3A_306 = tpu.memref_slice %arg6[%add3A_239, %dma_start3A] : memref<20480x128xf32, #tpu.memory_space<hbm>> -> memref<32x128xf32, #tpu.memory_space<hbm>>
      %dma_start3A_307 = arith.constant 0 : i32
      %dma_start3A_308 = tpu.memref_slice %arg6[%add3A_239, %dma_start3A_307] : memref<20480x128xf32, #tpu.memory_space<hbm>> -> memref<32x128xf32, #tpu.memory_space<hbm>>
      tpu.enqueue_dma source(%arg11 : memref<32x128xf32, #tpu.memory_space<vmem>>) target(%dma_start3A_308 : memref<32x128xf32, #tpu.memory_space<hbm>>) target_semaphore(%run_scoped3A : memref<!tpu.dma_semaphore, #tpu.memory_space<semaphore_mem>>)
      %dma_wait3A = arith.constant 0 : i32
      %dma_wait3A_309 = tpu.memref_slice %arg6[%add3A_239, %dma_wait3A] : memref<20480x128xf32, #tpu.memory_space<hbm>> -> memref<32x128xf32, #tpu.memory_space<hbm>>
      %dma_wait3A_310 = arith.constant 0 : i32
      %dma_wait3A_311 = tpu.memref_slice %arg6[%add3A_239, %dma_wait3A_310] : memref<20480x128xf32, #tpu.memory_space<hbm>> -> memref<32x128xf32, #tpu.memory_space<hbm>>
      tpu.wait_dma2 semaphore(%run_scoped3A : memref<!tpu.dma_semaphore, #tpu.memory_space<semaphore_mem>>) src(%arg11 : memref<32x128xf32, #tpu.memory_space<vmem>>) dst(%dma_wait3A_311 : memref<32x128xf32, #tpu.memory_space<hbm>>)
      tpu.yield
    }) : () -> ()
    %mul3A_240 = arith.constant 640 : i32
    %mul3A_241 = arith.muli %arg1, %mul3A_240 : i32
    %add3A_242 = arith.constant 448 : i32
    %add3A_243 = arith.addi %mul3A_241, %add3A_242 : i32
    "tpu.region"() ({
      %run_scoped3A = tpu.sem_alloc : memref<!tpu.dma_semaphore, #tpu.memory_space<semaphore_mem>>
      %dma_start3A = arith.constant 0 : i32
      %dma_start3A_306 = tpu.memref_slice %arg12[%add3A_243, %dma_start3A] : memref<10240x128xf32, #tpu.memory_space<vmem_shared>> -> memref<32x128xf32, #tpu.memory_space<vmem_shared>>
      %dma_start3A_307 = arith.constant 0 : i32
      %dma_start3A_308 = tpu.memref_slice %arg12[%add3A_243, %dma_start3A_307] : memref<10240x128xf32, #tpu.memory_space<vmem_shared>> -> memref<32x128xf32, #tpu.memory_space<vmem_shared>>
      tpu.enqueue_dma source(%dma_start3A_308 : memref<32x128xf32, #tpu.memory_space<vmem_shared>>) target(%arg11 : memref<32x128xf32, #tpu.memory_space<vmem>>) target_semaphore(%run_scoped3A : memref<!tpu.dma_semaphore, #tpu.memory_space<semaphore_mem>>)
      %dma_wait3A = arith.constant 0 : i32
      %dma_wait3A_309 = tpu.memref_slice %arg12[%add3A_243, %dma_wait3A] : memref<10240x128xf32, #tpu.memory_space<vmem_shared>> -> memref<32x128xf32, #tpu.memory_space<vmem_shared>>
      %dma_wait3A_310 = arith.constant 0 : i32
      %dma_wait3A_311 = tpu.memref_slice %arg12[%add3A_243, %dma_wait3A_310] : memref<10240x128xf32, #tpu.memory_space<vmem_shared>> -> memref<32x128xf32, #tpu.memory_space<vmem_shared>>
      tpu.wait_dma2 semaphore(%run_scoped3A : memref<!tpu.dma_semaphore, #tpu.memory_space<semaphore_mem>>) src(%dma_wait3A_311 : memref<32x128xf32, #tpu.memory_space<vmem_shared>>) dst(%arg11 : memref<32x128xf32, #tpu.memory_space<vmem>>)
      tpu.yield
    }) : () -> ()
    %mul3A_244 = arith.constant 10240 : i32
    %mul3A_245 = arith.muli %arg0, %mul3A_244 : i32
    %mul3A_246 = arith.constant 640 : i32
    %mul3A_247 = arith.muli %arg1, %mul3A_246 : i32
    %add3A_248 = arith.addi %mul3A_245, %mul3A_247 : i32
    %add3A_249 = arith.constant 448 : i32
    %add3A_250 = arith.addi %add3A_248, %add3A_249 : i32
    "tpu.region"() ({
      %run_scoped3A = tpu.sem_alloc : memref<!tpu.dma_semaphore, #tpu.memory_space<semaphore_mem>>
      %dma_start3A = arith.constant 0 : i32
      %dma_start3A_306 = tpu.memref_slice %arg6[%add3A_250, %dma_start3A] : memref<20480x128xf32, #tpu.memory_space<hbm>> -> memref<32x128xf32, #tpu.memory_space<hbm>>
      %dma_start3A_307 = arith.constant 0 : i32
      %dma_start3A_308 = tpu.memref_slice %arg6[%add3A_250, %dma_start3A_307] : memref<20480x128xf32, #tpu.memory_space<hbm>> -> memref<32x128xf32, #tpu.memory_space<hbm>>
      tpu.enqueue_dma source(%arg11 : memref<32x128xf32, #tpu.memory_space<vmem>>) target(%dma_start3A_308 : memref<32x128xf32, #tpu.memory_space<hbm>>) target_semaphore(%run_scoped3A : memref<!tpu.dma_semaphore, #tpu.memory_space<semaphore_mem>>)
      %dma_wait3A = arith.constant 0 : i32
      %dma_wait3A_309 = tpu.memref_slice %arg6[%add3A_250, %dma_wait3A] : memref<20480x128xf32, #tpu.memory_space<hbm>> -> memref<32x128xf32, #tpu.memory_space<hbm>>
      %dma_wait3A_310 = arith.constant 0 : i32
      %dma_wait3A_311 = tpu.memref_slice %arg6[%add3A_250, %dma_wait3A_310] : memref<20480x128xf32, #tpu.memory_space<hbm>> -> memref<32x128xf32, #tpu.memory_space<hbm>>
      tpu.wait_dma2 semaphore(%run_scoped3A : memref<!tpu.dma_semaphore, #tpu.memory_space<semaphore_mem>>) src(%arg11 : memref<32x128xf32, #tpu.memory_space<vmem>>) dst(%dma_wait3A_311 : memref<32x128xf32, #tpu.memory_space<hbm>>)
      tpu.yield
    }) : () -> ()
    %mul3A_251 = arith.constant 640 : i32
    %mul3A_252 = arith.muli %arg1, %mul3A_251 : i32
    %add3A_253 = arith.constant 480 : i32
    %add3A_254 = arith.addi %mul3A_252, %add3A_253 : i32
    "tpu.region"() ({
      %run_scoped3A = tpu.sem_alloc : memref<!tpu.dma_semaphore, #tpu.memory_space<semaphore_mem>>
      %dma_start3A = arith.constant 0 : i32
      %dma_start3A_306 = tpu.memref_slice %arg12[%add3A_254, %dma_start3A] : memref<10240x128xf32, #tpu.memory_space<vmem_shared>> -> memref<32x128xf32, #tpu.memory_space<vmem_shared>>
      %dma_start3A_307 = arith.constant 0 : i32
      %dma_start3A_308 = tpu.memref_slice %arg12[%add3A_254, %dma_start3A_307] : memref<10240x128xf32, #tpu.memory_space<vmem_shared>> -> memref<32x128xf32, #tpu.memory_space<vmem_shared>>
      tpu.enqueue_dma source(%dma_start3A_308 : memref<32x128xf32, #tpu.memory_space<vmem_shared>>) target(%arg11 : memref<32x128xf32, #tpu.memory_space<vmem>>) target_semaphore(%run_scoped3A : memref<!tpu.dma_semaphore, #tpu.memory_space<semaphore_mem>>)
      %dma_wait3A = arith.constant 0 : i32
      %dma_wait3A_309 = tpu.memref_slice %arg12[%add3A_254, %dma_wait3A] : memref<10240x128xf32, #tpu.memory_space<vmem_shared>> -> memref<32x128xf32, #tpu.memory_space<vmem_shared>>
      %dma_wait3A_310 = arith.constant 0 : i32
      %dma_wait3A_311 = tpu.memref_slice %arg12[%add3A_254, %dma_wait3A_310] : memref<10240x128xf32, #tpu.memory_space<vmem_shared>> -> memref<32x128xf32, #tpu.memory_space<vmem_shared>>
      tpu.wait_dma2 semaphore(%run_scoped3A : memref<!tpu.dma_semaphore, #tpu.memory_space<semaphore_mem>>) src(%dma_wait3A_311 : memref<32x128xf32, #tpu.memory_space<vmem_shared>>) dst(%arg11 : memref<32x128xf32, #tpu.memory_space<vmem>>)
      tpu.yield
    }) : () -> ()
    %mul3A_255 = arith.constant 10240 : i32
    %mul3A_256 = arith.muli %arg0, %mul3A_255 : i32
    %mul3A_257 = arith.constant 640 : i32
    %mul3A_258 = arith.muli %arg1, %mul3A_257 : i32
    %add3A_259 = arith.addi %mul3A_256, %mul3A_258 : i32
    %add3A_260 = arith.constant 480 : i32
    %add3A_261 = arith.addi %add3A_259, %add3A_260 : i32
    "tpu.region"() ({
      %run_scoped3A = tpu.sem_alloc : memref<!tpu.dma_semaphore, #tpu.memory_space<semaphore_mem>>
      %dma_start3A = arith.constant 0 : i32
      %dma_start3A_306 = tpu.memref_slice %arg6[%add3A_261, %dma_start3A] : memref<20480x128xf32, #tpu.memory_space<hbm>> -> memref<32x128xf32, #tpu.memory_space<hbm>>
      %dma_start3A_307 = arith.constant 0 : i32
      %dma_start3A_308 = tpu.memref_slice %arg6[%add3A_261, %dma_start3A_307] : memref<20480x128xf32, #tpu.memory_space<hbm>> -> memref<32x128xf32, #tpu.memory_space<hbm>>
      tpu.enqueue_dma source(%arg11 : memref<32x128xf32, #tpu.memory_space<vmem>>) target(%dma_start3A_308 : memref<32x128xf32, #tpu.memory_space<hbm>>) target_semaphore(%run_scoped3A : memref<!tpu.dma_semaphore, #tpu.memory_space<semaphore_mem>>)
      %dma_wait3A = arith.constant 0 : i32
      %dma_wait3A_309 = tpu.memref_slice %arg6[%add3A_261, %dma_wait3A] : memref<20480x128xf32, #tpu.memory_space<hbm>> -> memref<32x128xf32, #tpu.memory_space<hbm>>
      %dma_wait3A_310 = arith.constant 0 : i32
      %dma_wait3A_311 = tpu.memref_slice %arg6[%add3A_261, %dma_wait3A_310] : memref<20480x128xf32, #tpu.memory_space<hbm>> -> memref<32x128xf32, #tpu.memory_space<hbm>>
      tpu.wait_dma2 semaphore(%run_scoped3A : memref<!tpu.dma_semaphore, #tpu.memory_space<semaphore_mem>>) src(%arg11 : memref<32x128xf32, #tpu.memory_space<vmem>>) dst(%dma_wait3A_311 : memref<32x128xf32, #tpu.memory_space<hbm>>)
      tpu.yield
    }) : () -> ()
    %mul3A_262 = arith.constant 640 : i32
    %mul3A_263 = arith.muli %arg1, %mul3A_262 : i32
    %add3A_264 = arith.constant 512 : i32
    %add3A_265 = arith.addi %mul3A_263, %add3A_264 : i32
    "tpu.region"() ({
      %run_scoped3A = tpu.sem_alloc : memref<!tpu.dma_semaphore, #tpu.memory_space<semaphore_mem>>
      %dma_start3A = arith.constant 0 : i32
      %dma_start3A_306 = tpu.memref_slice %arg12[%add3A_265, %dma_start3A] : memref<10240x128xf32, #tpu.memory_space<vmem_shared>> -> memref<32x128xf32, #tpu.memory_space<vmem_shared>>
      %dma_start3A_307 = arith.constant 0 : i32
      %dma_start3A_308 = tpu.memref_slice %arg12[%add3A_265, %dma_start3A_307] : memref<10240x128xf32, #tpu.memory_space<vmem_shared>> -> memref<32x128xf32, #tpu.memory_space<vmem_shared>>
      tpu.enqueue_dma source(%dma_start3A_308 : memref<32x128xf32, #tpu.memory_space<vmem_shared>>) target(%arg11 : memref<32x128xf32, #tpu.memory_space<vmem>>) target_semaphore(%run_scoped3A : memref<!tpu.dma_semaphore, #tpu.memory_space<semaphore_mem>>)
      %dma_wait3A = arith.constant 0 : i32
      %dma_wait3A_309 = tpu.memref_slice %arg12[%add3A_265, %dma_wait3A] : memref<10240x128xf32, #tpu.memory_space<vmem_shared>> -> memref<32x128xf32, #tpu.memory_space<vmem_shared>>
      %dma_wait3A_310 = arith.constant 0 : i32
      %dma_wait3A_311 = tpu.memref_slice %arg12[%add3A_265, %dma_wait3A_310] : memref<10240x128xf32, #tpu.memory_space<vmem_shared>> -> memref<32x128xf32, #tpu.memory_space<vmem_shared>>
      tpu.wait_dma2 semaphore(%run_scoped3A : memref<!tpu.dma_semaphore, #tpu.memory_space<semaphore_mem>>) src(%dma_wait3A_311 : memref<32x128xf32, #tpu.memory_space<vmem_shared>>) dst(%arg11 : memref<32x128xf32, #tpu.memory_space<vmem>>)
      tpu.yield
    }) : () -> ()
    %mul3A_266 = arith.constant 10240 : i32
    %mul3A_267 = arith.muli %arg0, %mul3A_266 : i32
    %mul3A_268 = arith.constant 640 : i32
    %mul3A_269 = arith.muli %arg1, %mul3A_268 : i32
    %add3A_270 = arith.addi %mul3A_267, %mul3A_269 : i32
    %add3A_271 = arith.constant 512 : i32
    %add3A_272 = arith.addi %add3A_270, %add3A_271 : i32
    "tpu.region"() ({
      %run_scoped3A = tpu.sem_alloc : memref<!tpu.dma_semaphore, #tpu.memory_space<semaphore_mem>>
      %dma_start3A = arith.constant 0 : i32
      %dma_start3A_306 = tpu.memref_slice %arg6[%add3A_272, %dma_start3A] : memref<20480x128xf32, #tpu.memory_space<hbm>> -> memref<32x128xf32, #tpu.memory_space<hbm>>
      %dma_start3A_307 = arith.constant 0 : i32
      %dma_start3A_308 = tpu.memref_slice %arg6[%add3A_272, %dma_start3A_307] : memref<20480x128xf32, #tpu.memory_space<hbm>> -> memref<32x128xf32, #tpu.memory_space<hbm>>
      tpu.enqueue_dma source(%arg11 : memref<32x128xf32, #tpu.memory_space<vmem>>) target(%dma_start3A_308 : memref<32x128xf32, #tpu.memory_space<hbm>>) target_semaphore(%run_scoped3A : memref<!tpu.dma_semaphore, #tpu.memory_space<semaphore_mem>>)
      %dma_wait3A = arith.constant 0 : i32
      %dma_wait3A_309 = tpu.memref_slice %arg6[%add3A_272, %dma_wait3A] : memref<20480x128xf32, #tpu.memory_space<hbm>> -> memref<32x128xf32, #tpu.memory_space<hbm>>
      %dma_wait3A_310 = arith.constant 0 : i32
      %dma_wait3A_311 = tpu.memref_slice %arg6[%add3A_272, %dma_wait3A_310] : memref<20480x128xf32, #tpu.memory_space<hbm>> -> memref<32x128xf32, #tpu.memory_space<hbm>>
      tpu.wait_dma2 semaphore(%run_scoped3A : memref<!tpu.dma_semaphore, #tpu.memory_space<semaphore_mem>>) src(%arg11 : memref<32x128xf32, #tpu.memory_space<vmem>>) dst(%dma_wait3A_311 : memref<32x128xf32, #tpu.memory_space<hbm>>)
      tpu.yield
    }) : () -> ()
    %mul3A_273 = arith.constant 640 : i32
    %mul3A_274 = arith.muli %arg1, %mul3A_273 : i32
    %add3A_275 = arith.constant 544 : i32
    %add3A_276 = arith.addi %mul3A_274, %add3A_275 : i32
    "tpu.region"() ({
      %run_scoped3A = tpu.sem_alloc : memref<!tpu.dma_semaphore, #tpu.memory_space<semaphore_mem>>
      %dma_start3A = arith.constant 0 : i32
      %dma_start3A_306 = tpu.memref_slice %arg12[%add3A_276, %dma_start3A] : memref<10240x128xf32, #tpu.memory_space<vmem_shared>> -> memref<32x128xf32, #tpu.memory_space<vmem_shared>>
      %dma_start3A_307 = arith.constant 0 : i32
      %dma_start3A_308 = tpu.memref_slice %arg12[%add3A_276, %dma_start3A_307] : memref<10240x128xf32, #tpu.memory_space<vmem_shared>> -> memref<32x128xf32, #tpu.memory_space<vmem_shared>>
      tpu.enqueue_dma source(%dma_start3A_308 : memref<32x128xf32, #tpu.memory_space<vmem_shared>>) target(%arg11 : memref<32x128xf32, #tpu.memory_space<vmem>>) target_semaphore(%run_scoped3A : memref<!tpu.dma_semaphore, #tpu.memory_space<semaphore_mem>>)
      %dma_wait3A = arith.constant 0 : i32
      %dma_wait3A_309 = tpu.memref_slice %arg12[%add3A_276, %dma_wait3A] : memref<10240x128xf32, #tpu.memory_space<vmem_shared>> -> memref<32x128xf32, #tpu.memory_space<vmem_shared>>
      %dma_wait3A_310 = arith.constant 0 : i32
      %dma_wait3A_311 = tpu.memref_slice %arg12[%add3A_276, %dma_wait3A_310] : memref<10240x128xf32, #tpu.memory_space<vmem_shared>> -> memref<32x128xf32, #tpu.memory_space<vmem_shared>>
      tpu.wait_dma2 semaphore(%run_scoped3A : memref<!tpu.dma_semaphore, #tpu.memory_space<semaphore_mem>>) src(%dma_wait3A_311 : memref<32x128xf32, #tpu.memory_space<vmem_shared>>) dst(%arg11 : memref<32x128xf32, #tpu.memory_space<vmem>>)
      tpu.yield
    }) : () -> ()
    %mul3A_277 = arith.constant 10240 : i32
    %mul3A_278 = arith.muli %arg0, %mul3A_277 : i32
    %mul3A_279 = arith.constant 640 : i32
    %mul3A_280 = arith.muli %arg1, %mul3A_279 : i32
    %add3A_281 = arith.addi %mul3A_278, %mul3A_280 : i32
    %add3A_282 = arith.constant 544 : i32
    %add3A_283 = arith.addi %add3A_281, %add3A_282 : i32
    "tpu.region"() ({
      %run_scoped3A = tpu.sem_alloc : memref<!tpu.dma_semaphore, #tpu.memory_space<semaphore_mem>>
      %dma_start3A = arith.constant 0 : i32
      %dma_start3A_306 = tpu.memref_slice %arg6[%add3A_283, %dma_start3A] : memref<20480x128xf32, #tpu.memory_space<hbm>> -> memref<32x128xf32, #tpu.memory_space<hbm>>
      %dma_start3A_307 = arith.constant 0 : i32
      %dma_start3A_308 = tpu.memref_slice %arg6[%add3A_283, %dma_start3A_307] : memref<20480x128xf32, #tpu.memory_space<hbm>> -> memref<32x128xf32, #tpu.memory_space<hbm>>
      tpu.enqueue_dma source(%arg11 : memref<32x128xf32, #tpu.memory_space<vmem>>) target(%dma_start3A_308 : memref<32x128xf32, #tpu.memory_space<hbm>>) target_semaphore(%run_scoped3A : memref<!tpu.dma_semaphore, #tpu.memory_space<semaphore_mem>>)
      %dma_wait3A = arith.constant 0 : i32
      %dma_wait3A_309 = tpu.memref_slice %arg6[%add3A_283, %dma_wait3A] : memref<20480x128xf32, #tpu.memory_space<hbm>> -> memref<32x128xf32, #tpu.memory_space<hbm>>
      %dma_wait3A_310 = arith.constant 0 : i32
      %dma_wait3A_311 = tpu.memref_slice %arg6[%add3A_283, %dma_wait3A_310] : memref<20480x128xf32, #tpu.memory_space<hbm>> -> memref<32x128xf32, #tpu.memory_space<hbm>>
      tpu.wait_dma2 semaphore(%run_scoped3A : memref<!tpu.dma_semaphore, #tpu.memory_space<semaphore_mem>>) src(%arg11 : memref<32x128xf32, #tpu.memory_space<vmem>>) dst(%dma_wait3A_311 : memref<32x128xf32, #tpu.memory_space<hbm>>)
      tpu.yield
    }) : () -> ()
    %mul3A_284 = arith.constant 640 : i32
    %mul3A_285 = arith.muli %arg1, %mul3A_284 : i32
    %add3A_286 = arith.constant 576 : i32
    %add3A_287 = arith.addi %mul3A_285, %add3A_286 : i32
    "tpu.region"() ({
      %run_scoped3A = tpu.sem_alloc : memref<!tpu.dma_semaphore, #tpu.memory_space<semaphore_mem>>
      %dma_start3A = arith.constant 0 : i32
      %dma_start3A_306 = tpu.memref_slice %arg12[%add3A_287, %dma_start3A] : memref<10240x128xf32, #tpu.memory_space<vmem_shared>> -> memref<32x128xf32, #tpu.memory_space<vmem_shared>>
      %dma_start3A_307 = arith.constant 0 : i32
      %dma_start3A_308 = tpu.memref_slice %arg12[%add3A_287, %dma_start3A_307] : memref<10240x128xf32, #tpu.memory_space<vmem_shared>> -> memref<32x128xf32, #tpu.memory_space<vmem_shared>>
      tpu.enqueue_dma source(%dma_start3A_308 : memref<32x128xf32, #tpu.memory_space<vmem_shared>>) target(%arg11 : memref<32x128xf32, #tpu.memory_space<vmem>>) target_semaphore(%run_scoped3A : memref<!tpu.dma_semaphore, #tpu.memory_space<semaphore_mem>>)
      %dma_wait3A = arith.constant 0 : i32
      %dma_wait3A_309 = tpu.memref_slice %arg12[%add3A_287, %dma_wait3A] : memref<10240x128xf32, #tpu.memory_space<vmem_shared>> -> memref<32x128xf32, #tpu.memory_space<vmem_shared>>
      %dma_wait3A_310 = arith.constant 0 : i32
      %dma_wait3A_311 = tpu.memref_slice %arg12[%add3A_287, %dma_wait3A_310] : memref<10240x128xf32, #tpu.memory_space<vmem_shared>> -> memref<32x128xf32, #tpu.memory_space<vmem_shared>>
      tpu.wait_dma2 semaphore(%run_scoped3A : memref<!tpu.dma_semaphore, #tpu.memory_space<semaphore_mem>>) src(%dma_wait3A_311 : memref<32x128xf32, #tpu.memory_space<vmem_shared>>) dst(%arg11 : memref<32x128xf32, #tpu.memory_space<vmem>>)
      tpu.yield
    }) : () -> ()
    %mul3A_288 = arith.constant 10240 : i32
    %mul3A_289 = arith.muli %arg0, %mul3A_288 : i32
    %mul3A_290 = arith.constant 640 : i32
    %mul3A_291 = arith.muli %arg1, %mul3A_290 : i32
    %add3A_292 = arith.addi %mul3A_289, %mul3A_291 : i32
    %add3A_293 = arith.constant 576 : i32
    %add3A_294 = arith.addi %add3A_292, %add3A_293 : i32
    "tpu.region"() ({
      %run_scoped3A = tpu.sem_alloc : memref<!tpu.dma_semaphore, #tpu.memory_space<semaphore_mem>>
      %dma_start3A = arith.constant 0 : i32
      %dma_start3A_306 = tpu.memref_slice %arg6[%add3A_294, %dma_start3A] : memref<20480x128xf32, #tpu.memory_space<hbm>> -> memref<32x128xf32, #tpu.memory_space<hbm>>
      %dma_start3A_307 = arith.constant 0 : i32
      %dma_start3A_308 = tpu.memref_slice %arg6[%add3A_294, %dma_start3A_307] : memref<20480x128xf32, #tpu.memory_space<hbm>> -> memref<32x128xf32, #tpu.memory_space<hbm>>
      tpu.enqueue_dma source(%arg11 : memref<32x128xf32, #tpu.memory_space<vmem>>) target(%dma_start3A_308 : memref<32x128xf32, #tpu.memory_space<hbm>>) target_semaphore(%run_scoped3A : memref<!tpu.dma_semaphore, #tpu.memory_space<semaphore_mem>>)
      %dma_wait3A = arith.constant 0 : i32
      %dma_wait3A_309 = tpu.memref_slice %arg6[%add3A_294, %dma_wait3A] : memref<20480x128xf32, #tpu.memory_space<hbm>> -> memref<32x128xf32, #tpu.memory_space<hbm>>
      %dma_wait3A_310 = arith.constant 0 : i32
      %dma_wait3A_311 = tpu.memref_slice %arg6[%add3A_294, %dma_wait3A_310] : memref<20480x128xf32, #tpu.memory_space<hbm>> -> memref<32x128xf32, #tpu.memory_space<hbm>>
      tpu.wait_dma2 semaphore(%run_scoped3A : memref<!tpu.dma_semaphore, #tpu.memory_space<semaphore_mem>>) src(%arg11 : memref<32x128xf32, #tpu.memory_space<vmem>>) dst(%dma_wait3A_311 : memref<32x128xf32, #tpu.memory_space<hbm>>)
      tpu.yield
    }) : () -> ()
    %mul3A_295 = arith.constant 640 : i32
    %mul3A_296 = arith.muli %arg1, %mul3A_295 : i32
    %add3A_297 = arith.constant 608 : i32
    %add3A_298 = arith.addi %mul3A_296, %add3A_297 : i32
    "tpu.region"() ({
      %run_scoped3A = tpu.sem_alloc : memref<!tpu.dma_semaphore, #tpu.memory_space<semaphore_mem>>
      %dma_start3A = arith.constant 0 : i32
      %dma_start3A_306 = tpu.memref_slice %arg12[%add3A_298, %dma_start3A] : memref<10240x128xf32, #tpu.memory_space<vmem_shared>> -> memref<32x128xf32, #tpu.memory_space<vmem_shared>>
      %dma_start3A_307 = arith.constant 0 : i32
      %dma_start3A_308 = tpu.memref_slice %arg12[%add3A_298, %dma_start3A_307] : memref<10240x128xf32, #tpu.memory_space<vmem_shared>> -> memref<32x128xf32, #tpu.memory_space<vmem_shared>>
      tpu.enqueue_dma source(%dma_start3A_308 : memref<32x128xf32, #tpu.memory_space<vmem_shared>>) target(%arg11 : memref<32x128xf32, #tpu.memory_space<vmem>>) target_semaphore(%run_scoped3A : memref<!tpu.dma_semaphore, #tpu.memory_space<semaphore_mem>>)
      %dma_wait3A = arith.constant 0 : i32
      %dma_wait3A_309 = tpu.memref_slice %arg12[%add3A_298, %dma_wait3A] : memref<10240x128xf32, #tpu.memory_space<vmem_shared>> -> memref<32x128xf32, #tpu.memory_space<vmem_shared>>
      %dma_wait3A_310 = arith.constant 0 : i32
      %dma_wait3A_311 = tpu.memref_slice %arg12[%add3A_298, %dma_wait3A_310] : memref<10240x128xf32, #tpu.memory_space<vmem_shared>> -> memref<32x128xf32, #tpu.memory_space<vmem_shared>>
      tpu.wait_dma2 semaphore(%run_scoped3A : memref<!tpu.dma_semaphore, #tpu.memory_space<semaphore_mem>>) src(%dma_wait3A_311 : memref<32x128xf32, #tpu.memory_space<vmem_shared>>) dst(%arg11 : memref<32x128xf32, #tpu.memory_space<vmem>>)
      tpu.yield
    }) : () -> ()
    %mul3A_299 = arith.constant 10240 : i32
    %mul3A_300 = arith.muli %arg0, %mul3A_299 : i32
    %mul3A_301 = arith.constant 640 : i32
    %mul3A_302 = arith.muli %arg1, %mul3A_301 : i32
    %add3A_303 = arith.addi %mul3A_300, %mul3A_302 : i32
    %add3A_304 = arith.constant 608 : i32
    %add3A_305 = arith.addi %add3A_303, %add3A_304 : i32
    "tpu.region"() ({
      %run_scoped3A = tpu.sem_alloc : memref<!tpu.dma_semaphore, #tpu.memory_space<semaphore_mem>>
      %dma_start3A = arith.constant 0 : i32
      %dma_start3A_306 = tpu.memref_slice %arg6[%add3A_305, %dma_start3A] : memref<20480x128xf32, #tpu.memory_space<hbm>> -> memref<32x128xf32, #tpu.memory_space<hbm>>
      %dma_start3A_307 = arith.constant 0 : i32
      %dma_start3A_308 = tpu.memref_slice %arg6[%add3A_305, %dma_start3A_307] : memref<20480x128xf32, #tpu.memory_space<hbm>> -> memref<32x128xf32, #tpu.memory_space<hbm>>
      tpu.enqueue_dma source(%arg11 : memref<32x128xf32, #tpu.memory_space<vmem>>) target(%dma_start3A_308 : memref<32x128xf32, #tpu.memory_space<hbm>>) target_semaphore(%run_scoped3A : memref<!tpu.dma_semaphore, #tpu.memory_space<semaphore_mem>>)
      %dma_wait3A = arith.constant 0 : i32
      %dma_wait3A_309 = tpu.memref_slice %arg6[%add3A_305, %dma_wait3A] : memref<20480x128xf32, #tpu.memory_space<hbm>> -> memref<32x128xf32, #tpu.memory_space<hbm>>
      %dma_wait3A_310 = arith.constant 0 : i32
      %dma_wait3A_311 = tpu.memref_slice %arg6[%add3A_305, %dma_wait3A_310] : memref<20480x128xf32, #tpu.memory_space<hbm>> -> memref<32x128xf32, #tpu.memory_space<hbm>>
      tpu.wait_dma2 semaphore(%run_scoped3A : memref<!tpu.dma_semaphore, #tpu.memory_space<semaphore_mem>>) src(%arg11 : memref<32x128xf32, #tpu.memory_space<vmem>>) dst(%dma_wait3A_311 : memref<32x128xf32, #tpu.memory_space<hbm>>)
      tpu.yield
    }) : () -> ()
    return
  }
}

#map = affine_map<(d0, d1) -> (0, 0, 0, 0)>
#map1 = affine_map<(d0, d1) -> (0)>
module attributes {stable_mosaic.version = 14 : i64} {
  func.func @_deg_body(%arg0: i32, %arg1: i32, %arg2: memref<32x10x10x100xi32, #tpu.memory_space<hbm>>, %arg3: memref<100xf32, #tpu.memory_space<hbm>>, %arg4: memref<640xf32, #tpu.memory_space<hbm>>, %arg5: memref<20480xf32, #tpu.memory_space<hbm>>, %arg6: memref<10x100xi32, #tpu.memory_space<vmem>>, %arg7: memref<100xf32, #tpu.memory_space<vmem>>, %arg8: memref<640xf32, #tpu.memory_space<vmem>>, %arg9: memref<10240xf32, #tpu.memory_space<vmem_shared>>) attributes {dimension_semantics = [#tpu.dimension_semantics<core_parallel>, #tpu.dimension_semantics<subcore_parallel>], iteration_bounds = array<i64: 2, 16>, scalar_prefetch = 0 : i64, scratch_operands = 4 : i64, tpu.core_type = #tpu.core_type<sc_vector_subcore>, window_params = [{transform_indices = #map}, {transform_indices = #map1}, {transform_indices = #map1}, {transform_indices = #map1}]} {
    %mul3A = arith.constant 16 : i32
    %mul3A_0 = arith.muli %arg0, %mul3A : i32
    %add3A = arith.addi %mul3A_0, %arg1 : i32
    "tpu.region"() ({
      %run_scoped3A = tpu.sem_alloc : memref<!tpu.dma_semaphore, #tpu.memory_space<semaphore_mem>>
      tpu.enqueue_dma source(%arg4 : memref<640xf32, #tpu.memory_space<hbm>>) target(%arg8 : memref<640xf32, #tpu.memory_space<vmem>>) target_semaphore(%run_scoped3A : memref<!tpu.dma_semaphore, #tpu.memory_space<semaphore_mem>>)
      tpu.wait_dma2 semaphore(%run_scoped3A : memref<!tpu.dma_semaphore, #tpu.memory_space<semaphore_mem>>) src(%arg4 : memref<640xf32, #tpu.memory_space<hbm>>) dst(%arg8 : memref<640xf32, #tpu.memory_space<vmem>>)
      tpu.yield
    }) : () -> ()
    %mul3A_1 = arith.constant 640 : i32
    %mul3A_2 = arith.muli %arg1, %mul3A_1 : i32
    "tpu.region"() ({
      %run_scoped3A = tpu.sem_alloc : memref<!tpu.dma_semaphore, #tpu.memory_space<semaphore_mem>>
      %dma_start3A = tpu.memref_slice %arg9[%mul3A_2] : memref<10240xf32, #tpu.memory_space<vmem_shared>> -> memref<640xf32, #tpu.memory_space<vmem_shared>>
      %dma_start3A_15 = tpu.memref_slice %arg9[%mul3A_2] : memref<10240xf32, #tpu.memory_space<vmem_shared>> -> memref<640xf32, #tpu.memory_space<vmem_shared>>
      tpu.enqueue_dma source(%arg8 : memref<640xf32, #tpu.memory_space<vmem>>) target(%dma_start3A_15 : memref<640xf32, #tpu.memory_space<vmem_shared>>) target_semaphore(%run_scoped3A : memref<!tpu.dma_semaphore, #tpu.memory_space<semaphore_mem>>)
      %dma_wait3A = tpu.memref_slice %arg9[%mul3A_2] : memref<10240xf32, #tpu.memory_space<vmem_shared>> -> memref<640xf32, #tpu.memory_space<vmem_shared>>
      %dma_wait3A_16 = tpu.memref_slice %arg9[%mul3A_2] : memref<10240xf32, #tpu.memory_space<vmem_shared>> -> memref<640xf32, #tpu.memory_space<vmem_shared>>
      tpu.wait_dma2 semaphore(%run_scoped3A : memref<!tpu.dma_semaphore, #tpu.memory_space<semaphore_mem>>) src(%arg8 : memref<640xf32, #tpu.memory_space<vmem>>) dst(%dma_wait3A_16 : memref<640xf32, #tpu.memory_space<vmem_shared>>)
      tpu.yield
    }) : () -> ()
    "tpu.region"() ({
      %run_scoped3A = tpu.sem_alloc : memref<!tpu.dma_semaphore, #tpu.memory_space<semaphore_mem>>
      tpu.enqueue_dma source(%arg3 : memref<100xf32, #tpu.memory_space<hbm>>) target(%arg7 : memref<100xf32, #tpu.memory_space<vmem>>) target_semaphore(%run_scoped3A : memref<!tpu.dma_semaphore, #tpu.memory_space<semaphore_mem>>)
      tpu.wait_dma2 semaphore(%run_scoped3A : memref<!tpu.dma_semaphore, #tpu.memory_space<semaphore_mem>>) src(%arg3 : memref<100xf32, #tpu.memory_space<hbm>>) dst(%arg7 : memref<100xf32, #tpu.memory_space<vmem>>)
      tpu.yield
    }) : () -> ()
    %barrier3A = arith.constant 0 : index
    tpu.barrier barrier_id(%barrier3A)
    %scan3A = arith.constant 0 : i32
    %scan3A_3 = arith.constant 10 : i32
    %scan3A_4 = arith.addi %scan3A, %scan3A_3 : i32
    %scan3A_5 = arith.constant 1 : i32
    scf.for %scan3A_15 = %scan3A to %scan3A_4 step %scan3A_5  : i32 {
      %mul3A_16 = arith.constant 1 : i32
      %mul3A_17 = arith.muli %scan3A_15, %mul3A_16 : i32
      %add3A_18 = arith.constant 0 : i32
      %add3A_19 = arith.addi %add3A_18, %mul3A_17 : i32
      "tpu.region"() ({
        %run_scoped3A_29 = tpu.sem_alloc : memref<!tpu.dma_semaphore, #tpu.memory_space<semaphore_mem>>
        %dma_start3A = arith.constant 0 : i32
        %dma_start3A_30 = arith.constant 0 : i32
        %dma_start3A_31 = tpu.memref_slice %arg2[%add3A, %add3A_19, %dma_start3A, %dma_start3A_30] : memref<32x10x10x100xi32, #tpu.memory_space<hbm>> -> memref<1x1x10x100xi32, #tpu.memory_space<hbm>>
        %dma_start3A_32 = tpu.memref_squeeze %dma_start3A_31 : memref<1x1x10x100xi32, #tpu.memory_space<hbm>> -> memref<10x100xi32, #tpu.memory_space<hbm>>
        %dma_start3A_33 = arith.constant 0 : i32
        %dma_start3A_34 = arith.constant 0 : i32
        %dma_start3A_35 = tpu.memref_slice %arg2[%add3A, %add3A_19, %dma_start3A_33, %dma_start3A_34] : memref<32x10x10x100xi32, #tpu.memory_space<hbm>> -> memref<1x1x10x100xi32, #tpu.memory_space<hbm>>
        %dma_start3A_36 = tpu.memref_squeeze %dma_start3A_35 : memref<1x1x10x100xi32, #tpu.memory_space<hbm>> -> memref<10x100xi32, #tpu.memory_space<hbm>>
        tpu.enqueue_dma source(%dma_start3A_36 : memref<10x100xi32, #tpu.memory_space<hbm>>) target(%arg6 : memref<10x100xi32, #tpu.memory_space<vmem>>) target_semaphore(%run_scoped3A_29 : memref<!tpu.dma_semaphore, #tpu.memory_space<semaphore_mem>>)
        %dma_wait3A = arith.constant 0 : i32
        %dma_wait3A_37 = arith.constant 0 : i32
        %dma_wait3A_38 = tpu.memref_slice %arg2[%add3A, %add3A_19, %dma_wait3A, %dma_wait3A_37] : memref<32x10x10x100xi32, #tpu.memory_space<hbm>> -> memref<1x1x10x100xi32, #tpu.memory_space<hbm>>
        %dma_wait3A_39 = tpu.memref_squeeze %dma_wait3A_38 : memref<1x1x10x100xi32, #tpu.memory_space<hbm>> -> memref<10x100xi32, #tpu.memory_space<hbm>>
        %dma_wait3A_40 = arith.constant 0 : i32
        %dma_wait3A_41 = arith.constant 0 : i32
        %dma_wait3A_42 = tpu.memref_slice %arg2[%add3A, %add3A_19, %dma_wait3A_40, %dma_wait3A_41] : memref<32x10x10x100xi32, #tpu.memory_space<hbm>> -> memref<1x1x10x100xi32, #tpu.memory_space<hbm>>
        %dma_wait3A_43 = tpu.memref_squeeze %dma_wait3A_42 : memref<1x1x10x100xi32, #tpu.memory_space<hbm>> -> memref<10x100xi32, #tpu.memory_space<hbm>>
        tpu.wait_dma2 semaphore(%run_scoped3A_29 : memref<!tpu.dma_semaphore, #tpu.memory_space<semaphore_mem>>) src(%dma_wait3A_43 : memref<10x100xi32, #tpu.memory_space<hbm>>) dst(%arg6 : memref<10x100xi32, #tpu.memory_space<vmem>>)
        tpu.yield
      }) : () -> ()
      %run_scoped3A = arith.constant 0 : i32
      "tpu.region"() ({
        %run_scoped3A_29 = tpu.sem_alloc : memref<!tpu.dma_semaphore, #tpu.memory_space<semaphore_mem>>
        %dma_start3A = arith.constant 0 : i32
        %dma_start3A_30 = tpu.memref_slice %arg6[%run_scoped3A, %dma_start3A] : memref<10x100xi32, #tpu.memory_space<vmem>> -> memref<1x100xi32, #tpu.memory_space<vmem>>
        %dma_start3A_31 = tpu.memref_squeeze %dma_start3A_30 : memref<1x100xi32, #tpu.memory_space<vmem>> -> memref<100xi32, #tpu.memory_space<vmem>>
        %dma_start3A_32 = arith.constant 0 : i32
        %dma_start3A_33 = tpu.memref_slice %arg9[%dma_start3A_32] : memref<10240xf32, #tpu.memory_space<vmem_shared>> -> memref<10240xf32, #tpu.memory_space<vmem_shared>>
        tpu.enqueue_indirect_dma source(%arg7 : memref<100xf32, #tpu.memory_space<vmem>>) target(%dma_start3A_33 : memref<10240xf32, #tpu.memory_space<vmem_shared>>) offsets(%dma_start3A_31 : memref<100xi32, #tpu.memory_space<vmem>>) semaphore(%run_scoped3A_29 : memref<!tpu.dma_semaphore, #tpu.memory_space<semaphore_mem>>) {add = true}
        %dma_wait3A = arith.constant 0 : i32
        %dma_wait3A_34 = tpu.memref_slice %arg6[%run_scoped3A, %dma_wait3A] : memref<10x100xi32, #tpu.memory_space<vmem>> -> memref<1x100xi32, #tpu.memory_space<vmem>>
        %dma_wait3A_35 = tpu.memref_squeeze %dma_wait3A_34 : memref<1x100xi32, #tpu.memory_space<vmem>> -> memref<100xi32, #tpu.memory_space<vmem>>
        %dma_wait3A_36 = arith.constant 0 : i32
        %dma_wait3A_37 = tpu.memref_slice %arg9[%dma_wait3A_36] : memref<10240xf32, #tpu.memory_space<vmem_shared>> -> memref<10240xf32, #tpu.memory_space<vmem_shared>>
        tpu.wait_indirect_dma semaphore(%run_scoped3A_29 : memref<!tpu.dma_semaphore, #tpu.memory_space<semaphore_mem>>) src(%arg7 : memref<100xf32, #tpu.memory_space<vmem>>) dst(%dma_wait3A_37 : memref<10240xf32, #tpu.memory_space<vmem_shared>>)
        tpu.yield
      }) : () -> ()
      %run_scoped3A_20 = arith.constant 1 : i32
      "tpu.region"() ({
        %run_scoped3A_29 = tpu.sem_alloc : memref<!tpu.dma_semaphore, #tpu.memory_space<semaphore_mem>>
        %dma_start3A = arith.constant 0 : i32
        %dma_start3A_30 = tpu.memref_slice %arg6[%run_scoped3A_20, %dma_start3A] : memref<10x100xi32, #tpu.memory_space<vmem>> -> memref<1x100xi32, #tpu.memory_space<vmem>>
        %dma_start3A_31 = tpu.memref_squeeze %dma_start3A_30 : memref<1x100xi32, #tpu.memory_space<vmem>> -> memref<100xi32, #tpu.memory_space<vmem>>
        %dma_start3A_32 = arith.constant 0 : i32
        %dma_start3A_33 = tpu.memref_slice %arg9[%dma_start3A_32] : memref<10240xf32, #tpu.memory_space<vmem_shared>> -> memref<10240xf32, #tpu.memory_space<vmem_shared>>
        tpu.enqueue_indirect_dma source(%arg7 : memref<100xf32, #tpu.memory_space<vmem>>) target(%dma_start3A_33 : memref<10240xf32, #tpu.memory_space<vmem_shared>>) offsets(%dma_start3A_31 : memref<100xi32, #tpu.memory_space<vmem>>) semaphore(%run_scoped3A_29 : memref<!tpu.dma_semaphore, #tpu.memory_space<semaphore_mem>>) {add = true}
        %dma_wait3A = arith.constant 0 : i32
        %dma_wait3A_34 = tpu.memref_slice %arg6[%run_scoped3A_20, %dma_wait3A] : memref<10x100xi32, #tpu.memory_space<vmem>> -> memref<1x100xi32, #tpu.memory_space<vmem>>
        %dma_wait3A_35 = tpu.memref_squeeze %dma_wait3A_34 : memref<1x100xi32, #tpu.memory_space<vmem>> -> memref<100xi32, #tpu.memory_space<vmem>>
        %dma_wait3A_36 = arith.constant 0 : i32
        %dma_wait3A_37 = tpu.memref_slice %arg9[%dma_wait3A_36] : memref<10240xf32, #tpu.memory_space<vmem_shared>> -> memref<10240xf32, #tpu.memory_space<vmem_shared>>
        tpu.wait_indirect_dma semaphore(%run_scoped3A_29 : memref<!tpu.dma_semaphore, #tpu.memory_space<semaphore_mem>>) src(%arg7 : memref<100xf32, #tpu.memory_space<vmem>>) dst(%dma_wait3A_37 : memref<10240xf32, #tpu.memory_space<vmem_shared>>)
        tpu.yield
      }) : () -> ()
      %run_scoped3A_21 = arith.constant 2 : i32
      "tpu.region"() ({
        %run_scoped3A_29 = tpu.sem_alloc : memref<!tpu.dma_semaphore, #tpu.memory_space<semaphore_mem>>
        %dma_start3A = arith.constant 0 : i32
        %dma_start3A_30 = tpu.memref_slice %arg6[%run_scoped3A_21, %dma_start3A] : memref<10x100xi32, #tpu.memory_space<vmem>> -> memref<1x100xi32, #tpu.memory_space<vmem>>
        %dma_start3A_31 = tpu.memref_squeeze %dma_start3A_30 : memref<1x100xi32, #tpu.memory_space<vmem>> -> memref<100xi32, #tpu.memory_space<vmem>>
        %dma_start3A_32 = arith.constant 0 : i32
        %dma_start3A_33 = tpu.memref_slice %arg9[%dma_start3A_32] : memref<10240xf32, #tpu.memory_space<vmem_shared>> -> memref<10240xf32, #tpu.memory_space<vmem_shared>>
        tpu.enqueue_indirect_dma source(%arg7 : memref<100xf32, #tpu.memory_space<vmem>>) target(%dma_start3A_33 : memref<10240xf32, #tpu.memory_space<vmem_shared>>) offsets(%dma_start3A_31 : memref<100xi32, #tpu.memory_space<vmem>>) semaphore(%run_scoped3A_29 : memref<!tpu.dma_semaphore, #tpu.memory_space<semaphore_mem>>) {add = true}
        %dma_wait3A = arith.constant 0 : i32
        %dma_wait3A_34 = tpu.memref_slice %arg6[%run_scoped3A_21, %dma_wait3A] : memref<10x100xi32, #tpu.memory_space<vmem>> -> memref<1x100xi32, #tpu.memory_space<vmem>>
        %dma_wait3A_35 = tpu.memref_squeeze %dma_wait3A_34 : memref<1x100xi32, #tpu.memory_space<vmem>> -> memref<100xi32, #tpu.memory_space<vmem>>
        %dma_wait3A_36 = arith.constant 0 : i32
        %dma_wait3A_37 = tpu.memref_slice %arg9[%dma_wait3A_36] : memref<10240xf32, #tpu.memory_space<vmem_shared>> -> memref<10240xf32, #tpu.memory_space<vmem_shared>>
        tpu.wait_indirect_dma semaphore(%run_scoped3A_29 : memref<!tpu.dma_semaphore, #tpu.memory_space<semaphore_mem>>) src(%arg7 : memref<100xf32, #tpu.memory_space<vmem>>) dst(%dma_wait3A_37 : memref<10240xf32, #tpu.memory_space<vmem_shared>>)
        tpu.yield
      }) : () -> ()
      %run_scoped3A_22 = arith.constant 3 : i32
      "tpu.region"() ({
        %run_scoped3A_29 = tpu.sem_alloc : memref<!tpu.dma_semaphore, #tpu.memory_space<semaphore_mem>>
        %dma_start3A = arith.constant 0 : i32
        %dma_start3A_30 = tpu.memref_slice %arg6[%run_scoped3A_22, %dma_start3A] : memref<10x100xi32, #tpu.memory_space<vmem>> -> memref<1x100xi32, #tpu.memory_space<vmem>>
        %dma_start3A_31 = tpu.memref_squeeze %dma_start3A_30 : memref<1x100xi32, #tpu.memory_space<vmem>> -> memref<100xi32, #tpu.memory_space<vmem>>
        %dma_start3A_32 = arith.constant 0 : i32
        %dma_start3A_33 = tpu.memref_slice %arg9[%dma_start3A_32] : memref<10240xf32, #tpu.memory_space<vmem_shared>> -> memref<10240xf32, #tpu.memory_space<vmem_shared>>
        tpu.enqueue_indirect_dma source(%arg7 : memref<100xf32, #tpu.memory_space<vmem>>) target(%dma_start3A_33 : memref<10240xf32, #tpu.memory_space<vmem_shared>>) offsets(%dma_start3A_31 : memref<100xi32, #tpu.memory_space<vmem>>) semaphore(%run_scoped3A_29 : memref<!tpu.dma_semaphore, #tpu.memory_space<semaphore_mem>>) {add = true}
        %dma_wait3A = arith.constant 0 : i32
        %dma_wait3A_34 = tpu.memref_slice %arg6[%run_scoped3A_22, %dma_wait3A] : memref<10x100xi32, #tpu.memory_space<vmem>> -> memref<1x100xi32, #tpu.memory_space<vmem>>
        %dma_wait3A_35 = tpu.memref_squeeze %dma_wait3A_34 : memref<1x100xi32, #tpu.memory_space<vmem>> -> memref<100xi32, #tpu.memory_space<vmem>>
        %dma_wait3A_36 = arith.constant 0 : i32
        %dma_wait3A_37 = tpu.memref_slice %arg9[%dma_wait3A_36] : memref<10240xf32, #tpu.memory_space<vmem_shared>> -> memref<10240xf32, #tpu.memory_space<vmem_shared>>
        tpu.wait_indirect_dma semaphore(%run_scoped3A_29 : memref<!tpu.dma_semaphore, #tpu.memory_space<semaphore_mem>>) src(%arg7 : memref<100xf32, #tpu.memory_space<vmem>>) dst(%dma_wait3A_37 : memref<10240xf32, #tpu.memory_space<vmem_shared>>)
        tpu.yield
      }) : () -> ()
      %run_scoped3A_23 = arith.constant 4 : i32
      "tpu.region"() ({
        %run_scoped3A_29 = tpu.sem_alloc : memref<!tpu.dma_semaphore, #tpu.memory_space<semaphore_mem>>
        %dma_start3A = arith.constant 0 : i32
        %dma_start3A_30 = tpu.memref_slice %arg6[%run_scoped3A_23, %dma_start3A] : memref<10x100xi32, #tpu.memory_space<vmem>> -> memref<1x100xi32, #tpu.memory_space<vmem>>
        %dma_start3A_31 = tpu.memref_squeeze %dma_start3A_30 : memref<1x100xi32, #tpu.memory_space<vmem>> -> memref<100xi32, #tpu.memory_space<vmem>>
        %dma_start3A_32 = arith.constant 0 : i32
        %dma_start3A_33 = tpu.memref_slice %arg9[%dma_start3A_32] : memref<10240xf32, #tpu.memory_space<vmem_shared>> -> memref<10240xf32, #tpu.memory_space<vmem_shared>>
        tpu.enqueue_indirect_dma source(%arg7 : memref<100xf32, #tpu.memory_space<vmem>>) target(%dma_start3A_33 : memref<10240xf32, #tpu.memory_space<vmem_shared>>) offsets(%dma_start3A_31 : memref<100xi32, #tpu.memory_space<vmem>>) semaphore(%run_scoped3A_29 : memref<!tpu.dma_semaphore, #tpu.memory_space<semaphore_mem>>) {add = true}
        %dma_wait3A = arith.constant 0 : i32
        %dma_wait3A_34 = tpu.memref_slice %arg6[%run_scoped3A_23, %dma_wait3A] : memref<10x100xi32, #tpu.memory_space<vmem>> -> memref<1x100xi32, #tpu.memory_space<vmem>>
        %dma_wait3A_35 = tpu.memref_squeeze %dma_wait3A_34 : memref<1x100xi32, #tpu.memory_space<vmem>> -> memref<100xi32, #tpu.memory_space<vmem>>
        %dma_wait3A_36 = arith.constant 0 : i32
        %dma_wait3A_37 = tpu.memref_slice %arg9[%dma_wait3A_36] : memref<10240xf32, #tpu.memory_space<vmem_shared>> -> memref<10240xf32, #tpu.memory_space<vmem_shared>>
        tpu.wait_indirect_dma semaphore(%run_scoped3A_29 : memref<!tpu.dma_semaphore, #tpu.memory_space<semaphore_mem>>) src(%arg7 : memref<100xf32, #tpu.memory_space<vmem>>) dst(%dma_wait3A_37 : memref<10240xf32, #tpu.memory_space<vmem_shared>>)
        tpu.yield
      }) : () -> ()
      %run_scoped3A_24 = arith.constant 5 : i32
      "tpu.region"() ({
        %run_scoped3A_29 = tpu.sem_alloc : memref<!tpu.dma_semaphore, #tpu.memory_space<semaphore_mem>>
        %dma_start3A = arith.constant 0 : i32
        %dma_start3A_30 = tpu.memref_slice %arg6[%run_scoped3A_24, %dma_start3A] : memref<10x100xi32, #tpu.memory_space<vmem>> -> memref<1x100xi32, #tpu.memory_space<vmem>>
        %dma_start3A_31 = tpu.memref_squeeze %dma_start3A_30 : memref<1x100xi32, #tpu.memory_space<vmem>> -> memref<100xi32, #tpu.memory_space<vmem>>
        %dma_start3A_32 = arith.constant 0 : i32
        %dma_start3A_33 = tpu.memref_slice %arg9[%dma_start3A_32] : memref<10240xf32, #tpu.memory_space<vmem_shared>> -> memref<10240xf32, #tpu.memory_space<vmem_shared>>
        tpu.enqueue_indirect_dma source(%arg7 : memref<100xf32, #tpu.memory_space<vmem>>) target(%dma_start3A_33 : memref<10240xf32, #tpu.memory_space<vmem_shared>>) offsets(%dma_start3A_31 : memref<100xi32, #tpu.memory_space<vmem>>) semaphore(%run_scoped3A_29 : memref<!tpu.dma_semaphore, #tpu.memory_space<semaphore_mem>>) {add = true}
        %dma_wait3A = arith.constant 0 : i32
        %dma_wait3A_34 = tpu.memref_slice %arg6[%run_scoped3A_24, %dma_wait3A] : memref<10x100xi32, #tpu.memory_space<vmem>> -> memref<1x100xi32, #tpu.memory_space<vmem>>
        %dma_wait3A_35 = tpu.memref_squeeze %dma_wait3A_34 : memref<1x100xi32, #tpu.memory_space<vmem>> -> memref<100xi32, #tpu.memory_space<vmem>>
        %dma_wait3A_36 = arith.constant 0 : i32
        %dma_wait3A_37 = tpu.memref_slice %arg9[%dma_wait3A_36] : memref<10240xf32, #tpu.memory_space<vmem_shared>> -> memref<10240xf32, #tpu.memory_space<vmem_shared>>
        tpu.wait_indirect_dma semaphore(%run_scoped3A_29 : memref<!tpu.dma_semaphore, #tpu.memory_space<semaphore_mem>>) src(%arg7 : memref<100xf32, #tpu.memory_space<vmem>>) dst(%dma_wait3A_37 : memref<10240xf32, #tpu.memory_space<vmem_shared>>)
        tpu.yield
      }) : () -> ()
      %run_scoped3A_25 = arith.constant 6 : i32
      "tpu.region"() ({
        %run_scoped3A_29 = tpu.sem_alloc : memref<!tpu.dma_semaphore, #tpu.memory_space<semaphore_mem>>
        %dma_start3A = arith.constant 0 : i32
        %dma_start3A_30 = tpu.memref_slice %arg6[%run_scoped3A_25, %dma_start3A] : memref<10x100xi32, #tpu.memory_space<vmem>> -> memref<1x100xi32, #tpu.memory_space<vmem>>
        %dma_start3A_31 = tpu.memref_squeeze %dma_start3A_30 : memref<1x100xi32, #tpu.memory_space<vmem>> -> memref<100xi32, #tpu.memory_space<vmem>>
        %dma_start3A_32 = arith.constant 0 : i32
        %dma_start3A_33 = tpu.memref_slice %arg9[%dma_start3A_32] : memref<10240xf32, #tpu.memory_space<vmem_shared>> -> memref<10240xf32, #tpu.memory_space<vmem_shared>>
        tpu.enqueue_indirect_dma source(%arg7 : memref<100xf32, #tpu.memory_space<vmem>>) target(%dma_start3A_33 : memref<10240xf32, #tpu.memory_space<vmem_shared>>) offsets(%dma_start3A_31 : memref<100xi32, #tpu.memory_space<vmem>>) semaphore(%run_scoped3A_29 : memref<!tpu.dma_semaphore, #tpu.memory_space<semaphore_mem>>) {add = true}
        %dma_wait3A = arith.constant 0 : i32
        %dma_wait3A_34 = tpu.memref_slice %arg6[%run_scoped3A_25, %dma_wait3A] : memref<10x100xi32, #tpu.memory_space<vmem>> -> memref<1x100xi32, #tpu.memory_space<vmem>>
        %dma_wait3A_35 = tpu.memref_squeeze %dma_wait3A_34 : memref<1x100xi32, #tpu.memory_space<vmem>> -> memref<100xi32, #tpu.memory_space<vmem>>
        %dma_wait3A_36 = arith.constant 0 : i32
        %dma_wait3A_37 = tpu.memref_slice %arg9[%dma_wait3A_36] : memref<10240xf32, #tpu.memory_space<vmem_shared>> -> memref<10240xf32, #tpu.memory_space<vmem_shared>>
        tpu.wait_indirect_dma semaphore(%run_scoped3A_29 : memref<!tpu.dma_semaphore, #tpu.memory_space<semaphore_mem>>) src(%arg7 : memref<100xf32, #tpu.memory_space<vmem>>) dst(%dma_wait3A_37 : memref<10240xf32, #tpu.memory_space<vmem_shared>>)
        tpu.yield
      }) : () -> ()
      %run_scoped3A_26 = arith.constant 7 : i32
      "tpu.region"() ({
        %run_scoped3A_29 = tpu.sem_alloc : memref<!tpu.dma_semaphore, #tpu.memory_space<semaphore_mem>>
        %dma_start3A = arith.constant 0 : i32
        %dma_start3A_30 = tpu.memref_slice %arg6[%run_scoped3A_26, %dma_start3A] : memref<10x100xi32, #tpu.memory_space<vmem>> -> memref<1x100xi32, #tpu.memory_space<vmem>>
        %dma_start3A_31 = tpu.memref_squeeze %dma_start3A_30 : memref<1x100xi32, #tpu.memory_space<vmem>> -> memref<100xi32, #tpu.memory_space<vmem>>
        %dma_start3A_32 = arith.constant 0 : i32
        %dma_start3A_33 = tpu.memref_slice %arg9[%dma_start3A_32] : memref<10240xf32, #tpu.memory_space<vmem_shared>> -> memref<10240xf32, #tpu.memory_space<vmem_shared>>
        tpu.enqueue_indirect_dma source(%arg7 : memref<100xf32, #tpu.memory_space<vmem>>) target(%dma_start3A_33 : memref<10240xf32, #tpu.memory_space<vmem_shared>>) offsets(%dma_start3A_31 : memref<100xi32, #tpu.memory_space<vmem>>) semaphore(%run_scoped3A_29 : memref<!tpu.dma_semaphore, #tpu.memory_space<semaphore_mem>>) {add = true}
        %dma_wait3A = arith.constant 0 : i32
        %dma_wait3A_34 = tpu.memref_slice %arg6[%run_scoped3A_26, %dma_wait3A] : memref<10x100xi32, #tpu.memory_space<vmem>> -> memref<1x100xi32, #tpu.memory_space<vmem>>
        %dma_wait3A_35 = tpu.memref_squeeze %dma_wait3A_34 : memref<1x100xi32, #tpu.memory_space<vmem>> -> memref<100xi32, #tpu.memory_space<vmem>>
        %dma_wait3A_36 = arith.constant 0 : i32
        %dma_wait3A_37 = tpu.memref_slice %arg9[%dma_wait3A_36] : memref<10240xf32, #tpu.memory_space<vmem_shared>> -> memref<10240xf32, #tpu.memory_space<vmem_shared>>
        tpu.wait_indirect_dma semaphore(%run_scoped3A_29 : memref<!tpu.dma_semaphore, #tpu.memory_space<semaphore_mem>>) src(%arg7 : memref<100xf32, #tpu.memory_space<vmem>>) dst(%dma_wait3A_37 : memref<10240xf32, #tpu.memory_space<vmem_shared>>)
        tpu.yield
      }) : () -> ()
      %run_scoped3A_27 = arith.constant 8 : i32
      "tpu.region"() ({
        %run_scoped3A_29 = tpu.sem_alloc : memref<!tpu.dma_semaphore, #tpu.memory_space<semaphore_mem>>
        %dma_start3A = arith.constant 0 : i32
        %dma_start3A_30 = tpu.memref_slice %arg6[%run_scoped3A_27, %dma_start3A] : memref<10x100xi32, #tpu.memory_space<vmem>> -> memref<1x100xi32, #tpu.memory_space<vmem>>
        %dma_start3A_31 = tpu.memref_squeeze %dma_start3A_30 : memref<1x100xi32, #tpu.memory_space<vmem>> -> memref<100xi32, #tpu.memory_space<vmem>>
        %dma_start3A_32 = arith.constant 0 : i32
        %dma_start3A_33 = tpu.memref_slice %arg9[%dma_start3A_32] : memref<10240xf32, #tpu.memory_space<vmem_shared>> -> memref<10240xf32, #tpu.memory_space<vmem_shared>>
        tpu.enqueue_indirect_dma source(%arg7 : memref<100xf32, #tpu.memory_space<vmem>>) target(%dma_start3A_33 : memref<10240xf32, #tpu.memory_space<vmem_shared>>) offsets(%dma_start3A_31 : memref<100xi32, #tpu.memory_space<vmem>>) semaphore(%run_scoped3A_29 : memref<!tpu.dma_semaphore, #tpu.memory_space<semaphore_mem>>) {add = true}
        %dma_wait3A = arith.constant 0 : i32
        %dma_wait3A_34 = tpu.memref_slice %arg6[%run_scoped3A_27, %dma_wait3A] : memref<10x100xi32, #tpu.memory_space<vmem>> -> memref<1x100xi32, #tpu.memory_space<vmem>>
        %dma_wait3A_35 = tpu.memref_squeeze %dma_wait3A_34 : memref<1x100xi32, #tpu.memory_space<vmem>> -> memref<100xi32, #tpu.memory_space<vmem>>
        %dma_wait3A_36 = arith.constant 0 : i32
        %dma_wait3A_37 = tpu.memref_slice %arg9[%dma_wait3A_36] : memref<10240xf32, #tpu.memory_space<vmem_shared>> -> memref<10240xf32, #tpu.memory_space<vmem_shared>>
        tpu.wait_indirect_dma semaphore(%run_scoped3A_29 : memref<!tpu.dma_semaphore, #tpu.memory_space<semaphore_mem>>) src(%arg7 : memref<100xf32, #tpu.memory_space<vmem>>) dst(%dma_wait3A_37 : memref<10240xf32, #tpu.memory_space<vmem_shared>>)
        tpu.yield
      }) : () -> ()
      %run_scoped3A_28 = arith.constant 9 : i32
      "tpu.region"() ({
        %run_scoped3A_29 = tpu.sem_alloc : memref<!tpu.dma_semaphore, #tpu.memory_space<semaphore_mem>>
        %dma_start3A = arith.constant 0 : i32
        %dma_start3A_30 = tpu.memref_slice %arg6[%run_scoped3A_28, %dma_start3A] : memref<10x100xi32, #tpu.memory_space<vmem>> -> memref<1x100xi32, #tpu.memory_space<vmem>>
        %dma_start3A_31 = tpu.memref_squeeze %dma_start3A_30 : memref<1x100xi32, #tpu.memory_space<vmem>> -> memref<100xi32, #tpu.memory_space<vmem>>
        %dma_start3A_32 = arith.constant 0 : i32
        %dma_start3A_33 = tpu.memref_slice %arg9[%dma_start3A_32] : memref<10240xf32, #tpu.memory_space<vmem_shared>> -> memref<10240xf32, #tpu.memory_space<vmem_shared>>
        tpu.enqueue_indirect_dma source(%arg7 : memref<100xf32, #tpu.memory_space<vmem>>) target(%dma_start3A_33 : memref<10240xf32, #tpu.memory_space<vmem_shared>>) offsets(%dma_start3A_31 : memref<100xi32, #tpu.memory_space<vmem>>) semaphore(%run_scoped3A_29 : memref<!tpu.dma_semaphore, #tpu.memory_space<semaphore_mem>>) {add = true}
        %dma_wait3A = arith.constant 0 : i32
        %dma_wait3A_34 = tpu.memref_slice %arg6[%run_scoped3A_28, %dma_wait3A] : memref<10x100xi32, #tpu.memory_space<vmem>> -> memref<1x100xi32, #tpu.memory_space<vmem>>
        %dma_wait3A_35 = tpu.memref_squeeze %dma_wait3A_34 : memref<1x100xi32, #tpu.memory_space<vmem>> -> memref<100xi32, #tpu.memory_space<vmem>>
        %dma_wait3A_36 = arith.constant 0 : i32
        %dma_wait3A_37 = tpu.memref_slice %arg9[%dma_wait3A_36] : memref<10240xf32, #tpu.memory_space<vmem_shared>> -> memref<10240xf32, #tpu.memory_space<vmem_shared>>
        tpu.wait_indirect_dma semaphore(%run_scoped3A_29 : memref<!tpu.dma_semaphore, #tpu.memory_space<semaphore_mem>>) src(%arg7 : memref<100xf32, #tpu.memory_space<vmem>>) dst(%dma_wait3A_37 : memref<10240xf32, #tpu.memory_space<vmem_shared>>)
        tpu.yield
      }) : () -> ()
    }
    %scan3A_6 = arith.constant 10 : i32
    %barrier3A_7 = arith.constant 0 : index
    tpu.barrier barrier_id(%barrier3A_7)
    %mul3A_8 = arith.constant 640 : i32
    %mul3A_9 = arith.muli %arg1, %mul3A_8 : i32
    "tpu.region"() ({
      %run_scoped3A = tpu.sem_alloc : memref<!tpu.dma_semaphore, #tpu.memory_space<semaphore_mem>>
      %dma_start3A = tpu.memref_slice %arg9[%mul3A_9] : memref<10240xf32, #tpu.memory_space<vmem_shared>> -> memref<640xf32, #tpu.memory_space<vmem_shared>>
      %dma_start3A_15 = tpu.memref_slice %arg9[%mul3A_9] : memref<10240xf32, #tpu.memory_space<vmem_shared>> -> memref<640xf32, #tpu.memory_space<vmem_shared>>
      tpu.enqueue_dma source(%dma_start3A_15 : memref<640xf32, #tpu.memory_space<vmem_shared>>) target(%arg8 : memref<640xf32, #tpu.memory_space<vmem>>) target_semaphore(%run_scoped3A : memref<!tpu.dma_semaphore, #tpu.memory_space<semaphore_mem>>)
      %dma_wait3A = tpu.memref_slice %arg9[%mul3A_9] : memref<10240xf32, #tpu.memory_space<vmem_shared>> -> memref<640xf32, #tpu.memory_space<vmem_shared>>
      %dma_wait3A_16 = tpu.memref_slice %arg9[%mul3A_9] : memref<10240xf32, #tpu.memory_space<vmem_shared>> -> memref<640xf32, #tpu.memory_space<vmem_shared>>
      tpu.wait_dma2 semaphore(%run_scoped3A : memref<!tpu.dma_semaphore, #tpu.memory_space<semaphore_mem>>) src(%dma_wait3A_16 : memref<640xf32, #tpu.memory_space<vmem_shared>>) dst(%arg8 : memref<640xf32, #tpu.memory_space<vmem>>)
      tpu.yield
    }) : () -> ()
    %mul3A_10 = arith.constant 10240 : i32
    %mul3A_11 = arith.muli %arg0, %mul3A_10 : i32
    %mul3A_12 = arith.constant 640 : i32
    %mul3A_13 = arith.muli %arg1, %mul3A_12 : i32
    %add3A_14 = arith.addi %mul3A_11, %mul3A_13 : i32
    "tpu.region"() ({
      %run_scoped3A = tpu.sem_alloc : memref<!tpu.dma_semaphore, #tpu.memory_space<semaphore_mem>>
      %dma_start3A = tpu.memref_slice %arg5[%add3A_14] : memref<20480xf32, #tpu.memory_space<hbm>> -> memref<640xf32, #tpu.memory_space<hbm>>
      %dma_start3A_15 = tpu.memref_slice %arg5[%add3A_14] : memref<20480xf32, #tpu.memory_space<hbm>> -> memref<640xf32, #tpu.memory_space<hbm>>
      tpu.enqueue_dma source(%arg8 : memref<640xf32, #tpu.memory_space<vmem>>) target(%dma_start3A_15 : memref<640xf32, #tpu.memory_space<hbm>>) target_semaphore(%run_scoped3A : memref<!tpu.dma_semaphore, #tpu.memory_space<semaphore_mem>>)
      %dma_wait3A = tpu.memref_slice %arg5[%add3A_14] : memref<20480xf32, #tpu.memory_space<hbm>> -> memref<640xf32, #tpu.memory_space<hbm>>
      %dma_wait3A_16 = tpu.memref_slice %arg5[%add3A_14] : memref<20480xf32, #tpu.memory_space<hbm>> -> memref<640xf32, #tpu.memory_space<hbm>>
      tpu.wait_dma2 semaphore(%run_scoped3A : memref<!tpu.dma_semaphore, #tpu.memory_space<semaphore_mem>>) src(%arg8 : memref<640xf32, #tpu.memory_space<vmem>>) dst(%dma_wait3A_16 : memref<640xf32, #tpu.memory_space<hbm>>)
      tpu.yield
    }) : () -> ()
    return
  }
}

module attributes {stable_mosaic.version = 14 : i64} {
  func.func @_tc1_body(%arg0: memref<10000x128xf32, #tpu.memory_space<vmem>>, %arg1: memref<128x128xf32, #tpu.memory_space<vmem>>, %arg2: memref<20480x1xf32, #tpu.memory_space<vmem>>, %arg3: memref<10000x128xf32, #tpu.memory_space<vmem>>) attributes {dimension_semantics = [], scalar_prefetch = 0 : i64, scratch_operands = 0 : i64, tpu.core_type = #tpu.core_type<tc>} {
    %get3A = arith.constant 0 : index
    %get3A_0 = arith.constant 0 : index
    %get3A_1 = vector.load %arg0[%get3A, %get3A_0] : memref<10000x128xf32, #tpu.memory_space<vmem>>, vector<10000x128xf32>
    %get3A_2 = arith.constant 0 : index
    %get3A_3 = arith.constant 0 : index
    %get3A_4 = vector.load %arg1[%get3A_2, %get3A_3] : memref<128x128xf32, #tpu.memory_space<vmem>>, vector<128x128xf32>
    %dot_general3A = arith.constant dense<0.000000e+00> : vector<10000x128xf32>
    %dot_general3A_5 = tpu.matmul %get3A_1, %get3A_4, %dot_general3A {dimension_numbers = #tpu.dot_dimension_numbers<[1], [0], [0], [1], [0, 0, 1, 1], [], []>, transpose_lhs_hint = false} : vector<10000x128xf32>, vector<128x128xf32>, vector<10000x128xf32> -> vector<10000x128xf32>
    %get3A_6 = arith.constant 0 : index
    %get3A_7 = arith.constant 0 : index
    %get3A_8 = vector.load %arg2[%get3A_6, %get3A_7] : memref<20480x1xf32, #tpu.memory_space<vmem>>, vector<10000x1xf32>
    %get3A_9 = arith.constant 10240 : index
    %get3A_10 = arith.constant 0 : index
    %get3A_11 = vector.load %arg2[%get3A_9, %get3A_10] : memref<20480x1xf32, #tpu.memory_space<vmem>>, vector<10000x1xf32>
    %add3A = arith.addf %get3A_8, %get3A_11 : vector<10000x1xf32>
    %add3A_12 = arith.constant 1.000000e+00 : f32
    %add3A_13 = vector.broadcast %add3A_12 : f32 to vector<10000x1xf32>
    %add3A_14 = arith.addf %add3A, %add3A_13 : vector<10000x1xf32>
    %rsqrt3A = math.rsqrt %add3A_14 : vector<10000x1xf32>
    %mul3A = vector.broadcast %rsqrt3A : vector<10000x1xf32> to vector<10000x128xf32>
    %mul3A_15 = arith.mulf %dot_general3A_5, %mul3A : vector<10000x128xf32>
    %swap3A = arith.constant 0 : index
    %swap3A_16 = arith.constant 0 : index
    %swap3A_17 = vector.load %arg3[%swap3A, %swap3A_16] : memref<10000x128xf32, #tpu.memory_space<vmem>>, vector<10000x128xf32>
    tpu.vector_store %arg3[%swap3A, %swap3A_16], %mul3A_15 {strides = array<i32>} : memref<10000x128xf32, #tpu.memory_space<vmem>>, vector<10000x128xf32>,
    return
  }
}

module attributes {stable_mosaic.version = 14 : i64} {
  func.func @_tc2_body(%arg0: memref<20480x128xf32, #tpu.memory_space<vmem>>, %arg1: memref<10000x128xf32, #tpu.memory_space<vmem>>, %arg2: memref<20480x1xf32, #tpu.memory_space<vmem>>, %arg3: memref<1x128xf32, #tpu.memory_space<vmem>>, %arg4: memref<1x128xf32, #tpu.memory_space<vmem>>, %arg5: memref<1x128xf32, #tpu.memory_space<vmem>>, %arg6: memref<128x128xf32, #tpu.memory_space<vmem>>, %arg7: memref<10000x128xf32, #tpu.memory_space<vmem>>) attributes {dimension_semantics = [], scalar_prefetch = 0 : i64, scratch_operands = 0 : i64, tpu.core_type = #tpu.core_type<tc>} {
    %get3A = arith.constant 0 : index
    %get3A_0 = arith.constant 0 : index
    %get3A_1 = vector.load %arg2[%get3A, %get3A_0] : memref<20480x1xf32, #tpu.memory_space<vmem>>, vector<10000x1xf32>
    %get3A_2 = arith.constant 10240 : index
    %get3A_3 = arith.constant 0 : index
    %get3A_4 = vector.load %arg2[%get3A_2, %get3A_3] : memref<20480x1xf32, #tpu.memory_space<vmem>>, vector<10000x1xf32>
    %add3A = arith.addf %get3A_1, %get3A_4 : vector<10000x1xf32>
    %add3A_5 = arith.constant 1.000000e+00 : f32
    %add3A_6 = vector.broadcast %add3A_5 : f32 to vector<10000x1xf32>
    %add3A_7 = arith.addf %add3A, %add3A_6 : vector<10000x1xf32>
    %rsqrt3A = math.rsqrt %add3A_7 : vector<10000x1xf32>
    %get3A_8 = arith.constant 0 : index
    %get3A_9 = arith.constant 0 : index
    %get3A_10 = vector.load %arg1[%get3A_8, %get3A_9] : memref<10000x128xf32, #tpu.memory_space<vmem>>, vector<10000x128xf32>
    %get3A_11 = arith.constant 0 : index
    %get3A_12 = arith.constant 0 : index
    %get3A_13 = vector.load %arg0[%get3A_11, %get3A_12] : memref<20480x128xf32, #tpu.memory_space<vmem>>, vector<10000x128xf32>
    %get3A_14 = arith.constant 10240 : index
    %get3A_15 = arith.constant 0 : index
    %get3A_16 = vector.load %arg0[%get3A_14, %get3A_15] : memref<20480x128xf32, #tpu.memory_space<vmem>>, vector<10000x128xf32>
    %add3A_17 = arith.addf %get3A_13, %get3A_16 : vector<10000x128xf32>
    %add3A_18 = arith.addf %add3A_17, %get3A_10 : vector<10000x128xf32>
    %mul3A = vector.broadcast %rsqrt3A : vector<10000x1xf32> to vector<10000x128xf32>
    %mul3A_19 = arith.mulf %mul3A, %add3A_18 : vector<10000x128xf32>
    %get3A_20 = arith.constant 0 : index
    %get3A_21 = arith.constant 0 : index
    %get3A_22 = vector.load %arg3[%get3A_20, %get3A_21] : memref<1x128xf32, #tpu.memory_space<vmem>>, vector<1x128xf32>
    %add3A_23 = vector.broadcast %get3A_22 : vector<1x128xf32> to vector<10000x128xf32>
    %add3A_24 = arith.addf %mul3A_19, %add3A_23 : vector<10000x128xf32>
    %get3A_25 = arith.constant 0 : index
    %get3A_26 = arith.constant 0 : index
    %get3A_27 = vector.load %arg4[%get3A_25, %get3A_26] : memref<1x128xf32, #tpu.memory_space<vmem>>, vector<1x128xf32>
    %get3A_28 = arith.constant 0 : index
    %get3A_29 = arith.constant 0 : index
    %get3A_30 = vector.load %arg5[%get3A_28, %get3A_29] : memref<1x128xf32, #tpu.memory_space<vmem>>, vector<1x128xf32>
    %reduce_sum3A = arith.constant dense<0.000000e+00> : vector<128xf32>
    %reduce_sum3A_31 = vector.multi_reduction <add>, %add3A_24, %reduce_sum3A [0] : vector<10000x128xf32> to vector<128xf32>
    %broadcast_in_dim3A = vector.shape_cast %reduce_sum3A_31 : vector<128xf32> to vector<1x128xf32>
    %div3A = arith.constant 1.000000e+04 : f32
    %div3A_32 = vector.broadcast %div3A : f32 to vector<1x128xf32>
    %div3A_33 = arith.divf %broadcast_in_dim3A, %div3A_32 : vector<1x128xf32>
    %sub3A = vector.broadcast %div3A_33 : vector<1x128xf32> to vector<10000x128xf32>
    %sub3A_34 = arith.subf %add3A_24, %sub3A : vector<10000x128xf32>
    %sub3A_35 = vector.broadcast %div3A_33 : vector<1x128xf32> to vector<10000x128xf32>
    %sub3A_36 = arith.subf %add3A_24, %sub3A_35 : vector<10000x128xf32>
    %mul3A_37 = arith.mulf %sub3A_34, %sub3A_36 : vector<10000x128xf32>
    %reduce_sum3A_38 = arith.constant dense<0.000000e+00> : vector<128xf32>
    %reduce_sum3A_39 = vector.multi_reduction <add>, %mul3A_37, %reduce_sum3A_38 [0] : vector<10000x128xf32> to vector<128xf32>
    %broadcast_in_dim3A_40 = vector.shape_cast %reduce_sum3A_39 : vector<128xf32> to vector<1x128xf32>
    %div3A_41 = arith.constant 1.000000e+04 : f32
    %div3A_42 = vector.broadcast %div3A_41 : f32 to vector<1x128xf32>
    %div3A_43 = arith.divf %broadcast_in_dim3A_40, %div3A_42 : vector<1x128xf32>
    %sub3A_44 = vector.broadcast %div3A_33 : vector<1x128xf32> to vector<10000x128xf32>
    %sub3A_45 = arith.subf %add3A_24, %sub3A_44 : vector<10000x128xf32>
    %add3A_46 = arith.constant 9.99999974E-6 : f32
    %add3A_47 = vector.broadcast %add3A_46 : f32 to vector<1x128xf32>
    %add3A_48 = arith.addf %div3A_43, %add3A_47 : vector<1x128xf32>
    %rsqrt3A_49 = math.rsqrt %add3A_48 : vector<1x128xf32>
    %mul3A_50 = vector.broadcast %rsqrt3A_49 : vector<1x128xf32> to vector<10000x128xf32>
    %mul3A_51 = arith.mulf %sub3A_45, %mul3A_50 : vector<10000x128xf32>
    %mul3A_52 = vector.broadcast %get3A_27 : vector<1x128xf32> to vector<10000x128xf32>
    %mul3A_53 = arith.mulf %mul3A_51, %mul3A_52 : vector<10000x128xf32>
    %add3A_54 = vector.broadcast %get3A_30 : vector<1x128xf32> to vector<10000x128xf32>
    %add3A_55 = arith.addf %mul3A_53, %add3A_54 : vector<10000x128xf32>
    %max3A = arith.constant 0.000000e+00 : f32
    %max3A_56 = vector.broadcast %max3A : f32 to vector<10000x128xf32>
    %max3A_57 = arith.maximumf %add3A_55, %max3A_56 : vector<10000x128xf32>
    %get3A_58 = arith.constant 0 : index
    %get3A_59 = arith.constant 0 : index
    %get3A_60 = vector.load %arg6[%get3A_58, %get3A_59] : memref<128x128xf32, #tpu.memory_space<vmem>>, vector<128x128xf32>
    %dot_general3A = arith.constant dense<0.000000e+00> : vector<10000x128xf32>
    %dot_general3A_61 = tpu.matmul %max3A_57, %get3A_60, %dot_general3A {dimension_numbers = #tpu.dot_dimension_numbers<[1], [0], [0], [1], [0, 0, 1, 1], [], []>, transpose_lhs_hint = false} : vector<10000x128xf32>, vector<128x128xf32>, vector<10000x128xf32> -> vector<10000x128xf32>
    %mul3A_62 = vector.broadcast %rsqrt3A : vector<10000x1xf32> to vector<10000x128xf32>
    %mul3A_63 = arith.mulf %dot_general3A_61, %mul3A_62 : vector<10000x128xf32>
    %swap3A = arith.constant 0 : index
    %swap3A_64 = arith.constant 0 : index
    %swap3A_65 = vector.load %arg7[%swap3A, %swap3A_64] : memref<10000x128xf32, #tpu.memory_space<vmem>>, vector<10000x128xf32>
    tpu.vector_store %arg7[%swap3A, %swap3A_64], %mul3A_63 {strides = array<i32>} : memref<10000x128xf32, #tpu.memory_space<vmem>>, vector<10000x128xf32>,
    return
  }
}

module attributes {stable_mosaic.version = 14 : i64} {
  func.func @_tc3_body(%arg0: memref<20480x128xf32, #tpu.memory_space<vmem>>, %arg1: memref<10000x128xf32, #tpu.memory_space<vmem>>, %arg2: memref<20480x1xf32, #tpu.memory_space<vmem>>, %arg3: memref<1x128xf32, #tpu.memory_space<vmem>>, %arg4: memref<1x128xf32, #tpu.memory_space<vmem>>, %arg5: memref<1x128xf32, #tpu.memory_space<vmem>>, %arg6: memref<128x128xf32, #tpu.memory_space<vmem>>, %arg7: memref<1x128xf32, #tpu.memory_space<vmem>>, %arg8: memref<128x64xf32, #tpu.memory_space<vmem>>, %arg9: memref<1x64xf32, #tpu.memory_space<vmem>>, %arg10: memref<10000x64xf32, #tpu.memory_space<vmem>>) attributes {dimension_semantics = [], scalar_prefetch = 0 : i64, scratch_operands = 0 : i64, tpu.core_type = #tpu.core_type<tc>} {
    %get3A = arith.constant 0 : index
    %get3A_0 = arith.constant 0 : index
    %get3A_1 = vector.load %arg2[%get3A, %get3A_0] : memref<20480x1xf32, #tpu.memory_space<vmem>>, vector<10000x1xf32>
    %get3A_2 = arith.constant 10240 : index
    %get3A_3 = arith.constant 0 : index
    %get3A_4 = vector.load %arg2[%get3A_2, %get3A_3] : memref<20480x1xf32, #tpu.memory_space<vmem>>, vector<10000x1xf32>
    %add3A = arith.addf %get3A_1, %get3A_4 : vector<10000x1xf32>
    %add3A_5 = arith.constant 1.000000e+00 : f32
    %add3A_6 = vector.broadcast %add3A_5 : f32 to vector<10000x1xf32>
    %add3A_7 = arith.addf %add3A, %add3A_6 : vector<10000x1xf32>
    %rsqrt3A = math.rsqrt %add3A_7 : vector<10000x1xf32>
    %get3A_8 = arith.constant 0 : index
    %get3A_9 = arith.constant 0 : index
    %get3A_10 = vector.load %arg0[%get3A_8, %get3A_9] : memref<20480x128xf32, #tpu.memory_space<vmem>>, vector<10000x128xf32>
    %get3A_11 = arith.constant 10240 : index
    %get3A_12 = arith.constant 0 : index
    %get3A_13 = vector.load %arg0[%get3A_11, %get3A_12] : memref<20480x128xf32, #tpu.memory_space<vmem>>, vector<10000x128xf32>
    %add3A_14 = arith.addf %get3A_10, %get3A_13 : vector<10000x128xf32>
    %get3A_15 = arith.constant 0 : index
    %get3A_16 = arith.constant 0 : index
    %get3A_17 = vector.load %arg1[%get3A_15, %get3A_16] : memref<10000x128xf32, #tpu.memory_space<vmem>>, vector<10000x128xf32>
    %add3A_18 = arith.addf %add3A_14, %get3A_17 : vector<10000x128xf32>
    %mul3A = vector.broadcast %rsqrt3A : vector<10000x1xf32> to vector<10000x128xf32>
    %mul3A_19 = arith.mulf %mul3A, %add3A_18 : vector<10000x128xf32>
    %get3A_20 = arith.constant 0 : index
    %get3A_21 = arith.constant 0 : index
    %get3A_22 = vector.load %arg3[%get3A_20, %get3A_21] : memref<1x128xf32, #tpu.memory_space<vmem>>, vector<1x128xf32>
    %add3A_23 = vector.broadcast %get3A_22 : vector<1x128xf32> to vector<10000x128xf32>
    %add3A_24 = arith.addf %mul3A_19, %add3A_23 : vector<10000x128xf32>
    %get3A_25 = arith.constant 0 : index
    %get3A_26 = arith.constant 0 : index
    %get3A_27 = vector.load %arg4[%get3A_25, %get3A_26] : memref<1x128xf32, #tpu.memory_space<vmem>>, vector<1x128xf32>
    %get3A_28 = arith.constant 0 : index
    %get3A_29 = arith.constant 0 : index
    %get3A_30 = vector.load %arg5[%get3A_28, %get3A_29] : memref<1x128xf32, #tpu.memory_space<vmem>>, vector<1x128xf32>
    %reduce_sum3A = arith.constant dense<0.000000e+00> : vector<128xf32>
    %reduce_sum3A_31 = vector.multi_reduction <add>, %add3A_24, %reduce_sum3A [0] : vector<10000x128xf32> to vector<128xf32>
    %broadcast_in_dim3A = vector.shape_cast %reduce_sum3A_31 : vector<128xf32> to vector<1x128xf32>
    %div3A = arith.constant 1.000000e+04 : f32
    %div3A_32 = vector.broadcast %div3A : f32 to vector<1x128xf32>
    %div3A_33 = arith.divf %broadcast_in_dim3A, %div3A_32 : vector<1x128xf32>
    %sub3A = vector.broadcast %div3A_33 : vector<1x128xf32> to vector<10000x128xf32>
    %sub3A_34 = arith.subf %add3A_24, %sub3A : vector<10000x128xf32>
    %sub3A_35 = vector.broadcast %div3A_33 : vector<1x128xf32> to vector<10000x128xf32>
    %sub3A_36 = arith.subf %add3A_24, %sub3A_35 : vector<10000x128xf32>
    %mul3A_37 = arith.mulf %sub3A_34, %sub3A_36 : vector<10000x128xf32>
    %reduce_sum3A_38 = arith.constant dense<0.000000e+00> : vector<128xf32>
    %reduce_sum3A_39 = vector.multi_reduction <add>, %mul3A_37, %reduce_sum3A_38 [0] : vector<10000x128xf32> to vector<128xf32>
    %broadcast_in_dim3A_40 = vector.shape_cast %reduce_sum3A_39 : vector<128xf32> to vector<1x128xf32>
    %div3A_41 = arith.constant 1.000000e+04 : f32
    %div3A_42 = vector.broadcast %div3A_41 : f32 to vector<1x128xf32>
    %div3A_43 = arith.divf %broadcast_in_dim3A_40, %div3A_42 : vector<1x128xf32>
    %sub3A_44 = vector.broadcast %div3A_33 : vector<1x128xf32> to vector<10000x128xf32>
    %sub3A_45 = arith.subf %add3A_24, %sub3A_44 : vector<10000x128xf32>
    %add3A_46 = arith.constant 9.99999974E-6 : f32
    %add3A_47 = vector.broadcast %add3A_46 : f32 to vector<1x128xf32>
    %add3A_48 = arith.addf %div3A_43, %add3A_47 : vector<1x128xf32>
    %rsqrt3A_49 = math.rsqrt %add3A_48 : vector<1x128xf32>
    %mul3A_50 = vector.broadcast %rsqrt3A_49 : vector<1x128xf32> to vector<10000x128xf32>
    %mul3A_51 = arith.mulf %sub3A_45, %mul3A_50 : vector<10000x128xf32>
    %mul3A_52 = vector.broadcast %get3A_27 : vector<1x128xf32> to vector<10000x128xf32>
    %mul3A_53 = arith.mulf %mul3A_51, %mul3A_52 : vector<10000x128xf32>
    %add3A_54 = vector.broadcast %get3A_30 : vector<1x128xf32> to vector<10000x128xf32>
    %add3A_55 = arith.addf %mul3A_53, %add3A_54 : vector<10000x128xf32>
    %max3A = arith.constant 0.000000e+00 : f32
    %max3A_56 = vector.broadcast %max3A : f32 to vector<10000x128xf32>
    %max3A_57 = arith.maximumf %add3A_55, %max3A_56 : vector<10000x128xf32>
    %get3A_58 = arith.constant 0 : index
    %get3A_59 = arith.constant 0 : index
    %get3A_60 = vector.load %arg6[%get3A_58, %get3A_59] : memref<128x128xf32, #tpu.memory_space<vmem>>, vector<128x128xf32>
    %dot_general3A = arith.constant dense<0.000000e+00> : vector<10000x128xf32>
    %dot_general3A_61 = tpu.matmul %max3A_57, %get3A_60, %dot_general3A {dimension_numbers = #tpu.dot_dimension_numbers<[1], [0], [0], [1], [0, 0, 1, 1], [], []>, transpose_lhs_hint = false} : vector<10000x128xf32>, vector<128x128xf32>, vector<10000x128xf32> -> vector<10000x128xf32>
    %get3A_62 = arith.constant 0 : index
    %get3A_63 = arith.constant 0 : index
    %get3A_64 = vector.load %arg7[%get3A_62, %get3A_63] : memref<1x128xf32, #tpu.memory_space<vmem>>, vector<1x128xf32>
    %add3A_65 = vector.broadcast %get3A_64 : vector<1x128xf32> to vector<10000x128xf32>
    %add3A_66 = arith.addf %dot_general3A_61, %add3A_65 : vector<10000x128xf32>
    %max3A_67 = arith.constant 0.000000e+00 : f32
    %max3A_68 = vector.broadcast %max3A_67 : f32 to vector<10000x128xf32>
    %max3A_69 = arith.maximumf %add3A_66, %max3A_68 : vector<10000x128xf32>
    %get3A_70 = arith.constant 0 : index
    %get3A_71 = arith.constant 0 : index
    %get3A_72 = vector.load %arg8[%get3A_70, %get3A_71] : memref<128x64xf32, #tpu.memory_space<vmem>>, vector<128x64xf32>
    %dot_general3A_73 = arith.constant dense<0.000000e+00> : vector<10000x64xf32>
    %dot_general3A_74 = tpu.matmul %max3A_69, %get3A_72, %dot_general3A_73 {dimension_numbers = #tpu.dot_dimension_numbers<[1], [0], [0], [1], [0, 0, 1, 1], [], []>, transpose_lhs_hint = false} : vector<10000x128xf32>, vector<128x64xf32>, vector<10000x64xf32> -> vector<10000x64xf32>
    %get3A_75 = arith.constant 0 : index
    %get3A_76 = arith.constant 0 : index
    %get3A_77 = vector.load %arg9[%get3A_75, %get3A_76] : memref<1x64xf32, #tpu.memory_space<vmem>>, vector<1x64xf32>
    %add3A_78 = vector.broadcast %get3A_77 : vector<1x64xf32> to vector<10000x64xf32>
    %add3A_79 = arith.addf %dot_general3A_74, %add3A_78 : vector<10000x64xf32>
    %swap3A = arith.constant 0 : index
    %swap3A_80 = arith.constant 0 : index
    %swap3A_81 = vector.load %arg10[%swap3A, %swap3A_80] : memref<10000x64xf32, #tpu.memory_space<vmem>>, vector<10000x64xf32>
    tpu.vector_store %arg10[%swap3A, %swap3A_80], %add3A_79 {strides = array<i32>} : memref<10000x64xf32, #tpu.memory_space<vmem>>, vector<10000x64xf32>,
    return
  }
}

</mosaic_0001>

<sc_bundles>
// kernel: kernel.11.cloned.1.call-start
scs
__scs_entry_jumppad:
0x0: {  	(pc) =	sbr.rel $0x88, $3  }
0x1: {  	(tag) =	ssettag $0x0;
	lr =	simm.s32 $0x1  }
0x2: {  	[smem:$0x3F93] =	sst lr;
	_ =	strace $0xD0000000  }
0x3: {  	_ = 	snop  }
0x4: {  	_ = 	snop  }
0x5: {  	_ = 	snop  }
0x6: {  	_ = 	snop  }
0x7: {  	_ = 	snop  }
__scs_overlays_trampoline_lowered:
0x8: {  	[smem:$0x3FA2] =	sst s0  }
0x9: {  	[smem:$0x3FA3] =	sst s1  }
0xa: {  	[smem:$0x3FA4] =	sst s2  }
0xb: {  	[smem:$0x3FA5] =	sst s3  }
0xc: {  	[smem:$0x3FA6] =	sst s4  }
0xd: {  	[smem:$0x3FA7] =	sst s5  }
0xe: {  	[smem:$0x3FA8] =	sst s6  }
0xf: {  	[smem:$0x3FA9] =	sst s7  }
0x10: {  	[smem:$0x3FAA] =	sst s8  }
0x11: {  	[smem:$0x3FAB] =	sst s9;
	s0 =	simm.s32 @!p0 $0x0  }
0x12: {  	s1 =	sld [smem:$0x3F91];
	s0 =	simm.s32 @p0 $0x1  }
0x13: {  	[smem:$0x3FAC] =	sst s0;
	s0 =	simm.s32 @!p1 $0x0  }
0x14: {  	s2 =	sld [smem:$0x3F90];
	s0 =	simm.s32 @p1 $0x1  }
0x15: {  	[smem:$0x3FAD] =	sst s0;
	s0 =	simm.s32 @!p2 $0x0  }
0x16: {  	s3 =	sld [smem:$0x3FDB];
	s0 =	simm.s32 @p2 $0x1  }
0x17: {  	s4 =	simm.s32 $0x1BF5;
	[smem:$0x3FAF] =	sst s0  }
0x18: {  	s0 =	sld [smem:$0x3F92];
	_ =	swait.ge [sflag:s4], $0x0  }
0x19: {  	s7 =	sld [smem:$0x3F93]  }
0x1a: {  	s8 =	sadd.s32 $0xFFFFE003, lr  }
0x1b: {  	s9 =	sadd.s32 $0xFFFFFEF7, lr;
	s5 =	simm.s32 $0xFFFFFFFF;
	p2 =	slt.u32 s8, $0xFFFFF086  }
0x1c: {  	p1 =	slt.u32 s9, $0xF7A;
	s5 =	simm.s32 @!p2 $0x0  }
0x1d: {  	s5 =	simm.s32 @p1 $0x1;
	p0 =	seq.s32 s7, s2  }
0x1e: {  	s7 =	smul.u32 @!p0 $0xF7A, s2;
	p2 =	seq.s32 @!p0 s5, $0x0  }
0x1f: {  	s9 =	smul.u32 $0xF7A, s1;
	s8 =	simm.s32 @!p0 $0x1BF5;
	p2 =	por !p2, p0  }
0x20: {  	[sflag:s8] =	ssyncset.s32 @!p0 $0xFFFFF086;
	s6 =	sadd.s32 @!p0 s3, s7;
	s7 =	simm.s32 @!p0 $0x108  }
0x21: {  	s3 =	sadd.s32 s3, s9;
	s6 =	sadd.s32 @!p0 $0x88, s6;
	s7 =	simm.s32 @p2 $0x1082  }
0x22: {  	[simem:s7], [sflag:s8] =	dma.local @!p0 [hbm:s6], $0xF7A  }
0x23: {  	s9 =	sor.u32 $0xD0000000, s2;
	s6 =	simm.s32 $0x108;
	_ =	swait.ge @!p0 [sflag:s8], $0x0  }
0x24: {  	s3 =	sadd.s32 $0x88, s3;
	s6 =	simm.s32 @!p1 $0x1082;
	[sflag:s4] =	ssyncset.s32 $0xFFFFF086  }
0x25: {  	[simem:s6], [sflag:s4] =	dma.local [hbm:s3], $0xF7A  }
0x26: {  	[smem:$0x3F93] =	sst s1;
	(tag) =	ssettag s2;
	_ =	strace s9  }
0x27: {  	s1 =	sld [smem:$0x3FA3]  }
0x28: {  	s2 =	sld [smem:$0x3FA4]  }
0x29: {  	s4 =	sld [smem:$0x3FA6]  }
0x2a: {  	p0 =	seq.s32 s5, $0x0;
	s5 =	sld [smem:$0x3FA7]  }
0x2b: {  	s6 =	sld [smem:$0x3FA8]  }
0x2c: {  	s7 =	sld [smem:$0x3FA9]  }
0x2d: {  	s3 =	simm.s32 $0x108;
	s8 =	sld [smem:$0x3FAA]  }
0x2e: {  	s3 =	simm.s32 @!p0 $0x1082;
	s9 =	sld [smem:$0x3FAB]  }
0x2f: {  	lr =	sadd.s32 s0, s3;
	s0 =	sld [smem:$0x3FA2]  }
0x30: {  	s3 =	sld [smem:$0x3FA5]  }
0x31: {  	[smem:$0x3FAE] =	sst s10  }
0x32: {  	s10 =	sld [smem:$0x3FAC];
	_ =	sdelay $0x3  }
0x33: {  	p0 =	seq.s32 s10, $0x1;
	s10 =	sld [smem:$0x3FAE];
	_ =	sdelay $0x3  }
0x34: {  	[smem:$0x3FAE] =	sst s10  }
0x35: {  	s10 =	sld [smem:$0x3FAD];
	_ =	sdelay $0x3  }
0x36: {  	p1 =	seq.s32 s10, $0x1;
	s10 =	sld [smem:$0x3FAE];
	_ =	sdelay $0x3  }
0x37: {  	[smem:$0x3FAE] =	sst s10  }
0x38: {  	s10 =	sld [smem:$0x3FAF]  }
0x39: {  	_ = 	snop;
	(pc) =	sbr.ind lr, $3  }
0x3a: {  	_ = 	snop  }
0x3b: {  	_ = 	snop  }
0x3c: {  	p2 =	seq.s32 s10, $0x1;
	s10 =	sld [smem:$0x3FAE]  }
0x3d: {  	_ =	shalt  }
0x3e: {  	_ =	shalt  }
0x3f: {  	_ =	shalt  }
0x40: {  	_ =	shalt  }
0x41: {  	_ =	shalt  }
0x42: {  	_ =	shalt  }
0x43: {  	_ =	shalt  }
0x44: {  	_ =	shalt  }
0x45: {  	_ =	shalt  }
0x46: {  	_ =	shalt  }
0x47: {  	_ =	shalt  }
0x48: {  	_ =	shalt  }
0x49: {  	_ =	shalt  }
0x4a: {  	_ =	shalt  }
0x4b: {  	_ =	shalt  }
0x4c: {  	_ =	shalt  }
0x4d: {  	_ =	shalt  }
0x4e: {  	_ =	shalt  }
0x4f: {  	_ =	shalt  }
0x50: {  	_ =	shalt  }
0x51: {  	_ =	shalt  }
0x52: {  	_ =	shalt  }
0x53: {  	_ =	shalt  }
0x54: {  	_ =	shalt  }
0x55: {  	_ =	shalt  }
0x56: {  	_ =	shalt  }
0x57: {  	_ =	shalt  }
0x58: {  	_ =	shalt  }
0x59: {  	_ =	shalt  }
0x5a: {  	_ =	shalt  }
0x5b: {  	_ =	shalt  }
0x5c: {  	_ =	shalt  }
0x5d: {  	_ =	shalt  }
0x5e: {  	_ =	shalt  }
0x5f: {  	_ =	shalt  }
0x60: {  	_ =	shalt  }
0x61: {  	_ =	shalt  }
0x62: {  	_ =	shalt  }
0x63: {  	_ =	shalt  }
0x64: {  	_ =	shalt  }
0x65: {  	_ =	shalt  }
0x66: {  	_ =	shalt  }
0x67: {  	_ =	shalt  }
0x68: {  	_ =	shalt  }
0x69: {  	_ =	shalt  }
0x6a: {  	_ =	shalt  }
0x6b: {  	_ =	shalt  }
0x6c: {  	_ =	shalt  }
0x6d: {  	_ =	shalt  }
0x6e: {  	_ =	shalt  }
0x6f: {  	_ =	shalt  }
0x70: {  	_ =	shalt  }
0x71: {  	_ =	shalt  }
0x72: {  	_ =	shalt  }
0x73: {  	_ =	shalt  }
0x74: {  	_ =	shalt  }
0x75: {  	_ =	shalt  }
0x76: {  	_ =	shalt  }
0x77: {  	_ =	shalt  }
0x78: {  	_ =	shalt  }
0x79: {  	_ =	shalt  }
0x7a: {  	_ =	shalt  }
0x7b: {  	_ =	shalt  }
0x7c: {  	_ =	shalt  }
0x7d: {  	_ =	shalt  }
0x7e: {  	_ =	shalt  }
0x7f: {  	_ =	shalt  }
0x80: {  	_ =	shalt  }
0x81: {  	_ =	shalt  }
0x82: {  	_ =	shalt  }
0x83: {  	_ =	shalt  }
0x84: {  	_ =	shalt  }
0x85: {  	_ =	shalt  }
0x86: {  	_ =	shalt  }
0x87: {  	_ =	shalt  }
.Lfunc_end0:
.L_simem_size_0:
called_computation.1_lowered:
.L_overlay_start_0:
0x88: {  	s2 =	sld [smem:$0x3FD9]  }
0x89: {  	s3 =	sld [smem:$0x3FFE];
	_ =	sdelay $0x1  }
0x8a: {  	s1 =	srdreg.scid  }
0x8b: {  	s0 =	sand.u32 $0x1, s1  }
0x8c: {  	s17 =	sshll.u32 s0, $0xA;
	s2 =	sadd.s32 s3, s2  }
0x8d: {  	s2 =	sadd.s32 s2, s17  }
0x8e: {  	[smem:$0x3FBA] =	sst s2  }
0x8f: {  	_ = 	snop  }
0x90: {  	s2 =	sld [smem:$0x3FD0];
	(tm) =	ssettm $0x1  }
0x91: {  	s18 =	sld [smem:$0x3FFB];
	_ =	sdelay $0x3  }
0x92: {  	_ =	strace s18  }
0x93: {  	s3 =	sld [smem:$0x3FFC];
	_ =	sdelay $0x3  }
0x94: {  	_ =	strace s3  }
0x95: {  	s3 =	sld [smem:$0x3FFD];
	_ =	sdelay $0x3  }
0x96: {  	_ =	strace s3  }
0x97: {  	_ =	strace $0x8FFFFFFF  }
0x98: {  	s19 =	sld [smem:$0x3FDB];
	_ =	sdelay $0x1  }
0x99: {  	s4 =	simm.s32 $_scs_section_size  }
0x9a: {  	s5 =	simm.s32 $_size__tile_overlayer_lowered;
	s6 =	simm.s32 $_tile_overlayer_lowered  }
0x9b: {  	s22 =	simm.s32 $0x1BFF;
	s21 =	sshll.u32 s6, $0x1;
	s3 =	sadd.s32 s4, s19  }
0x9c: {  	s7 =	simm.s32 $0x0;
	s20 =	sshll.u32 s5, $0x1;
	s5 =	sadd.s32 s21, s3  }
0x9d: {  	[timem:s7], [sflag:s22] =	dma.local [hbm:s5], s20  }
0x9e: {  	_ =	swait.ge [sflag:s22], s20  }
0x9f: {  	s4 =	ssub.s32 $0x0, s20;
	[sflag:s22] =	ssyncset.done $0x0  }
0xa0: {  	[sflag:s22] =	ssyncadd.s32 s4;
	_ =	sdelay $0x1  }
0xa1: {  	s23 =	simm.s32 $0x1B8B  }
0xa2: {  	_ =	swait.ge [sflag:s23], $0x1  }
0xa3: {  	[sflag:s23] =	ssyncset.done $0x0  }
0xa4: {  	s25 =	simm.s32 $0x1B8E;
	s24 =	sld [smem:$0x3FFE];
	[sflag:s23] =	ssyncadd.s32 $0xFFFFFFFF  }
0xa5: {  	s26 =	simm.s32 $execute0_lowered;
	[smem:$0x3FD2] =	sst s25  }
0xa6: {  	s5 =	sshll.u32 s26, $0x1;
	_ =	strace $0x80000049;
	[dreg:$0x1] =	wrdreg $0xFFFFFFFF  }
0xa7: {  	s28 =	simm.s32 $_size_execute0_lowered;
	s3 =	sadd.s32 s3, s5;
	[dreg:$0x0] =	wrdreg $0x0  }
0xa8: {  	s5 =	sshll.u32 s28, $0x1;
	[dreg:$0x2] =	wrdreg s3  }
0xa9: {  	[dreg:$0x3] =	wrdreg s5  }
0xaa: {  	[dreg:$0x4] =	wrdreg $0xC0  }
0xab: {  	_ =	task [dreg:s7], $0x5FFFF  }
0xac: {  	[dreg:$0x1] =	wrdreg $0xFFFFFFFF  }
0xad: {  	[dreg:$0x0] =	wrdreg $0x60  }
0xae: {  	[dreg:$0x2] =	wrdreg s24  }
0xaf: {  	[dreg:$0x3] =	wrdreg s2  }
0xb0: {  	[dreg:$0x4] =	wrdreg $0x88000  }
0xb1: {  	[dreg:$0x5] =	wrdreg $0x9  }
0xb2: {  	_ =	task.clear_ibuf [dreg:s7], $0x6FFFF;
	_ =	strace $0x90000049  }
0xb3: {  	s29 =	simm.s32 $0x9;
	_ =	strace $0x8000004B  }
0xb4: {  	_ =	swait.ge [sflag:s29], $0x1  }
0xb5: {  	[sflag:s29] =	ssyncadd.s32 $0xFFFFFFFF  }
0xb6: {  	_ =	strace $0x9000004B  }
0xb7: {  	_ =	sfence  }
0xb8: {  	s30 =	sld [smem:$0x0];
	_ =	sdelay $0x2  }
0xb9: {  	s31 =	sshll.u32 s1, $0xD;
	s1 =	sshrl.u32 s1, $0x2  }
0xba: {  	s3 =	sand.u32 $0x4000, s31;
	s1 =	sadd.s32 s1, s30  }
0xbb: {  	s0 =	sor.u32 s3, s0;
	s1 =	sshll.u32 s1, $0x11  }
0xbc: {  	s0 =	sor.u32 s1, s0  }
0xbd: {  	s0 =	sadd.s32 $0x8F2B, s0  }
0xbe: {  	[sflag:s0] =	ssyncadd.remote.s32 $0x1  }
0xbf: {  	_ =	sfence.sel $0xFFFF  }
0xc0: {  	[dreg:$0x0] =	wrdreg $0xFFFFFFFF;
	(pc) =	sbr.abs _section_cstart, $3  }
0xc1: {  	[dreg:$0x1] =	wrdreg $0xFFFFFFFF  }
0xc2: {  	_ =	task.clear_ibuf [dreg:s7], $0x2FFFF;
	_ =	strace $0x9FFFFFFF  }
0xc3: {  	(tm) =	ssettm $0x7FFFFFFF  }
tec
execute0_lowered:
.L_overlay_start_1:
0x0: {  	(tag) =	ssettag $0x1  }
0x1: {  	s9 =	stileid.u32  }
0x2: {  	s1 =	srdreg.scid;
	s6 =	smul.u32 $0x5000, s9  }
0x3: {  	s0 =	rddreg [dreg:$0x0];
	s1 =	sand.u32 $0x1, s1;
	s7 =	smul.u32 $0x280, s9  }
0x4: {  	s3 =	rddreg [dreg:$0x2];
	s4 =	simm.s32 $0x0;
	s2 =	smul.u32 $0x50000, s1  }
0x5: {  	s20 =	simm.s32 $0x80;
	[smem:$0x7FF] =	sst s4;
	s8 =	smul.u32 $0x2800, s1  }
0x6: {  	s5 =	sadd.s32 $0x7BC00, s0;
	s22 =	smul.u32 $0x50000, s9;
	_ =	strace $0x8000004A  }
0x7: {  	[dreg:$0x6] =	wrdreg s20;
	s2 =	sadd.s32 s6, s2;
	s21 =	sadd.s32 s7, s8  }
0x8: {  	s7 =	sshrl.u32 s22, $0x2;
	s22 =	simm.s32 $0x880;
	s2 =	sshrl.u32 s2, $0x3  }
0x9: {  	s6 =	sshll.u32 s21, $0x4;
	s18 =	sadd.s32 s7, s3;
	[dreg:$0x7] =	wrdreg s22  }
0xa: {  	s2 =	sadd.s32 s2, s0;
	s20 =	sadd.s32 $0xC000, s18;
	[dreg:$0x9] =	wrdreg s18  }
0xb: {  	s0 =	sadd.s32 s6, s0;
	s22 =	sadd.s32 $0xE000, s18;
	[smem:$0x7F5] =	sst s20  }
0xc: {  	s24 =	sadd.s32 $0xA2E00, s0;
	[smem:$0x7F7] =	sst s22  }
0xd: {  	s25 =	sadd.s32 $0xA3000, s0;
	[dreg:$0xa] =	wrdreg s24  }
0xe: {  	s26 =	sadd.s32 $0xA3200, s0;
	[dreg:$0xb] =	wrdreg s25  }
0xf: {  	s7 =	sadd.s32 $0xA3400, s0;
	[dreg:$0xc] =	wrdreg s26  }
0x10: {  	s8 =	sadd.s32 $0xA3600, s0;
	[dreg:$0xd] =	wrdreg s7  }
0x11: {  	s9 =	sadd.s32 $0xA3800, s0;
	[dreg:$0xe] =	wrdreg s8  }
0x12: {  	s10 =	sadd.s32 $0xA3A00, s0;
	[dreg:$0xf] =	wrdreg s9  }
0x13: {  	s11 =	sadd.s32 $0xA3C00, s0;
	[dreg:$0x10] =	wrdreg s10  }
0x14: {  	s12 =	sadd.s32 $0xA3E00, s0;
	[dreg:$0x11] =	wrdreg s11  }
0x15: {  	s13 =	sadd.s32 $0xA4000, s0;
	[dreg:$0x12] =	wrdreg s12  }
0x16: {  	s14 =	sadd.s32 $0xA4200, s0;
	[dreg:$0x13] =	wrdreg s13  }
0x17: {  	s15 =	sadd.s32 $0xA4400, s0;
	[dreg:$0x14] =	wrdreg s14  }
0x18: {  	s17 =	sadd.s32 $0xA4600, s0;
	[dreg:$0x15] =	wrdreg s15  }
0x19: {  	s16 =	sadd.s32 $0x3800, s2;
	[dreg:$0x16] =	wrdreg s17  }
0x1a: {  	s19 =	sadd.s32 $0xA4800, s0;
	[dreg:$0x4] =	wrdreg s16  }
0x1b: {  	s1 =	ssub.s32 $0x2, s1;
	s2 =	sadd.s32 $0x17C00, s2;
	[dreg:$0x17] =	wrdreg s19  }
0x1c: {  	s23 =	sshrl.u32 s1, $0x1;
	s21 =	sadd.s32 $0xA4A00, s0;
	[dreg:$0x5] =	wrdreg s2  }
0x1d: {  	s1 =	ssub.s32 s1, s23;
	s23 =	sadd.s32 $0xA4C00, s0;
	[dreg:$0x18] =	wrdreg s21  }
0x1e: {  	s6 =	sadd.s32 $0xA5200, s0;
	[dreg:$0x19] =	wrdreg s23  }
0x1f: {  	s24 =	simm.s32 $0x100;
	[dreg:$0x1c] =	wrdreg s6  }
0x20: {  	s25 =	sadd.s32 $0xA4E00, s0;
	[dreg:$0x8] =	wrdreg s24  }
0x21: {  	s26 =	sadd.s32 $0xA5000, s0;
	[dreg:$0x1a] =	wrdreg s25  }
0x22: {  	s0 =	sadd.s32 $0xA5400, s0;
	[dreg:$0x1b] =	wrdreg s26  }
0x23: {  	s7 =	smax.u32 s1, $0x1;
	[dreg:$0x1d] =	wrdreg s0  }
0x24: {  	s8 =	sadd.s32 $0x1000, s18;
	[dreg:$0x1e] =	wrdreg s7  }
0x25: {  	s9 =	sadd.s32 $0x2000, s18;
	[dreg:$0x1f] =	wrdreg s8  }
0x26: {  	s10 =	sadd.s32 $0x3000, s18;
	[smem:$0x7EB] =	sst s9  }
0x27: {  	s11 =	sadd.s32 $0x4000, s18;
	[smem:$0x7EC] =	sst s10  }
0x28: {  	s28 =	simm.s32 $0x2;
	s12 =	sadd.s32 $0x5000, s18;
	[smem:$0x7ED] =	sst s11  }
0x29: {  	s29 =	simm.s32 $0x3;
	s13 =	sadd.s32 $0x6000, s18;
	[smem:$0x7EE] =	sst s12  }
0x2a: {  	s30 =	simm.s32 $0x900;
	s14 =	sadd.s32 $0x7000, s18;
	[smem:$0x7EF] =	sst s13  }
0x2b: {  	s31 =	simm.s32 $0x4;
	s15 =	sadd.s32 $0x8000, s18;
	[smem:$0x7F0] =	sst s14  }
0x2c: {  	s20 =	simm.s32 $0x7800;
	s16 =	sadd.s32 $0x9000, s18;
	[smem:$0x7F1] =	sst s15  }
0x2d: {  	s22 =	simm.s32 $0x800;
	s17 =	sadd.s32 $0xA000, s18;
	[smem:$0x7F2] =	sst s16  }
0x2e: {  	s19 =	sadd.s32 $0xB000, s18;
	s21 =	sadd.s32 $0xD000, s18;
	[smem:$0x7F3] =	sst s17  }
0x2f: {  	s23 =	sadd.s32 $0xF000, s18;
	s1 =	simm.s32 $0x180;
	[smem:$0x7F4] =	sst s19  }
0x30: {  	s2 =	simm.s32 $0x200;
	s6 =	simm.s32 $0x0;
	[smem:$0x7F6] =	sst s21  }
0x31: {  	[smem:$0x7F8] =	sst s23;
	s24 =	sadd.s32 $0x10000, s18;
	s25 =	sadd.s32 $0x11000, s18  }
0x32: {  	s26 =	sadd.s32 $0x12000, s18;
	s19 =	sadd.s32 $0x13000, s18;
	s21 =	simm.s32 $0x5  }
0x33: {  	s23 =	simm.s32 $0x64;
	s0 =	simm.s32 $0x980;
	s7 =	simm.s32 $0xA00  }
0x34: {  	s8 =	simm.s32 $0x280;
	s9 =	simm.s32 $0xA80;
	s10 =	simm.s32 $0x300  }
0x35: {  	s11 =	simm.s32 $0xB00;
	s12 =	simm.s32 $0x380;
	[smem:$0x7FC] =	sst s6  }
0x36: {  	s13 =	simm.s32 $0xB80;
	s14 =	simm.s32 $0x400;
	[smem:$0x7F9] =	sst s24  }
0x37: {  	s15 =	simm.s32 $0xC00;
	s16 =	simm.s32 $0x480;
	[smem:$0x7FA] =	sst s25  }
0x38: {  	s17 =	simm.s32 $0xC80;
	[smem:$0x7FB] =	sst s26;
	s24 =	simm.s32 $0x1000  }
0x39: {  	s25 =	simm.s32 $0x1;
	s26 =	simm.s32 $0x4400;
	[smem:$0x7FD] =	sst s19  }
.LBB2_1:
0x3a: {  	s6 =	rddreg [dreg:$0x1]  }
0x3b: {  	[tilespmem:s20], [sflag:$0x5] =	stream.linear.gather [hbm4b:s6+s4], $0x1000, $0x38;
	[tilespmem:$0x1C800] =	vst v63  }
0x3c: {  	_ =	swait.ge [sflag:s21], $0x1000  }
0x3d: {  	[sflag:s21] =	ssyncset.done $0x0  }
0x3e: {  	[sflag:s21] =	ssyncadd.s32 $0xFFFFF000  }
0x3f: {  	[spmem:s18] =	stream.linear.scatter [tilespmem:s20], [sflag:$0x5], $0x1000, $0x38;
	[tilespmem:$0x1C800] =	vst v63  }
0x40: {  	_ =	swait.ge [sflag:s21], $0x1000  }
0x41: {  	[sflag:s21] =	ssyncset.done $0x0  }
0x42: {  	s18 =	rddreg [dreg:$0x1f];
	[sflag:s21] =	ssyncadd.s32 $0xFFFFF000  }
0x43: {  	[spmem:s18] =	stream.linear.scatter [tilespmem:s20], [sflag:$0x5], $0x1000, $0x38;
	[tilespmem:$0x1C800] =	vst v63  }
0x44: {  	_ =	swait.ge [sflag:s21], $0x1000  }
0x45: {  	s18 =	sld [smem:$0x7EB]  }
0x46: {  	[sflag:s21] =	ssyncset.done $0x0  }
0x47: {  	[sflag:s21] =	ssyncadd.s32 $0xFFFFF000  }
0x48: {  	[spmem:s18] =	stream.linear.scatter [tilespmem:s20], [sflag:$0x5], $0x1000, $0x38;
	[tilespmem:$0x1C800] =	vst v63  }
0x49: {  	_ =	swait.ge [sflag:s21], $0x1000  }
0x4a: {  	s18 =	sld [smem:$0x7EC]  }
0x4b: {  	[sflag:s21] =	ssyncset.done $0x0  }
0x4c: {  	[sflag:s21] =	ssyncadd.s32 $0xFFFFF000  }
0x4d: {  	[spmem:s18] =	stream.linear.scatter [tilespmem:s20], [sflag:$0x5], $0x1000, $0x38;
	[tilespmem:$0x1C800] =	vst v63  }
0x4e: {  	_ =	swait.ge [sflag:s21], $0x1000  }
0x4f: {  	s18 =	sld [smem:$0x7ED]  }
0x50: {  	[sflag:s21] =	ssyncset.done $0x0  }
0x51: {  	[sflag:s21] =	ssyncadd.s32 $0xFFFFF000  }
0x52: {  	[spmem:s18] =	stream.linear.scatter [tilespmem:s20], [sflag:$0x5], $0x1000, $0x38;
	[tilespmem:$0x1C800] =	vst v63  }
0x53: {  	_ =	swait.ge [sflag:s21], $0x1000  }
0x54: {  	s18 =	sld [smem:$0x7EE]  }
0x55: {  	[sflag:s21] =	ssyncset.done $0x0  }
0x56: {  	[sflag:s21] =	ssyncadd.s32 $0xFFFFF000  }
0x57: {  	[spmem:s18] =	stream.linear.scatter [tilespmem:s20], [sflag:$0x5], $0x1000, $0x38;
	[tilespmem:$0x1C800] =	vst v63  }
0x58: {  	_ =	swait.ge [sflag:s21], $0x1000  }
0x59: {  	s18 =	sld [smem:$0x7EF]  }
0x5a: {  	[sflag:s21] =	ssyncset.done $0x0  }
0x5b: {  	[sflag:s21] =	ssyncadd.s32 $0xFFFFF000  }
0x5c: {  	[spmem:s18] =	stream.linear.scatter [tilespmem:s20], [sflag:$0x5], $0x1000, $0x38;
	[tilespmem:$0x1C800] =	vst v63  }
0x5d: {  	_ =	swait.ge [sflag:s21], $0x1000  }
0x5e: {  	s18 =	sld [smem:$0x7F0]  }
0x5f: {  	[sflag:s21] =	ssyncset.done $0x0  }
0x60: {  	[sflag:s21] =	ssyncadd.s32 $0xFFFFF000  }
0x61: {  	[spmem:s18] =	stream.linear.scatter [tilespmem:s20], [sflag:$0x5], $0x1000, $0x38;
	[tilespmem:$0x1C800] =	vst v63  }
0x62: {  	_ =	swait.ge [sflag:s21], $0x1000  }
0x63: {  	s18 =	sld [smem:$0x7F1]  }
0x64: {  	[sflag:s21] =	ssyncset.done $0x0  }
0x65: {  	[sflag:s21] =	ssyncadd.s32 $0xFFFFF000  }
0x66: {  	[spmem:s18] =	stream.linear.scatter [tilespmem:s20], [sflag:$0x5], $0x1000, $0x38;
	[tilespmem:$0x1C800] =	vst v63  }
0x67: {  	_ =	swait.ge [sflag:s21], $0x1000  }
0x68: {  	s18 =	sld [smem:$0x7F2]  }
0x69: {  	[sflag:s21] =	ssyncset.done $0x0  }
0x6a: {  	[sflag:s21] =	ssyncadd.s32 $0xFFFFF000  }
0x6b: {  	[spmem:s18] =	stream.linear.scatter [tilespmem:s20], [sflag:$0x5], $0x1000, $0x38;
	[tilespmem:$0x1C800] =	vst v63  }
0x6c: {  	_ =	swait.ge [sflag:s21], $0x1000  }
0x6d: {  	s18 =	sld [smem:$0x7F3]  }
0x6e: {  	[sflag:s21] =	ssyncset.done $0x0  }
0x6f: {  	[sflag:s21] =	ssyncadd.s32 $0xFFFFF000  }
0x70: {  	[spmem:s18] =	stream.linear.scatter [tilespmem:s20], [sflag:$0x5], $0x1000, $0x38;
	[tilespmem:$0x1C800] =	vst v63  }
0x71: {  	_ =	swait.ge [sflag:s21], $0x1000  }
0x72: {  	s18 =	sld [smem:$0x7F4]  }
0x73: {  	[sflag:s21] =	ssyncset.done $0x0  }
0x74: {  	[sflag:s21] =	ssyncadd.s32 $0xFFFFF000  }
0x75: {  	[spmem:s18] =	stream.linear.scatter [tilespmem:s20], [sflag:$0x5], $0x1000, $0x38;
	[tilespmem:$0x1C800] =	vst v63  }
0x76: {  	_ =	swait.ge [sflag:s21], $0x1000  }
0x77: {  	s18 =	sld [smem:$0x7F5]  }
0x78: {  	[sflag:s21] =	ssyncset.done $0x0  }
0x79: {  	[sflag:s21] =	ssyncadd.s32 $0xFFFFF000  }
0x7a: {  	[spmem:s18] =	stream.linear.scatter [tilespmem:s20], [sflag:$0x5], $0x1000, $0x38;
	[tilespmem:$0x1C800] =	vst v63  }
0x7b: {  	_ =	swait.ge [sflag:s21], $0x1000  }
0x7c: {  	s18 =	sld [smem:$0x7F6]  }
0x7d: {  	[sflag:s21] =	ssyncset.done $0x0  }
0x7e: {  	[sflag:s21] =	ssyncadd.s32 $0xFFFFF000  }
0x7f: {  	[spmem:s18] =	stream.linear.scatter [tilespmem:s20], [sflag:$0x5], $0x1000, $0x38;
	[tilespmem:$0x1C800] =	vst v63  }
0x80: {  	_ =	swait.ge [sflag:s21], $0x1000  }
0x81: {  	s18 =	sld [smem:$0x7F7]  }
0x82: {  	[sflag:s21] =	ssyncset.done $0x0  }
0x83: {  	[sflag:s21] =	ssyncadd.s32 $0xFFFFF000  }
0x84: {  	[spmem:s18] =	stream.linear.scatter [tilespmem:s20], [sflag:$0x5], $0x1000, $0x38;
	[tilespmem:$0x1C800] =	vst v63  }
0x85: {  	_ =	swait.ge [sflag:s21], $0x1000  }
0x86: {  	s18 =	sld [smem:$0x7F8]  }
0x87: {  	[sflag:s21] =	ssyncset.done $0x0  }
0x88: {  	[sflag:s21] =	ssyncadd.s32 $0xFFFFF000  }
0x89: {  	[spmem:s18] =	stream.linear.scatter [tilespmem:s20], [sflag:$0x5], $0x1000, $0x38;
	[tilespmem:$0x1C800] =	vst v63  }
0x8a: {  	_ =	swait.ge [sflag:s21], $0x1000  }
0x8b: {  	s18 =	sld [smem:$0x7F9]  }
0x8c: {  	[sflag:s21] =	ssyncset.done $0x0  }
0x8d: {  	[sflag:s21] =	ssyncadd.s32 $0xFFFFF000  }
0x8e: {  	[spmem:s18] =	stream.linear.scatter [tilespmem:s20], [sflag:$0x5], $0x1000, $0x38;
	[tilespmem:$0x1C800] =	vst v63  }
0x8f: {  	_ =	swait.ge [sflag:s21], $0x1000  }
0x90: {  	s18 =	sld [smem:$0x7FA]  }
0x91: {  	[sflag:s21] =	ssyncset.done $0x0  }
0x92: {  	[sflag:s21] =	ssyncadd.s32 $0xFFFFF000  }
0x93: {  	[spmem:s18] =	stream.linear.scatter [tilespmem:s20], [sflag:$0x5], $0x1000, $0x38;
	[tilespmem:$0x1C800] =	vst v63  }
0x94: {  	_ =	swait.ge [sflag:s21], $0x1000  }
0x95: {  	s18 =	sld [smem:$0x7FB]  }
0x96: {  	[sflag:s21] =	ssyncset.done $0x0  }
0x97: {  	[sflag:s21] =	ssyncadd.s32 $0xFFFFF000  }
0x98: {  	[spmem:s18] =	stream.linear.scatter [tilespmem:s20], [sflag:$0x5], $0x1000, $0x38;
	[tilespmem:$0x1C800] =	vst v63  }
0x99: {  	_ =	swait.ge [sflag:s21], $0x1000  }
0x9a: {  	[sflag:s21] =	ssyncset.done $0x0  }
0x9b: {  	[sflag:s21] =	ssyncadd.s32 $0xFFFFF000  }
0x9c: {  	[spmem:s19] =	stream.linear.scatter [tilespmem:s20], [sflag:$0x5], $0x1000, $0x38;
	[tilespmem:$0x1C800] =	vst v63  }
0x9d: {  	_ =	swait.ge [sflag:s21], $0x1000  }
0x9e: {  	[sflag:s21] =	ssyncset.done $0x0  }
0x9f: {  	[sflag:s21] =	ssyncadd.s32 $0xFFFFF000  }
0xa0: {  	[bflag:$0x0] =	sbarrier.arrive $0xFFFF  }
0xa1: {  	s18 =	rddreg [dreg:$0x5]  }
0xa2: {  	s19 =	sadd.s32 $0x0, s18  }
0xa3: {  	[tilespmem:s4], [sflag:$0x5] =	stream.linear.gather [hbm4b:s19+s4], $0x500, $0x38;
	[tilespmem:$0x1C800] =	vst v63  }
0xa4: {  	_ =	swait.ge [sflag:s21], $0x500  }
0xa5: {  	s6 =	rddreg [dreg:$0x4];
	[sflag:s21] =	ssyncset.done $0x0  }
0xa6: {  	[sflag:s21] =	ssyncadd.s32 $0xFFFFFB00;
	s19 =	sadd.s32 $0x0, s6  }
0xa7: {  	[tilespmem:s22], [sflag:$0x5] =	stream.linear.gather [hbm4b:s19+s4], $0x500, $0x38;
	[tilespmem:$0x1C800] =	vst v63  }
0xa8: {  	_ =	swait.ge [sflag:s21], $0x500  }
0xa9: {  	[sflag:s21] =	ssyncset.done $0x0  }
0xaa: {  	[sflag:s21] =	ssyncadd.s32 $0xFFFFFB00  }
0xab: {  	[tilespmem:s24], [sflag:$0x1] =	stream.indirect.gather [hbm4b:s5+s23], $0x80, s4, s23, $0xb8;
	[tilespmem:$0x1C800] =	vst v63  }
0xac: {  	_ =	swait.ge [sflag:s25], $0x3200  }
0xad: {  	[sflag:s25] =	ssyncset.done $0x0  }
0xae: {  	[sflag:s25] =	ssyncadd.s32 $0xFFFFCE00  }
0xaf: {  	[spmem:s3] =	stream.indirect.scatter.add.f32 [tilespmem:s24], [sflag:$0x3], $0x80, s22, s23, $0xb8;
	[tilespmem:$0x1C800] =	vst v63  }
0xb0: {  	s18 =	rddreg [dreg:$0x6]  }
0xb1: {  	[tilespmem:s26], [sflag:$0x2] =	stream.indirect.gather [hbm4b:s5+s23], $0x80, s18, s23, $0xb8;
	[tilespmem:$0x1C800] =	vst v63  }
0xb2: {  	_ =	swait.ge [sflag:s28], $0x3200  }
0xb3: {  	[sflag:s28] =	ssyncset.done $0x0  }
0xb4: {  	s6 =	rddreg [dreg:$0x7];
	[sflag:s28] =	ssyncadd.s32 $0xFFFFCE00  }
0xb5: {  	[spmem:s3] =	stream.indirect.scatter.add.f32 [tilespmem:s26], [sflag:$0x4], $0x80, s6, s23, $0xb8;
	[tilespmem:$0x1C800] =	vst v63  }
0xb6: {  	_ =	swait.ge [sflag:s29], $0x3200  }
0xb7: {  	[sflag:s29] =	ssyncset.done $0x0  }
0xb8: {  	s18 =	rddreg [dreg:$0x8];
	[sflag:s29] =	ssyncadd.s32 $0xFFFFCE00  }
0xb9: {  	[tilespmem:s24], [sflag:$0x1] =	stream.indirect.gather [hbm4b:s5+s23], $0x80, s18, s23, $0xb8;
	[tilespmem:$0x1C800] =	vst v63  }
0xba: {  	_ =	swait.ge [sflag:s25], $0x3200  }
0xbb: {  	[sflag:s25] =	ssyncset.done $0x0  }
0xbc: {  	[sflag:s25] =	ssyncadd.s32 $0xFFFFCE00  }
0xbd: {  	[spmem:s3] =	stream.indirect.scatter.add.f32 [tilespmem:s24], [sflag:$0x3], $0x80, s30, s23, $0xb8;
	[tilespmem:$0x1C800] =	vst v63  }
0xbe: {  	_ =	swait.ge [sflag:s31], $0x3200  }
0xbf: {  	[sflag:s31] =	ssyncset.done $0x0  }
0xc0: {  	[sflag:s31] =	ssyncadd.s32 $0xFFFFCE00  }
0xc1: {  	[tilespmem:s26], [sflag:$0x2] =	stream.indirect.gather [hbm4b:s5+s23], $0x80, s1, s23, $0xb8;
	[tilespmem:$0x1C800] =	vst v63  }
0xc2: {  	_ =	swait.ge [sflag:s28], $0x3200  }
0xc3: {  	[sflag:s28] =	ssyncset.done $0x0  }
0xc4: {  	[sflag:s28] =	ssyncadd.s32 $0xFFFFCE00  }
0xc5: {  	[spmem:s3] =	stream.indirect.scatter.add.f32 [tilespmem:s26], [sflag:$0x4], $0x80, s0, s23, $0xb8;
	[tilespmem:$0x1C800] =	vst v63  }
0xc6: {  	_ =	swait.ge [sflag:s29], $0x3200  }
0xc7: {  	[sflag:s29] =	ssyncset.done $0x0  }
0xc8: {  	[sflag:s29] =	ssyncadd.s32 $0xFFFFCE00  }
0xc9: {  	[tilespmem:s24], [sflag:$0x1] =	stream.indirect.gather [hbm4b:s5+s23], $0x80, s2, s23, $0xb8;
	[tilespmem:$0x1C800] =	vst v63  }
0xca: {  	_ =	swait.ge [sflag:s25], $0x3200  }
0xcb: {  	[sflag:s25] =	ssyncset.done $0x0  }
0xcc: {  	[sflag:s25] =	ssyncadd.s32 $0xFFFFCE00  }
0xcd: {  	[spmem:s3] =	stream.indirect.scatter.add.f32 [tilespmem:s24], [sflag:$0x3], $0x80, s7, s23, $0xb8;
	[tilespmem:$0x1C800] =	vst v63  }
0xce: {  	_ =	swait.ge [sflag:s31], $0x3200  }
0xcf: {  	[sflag:s31] =	ssyncset.done $0x0  }
0xd0: {  	[sflag:s31] =	ssyncadd.s32 $0xFFFFCE00  }
0xd1: {  	[tilespmem:s26], [sflag:$0x2] =	stream.indirect.gather [hbm4b:s5+s23], $0x80, s8, s23, $0xb8;
	[tilespmem:$0x1C800] =	vst v63  }
0xd2: {  	_ =	swait.ge [sflag:s28], $0x3200  }
0xd3: {  	[sflag:s28] =	ssyncset.done $0x0  }
0xd4: {  	[sflag:s28] =	ssyncadd.s32 $0xFFFFCE00  }
0xd5: {  	[spmem:s3] =	stream.indirect.scatter.add.f32 [tilespmem:s26], [sflag:$0x4], $0x80, s9, s23, $0xb8;
	[tilespmem:$0x1C800] =	vst v63  }
0xd6: {  	_ =	swait.ge [sflag:s29], $0x3200  }
0xd7: {  	[sflag:s29] =	ssyncset.done $0x0  }
0xd8: {  	[sflag:s29] =	ssyncadd.s32 $0xFFFFCE00  }
0xd9: {  	[tilespmem:s24], [sflag:$0x1] =	stream.indirect.gather [hbm4b:s5+s23], $0x80, s10, s23, $0xb8;
	[tilespmem:$0x1C800] =	vst v63  }
0xda: {  	_ =	swait.ge [sflag:s25], $0x3200  }
0xdb: {  	[sflag:s25] =	ssyncset.done $0x0  }
0xdc: {  	[sflag:s25] =	ssyncadd.s32 $0xFFFFCE00  }
0xdd: {  	[spmem:s3] =	stream.indirect.scatter.add.f32 [tilespmem:s24], [sflag:$0x3], $0x80, s11, s23, $0xb8;
	[tilespmem:$0x1C800] =	vst v63  }
0xde: {  	_ =	swait.ge [sflag:s31], $0x3200  }
0xdf: {  	[sflag:s31] =	ssyncset.done $0x0  }
0xe0: {  	[sflag:s31] =	ssyncadd.s32 $0xFFFFCE00  }
0xe1: {  	[tilespmem:s26], [sflag:$0x2] =	stream.indirect.gather [hbm4b:s5+s23], $0x80, s12, s23, $0xb8;
	[tilespmem:$0x1C800] =	vst v63  }
0xe2: {  	_ =	swait.ge [sflag:s28], $0x3200  }
0xe3: {  	[sflag:s28] =	ssyncset.done $0x0  }
0xe4: {  	[sflag:s28] =	ssyncadd.s32 $0xFFFFCE00  }
0xe5: {  	[spmem:s3] =	stream.indirect.scatter.add.f32 [tilespmem:s26], [sflag:$0x4], $0x80, s13, s23, $0xb8;
	[tilespmem:$0x1C800] =	vst v63  }
0xe6: {  	_ =	swait.ge [sflag:s29], $0x3200  }
0xe7: {  	[sflag:s29] =	ssyncset.done $0x0  }
0xe8: {  	[sflag:s29] =	ssyncadd.s32 $0xFFFFCE00  }
0xe9: {  	[tilespmem:s24], [sflag:$0x1] =	stream.indirect.gather [hbm4b:s5+s23], $0x80, s14, s23, $0xb8;
	[tilespmem:$0x1C800] =	vst v63  }
0xea: {  	_ =	swait.ge [sflag:s25], $0x3200  }
0xeb: {  	[sflag:s25] =	ssyncset.done $0x0  }
0xec: {  	[sflag:s25] =	ssyncadd.s32 $0xFFFFCE00  }
0xed: {  	[spmem:s3] =	stream.indirect.scatter.add.f32 [tilespmem:s24], [sflag:$0x3], $0x80, s15, s23, $0xb8;
	[tilespmem:$0x1C800] =	vst v63  }
0xee: {  	_ =	swait.ge [sflag:s31], $0x3200  }
0xef: {  	[sflag:s31] =	ssyncset.done $0x0  }
0xf0: {  	[sflag:s31] =	ssyncadd.s32 $0xFFFFCE00  }
0xf1: {  	[tilespmem:s26], [sflag:$0x2] =	stream.indirect.gather [hbm4b:s5+s23], $0x80, s16, s23, $0xb8;
	[tilespmem:$0x1C800] =	vst v63  }
0xf2: {  	_ =	swait.ge [sflag:s28], $0x3200  }
0xf3: {  	[sflag:s28] =	ssyncset.done $0x0  }
0xf4: {  	[sflag:s28] =	ssyncadd.s32 $0xFFFFCE00  }
0xf5: {  	[spmem:s3] =	stream.indirect.scatter.add.f32 [tilespmem:s26], [sflag:$0x4], $0x80, s17, s23, $0xb8;
	[tilespmem:$0x1C800] =	vst v63  }
0xf6: {  	_ =	swait.ge [sflag:s29], $0x3200  }
0xf7: {  	[sflag:s29] =	ssyncset.done $0x0  }
0xf8: {  	[sflag:s29] =	ssyncadd.s32 $0xFFFFCE00  }
0xf9: {  	_ =	swait.ge [sflag:s31], $0x3200  }
0xfa: {  	s19 =	simm.s32 $0x100;
	[sflag:s31] =	ssyncset.done $0x0  }
.LBB2_2:
0xfb: {  	s6 =	rddreg [dreg:$0x5];
	s18 =	smov.u32 s19  }
0xfc: {  	[sflag:s31] =	ssyncadd.s32 $0xFFFFCE00;
	s6 =	sadd.s32 s18, s6  }
0xfd: {  	[tilespmem:s4], [sflag:$0x5] =	stream.linear.gather [hbm4b:s6+s4], $0x500, $0x38;
	[tilespmem:$0x1C800] =	vst v63  }
0xfe: {  	_ =	swait.ge [sflag:s21], $0x500  }
0xff: {  	s6 =	rddreg [dreg:$0x4];
	[sflag:s21] =	ssyncset.done $0x0  }
0x100: {  	[sflag:s21] =	ssyncadd.s32 $0xFFFFFB00;
	s6 =	sadd.s32 s18, s6  }
0x101: {  	[tilespmem:s22], [sflag:$0x5] =	stream.linear.gather [hbm4b:s6+s4], $0x500, $0x38;
	[tilespmem:$0x1C800] =	vst v63  }
0x102: {  	_ =	swait.ge [sflag:s21], $0x500  }
0x103: {  	[sflag:s21] =	ssyncset.done $0x0  }
0x104: {  	[sflag:s21] =	ssyncadd.s32 $0xFFFFFB00  }
0x105: {  	[tilespmem:s24], [sflag:$0x1] =	stream.indirect.gather [hbm4b:s5+s23], $0x80, s4, s23, $0xb8;
	[tilespmem:$0x1C800] =	vst v63  }
0x106: {  	_ =	swait.ge [sflag:s25], $0x3200  }
0x107: {  	[sflag:s25] =	ssyncset.done $0x0  }
0x108: {  	[sflag:s25] =	ssyncadd.s32 $0xFFFFCE00  }
0x109: {  	[spmem:s3] =	stream.indirect.scatter.add.f32 [tilespmem:s24], [sflag:$0x3], $0x80, s22, s23, $0xb8;
	[tilespmem:$0x1C800] =	vst v63  }
0x10a: {  	s18 =	rddreg [dreg:$0x6]  }
0x10b: {  	[tilespmem:s26], [sflag:$0x2] =	stream.indirect.gather [hbm4b:s5+s23], $0x80, s18, s23, $0xb8;
	[tilespmem:$0x1C800] =	vst v63  }
0x10c: {  	_ =	swait.ge [sflag:s28], $0x3200  }
0x10d: {  	[sflag:s28] =	ssyncset.done $0x0  }
0x10e: {  	s18 =	rddreg [dreg:$0x7];
	[sflag:s28] =	ssyncadd.s32 $0xFFFFCE00  }
0x10f: {  	[spmem:s3] =	stream.indirect.scatter.add.f32 [tilespmem:s26], [sflag:$0x4], $0x80, s18, s23, $0xb8;
	[tilespmem:$0x1C800] =	vst v63  }
0x110: {  	_ =	swait.ge [sflag:s29], $0x3200  }
0x111: {  	[sflag:s29] =	ssyncset.done $0x0  }
0x112: {  	s18 =	rddreg [dreg:$0x8];
	[sflag:s29] =	ssyncadd.s32 $0xFFFFCE00  }
0x113: {  	[tilespmem:s24], [sflag:$0x1] =	stream.indirect.gather [hbm4b:s5+s23], $0x80, s18, s23, $0xb8;
	[tilespmem:$0x1C800] =	vst v63  }
0x114: {  	_ =	swait.ge [sflag:s25], $0x3200  }
0x115: {  	[sflag:s25] =	ssyncset.done $0x0  }
0x116: {  	[sflag:s25] =	ssyncadd.s32 $0xFFFFCE00  }
0x117: {  	[spmem:s3] =	stream.indirect.scatter.add.f32 [tilespmem:s24], [sflag:$0x3], $0x80, s30, s23, $0xb8;
	[tilespmem:$0x1C800] =	vst v63  }
0x118: {  	_ =	swait.ge [sflag:s31], $0x3200  }
0x119: {  	[sflag:s31] =	ssyncset.done $0x0  }
0x11a: {  	[sflag:s31] =	ssyncadd.s32 $0xFFFFCE00  }
0x11b: {  	[tilespmem:s26], [sflag:$0x2] =	stream.indirect.gather [hbm4b:s5+s23], $0x80, s1, s23, $0xb8;
	[tilespmem:$0x1C800] =	vst v63  }
0x11c: {  	_ =	swait.ge [sflag:s28], $0x3200  }
0x11d: {  	[sflag:s28] =	ssyncset.done $0x0  }
0x11e: {  	[sflag:s28] =	ssyncadd.s32 $0xFFFFCE00  }
0x11f: {  	[spmem:s3] =	stream.indirect.scatter.add.f32 [tilespmem:s26], [sflag:$0x4], $0x80, s0, s23, $0xb8;
	[tilespmem:$0x1C800] =	vst v63  }
0x120: {  	_ =	swait.ge [sflag:s29], $0x3200  }
0x121: {  	[sflag:s29] =	ssyncset.done $0x0  }
0x122: {  	[sflag:s29] =	ssyncadd.s32 $0xFFFFCE00  }
0x123: {  	[tilespmem:s24], [sflag:$0x1] =	stream.indirect.gather [hbm4b:s5+s23], $0x80, s2, s23, $0xb8;
	[tilespmem:$0x1C800] =	vst v63  }
0x124: {  	_ =	swait.ge [sflag:s25], $0x3200  }
0x125: {  	[sflag:s25] =	ssyncset.done $0x0  }
0x126: {  	[sflag:s25] =	ssyncadd.s32 $0xFFFFCE00  }
0x127: {  	[spmem:s3] =	stream.indirect.scatter.add.f32 [tilespmem:s24], [sflag:$0x3], $0x80, s7, s23, $0xb8;
	[tilespmem:$0x1C800] =	vst v63  }
0x128: {  	_ =	swait.ge [sflag:s31], $0x3200  }
0x129: {  	[sflag:s31] =	ssyncset.done $0x0  }
0x12a: {  	[sflag:s31] =	ssyncadd.s32 $0xFFFFCE00  }
0x12b: {  	[tilespmem:s26], [sflag:$0x2] =	stream.indirect.gather [hbm4b:s5+s23], $0x80, s8, s23, $0xb8;
	[tilespmem:$0x1C800] =	vst v63  }
0x12c: {  	_ =	swait.ge [sflag:s28], $0x3200  }
0x12d: {  	[sflag:s28] =	ssyncset.done $0x0  }
0x12e: {  	[sflag:s28] =	ssyncadd.s32 $0xFFFFCE00  }
0x12f: {  	[spmem:s3] =	stream.indirect.scatter.add.f32 [tilespmem:s26], [sflag:$0x4], $0x80, s9, s23, $0xb8;
	[tilespmem:$0x1C800] =	vst v63  }
0x130: {  	_ =	swait.ge [sflag:s29], $0x3200  }
0x131: {  	[sflag:s29] =	ssyncset.done $0x0  }
0x132: {  	[sflag:s29] =	ssyncadd.s32 $0xFFFFCE00  }
0x133: {  	[tilespmem:s24], [sflag:$0x1] =	stream.indirect.gather [hbm4b:s5+s23], $0x80, s10, s23, $0xb8;
	[tilespmem:$0x1C800] =	vst v63  }
0x134: {  	_ =	swait.ge [sflag:s25], $0x3200  }
0x135: {  	[sflag:s25] =	ssyncset.done $0x0  }
0x136: {  	[sflag:s25] =	ssyncadd.s32 $0xFFFFCE00  }
0x137: {  	[spmem:s3] =	stream.indirect.scatter.add.f32 [tilespmem:s24], [sflag:$0x3], $0x80, s11, s23, $0xb8;
	[tilespmem:$0x1C800] =	vst v63  }
0x138: {  	_ =	swait.ge [sflag:s31], $0x3200  }
0x139: {  	[sflag:s31] =	ssyncset.done $0x0  }
0x13a: {  	[sflag:s31] =	ssyncadd.s32 $0xFFFFCE00  }
0x13b: {  	[tilespmem:s26], [sflag:$0x2] =	stream.indirect.gather [hbm4b:s5+s23], $0x80, s12, s23, $0xb8;
	[tilespmem:$0x1C800] =	vst v63  }
0x13c: {  	_ =	swait.ge [sflag:s28], $0x3200  }
0x13d: {  	[sflag:s28] =	ssyncset.done $0x0  }
0x13e: {  	[sflag:s28] =	ssyncadd.s32 $0xFFFFCE00  }
0x13f: {  	[spmem:s3] =	stream.indirect.scatter.add.f32 [tilespmem:s26], [sflag:$0x4], $0x80, s13, s23, $0xb8;
	[tilespmem:$0x1C800] =	vst v63  }
0x140: {  	_ =	swait.ge [sflag:s29], $0x3200  }
0x141: {  	[sflag:s29] =	ssyncset.done $0x0  }
0x142: {  	[sflag:s29] =	ssyncadd.s32 $0xFFFFCE00  }
0x143: {  	[tilespmem:s24], [sflag:$0x1] =	stream.indirect.gather [hbm4b:s5+s23], $0x80, s14, s23, $0xb8;
	[tilespmem:$0x1C800] =	vst v63  }
0x144: {  	_ =	swait.ge [sflag:s25], $0x3200  }
0x145: {  	[sflag:s25] =	ssyncset.done $0x0  }
0x146: {  	[sflag:s25] =	ssyncadd.s32 $0xFFFFCE00  }
0x147: {  	[spmem:s3] =	stream.indirect.scatter.add.f32 [tilespmem:s24], [sflag:$0x3], $0x80, s15, s23, $0xb8;
	[tilespmem:$0x1C800] =	vst v63  }
0x148: {  	_ =	swait.ge [sflag:s31], $0x3200  }
0x149: {  	[sflag:s31] =	ssyncset.done $0x0  }
0x14a: {  	[sflag:s31] =	ssyncadd.s32 $0xFFFFCE00  }
0x14b: {  	[tilespmem:s26], [sflag:$0x2] =	stream.indirect.gather [hbm4b:s5+s23], $0x80, s16, s23, $0xb8;
	[tilespmem:$0x1C800] =	vst v63  }
0x14c: {  	_ =	swait.ge [sflag:s28], $0x3200  }
0x14d: {  	[sflag:s28] =	ssyncset.done $0x0  }
0x14e: {  	p0 =	sne.s32 s19, $0x900;
	[sflag:s28] =	ssyncadd.s32 $0xFFFFCE00  }
0x14f: {  	[spmem:s3] =	stream.indirect.scatter.add.f32 [tilespmem:s26], [sflag:$0x4], $0x80, s17, s23, $0xb8;
	[tilespmem:$0x1C800] =	vst v63  }
.Ltmp0:
0x150: {  	_ =	swait.ge [sflag:s29], $0x3200;
	(pc) =	sbr.rel @p0 .LBB2_2-.Ltmp0, $4  }
0x151: {  	[sflag:s29] =	ssyncset.done $0x0  }
0x152: {  	[sflag:s29] =	ssyncadd.s32 $0xFFFFCE00  }
0x153: {  	_ =	swait.ge [sflag:s31], $0x3200  }
0x154: {  	s19 =	sadd.s32 $0x100, s19;
	[sflag:s31] =	ssyncset.done $0x0  }
0x155: {  	[sflag:s31] =	ssyncadd.s32 $0xFFFFCE00  }
0x156: {  	[bflag:$0x0] =	sbarrier.arrive $0xFFFF  }
0x157: {  	s6 =	rddreg [dreg:$0x9]  }
0x158: {  	[tilespmem:s20], [sflag:$0x5] =	stream.linear.gather [spmem:s6], $0x1000, $0x38;
	[tilespmem:$0x1C800] =	vst v63  }
0x159: {  	_ =	swait.ge [sflag:s21], $0x1000  }
0x15a: {  	[sflag:s21] =	ssyncset.done $0x0  }
0x15b: {  	s19 =	rddreg [dreg:$0xa];
	[sflag:s21] =	ssyncadd.s32 $0xFFFFF000  }
0x15c: {  	[hbm4b:s19+s4] =	stream.linear.scatter [tilespmem:s20], [sflag:$0x5], $0x1000, $0x38;
	[tilespmem:$0x1C800] =	vst v63  }
0x15d: {  	_ =	swait.ge [sflag:s21], $0x1000  }
0x15e: {  	[sflag:s21] =	ssyncset.done $0x0  }
0x15f: {  	s18 =	rddreg [dreg:$0x1f];
	[sflag:s21] =	ssyncadd.s32 $0xFFFFF000  }
0x160: {  	[tilespmem:s20], [sflag:$0x5] =	stream.linear.gather [spmem:s18], $0x1000, $0x38;
	[tilespmem:$0x1C800] =	vst v63  }
0x161: {  	_ =	swait.ge [sflag:s21], $0x1000  }
0x162: {  	[sflag:s21] =	ssyncset.done $0x0  }
0x163: {  	s19 =	rddreg [dreg:$0xb];
	[sflag:s21] =	ssyncadd.s32 $0xFFFFF000  }
0x164: {  	[hbm4b:s19+s4] =	stream.linear.scatter [tilespmem:s20], [sflag:$0x5], $0x1000, $0x38;
	[tilespmem:$0x1C800] =	vst v63  }
0x165: {  	_ =	swait.ge [sflag:s21], $0x1000  }
0x166: {  	s18 =	sld [smem:$0x7EB]  }
0x167: {  	[sflag:s21] =	ssyncset.done $0x0  }
0x168: {  	[sflag:s21] =	ssyncadd.s32 $0xFFFFF000  }
0x169: {  	[tilespmem:s20], [sflag:$0x5] =	stream.linear.gather [spmem:s18], $0x1000, $0x38;
	[tilespmem:$0x1C800] =	vst v63  }
0x16a: {  	_ =	swait.ge [sflag:s21], $0x1000  }
0x16b: {  	[sflag:s21] =	ssyncset.done $0x0  }
0x16c: {  	s19 =	rddreg [dreg:$0xc];
	[sflag:s21] =	ssyncadd.s32 $0xFFFFF000  }
0x16d: {  	[hbm4b:s19+s4] =	stream.linear.scatter [tilespmem:s20], [sflag:$0x5], $0x1000, $0x38;
	[tilespmem:$0x1C800] =	vst v63  }
0x16e: {  	_ =	swait.ge [sflag:s21], $0x1000  }
0x16f: {  	s18 =	sld [smem:$0x7EC]  }
0x170: {  	[sflag:s21] =	ssyncset.done $0x0  }
0x171: {  	[sflag:s21] =	ssyncadd.s32 $0xFFFFF000  }
0x172: {  	[tilespmem:s20], [sflag:$0x5] =	stream.linear.gather [spmem:s18], $0x1000, $0x38;
	[tilespmem:$0x1C800] =	vst v63  }
0x173: {  	_ =	swait.ge [sflag:s21], $0x1000  }
0x174: {  	[sflag:s21] =	ssyncset.done $0x0  }
0x175: {  	s19 =	rddreg [dreg:$0xd];
	[sflag:s21] =	ssyncadd.s32 $0xFFFFF000  }
0x176: {  	[hbm4b:s19+s4] =	stream.linear.scatter [tilespmem:s20], [sflag:$0x5], $0x1000, $0x38;
	[tilespmem:$0x1C800] =	vst v63  }
0x177: {  	_ =	swait.ge [sflag:s21], $0x1000  }
0x178: {  	s18 =	sld [smem:$0x7ED]  }
0x179: {  	[sflag:s21] =	ssyncset.done $0x0  }
0x17a: {  	[sflag:s21] =	ssyncadd.s32 $0xFFFFF000  }
0x17b: {  	[tilespmem:s20], [sflag:$0x5] =	stream.linear.gather [spmem:s18], $0x1000, $0x38;
	[tilespmem:$0x1C800] =	vst v63  }
0x17c: {  	_ =	swait.ge [sflag:s21], $0x1000  }
0x17d: {  	[sflag:s21] =	ssyncset.done $0x0  }
0x17e: {  	s19 =	rddreg [dreg:$0xe];
	[sflag:s21] =	ssyncadd.s32 $0xFFFFF000  }
0x17f: {  	[hbm4b:s19+s4] =	stream.linear.scatter [tilespmem:s20], [sflag:$0x5], $0x1000, $0x38;
	[tilespmem:$0x1C800] =	vst v63  }
0x180: {  	_ =	swait.ge [sflag:s21], $0x1000  }
0x181: {  	s18 =	sld [smem:$0x7EE]  }
0x182: {  	[sflag:s21] =	ssyncset.done $0x0  }
0x183: {  	[sflag:s21] =	ssyncadd.s32 $0xFFFFF000  }
0x184: {  	[tilespmem:s20], [sflag:$0x5] =	stream.linear.gather [spmem:s18], $0x1000, $0x38;
	[tilespmem:$0x1C800] =	vst v63  }
0x185: {  	_ =	swait.ge [sflag:s21], $0x1000  }
0x186: {  	[sflag:s21] =	ssyncset.done $0x0  }
0x187: {  	s19 =	rddreg [dreg:$0xf];
	[sflag:s21] =	ssyncadd.s32 $0xFFFFF000  }
0x188: {  	[hbm4b:s19+s4] =	stream.linear.scatter [tilespmem:s20], [sflag:$0x5], $0x1000, $0x38;
	[tilespmem:$0x1C800] =	vst v63  }
0x189: {  	_ =	swait.ge [sflag:s21], $0x1000  }
0x18a: {  	s18 =	sld [smem:$0x7EF]  }
0x18b: {  	[sflag:s21] =	ssyncset.done $0x0  }
0x18c: {  	[sflag:s21] =	ssyncadd.s32 $0xFFFFF000  }
0x18d: {  	[tilespmem:s20], [sflag:$0x5] =	stream.linear.gather [spmem:s18], $0x1000, $0x38;
	[tilespmem:$0x1C800] =	vst v63  }
0x18e: {  	_ =	swait.ge [sflag:s21], $0x1000  }
0x18f: {  	[sflag:s21] =	ssyncset.done $0x0  }
0x190: {  	s19 =	rddreg [dreg:$0x10];
	[sflag:s21] =	ssyncadd.s32 $0xFFFFF000  }
0x191: {  	[hbm4b:s19+s4] =	stream.linear.scatter [tilespmem:s20], [sflag:$0x5], $0x1000, $0x38;
	[tilespmem:$0x1C800] =	vst v63  }
0x192: {  	_ =	swait.ge [sflag:s21], $0x1000  }
0x193: {  	s18 =	sld [smem:$0x7F0]  }
0x194: {  	[sflag:s21] =	ssyncset.done $0x0  }
0x195: {  	[sflag:s21] =	ssyncadd.s32 $0xFFFFF000  }
0x196: {  	[tilespmem:s20], [sflag:$0x5] =	stream.linear.gather [spmem:s18], $0x1000, $0x38;
	[tilespmem:$0x1C800] =	vst v63  }
0x197: {  	_ =	swait.ge [sflag:s21], $0x1000  }
0x198: {  	[sflag:s21] =	ssyncset.done $0x0  }
0x199: {  	s19 =	rddreg [dreg:$0x11];
	[sflag:s21] =	ssyncadd.s32 $0xFFFFF000  }
0x19a: {  	[hbm4b:s19+s4] =	stream.linear.scatter [tilespmem:s20], [sflag:$0x5], $0x1000, $0x38;
	[tilespmem:$0x1C800] =	vst v63  }
0x19b: {  	_ =	swait.ge [sflag:s21], $0x1000  }
0x19c: {  	s18 =	sld [smem:$0x7F1]  }
0x19d: {  	[sflag:s21] =	ssyncset.done $0x0  }
0x19e: {  	[sflag:s21] =	ssyncadd.s32 $0xFFFFF000  }
0x19f: {  	[tilespmem:s20], [sflag:$0x5] =	stream.linear.gather [spmem:s18], $0x1000, $0x38;
	[tilespmem:$0x1C800] =	vst v63  }
0x1a0: {  	_ =	swait.ge [sflag:s21], $0x1000  }
0x1a1: {  	[sflag:s21] =	ssyncset.done $0x0  }
0x1a2: {  	s19 =	rddreg [dreg:$0x12];
	[sflag:s21] =	ssyncadd.s32 $0xFFFFF000  }
0x1a3: {  	[hbm4b:s19+s4] =	stream.linear.scatter [tilespmem:s20], [sflag:$0x5], $0x1000, $0x38;
	[tilespmem:$0x1C800] =	vst v63  }
0x1a4: {  	_ =	swait.ge [sflag:s21], $0x1000  }
0x1a5: {  	s18 =	sld [smem:$0x7F2]  }
0x1a6: {  	[sflag:s21] =	ssyncset.done $0x0  }
0x1a7: {  	[sflag:s21] =	ssyncadd.s32 $0xFFFFF000  }
0x1a8: {  	[tilespmem:s20], [sflag:$0x5] =	stream.linear.gather [spmem:s18], $0x1000, $0x38;
	[tilespmem:$0x1C800] =	vst v63  }
0x1a9: {  	_ =	swait.ge [sflag:s21], $0x1000  }
0x1aa: {  	[sflag:s21] =	ssyncset.done $0x0  }
0x1ab: {  	s19 =	rddreg [dreg:$0x13];
	[sflag:s21] =	ssyncadd.s32 $0xFFFFF000  }
0x1ac: {  	[hbm4b:s19+s4] =	stream.linear.scatter [tilespmem:s20], [sflag:$0x5], $0x1000, $0x38;
	[tilespmem:$0x1C800] =	vst v63  }
0x1ad: {  	_ =	swait.ge [sflag:s21], $0x1000  }
0x1ae: {  	s18 =	sld [smem:$0x7F3]  }
0x1af: {  	[sflag:s21] =	ssyncset.done $0x0  }
0x1b0: {  	[sflag:s21] =	ssyncadd.s32 $0xFFFFF000  }
0x1b1: {  	[tilespmem:s20], [sflag:$0x5] =	stream.linear.gather [spmem:s18], $0x1000, $0x38;
	[tilespmem:$0x1C800] =	vst v63  }
0x1b2: {  	_ =	swait.ge [sflag:s21], $0x1000  }
0x1b3: {  	[sflag:s21] =	ssyncset.done $0x0  }
0x1b4: {  	s19 =	rddreg [dreg:$0x14];
	[sflag:s21] =	ssyncadd.s32 $0xFFFFF000  }
0x1b5: {  	[hbm4b:s19+s4] =	stream.linear.scatter [tilespmem:s20], [sflag:$0x5], $0x1000, $0x38;
	[tilespmem:$0x1C800] =	vst v63  }
0x1b6: {  	_ =	swait.ge [sflag:s21], $0x1000  }
0x1b7: {  	s18 =	sld [smem:$0x7F4]  }
0x1b8: {  	[sflag:s21] =	ssyncset.done $0x0  }
0x1b9: {  	[sflag:s21] =	ssyncadd.s32 $0xFFFFF000  }
0x1ba: {  	[tilespmem:s20], [sflag:$0x5] =	stream.linear.gather [spmem:s18], $0x1000, $0x38;
	[tilespmem:$0x1C800] =	vst v63  }
0x1bb: {  	_ =	swait.ge [sflag:s21], $0x1000  }
0x1bc: {  	[sflag:s21] =	ssyncset.done $0x0  }
0x1bd: {  	s19 =	rddreg [dreg:$0x15];
	[sflag:s21] =	ssyncadd.s32 $0xFFFFF000  }
0x1be: {  	[hbm4b:s19+s4] =	stream.linear.scatter [tilespmem:s20], [sflag:$0x5], $0x1000, $0x38;
	[tilespmem:$0x1C800] =	vst v63  }
0x1bf: {  	_ =	swait.ge [sflag:s21], $0x1000  }
0x1c0: {  	s18 =	sld [smem:$0x7F5]  }
0x1c1: {  	[sflag:s21] =	ssyncset.done $0x0  }
0x1c2: {  	[sflag:s21] =	ssyncadd.s32 $0xFFFFF000  }
0x1c3: {  	[tilespmem:s20], [sflag:$0x5] =	stream.linear.gather [spmem:s18], $0x1000, $0x38;
	[tilespmem:$0x1C800] =	vst v63  }
0x1c4: {  	_ =	swait.ge [sflag:s21], $0x1000  }
0x1c5: {  	[sflag:s21] =	ssyncset.done $0x0  }
0x1c6: {  	s19 =	rddreg [dreg:$0x16];
	[sflag:s21] =	ssyncadd.s32 $0xFFFFF000  }
0x1c7: {  	[hbm4b:s19+s4] =	stream.linear.scatter [tilespmem:s20], [sflag:$0x5], $0x1000, $0x38;
	[tilespmem:$0x1C800] =	vst v63  }
0x1c8: {  	_ =	swait.ge [sflag:s21], $0x1000  }
0x1c9: {  	s18 =	sld [smem:$0x7F6]  }
0x1ca: {  	[sflag:s21] =	ssyncset.done $0x0  }
0x1cb: {  	[sflag:s21] =	ssyncadd.s32 $0xFFFFF000  }
0x1cc: {  	[tilespmem:s20], [sflag:$0x5] =	stream.linear.gather [spmem:s18], $0x1000, $0x38;
	[tilespmem:$0x1C800] =	vst v63  }
0x1cd: {  	_ =	swait.ge [sflag:s21], $0x1000  }
0x1ce: {  	[sflag:s21] =	ssyncset.done $0x0  }
0x1cf: {  	s19 =	rddreg [dreg:$0x17];
	[sflag:s21] =	ssyncadd.s32 $0xFFFFF000  }
0x1d0: {  	[hbm4b:s19+s4] =	stream.linear.scatter [tilespmem:s20], [sflag:$0x5], $0x1000, $0x38;
	[tilespmem:$0x1C800] =	vst v63  }
0x1d1: {  	_ =	swait.ge [sflag:s21], $0x1000  }
0x1d2: {  	s18 =	sld [smem:$0x7F7]  }
0x1d3: {  	[sflag:s21] =	ssyncset.done $0x0  }
0x1d4: {  	[sflag:s21] =	ssyncadd.s32 $0xFFFFF000  }
0x1d5: {  	[tilespmem:s20], [sflag:$0x5] =	stream.linear.gather [spmem:s18], $0x1000, $0x38;
	[tilespmem:$0x1C800] =	vst v63  }
0x1d6: {  	_ =	swait.ge [sflag:s21], $0x1000  }
0x1d7: {  	[sflag:s21] =	ssyncset.done $0x0  }
0x1d8: {  	s19 =	rddreg [dreg:$0x18];
	[sflag:s21] =	ssyncadd.s32 $0xFFFFF000  }
0x1d9: {  	[hbm4b:s19+s4] =	stream.linear.scatter [tilespmem:s20], [sflag:$0x5], $0x1000, $0x38;
	[tilespmem:$0x1C800] =	vst v63  }
0x1da: {  	_ =	swait.ge [sflag:s21], $0x1000  }
0x1db: {  	s18 =	sld [smem:$0x7F8]  }
0x1dc: {  	[sflag:s21] =	ssyncset.done $0x0  }
0x1dd: {  	[sflag:s21] =	ssyncadd.s32 $0xFFFFF000  }
0x1de: {  	[tilespmem:s20], [sflag:$0x5] =	stream.linear.gather [spmem:s18], $0x1000, $0x38;
	[tilespmem:$0x1C800] =	vst v63  }
0x1df: {  	_ =	swait.ge [sflag:s21], $0x1000  }
0x1e0: {  	[sflag:s21] =	ssyncset.done $0x0  }
0x1e1: {  	s19 =	rddreg [dreg:$0x19];
	[sflag:s21] =	ssyncadd.s32 $0xFFFFF000  }
0x1e2: {  	[hbm4b:s19+s4] =	stream.linear.scatter [tilespmem:s20], [sflag:$0x5], $0x1000, $0x38;
	[tilespmem:$0x1C800] =	vst v63  }
0x1e3: {  	_ =	swait.ge [sflag:s21], $0x1000  }
0x1e4: {  	s18 =	sld [smem:$0x7F9]  }
0x1e5: {  	[sflag:s21] =	ssyncset.done $0x0  }
0x1e6: {  	[sflag:s21] =	ssyncadd.s32 $0xFFFFF000  }
0x1e7: {  	[tilespmem:s20], [sflag:$0x5] =	stream.linear.gather [spmem:s18], $0x1000, $0x38;
	[tilespmem:$0x1C800] =	vst v63  }
0x1e8: {  	_ =	swait.ge [sflag:s21], $0x1000  }
0x1e9: {  	[sflag:s21] =	ssyncset.done $0x0  }
0x1ea: {  	s19 =	rddreg [dreg:$0x1a];
	[sflag:s21] =	ssyncadd.s32 $0xFFFFF000  }
0x1eb: {  	[hbm4b:s19+s4] =	stream.linear.scatter [tilespmem:s20], [sflag:$0x5], $0x1000, $0x38;
	[tilespmem:$0x1C800] =	vst v63  }
0x1ec: {  	_ =	swait.ge [sflag:s21], $0x1000  }
0x1ed: {  	s18 =	sld [smem:$0x7FA]  }
0x1ee: {  	[sflag:s21] =	ssyncset.done $0x0  }
0x1ef: {  	[sflag:s21] =	ssyncadd.s32 $0xFFFFF000  }
0x1f0: {  	[tilespmem:s20], [sflag:$0x5] =	stream.linear.gather [spmem:s18], $0x1000, $0x38;
	[tilespmem:$0x1C800] =	vst v63  }
0x1f1: {  	_ =	swait.ge [sflag:s21], $0x1000  }
0x1f2: {  	[sflag:s21] =	ssyncset.done $0x0  }
0x1f3: {  	s19 =	rddreg [dreg:$0x1b];
	[sflag:s21] =	ssyncadd.s32 $0xFFFFF000  }
0x1f4: {  	[hbm4b:s19+s4] =	stream.linear.scatter [tilespmem:s20], [sflag:$0x5], $0x1000, $0x38;
	[tilespmem:$0x1C800] =	vst v63  }
0x1f5: {  	_ =	swait.ge [sflag:s21], $0x1000  }
0x1f6: {  	s18 =	sld [smem:$0x7FB]  }
0x1f7: {  	[sflag:s21] =	ssyncset.done $0x0  }
0x1f8: {  	[sflag:s21] =	ssyncadd.s32 $0xFFFFF000  }
0x1f9: {  	[tilespmem:s20], [sflag:$0x5] =	stream.linear.gather [spmem:s18], $0x1000, $0x38;
	[tilespmem:$0x1C800] =	vst v63  }
0x1fa: {  	_ =	swait.ge [sflag:s21], $0x1000  }
0x1fb: {  	[sflag:s21] =	ssyncset.done $0x0  }
0x1fc: {  	s19 =	rddreg [dreg:$0x1c];
	[sflag:s21] =	ssyncadd.s32 $0xFFFFF000  }
0x1fd: {  	[hbm4b:s19+s4] =	stream.linear.scatter [tilespmem:s20], [sflag:$0x5], $0x1000, $0x38;
	[tilespmem:$0x1C800] =	vst v63  }
0x1fe: {  	_ =	swait.ge [sflag:s21], $0x1000  }
0x1ff: {  	s19 =	sld [smem:$0x7FD]  }
0x200: {  	[sflag:s21] =	ssyncset.done $0x0  }
0x201: {  	[sflag:s21] =	ssyncadd.s32 $0xFFFFF000  }
0x202: {  	[tilespmem:s20], [sflag:$0x5] =	stream.linear.gather [spmem:s19], $0x1000, $0x38;
	[tilespmem:$0x1C800] =	vst v63  }
0x203: {  	_ =	swait.ge [sflag:s21], $0x1000  }
0x204: {  	[sflag:s21] =	ssyncset.done $0x0  }
0x205: {  	s18 =	rddreg [dreg:$0x1d];
	[sflag:s21] =	ssyncadd.s32 $0xFFFFF000  }
0x206: {  	[hbm4b:s18+s4] =	stream.linear.scatter [tilespmem:s20], [sflag:$0x5], $0x1000, $0x38;
	[tilespmem:$0x1C800] =	vst v63  }
0x207: {  	_ =	swait.ge [sflag:s21], $0x1000  }
0x208: {  	s18 =	sld [smem:$0x7FC];
	_ =	sdelay $0x2  }
0x209: {  	s6 =	rddreg [dreg:$0x1e];
	s18 =	sadd.s32 $0x1, s18  }
0x20a: {  	p0 =	sne.s32 s18, s6  }
.Ltmp1:
0x20b: {  	_ = 	snop;
	(pc) =	sbr.rel @p0 .LBB2_1-.Ltmp1, $3  }
0x20c: {  	_ =	sdelay $0x1  }
0x20d: {  	[sflag:s21] =	ssyncset.done $0x0;
	[smem:$0x7FC] =	sst s18  }
0x20e: {  	[sflag:s21] =	ssyncadd.s32 $0xFFFFF000;
	s18 =	rddreg [dreg:$0x9]  }
0x20f: {  	_ =	sfence.sel $0x180000  }
0x210: {  	[bflag:$0x0] =	sbarrier.arrive $0xFFFF  }
0x211: {  	_ =	strace $0x9000004A  }
0x212: {  	s0 =	stileid.u32;
	[bflag:$0x2] =	sbarrier.arrive $0xFFFF  }
0x213: {  	p0 =	sne.s32 s0, $0x0;
	s0 =	rddreg [dreg:$0x3]  }
0x214: {  	s0 =	sadd.s32 @!p0 $0x100000, s0  }
0x215: {  	[sflag:s0] =	ssyncadd.tile.s32 @!p0 $0x1;
	_ =	shalt  }
.Lfunc_end2:
_tile_overlayer_lowered:
.L_overlay_start_2:
0x216: {  	(tag) =	ssettag $0x2  }
0x217: {  	s0 =	rddreg [dreg:$0x0];
	s2 =	stileid.u32  }
0x218: {  	s1 =	rddreg [dreg:$0x1];
	p0 =	sne.s32 s2, $0x0  }
0x219: {  	s3 =	rddreg [dreg:$0x2];
	[bflag:$0x3] =	sbarrier.arrive $0xFFFF;
	s2 =	simm.s32 @!p0 $0x1C05  }
0x21a: {  	[timem:s3], [sflag:s2] =	dma.local @!p0 [hbm:s0], s1  }
0x21b: {  	s0 =	simm.s32 @!p0 $0x5  }
0x21c: {  	_ =	swait.ge @!p0 [sflag:s0], s1  }
0x21d: {  	s1 =	ssub.s32 @!p0 $0x0, s1;
	[sflag:s0] =	ssyncset.done @!p0 $0x0  }
0x21e: {  	[sflag:s0] =	ssyncadd.s32 @!p0 s1  }
0x21f: {  	[bflag:$0x3] =	sbarrier.arrive $0xFFFF  }
0x220: {  	_ =	shalt  }

// kernel: kernel.14.cloned.1.call-start
scs
__scs_entry_jumppad:
0x0: {  	(pc) =	sbr.rel $0x88, $3  }
0x1: {  	(tag) =	ssettag $0x0;
	lr =	simm.s32 $0x1  }
0x2: {  	[smem:$0x3F93] =	sst lr;
	_ =	strace $0xD0000000  }
0x3: {  	_ = 	snop  }
0x4: {  	_ = 	snop  }
0x5: {  	_ = 	snop  }
0x6: {  	_ = 	snop  }
0x7: {  	_ = 	snop  }
__scs_overlays_trampoline_lowered:
0x8: {  	[smem:$0x3FA2] =	sst s0  }
0x9: {  	[smem:$0x3FA3] =	sst s1  }
0xa: {  	[smem:$0x3FA4] =	sst s2  }
0xb: {  	[smem:$0x3FA5] =	sst s3  }
0xc: {  	[smem:$0x3FA6] =	sst s4  }
0xd: {  	[smem:$0x3FA7] =	sst s5  }
0xe: {  	[smem:$0x3FA8] =	sst s6  }
0xf: {  	[smem:$0x3FA9] =	sst s7  }
0x10: {  	[smem:$0x3FAA] =	sst s8  }
0x11: {  	[smem:$0x3FAB] =	sst s9;
	s0 =	simm.s32 @!p0 $0x0  }
0x12: {  	s1 =	sld [smem:$0x3F91];
	s0 =	simm.s32 @p0 $0x1  }
0x13: {  	[smem:$0x3FAC] =	sst s0;
	s0 =	simm.s32 @!p1 $0x0  }
0x14: {  	s2 =	sld [smem:$0x3F90];
	s0 =	simm.s32 @p1 $0x1  }
0x15: {  	[smem:$0x3FAD] =	sst s0;
	s0 =	simm.s32 @!p2 $0x0  }
0x16: {  	s3 =	sld [smem:$0x3FDB];
	s0 =	simm.s32 @p2 $0x1  }
0x17: {  	s4 =	simm.s32 $0x1BF5;
	[smem:$0x3FAF] =	sst s0  }
0x18: {  	s0 =	sld [smem:$0x3F92];
	_ =	swait.ge [sflag:s4], $0x0  }
0x19: {  	s7 =	sld [smem:$0x3F93]  }
0x1a: {  	s8 =	sadd.s32 $0xFFFFE003, lr  }
0x1b: {  	s9 =	sadd.s32 $0xFFFFFEF7, lr;
	s5 =	simm.s32 $0xFFFFFFFF;
	p2 =	slt.u32 s8, $0xFFFFF086  }
0x1c: {  	p1 =	slt.u32 s9, $0xF7A;
	s5 =	simm.s32 @!p2 $0x0  }
0x1d: {  	s5 =	simm.s32 @p1 $0x1;
	p0 =	seq.s32 s7, s2  }
0x1e: {  	s7 =	smul.u32 @!p0 $0xF7A, s2;
	p2 =	seq.s32 @!p0 s5, $0x0  }
0x1f: {  	s9 =	smul.u32 $0xF7A, s1;
	s8 =	simm.s32 @!p0 $0x1BF5;
	p2 =	por !p2, p0  }
0x20: {  	[sflag:s8] =	ssyncset.s32 @!p0 $0xFFFFF086;
	s6 =	sadd.s32 @!p0 s3, s7;
	s7 =	simm.s32 @!p0 $0x108  }
0x21: {  	s3 =	sadd.s32 s3, s9;
	s6 =	sadd.s32 @!p0 $0x88, s6;
	s7 =	simm.s32 @p2 $0x1082  }
0x22: {  	[simem:s7], [sflag:s8] =	dma.local @!p0 [hbm:s6], $0xF7A  }
0x23: {  	s9 =	sor.u32 $0xD0000000, s2;
	s6 =	simm.s32 $0x108;
	_ =	swait.ge @!p0 [sflag:s8], $0x0  }
0x24: {  	s3 =	sadd.s32 $0x88, s3;
	s6 =	simm.s32 @!p1 $0x1082;
	[sflag:s4] =	ssyncset.s32 $0xFFFFF086  }
0x25: {  	[simem:s6], [sflag:s4] =	dma.local [hbm:s3], $0xF7A  }
0x26: {  	[smem:$0x3F93] =	sst s1;
	(tag) =	ssettag s2;
	_ =	strace s9  }
0x27: {  	s1 =	sld [smem:$0x3FA3]  }
0x28: {  	s2 =	sld [smem:$0x3FA4]  }
0x29: {  	s4 =	sld [smem:$0x3FA6]  }
0x2a: {  	p0 =	seq.s32 s5, $0x0;
	s5 =	sld [smem:$0x3FA7]  }
0x2b: {  	s6 =	sld [smem:$0x3FA8]  }
0x2c: {  	s7 =	sld [smem:$0x3FA9]  }
0x2d: {  	s3 =	simm.s32 $0x108;
	s8 =	sld [smem:$0x3FAA]  }
0x2e: {  	s3 =	simm.s32 @!p0 $0x1082;
	s9 =	sld [smem:$0x3FAB]  }
0x2f: {  	lr =	sadd.s32 s0, s3;
	s0 =	sld [smem:$0x3FA2]  }
0x30: {  	s3 =	sld [smem:$0x3FA5]  }
0x31: {  	[smem:$0x3FAE] =	sst s10  }
0x32: {  	s10 =	sld [smem:$0x3FAC];
	_ =	sdelay $0x3  }
0x33: {  	p0 =	seq.s32 s10, $0x1;
	s10 =	sld [smem:$0x3FAE];
	_ =	sdelay $0x3  }
0x34: {  	[smem:$0x3FAE] =	sst s10  }
0x35: {  	s10 =	sld [smem:$0x3FAD];
	_ =	sdelay $0x3  }
0x36: {  	p1 =	seq.s32 s10, $0x1;
	s10 =	sld [smem:$0x3FAE];
	_ =	sdelay $0x3  }
0x37: {  	[smem:$0x3FAE] =	sst s10  }
0x38: {  	s10 =	sld [smem:$0x3FAF]  }
0x39: {  	_ = 	snop;
	(pc) =	sbr.ind lr, $3  }
0x3a: {  	_ = 	snop  }
0x3b: {  	_ = 	snop  }
0x3c: {  	p2 =	seq.s32 s10, $0x1;
	s10 =	sld [smem:$0x3FAE]  }
0x3d: {  	_ =	shalt  }
0x3e: {  	_ =	shalt  }
0x3f: {  	_ =	shalt  }
0x40: {  	_ =	shalt  }
0x41: {  	_ =	shalt  }
0x42: {  	_ =	shalt  }
0x43: {  	_ =	shalt  }
0x44: {  	_ =	shalt  }
0x45: {  	_ =	shalt  }
0x46: {  	_ =	shalt  }
0x47: {  	_ =	shalt  }
0x48: {  	_ =	shalt  }
0x49: {  	_ =	shalt  }
0x4a: {  	_ =	shalt  }
0x4b: {  	_ =	shalt  }
0x4c: {  	_ =	shalt  }
0x4d: {  	_ =	shalt  }
0x4e: {  	_ =	shalt  }
0x4f: {  	_ =	shalt  }
0x50: {  	_ =	shalt  }
0x51: {  	_ =	shalt  }
0x52: {  	_ =	shalt  }
0x53: {  	_ =	shalt  }
0x54: {  	_ =	shalt  }
0x55: {  	_ =	shalt  }
0x56: {  	_ =	shalt  }
0x57: {  	_ =	shalt  }
0x58: {  	_ =	shalt  }
0x59: {  	_ =	shalt  }
0x5a: {  	_ =	shalt  }
0x5b: {  	_ =	shalt  }
0x5c: {  	_ =	shalt  }
0x5d: {  	_ =	shalt  }
0x5e: {  	_ =	shalt  }
0x5f: {  	_ =	shalt  }
0x60: {  	_ =	shalt  }
0x61: {  	_ =	shalt  }
0x62: {  	_ =	shalt  }
0x63: {  	_ =	shalt  }
0x64: {  	_ =	shalt  }
0x65: {  	_ =	shalt  }
0x66: {  	_ =	shalt  }
0x67: {  	_ =	shalt  }
0x68: {  	_ =	shalt  }
0x69: {  	_ =	shalt  }
0x6a: {  	_ =	shalt  }
0x6b: {  	_ =	shalt  }
0x6c: {  	_ =	shalt  }
0x6d: {  	_ =	shalt  }
0x6e: {  	_ =	shalt  }
0x6f: {  	_ =	shalt  }
0x70: {  	_ =	shalt  }
0x71: {  	_ =	shalt  }
0x72: {  	_ =	shalt  }
0x73: {  	_ =	shalt  }
0x74: {  	_ =	shalt  }
0x75: {  	_ =	shalt  }
0x76: {  	_ =	shalt  }
0x77: {  	_ =	shalt  }
0x78: {  	_ =	shalt  }
0x79: {  	_ =	shalt  }
0x7a: {  	_ =	shalt  }
0x7b: {  	_ =	shalt  }
0x7c: {  	_ =	shalt  }
0x7d: {  	_ =	shalt  }
0x7e: {  	_ =	shalt  }
0x7f: {  	_ =	shalt  }
0x80: {  	_ =	shalt  }
0x81: {  	_ =	shalt  }
0x82: {  	_ =	shalt  }
0x83: {  	_ =	shalt  }
0x84: {  	_ =	shalt  }
0x85: {  	_ =	shalt  }
0x86: {  	_ =	shalt  }
0x87: {  	_ =	shalt  }
.Lfunc_end0:
.L_simem_size_0:
called_computation.2_lowered:
.L_overlay_start_0:
0x88: {  	s2 =	sld [smem:$0x3FD9]  }
0x89: {  	s3 =	sld [smem:$0x3FFE];
	_ =	sdelay $0x1  }
0x8a: {  	s1 =	srdreg.scid  }
0x8b: {  	s0 =	sand.u32 $0x1, s1  }
0x8c: {  	s17 =	sshll.u32 s0, $0xA;
	s2 =	sadd.s32 s3, s2  }
0x8d: {  	s2 =	sadd.s32 s2, s17  }
0x8e: {  	[smem:$0x3FBA] =	sst s2  }
0x8f: {  	_ = 	snop  }
0x90: {  	s2 =	sld [smem:$0x3FD0];
	(tm) =	ssettm $0x1  }
0x91: {  	s18 =	sld [smem:$0x3FFB];
	_ =	sdelay $0x3  }
0x92: {  	_ =	strace s18  }
0x93: {  	s3 =	sld [smem:$0x3FFC];
	_ =	sdelay $0x3  }
0x94: {  	_ =	strace s3  }
0x95: {  	s3 =	sld [smem:$0x3FFD];
	_ =	sdelay $0x3  }
0x96: {  	_ =	strace s3  }
0x97: {  	_ =	strace $0x8FFFFFFF  }
0x98: {  	s19 =	sld [smem:$0x3FDB];
	_ =	sdelay $0x1  }
0x99: {  	s4 =	simm.s32 $_scs_section_size  }
0x9a: {  	s5 =	simm.s32 $_size__tile_overlayer_lowered;
	s6 =	simm.s32 $_tile_overlayer_lowered  }
0x9b: {  	s22 =	simm.s32 $0x1BFF;
	s21 =	sshll.u32 s6, $0x1;
	s3 =	sadd.s32 s4, s19  }
0x9c: {  	s7 =	simm.s32 $0x0;
	s20 =	sshll.u32 s5, $0x1;
	s5 =	sadd.s32 s21, s3  }
0x9d: {  	[timem:s7], [sflag:s22] =	dma.local [hbm:s5], s20  }
0x9e: {  	_ =	swait.ge [sflag:s22], s20  }
0x9f: {  	s4 =	ssub.s32 $0x0, s20;
	[sflag:s22] =	ssyncset.done $0x0  }
0xa0: {  	[sflag:s22] =	ssyncadd.s32 s4;
	_ =	sdelay $0x1  }
0xa1: {  	s23 =	simm.s32 $0x1B8B  }
0xa2: {  	_ =	swait.ge [sflag:s23], $0x1  }
0xa3: {  	[sflag:s23] =	ssyncset.done $0x0  }
0xa4: {  	s25 =	simm.s32 $0x1B8E;
	s24 =	sld [smem:$0x3FFE];
	[sflag:s23] =	ssyncadd.s32 $0xFFFFFFFF  }
0xa5: {  	s26 =	simm.s32 $execute0_lowered;
	[smem:$0x3FD2] =	sst s25  }
0xa6: {  	s5 =	sshll.u32 s26, $0x1;
	_ =	strace $0x8000004C;
	[dreg:$0x1] =	wrdreg $0xFFFFFFFF  }
0xa7: {  	s28 =	simm.s32 $_size_execute0_lowered;
	s3 =	sadd.s32 s3, s5;
	[dreg:$0x0] =	wrdreg $0x0  }
0xa8: {  	s5 =	sshll.u32 s28, $0x1;
	[dreg:$0x2] =	wrdreg s3  }
0xa9: {  	[dreg:$0x3] =	wrdreg s5  }
0xaa: {  	[dreg:$0x4] =	wrdreg $0xC0  }
0xab: {  	_ =	task [dreg:s7], $0x5FFFF  }
0xac: {  	[dreg:$0x1] =	wrdreg $0xFFFFFFFF  }
0xad: {  	[dreg:$0x0] =	wrdreg $0x60  }
0xae: {  	[dreg:$0x2] =	wrdreg s24  }
0xaf: {  	[dreg:$0x3] =	wrdreg s2  }
0xb0: {  	[dreg:$0x4] =	wrdreg $0x88000  }
0xb1: {  	[dreg:$0x5] =	wrdreg $0x9  }
0xb2: {  	_ =	task.clear_ibuf [dreg:s7], $0x6FFFF;
	_ =	strace $0x9000004C  }
0xb3: {  	s29 =	simm.s32 $0x9;
	_ =	strace $0x8000004E  }
0xb4: {  	_ =	swait.ge [sflag:s29], $0x1  }
0xb5: {  	[sflag:s29] =	ssyncadd.s32 $0xFFFFFFFF  }
0xb6: {  	_ =	strace $0x9000004E  }
0xb7: {  	_ =	sfence  }
0xb8: {  	s30 =	sld [smem:$0x0];
	_ =	sdelay $0x2  }
0xb9: {  	s31 =	sshll.u32 s1, $0xD;
	s1 =	sshrl.u32 s1, $0x2  }
0xba: {  	s3 =	sand.u32 $0x4000, s31;
	s1 =	sadd.s32 s1, s30  }
0xbb: {  	s0 =	sor.u32 s3, s0;
	s1 =	sshll.u32 s1, $0x11  }
0xbc: {  	s0 =	sor.u32 s1, s0  }
0xbd: {  	s0 =	sadd.s32 $0x8F2B, s0  }
0xbe: {  	[sflag:s0] =	ssyncadd.remote.s32 $0x1  }
0xbf: {  	_ =	sfence.sel $0xFFFF  }
0xc0: {  	[dreg:$0x0] =	wrdreg $0xFFFFFFFF;
	(pc) =	sbr.abs _section_cstart, $3  }
0xc1: {  	[dreg:$0x1] =	wrdreg $0xFFFFFFFF  }
0xc2: {  	_ =	task.clear_ibuf [dreg:s7], $0x2FFFF;
	_ =	strace $0x9FFFFFFF  }
0xc3: {  	(tm) =	ssettm $0x7FFFFFFF  }
tec
execute0_lowered:
.L_overlay_start_1:
0x0: {  	(tag) =	ssettag $0x1  }
0x1: {  	s9 =	stileid.u32  }
0x2: {  	s1 =	srdreg.scid;
	s6 =	smul.u32 $0x5000, s9  }
0x3: {  	s0 =	rddreg [dreg:$0x0];
	s1 =	sand.u32 $0x1, s1;
	s7 =	smul.u32 $0x280, s9  }
0x4: {  	s3 =	rddreg [dreg:$0x2];
	s4 =	simm.s32 $0x0;
	s2 =	smul.u32 $0x50000, s1  }
0x5: {  	s20 =	simm.s32 $0x80;
	[smem:$0x7FF] =	sst s4;
	s8 =	smul.u32 $0x2800, s1  }
0x6: {  	s5 =	sadd.s32 $0x7BC00, s0;
	s22 =	smul.u32 $0x50000, s9;
	_ =	strace $0x8000004D  }
0x7: {  	[dreg:$0x6] =	wrdreg s20;
	s2 =	sadd.s32 s6, s2;
	s21 =	sadd.s32 s7, s8  }
0x8: {  	s7 =	sshrl.u32 s22, $0x2;
	s22 =	simm.s32 $0x880;
	s2 =	sshrl.u32 s2, $0x3  }
0x9: {  	s6 =	sshll.u32 s21, $0x4;
	s18 =	sadd.s32 s7, s3;
	[dreg:$0x7] =	wrdreg s22  }
0xa: {  	s2 =	sadd.s32 s2, s0;
	s20 =	sadd.s32 $0xC000, s18;
	[dreg:$0x9] =	wrdreg s18  }
0xb: {  	s0 =	sadd.s32 s6, s0;
	s22 =	sadd.s32 $0xE000, s18;
	[smem:$0x7F5] =	sst s20  }
0xc: {  	s24 =	sadd.s32 $0xA2E00, s0;
	[smem:$0x7F7] =	sst s22  }
0xd: {  	s25 =	sadd.s32 $0xA3000, s0;
	[dreg:$0xa] =	wrdreg s24  }
0xe: {  	s26 =	sadd.s32 $0xA3200, s0;
	[dreg:$0xb] =	wrdreg s25  }
0xf: {  	s7 =	sadd.s32 $0xA3400, s0;
	[dreg:$0xc] =	wrdreg s26  }
0x10: {  	s8 =	sadd.s32 $0xA3600, s0;
	[dreg:$0xd] =	wrdreg s7  }
0x11: {  	s9 =	sadd.s32 $0xA3800, s0;
	[dreg:$0xe] =	wrdreg s8  }
0x12: {  	s10 =	sadd.s32 $0xA3A00, s0;
	[dreg:$0xf] =	wrdreg s9  }
0x13: {  	s11 =	sadd.s32 $0xA3C00, s0;
	[dreg:$0x10] =	wrdreg s10  }
0x14: {  	s12 =	sadd.s32 $0xA3E00, s0;
	[dreg:$0x11] =	wrdreg s11  }
0x15: {  	s13 =	sadd.s32 $0xA4000, s0;
	[dreg:$0x12] =	wrdreg s12  }
0x16: {  	s14 =	sadd.s32 $0xA4200, s0;
	[dreg:$0x13] =	wrdreg s13  }
0x17: {  	s15 =	sadd.s32 $0xA4400, s0;
	[dreg:$0x14] =	wrdreg s14  }
0x18: {  	s17 =	sadd.s32 $0xA4600, s0;
	[dreg:$0x15] =	wrdreg s15  }
0x19: {  	s16 =	sadd.s32 $0x3800, s2;
	[dreg:$0x16] =	wrdreg s17  }
0x1a: {  	s19 =	sadd.s32 $0xA4800, s0;
	[dreg:$0x4] =	wrdreg s16  }
0x1b: {  	s1 =	ssub.s32 $0x2, s1;
	s2 =	sadd.s32 $0x17C00, s2;
	[dreg:$0x17] =	wrdreg s19  }
0x1c: {  	s23 =	sshrl.u32 s1, $0x1;
	s21 =	sadd.s32 $0xA4A00, s0;
	[dreg:$0x5] =	wrdreg s2  }
0x1d: {  	s1 =	ssub.s32 s1, s23;
	s23 =	sadd.s32 $0xA4C00, s0;
	[dreg:$0x18] =	wrdreg s21  }
0x1e: {  	s6 =	sadd.s32 $0xA5200, s0;
	[dreg:$0x19] =	wrdreg s23  }
0x1f: {  	s24 =	simm.s32 $0x100;
	[dreg:$0x1c] =	wrdreg s6  }
0x20: {  	s25 =	sadd.s32 $0xA4E00, s0;
	[dreg:$0x8] =	wrdreg s24  }
0x21: {  	s26 =	sadd.s32 $0xA5000, s0;
	[dreg:$0x1a] =	wrdreg s25  }
0x22: {  	s0 =	sadd.s32 $0xA5400, s0;
	[dreg:$0x1b] =	wrdreg s26  }
0x23: {  	s7 =	smax.u32 s1, $0x1;
	[dreg:$0x1d] =	wrdreg s0  }
0x24: {  	s8 =	sadd.s32 $0x1000, s18;
	[dreg:$0x1e] =	wrdreg s7  }
0x25: {  	s9 =	sadd.s32 $0x2000, s18;
	[dreg:$0x1f] =	wrdreg s8  }
0x26: {  	s10 =	sadd.s32 $0x3000, s18;
	[smem:$0x7EB] =	sst s9  }
0x27: {  	s11 =	sadd.s32 $0x4000, s18;
	[smem:$0x7EC] =	sst s10  }
0x28: {  	s28 =	simm.s32 $0x2;
	s12 =	sadd.s32 $0x5000, s18;
	[smem:$0x7ED] =	sst s11  }
0x29: {  	s29 =	simm.s32 $0x3;
	s13 =	sadd.s32 $0x6000, s18;
	[smem:$0x7EE] =	sst s12  }
0x2a: {  	s30 =	simm.s32 $0x900;
	s14 =	sadd.s32 $0x7000, s18;
	[smem:$0x7EF] =	sst s13  }
0x2b: {  	s31 =	simm.s32 $0x4;
	s15 =	sadd.s32 $0x8000, s18;
	[smem:$0x7F0] =	sst s14  }
0x2c: {  	s20 =	simm.s32 $0x7800;
	s16 =	sadd.s32 $0x9000, s18;
	[smem:$0x7F1] =	sst s15  }
0x2d: {  	s22 =	simm.s32 $0x800;
	s17 =	sadd.s32 $0xA000, s18;
	[smem:$0x7F2] =	sst s16  }
0x2e: {  	s19 =	sadd.s32 $0xB000, s18;
	s21 =	sadd.s32 $0xD000, s18;
	[smem:$0x7F3] =	sst s17  }
0x2f: {  	s23 =	sadd.s32 $0xF000, s18;
	s1 =	simm.s32 $0x180;
	[smem:$0x7F4] =	sst s19  }
0x30: {  	s2 =	simm.s32 $0x200;
	s6 =	simm.s32 $0x0;
	[smem:$0x7F6] =	sst s21  }
0x31: {  	[smem:$0x7F8] =	sst s23;
	s24 =	sadd.s32 $0x10000, s18;
	s25 =	sadd.s32 $0x11000, s18  }
0x32: {  	s26 =	sadd.s32 $0x12000, s18;
	s19 =	sadd.s32 $0x13000, s18;
	s21 =	simm.s32 $0x5  }
0x33: {  	s23 =	simm.s32 $0x64;
	s0 =	simm.s32 $0x980;
	s7 =	simm.s32 $0xA00  }
0x34: {  	s8 =	simm.s32 $0x280;
	s9 =	simm.s32 $0xA80;
	s10 =	simm.s32 $0x300  }
0x35: {  	s11 =	simm.s32 $0xB00;
	s12 =	simm.s32 $0x380;
	[smem:$0x7FC] =	sst s6  }
0x36: {  	s13 =	simm.s32 $0xB80;
	s14 =	simm.s32 $0x400;
	[smem:$0x7F9] =	sst s24  }
0x37: {  	s15 =	simm.s32 $0xC00;
	s16 =	simm.s32 $0x480;
	[smem:$0x7FA] =	sst s25  }
0x38: {  	s17 =	simm.s32 $0xC80;
	[smem:$0x7FB] =	sst s26;
	s24 =	simm.s32 $0x1000  }
0x39: {  	s25 =	simm.s32 $0x1;
	s26 =	simm.s32 $0x4400;
	[smem:$0x7FD] =	sst s19  }
.LBB2_1:
0x3a: {  	s6 =	rddreg [dreg:$0x1]  }
0x3b: {  	[tilespmem:s20], [sflag:$0x5] =	stream.linear.gather [hbm4b:s6+s4], $0x1000, $0x38;
	[tilespmem:$0x1C800] =	vst v63  }
0x3c: {  	_ =	swait.ge [sflag:s21], $0x1000  }
0x3d: {  	[sflag:s21] =	ssyncset.done $0x0  }
0x3e: {  	[sflag:s21] =	ssyncadd.s32 $0xFFFFF000  }
0x3f: {  	[spmem:s18] =	stream.linear.scatter [tilespmem:s20], [sflag:$0x5], $0x1000, $0x38;
	[tilespmem:$0x1C800] =	vst v63  }
0x40: {  	_ =	swait.ge [sflag:s21], $0x1000  }
0x41: {  	[sflag:s21] =	ssyncset.done $0x0  }
0x42: {  	s18 =	rddreg [dreg:$0x1f];
	[sflag:s21] =	ssyncadd.s32 $0xFFFFF000  }
0x43: {  	[spmem:s18] =	stream.linear.scatter [tilespmem:s20], [sflag:$0x5], $0x1000, $0x38;
	[tilespmem:$0x1C800] =	vst v63  }
0x44: {  	_ =	swait.ge [sflag:s21], $0x1000  }
0x45: {  	s18 =	sld [smem:$0x7EB]  }
0x46: {  	[sflag:s21] =	ssyncset.done $0x0  }
0x47: {  	[sflag:s21] =	ssyncadd.s32 $0xFFFFF000  }
0x48: {  	[spmem:s18] =	stream.linear.scatter [tilespmem:s20], [sflag:$0x5], $0x1000, $0x38;
	[tilespmem:$0x1C800] =	vst v63  }
0x49: {  	_ =	swait.ge [sflag:s21], $0x1000  }
0x4a: {  	s18 =	sld [smem:$0x7EC]  }
0x4b: {  	[sflag:s21] =	ssyncset.done $0x0  }
0x4c: {  	[sflag:s21] =	ssyncadd.s32 $0xFFFFF000  }
0x4d: {  	[spmem:s18] =	stream.linear.scatter [tilespmem:s20], [sflag:$0x5], $0x1000, $0x38;
	[tilespmem:$0x1C800] =	vst v63  }
0x4e: {  	_ =	swait.ge [sflag:s21], $0x1000  }
0x4f: {  	s18 =	sld [smem:$0x7ED]  }
0x50: {  	[sflag:s21] =	ssyncset.done $0x0  }
0x51: {  	[sflag:s21] =	ssyncadd.s32 $0xFFFFF000  }
0x52: {  	[spmem:s18] =	stream.linear.scatter [tilespmem:s20], [sflag:$0x5], $0x1000, $0x38;
	[tilespmem:$0x1C800] =	vst v63  }
0x53: {  	_ =	swait.ge [sflag:s21], $0x1000  }
0x54: {  	s18 =	sld [smem:$0x7EE]  }
0x55: {  	[sflag:s21] =	ssyncset.done $0x0  }
0x56: {  	[sflag:s21] =	ssyncadd.s32 $0xFFFFF000  }
0x57: {  	[spmem:s18] =	stream.linear.scatter [tilespmem:s20], [sflag:$0x5], $0x1000, $0x38;
	[tilespmem:$0x1C800] =	vst v63  }
0x58: {  	_ =	swait.ge [sflag:s21], $0x1000  }
0x59: {  	s18 =	sld [smem:$0x7EF]  }
0x5a: {  	[sflag:s21] =	ssyncset.done $0x0  }
0x5b: {  	[sflag:s21] =	ssyncadd.s32 $0xFFFFF000  }
0x5c: {  	[spmem:s18] =	stream.linear.scatter [tilespmem:s20], [sflag:$0x5], $0x1000, $0x38;
	[tilespmem:$0x1C800] =	vst v63  }
0x5d: {  	_ =	swait.ge [sflag:s21], $0x1000  }
0x5e: {  	s18 =	sld [smem:$0x7F0]  }
0x5f: {  	[sflag:s21] =	ssyncset.done $0x0  }
0x60: {  	[sflag:s21] =	ssyncadd.s32 $0xFFFFF000  }
0x61: {  	[spmem:s18] =	stream.linear.scatter [tilespmem:s20], [sflag:$0x5], $0x1000, $0x38;
	[tilespmem:$0x1C800] =	vst v63  }
0x62: {  	_ =	swait.ge [sflag:s21], $0x1000  }
0x63: {  	s18 =	sld [smem:$0x7F1]  }
0x64: {  	[sflag:s21] =	ssyncset.done $0x0  }
0x65: {  	[sflag:s21] =	ssyncadd.s32 $0xFFFFF000  }
0x66: {  	[spmem:s18] =	stream.linear.scatter [tilespmem:s20], [sflag:$0x5], $0x1000, $0x38;
	[tilespmem:$0x1C800] =	vst v63  }
0x67: {  	_ =	swait.ge [sflag:s21], $0x1000  }
0x68: {  	s18 =	sld [smem:$0x7F2]  }
0x69: {  	[sflag:s21] =	ssyncset.done $0x0  }
0x6a: {  	[sflag:s21] =	ssyncadd.s32 $0xFFFFF000  }
0x6b: {  	[spmem:s18] =	stream.linear.scatter [tilespmem:s20], [sflag:$0x5], $0x1000, $0x38;
	[tilespmem:$0x1C800] =	vst v63  }
0x6c: {  	_ =	swait.ge [sflag:s21], $0x1000  }
0x6d: {  	s18 =	sld [smem:$0x7F3]  }
0x6e: {  	[sflag:s21] =	ssyncset.done $0x0  }
0x6f: {  	[sflag:s21] =	ssyncadd.s32 $0xFFFFF000  }
0x70: {  	[spmem:s18] =	stream.linear.scatter [tilespmem:s20], [sflag:$0x5], $0x1000, $0x38;
	[tilespmem:$0x1C800] =	vst v63  }
0x71: {  	_ =	swait.ge [sflag:s21], $0x1000  }
0x72: {  	s18 =	sld [smem:$0x7F4]  }
0x73: {  	[sflag:s21] =	ssyncset.done $0x0  }
0x74: {  	[sflag:s21] =	ssyncadd.s32 $0xFFFFF000  }
0x75: {  	[spmem:s18] =	stream.linear.scatter [tilespmem:s20], [sflag:$0x5], $0x1000, $0x38;
	[tilespmem:$0x1C800] =	vst v63  }
0x76: {  	_ =	swait.ge [sflag:s21], $0x1000  }
0x77: {  	s18 =	sld [smem:$0x7F5]  }
0x78: {  	[sflag:s21] =	ssyncset.done $0x0  }
0x79: {  	[sflag:s21] =	ssyncadd.s32 $0xFFFFF000  }
0x7a: {  	[spmem:s18] =	stream.linear.scatter [tilespmem:s20], [sflag:$0x5], $0x1000, $0x38;
	[tilespmem:$0x1C800] =	vst v63  }
0x7b: {  	_ =	swait.ge [sflag:s21], $0x1000  }
0x7c: {  	s18 =	sld [smem:$0x7F6]  }
0x7d: {  	[sflag:s21] =	ssyncset.done $0x0  }
0x7e: {  	[sflag:s21] =	ssyncadd.s32 $0xFFFFF000  }
0x7f: {  	[spmem:s18] =	stream.linear.scatter [tilespmem:s20], [sflag:$0x5], $0x1000, $0x38;
	[tilespmem:$0x1C800] =	vst v63  }
0x80: {  	_ =	swait.ge [sflag:s21], $0x1000  }
0x81: {  	s18 =	sld [smem:$0x7F7]  }
0x82: {  	[sflag:s21] =	ssyncset.done $0x0  }
0x83: {  	[sflag:s21] =	ssyncadd.s32 $0xFFFFF000  }
0x84: {  	[spmem:s18] =	stream.linear.scatter [tilespmem:s20], [sflag:$0x5], $0x1000, $0x38;
	[tilespmem:$0x1C800] =	vst v63  }
0x85: {  	_ =	swait.ge [sflag:s21], $0x1000  }
0x86: {  	s18 =	sld [smem:$0x7F8]  }
0x87: {  	[sflag:s21] =	ssyncset.done $0x0  }
0x88: {  	[sflag:s21] =	ssyncadd.s32 $0xFFFFF000  }
0x89: {  	[spmem:s18] =	stream.linear.scatter [tilespmem:s20], [sflag:$0x5], $0x1000, $0x38;
	[tilespmem:$0x1C800] =	vst v63  }
0x8a: {  	_ =	swait.ge [sflag:s21], $0x1000  }
0x8b: {  	s18 =	sld [smem:$0x7F9]  }
0x8c: {  	[sflag:s21] =	ssyncset.done $0x0  }
0x8d: {  	[sflag:s21] =	ssyncadd.s32 $0xFFFFF000  }
0x8e: {  	[spmem:s18] =	stream.linear.scatter [tilespmem:s20], [sflag:$0x5], $0x1000, $0x38;
	[tilespmem:$0x1C800] =	vst v63  }
0x8f: {  	_ =	swait.ge [sflag:s21], $0x1000  }
0x90: {  	s18 =	sld [smem:$0x7FA]  }
0x91: {  	[sflag:s21] =	ssyncset.done $0x0  }
0x92: {  	[sflag:s21] =	ssyncadd.s32 $0xFFFFF000  }
0x93: {  	[spmem:s18] =	stream.linear.scatter [tilespmem:s20], [sflag:$0x5], $0x1000, $0x38;
	[tilespmem:$0x1C800] =	vst v63  }
0x94: {  	_ =	swait.ge [sflag:s21], $0x1000  }
0x95: {  	s18 =	sld [smem:$0x7FB]  }
0x96: {  	[sflag:s21] =	ssyncset.done $0x0  }
0x97: {  	[sflag:s21] =	ssyncadd.s32 $0xFFFFF000  }
0x98: {  	[spmem:s18] =	stream.linear.scatter [tilespmem:s20], [sflag:$0x5], $0x1000, $0x38;
	[tilespmem:$0x1C800] =	vst v63  }
0x99: {  	_ =	swait.ge [sflag:s21], $0x1000  }
0x9a: {  	[sflag:s21] =	ssyncset.done $0x0  }
0x9b: {  	[sflag:s21] =	ssyncadd.s32 $0xFFFFF000  }
0x9c: {  	[spmem:s19] =	stream.linear.scatter [tilespmem:s20], [sflag:$0x5], $0x1000, $0x38;
	[tilespmem:$0x1C800] =	vst v63  }
0x9d: {  	_ =	swait.ge [sflag:s21], $0x1000  }
0x9e: {  	[sflag:s21] =	ssyncset.done $0x0  }
0x9f: {  	[sflag:s21] =	ssyncadd.s32 $0xFFFFF000  }
0xa0: {  	[bflag:$0x0] =	sbarrier.arrive $0xFFFF  }
0xa1: {  	s18 =	rddreg [dreg:$0x5]  }
0xa2: {  	s19 =	sadd.s32 $0x0, s18  }
0xa3: {  	[tilespmem:s4], [sflag:$0x5] =	stream.linear.gather [hbm4b:s19+s4], $0x500, $0x38;
	[tilespmem:$0x1C800] =	vst v63  }
0xa4: {  	_ =	swait.ge [sflag:s21], $0x500  }
0xa5: {  	s6 =	rddreg [dreg:$0x4];
	[sflag:s21] =	ssyncset.done $0x0  }
0xa6: {  	[sflag:s21] =	ssyncadd.s32 $0xFFFFFB00;
	s19 =	sadd.s32 $0x0, s6  }
0xa7: {  	[tilespmem:s22], [sflag:$0x5] =	stream.linear.gather [hbm4b:s19+s4], $0x500, $0x38;
	[tilespmem:$0x1C800] =	vst v63  }
0xa8: {  	_ =	swait.ge [sflag:s21], $0x500  }
0xa9: {  	[sflag:s21] =	ssyncset.done $0x0  }
0xaa: {  	[sflag:s21] =	ssyncadd.s32 $0xFFFFFB00  }
0xab: {  	[tilespmem:s24], [sflag:$0x1] =	stream.indirect.gather [hbm4b:s5+s23], $0x80, s4, s23, $0xb8;
	[tilespmem:$0x1C800] =	vst v63  }
0xac: {  	_ =	swait.ge [sflag:s25], $0x3200  }
0xad: {  	[sflag:s25] =	ssyncset.done $0x0  }
0xae: {  	[sflag:s25] =	ssyncadd.s32 $0xFFFFCE00  }
0xaf: {  	[spmem:s3] =	stream.indirect.scatter.add.f32 [tilespmem:s24], [sflag:$0x3], $0x80, s22, s23, $0xb8;
	[tilespmem:$0x1C800] =	vst v63  }
0xb0: {  	s18 =	rddreg [dreg:$0x6]  }
0xb1: {  	[tilespmem:s26], [sflag:$0x2] =	stream.indirect.gather [hbm4b:s5+s23], $0x80, s18, s23, $0xb8;
	[tilespmem:$0x1C800] =	vst v63  }
0xb2: {  	_ =	swait.ge [sflag:s28], $0x3200  }
0xb3: {  	[sflag:s28] =	ssyncset.done $0x0  }
0xb4: {  	s6 =	rddreg [dreg:$0x7];
	[sflag:s28] =	ssyncadd.s32 $0xFFFFCE00  }
0xb5: {  	[spmem:s3] =	stream.indirect.scatter.add.f32 [tilespmem:s26], [sflag:$0x4], $0x80, s6, s23, $0xb8;
	[tilespmem:$0x1C800] =	vst v63  }
0xb6: {  	_ =	swait.ge [sflag:s29], $0x3200  }
0xb7: {  	[sflag:s29] =	ssyncset.done $0x0  }
0xb8: {  	s18 =	rddreg [dreg:$0x8];
	[sflag:s29] =	ssyncadd.s32 $0xFFFFCE00  }
0xb9: {  	[tilespmem:s24], [sflag:$0x1] =	stream.indirect.gather [hbm4b:s5+s23], $0x80, s18, s23, $0xb8;
	[tilespmem:$0x1C800] =	vst v63  }
0xba: {  	_ =	swait.ge [sflag:s25], $0x3200  }
0xbb: {  	[sflag:s25] =	ssyncset.done $0x0  }
0xbc: {  	[sflag:s25] =	ssyncadd.s32 $0xFFFFCE00  }
0xbd: {  	[spmem:s3] =	stream.indirect.scatter.add.f32 [tilespmem:s24], [sflag:$0x3], $0x80, s30, s23, $0xb8;
	[tilespmem:$0x1C800] =	vst v63  }
0xbe: {  	_ =	swait.ge [sflag:s31], $0x3200  }
0xbf: {  	[sflag:s31] =	ssyncset.done $0x0  }
0xc0: {  	[sflag:s31] =	ssyncadd.s32 $0xFFFFCE00  }
0xc1: {  	[tilespmem:s26], [sflag:$0x2] =	stream.indirect.gather [hbm4b:s5+s23], $0x80, s1, s23, $0xb8;
	[tilespmem:$0x1C800] =	vst v63  }
0xc2: {  	_ =	swait.ge [sflag:s28], $0x3200  }
0xc3: {  	[sflag:s28] =	ssyncset.done $0x0  }
0xc4: {  	[sflag:s28] =	ssyncadd.s32 $0xFFFFCE00  }
0xc5: {  	[spmem:s3] =	stream.indirect.scatter.add.f32 [tilespmem:s26], [sflag:$0x4], $0x80, s0, s23, $0xb8;
	[tilespmem:$0x1C800] =	vst v63  }
0xc6: {  	_ =	swait.ge [sflag:s29], $0x3200  }
0xc7: {  	[sflag:s29] =	ssyncset.done $0x0  }
0xc8: {  	[sflag:s29] =	ssyncadd.s32 $0xFFFFCE00  }
0xc9: {  	[tilespmem:s24], [sflag:$0x1] =	stream.indirect.gather [hbm4b:s5+s23], $0x80, s2, s23, $0xb8;
	[tilespmem:$0x1C800] =	vst v63  }
0xca: {  	_ =	swait.ge [sflag:s25], $0x3200  }
0xcb: {  	[sflag:s25] =	ssyncset.done $0x0  }
0xcc: {  	[sflag:s25] =	ssyncadd.s32 $0xFFFFCE00  }
0xcd: {  	[spmem:s3] =	stream.indirect.scatter.add.f32 [tilespmem:s24], [sflag:$0x3], $0x80, s7, s23, $0xb8;
	[tilespmem:$0x1C800] =	vst v63  }
0xce: {  	_ =	swait.ge [sflag:s31], $0x3200  }
0xcf: {  	[sflag:s31] =	ssyncset.done $0x0  }
0xd0: {  	[sflag:s31] =	ssyncadd.s32 $0xFFFFCE00  }
0xd1: {  	[tilespmem:s26], [sflag:$0x2] =	stream.indirect.gather [hbm4b:s5+s23], $0x80, s8, s23, $0xb8;
	[tilespmem:$0x1C800] =	vst v63  }
0xd2: {  	_ =	swait.ge [sflag:s28], $0x3200  }
0xd3: {  	[sflag:s28] =	ssyncset.done $0x0  }
0xd4: {  	[sflag:s28] =	ssyncadd.s32 $0xFFFFCE00  }
0xd5: {  	[spmem:s3] =	stream.indirect.scatter.add.f32 [tilespmem:s26], [sflag:$0x4], $0x80, s9, s23, $0xb8;
	[tilespmem:$0x1C800] =	vst v63  }
0xd6: {  	_ =	swait.ge [sflag:s29], $0x3200  }
0xd7: {  	[sflag:s29] =	ssyncset.done $0x0  }
0xd8: {  	[sflag:s29] =	ssyncadd.s32 $0xFFFFCE00  }
0xd9: {  	[tilespmem:s24], [sflag:$0x1] =	stream.indirect.gather [hbm4b:s5+s23], $0x80, s10, s23, $0xb8;
	[tilespmem:$0x1C800] =	vst v63  }
0xda: {  	_ =	swait.ge [sflag:s25], $0x3200  }
0xdb: {  	[sflag:s25] =	ssyncset.done $0x0  }
0xdc: {  	[sflag:s25] =	ssyncadd.s32 $0xFFFFCE00  }
0xdd: {  	[spmem:s3] =	stream.indirect.scatter.add.f32 [tilespmem:s24], [sflag:$0x3], $0x80, s11, s23, $0xb8;
	[tilespmem:$0x1C800] =	vst v63  }
0xde: {  	_ =	swait.ge [sflag:s31], $0x3200  }
0xdf: {  	[sflag:s31] =	ssyncset.done $0x0  }
0xe0: {  	[sflag:s31] =	ssyncadd.s32 $0xFFFFCE00  }
0xe1: {  	[tilespmem:s26], [sflag:$0x2] =	stream.indirect.gather [hbm4b:s5+s23], $0x80, s12, s23, $0xb8;
	[tilespmem:$0x1C800] =	vst v63  }
0xe2: {  	_ =	swait.ge [sflag:s28], $0x3200  }
0xe3: {  	[sflag:s28] =	ssyncset.done $0x0  }
0xe4: {  	[sflag:s28] =	ssyncadd.s32 $0xFFFFCE00  }
0xe5: {  	[spmem:s3] =	stream.indirect.scatter.add.f32 [tilespmem:s26], [sflag:$0x4], $0x80, s13, s23, $0xb8;
	[tilespmem:$0x1C800] =	vst v63  }
0xe6: {  	_ =	swait.ge [sflag:s29], $0x3200  }
0xe7: {  	[sflag:s29] =	ssyncset.done $0x0  }
0xe8: {  	[sflag:s29] =	ssyncadd.s32 $0xFFFFCE00  }
0xe9: {  	[tilespmem:s24], [sflag:$0x1] =	stream.indirect.gather [hbm4b:s5+s23], $0x80, s14, s23, $0xb8;
	[tilespmem:$0x1C800] =	vst v63  }
0xea: {  	_ =	swait.ge [sflag:s25], $0x3200  }
0xeb: {  	[sflag:s25] =	ssyncset.done $0x0  }
0xec: {  	[sflag:s25] =	ssyncadd.s32 $0xFFFFCE00  }
0xed: {  	[spmem:s3] =	stream.indirect.scatter.add.f32 [tilespmem:s24], [sflag:$0x3], $0x80, s15, s23, $0xb8;
	[tilespmem:$0x1C800] =	vst v63  }
0xee: {  	_ =	swait.ge [sflag:s31], $0x3200  }
0xef: {  	[sflag:s31] =	ssyncset.done $0x0  }
0xf0: {  	[sflag:s31] =	ssyncadd.s32 $0xFFFFCE00  }
0xf1: {  	[tilespmem:s26], [sflag:$0x2] =	stream.indirect.gather [hbm4b:s5+s23], $0x80, s16, s23, $0xb8;
	[tilespmem:$0x1C800] =	vst v63  }
0xf2: {  	_ =	swait.ge [sflag:s28], $0x3200  }
0xf3: {  	[sflag:s28] =	ssyncset.done $0x0  }
0xf4: {  	[sflag:s28] =	ssyncadd.s32 $0xFFFFCE00  }
0xf5: {  	[spmem:s3] =	stream.indirect.scatter.add.f32 [tilespmem:s26], [sflag:$0x4], $0x80, s17, s23, $0xb8;
	[tilespmem:$0x1C800] =	vst v63  }
0xf6: {  	_ =	swait.ge [sflag:s29], $0x3200  }
0xf7: {  	[sflag:s29] =	ssyncset.done $0x0  }
0xf8: {  	[sflag:s29] =	ssyncadd.s32 $0xFFFFCE00  }
0xf9: {  	_ =	swait.ge [sflag:s31], $0x3200  }
0xfa: {  	s19 =	simm.s32 $0x100;
	[sflag:s31] =	ssyncset.done $0x0  }
.LBB2_2:
0xfb: {  	s6 =	rddreg [dreg:$0x5];
	s18 =	smov.u32 s19  }
0xfc: {  	[sflag:s31] =	ssyncadd.s32 $0xFFFFCE00;
	s6 =	sadd.s32 s18, s6  }
0xfd: {  	[tilespmem:s4], [sflag:$0x5] =	stream.linear.gather [hbm4b:s6+s4], $0x500, $0x38;
	[tilespmem:$0x1C800] =	vst v63  }
0xfe: {  	_ =	swait.ge [sflag:s21], $0x500  }
0xff: {  	s6 =	rddreg [dreg:$0x4];
	[sflag:s21] =	ssyncset.done $0x0  }
0x100: {  	[sflag:s21] =	ssyncadd.s32 $0xFFFFFB00;
	s6 =	sadd.s32 s18, s6  }
0x101: {  	[tilespmem:s22], [sflag:$0x5] =	stream.linear.gather [hbm4b:s6+s4], $0x500, $0x38;
	[tilespmem:$0x1C800] =	vst v63  }
0x102: {  	_ =	swait.ge [sflag:s21], $0x500  }
0x103: {  	[sflag:s21] =	ssyncset.done $0x0  }
0x104: {  	[sflag:s21] =	ssyncadd.s32 $0xFFFFFB00  }
0x105: {  	[tilespmem:s24], [sflag:$0x1] =	stream.indirect.gather [hbm4b:s5+s23], $0x80, s4, s23, $0xb8;
	[tilespmem:$0x1C800] =	vst v63  }
0x106: {  	_ =	swait.ge [sflag:s25], $0x3200  }
0x107: {  	[sflag:s25] =	ssyncset.done $0x0  }
0x108: {  	[sflag:s25] =	ssyncadd.s32 $0xFFFFCE00  }
0x109: {  	[spmem:s3] =	stream.indirect.scatter.add.f32 [tilespmem:s24], [sflag:$0x3], $0x80, s22, s23, $0xb8;
	[tilespmem:$0x1C800] =	vst v63  }
0x10a: {  	s18 =	rddreg [dreg:$0x6]  }
0x10b: {  	[tilespmem:s26], [sflag:$0x2] =	stream.indirect.gather [hbm4b:s5+s23], $0x80, s18, s23, $0xb8;
	[tilespmem:$0x1C800] =	vst v63  }
0x10c: {  	_ =	swait.ge [sflag:s28], $0x3200  }
0x10d: {  	[sflag:s28] =	ssyncset.done $0x0  }
0x10e: {  	s18 =	rddreg [dreg:$0x7];
	[sflag:s28] =	ssyncadd.s32 $0xFFFFCE00  }
0x10f: {  	[spmem:s3] =	stream.indirect.scatter.add.f32 [tilespmem:s26], [sflag:$0x4], $0x80, s18, s23, $0xb8;
	[tilespmem:$0x1C800] =	vst v63  }
0x110: {  	_ =	swait.ge [sflag:s29], $0x3200  }
0x111: {  	[sflag:s29] =	ssyncset.done $0x0  }
0x112: {  	s18 =	rddreg [dreg:$0x8];
	[sflag:s29] =	ssyncadd.s32 $0xFFFFCE00  }
0x113: {  	[tilespmem:s24], [sflag:$0x1] =	stream.indirect.gather [hbm4b:s5+s23], $0x80, s18, s23, $0xb8;
	[tilespmem:$0x1C800] =	vst v63  }
0x114: {  	_ =	swait.ge [sflag:s25], $0x3200  }
0x115: {  	[sflag:s25] =	ssyncset.done $0x0  }
0x116: {  	[sflag:s25] =	ssyncadd.s32 $0xFFFFCE00  }
0x117: {  	[spmem:s3] =	stream.indirect.scatter.add.f32 [tilespmem:s24], [sflag:$0x3], $0x80, s30, s23, $0xb8;
	[tilespmem:$0x1C800] =	vst v63  }
0x118: {  	_ =	swait.ge [sflag:s31], $0x3200  }
0x119: {  	[sflag:s31] =	ssyncset.done $0x0  }
0x11a: {  	[sflag:s31] =	ssyncadd.s32 $0xFFFFCE00  }
0x11b: {  	[tilespmem:s26], [sflag:$0x2] =	stream.indirect.gather [hbm4b:s5+s23], $0x80, s1, s23, $0xb8;
	[tilespmem:$0x1C800] =	vst v63  }
0x11c: {  	_ =	swait.ge [sflag:s28], $0x3200  }
0x11d: {  	[sflag:s28] =	ssyncset.done $0x0  }
0x11e: {  	[sflag:s28] =	ssyncadd.s32 $0xFFFFCE00  }
0x11f: {  	[spmem:s3] =	stream.indirect.scatter.add.f32 [tilespmem:s26], [sflag:$0x4], $0x80, s0, s23, $0xb8;
	[tilespmem:$0x1C800] =	vst v63  }
0x120: {  	_ =	swait.ge [sflag:s29], $0x3200  }
0x121: {  	[sflag:s29] =	ssyncset.done $0x0  }
0x122: {  	[sflag:s29] =	ssyncadd.s32 $0xFFFFCE00  }
0x123: {  	[tilespmem:s24], [sflag:$0x1] =	stream.indirect.gather [hbm4b:s5+s23], $0x80, s2, s23, $0xb8;
	[tilespmem:$0x1C800] =	vst v63  }
0x124: {  	_ =	swait.ge [sflag:s25], $0x3200  }
0x125: {  	[sflag:s25] =	ssyncset.done $0x0  }
0x126: {  	[sflag:s25] =	ssyncadd.s32 $0xFFFFCE00  }
0x127: {  	[spmem:s3] =	stream.indirect.scatter.add.f32 [tilespmem:s24], [sflag:$0x3], $0x80, s7, s23, $0xb8;
	[tilespmem:$0x1C800] =	vst v63  }
0x128: {  	_ =	swait.ge [sflag:s31], $0x3200  }
0x129: {  	[sflag:s31] =	ssyncset.done $0x0  }
0x12a: {  	[sflag:s31] =	ssyncadd.s32 $0xFFFFCE00  }
0x12b: {  	[tilespmem:s26], [sflag:$0x2] =	stream.indirect.gather [hbm4b:s5+s23], $0x80, s8, s23, $0xb8;
	[tilespmem:$0x1C800] =	vst v63  }
0x12c: {  	_ =	swait.ge [sflag:s28], $0x3200  }
0x12d: {  	[sflag:s28] =	ssyncset.done $0x0  }
0x12e: {  	[sflag:s28] =	ssyncadd.s32 $0xFFFFCE00  }
0x12f: {  	[spmem:s3] =	stream.indirect.scatter.add.f32 [tilespmem:s26], [sflag:$0x4], $0x80, s9, s23, $0xb8;
	[tilespmem:$0x1C800] =	vst v63  }
0x130: {  	_ =	swait.ge [sflag:s29], $0x3200  }
0x131: {  	[sflag:s29] =	ssyncset.done $0x0  }
0x132: {  	[sflag:s29] =	ssyncadd.s32 $0xFFFFCE00  }
0x133: {  	[tilespmem:s24], [sflag:$0x1] =	stream.indirect.gather [hbm4b:s5+s23], $0x80, s10, s23, $0xb8;
	[tilespmem:$0x1C800] =	vst v63  }
0x134: {  	_ =	swait.ge [sflag:s25], $0x3200  }
0x135: {  	[sflag:s25] =	ssyncset.done $0x0  }
0x136: {  	[sflag:s25] =	ssyncadd.s32 $0xFFFFCE00  }
0x137: {  	[spmem:s3] =	stream.indirect.scatter.add.f32 [tilespmem:s24], [sflag:$0x3], $0x80, s11, s23, $0xb8;
	[tilespmem:$0x1C800] =	vst v63  }
0x138: {  	_ =	swait.ge [sflag:s31], $0x3200  }
0x139: {  	[sflag:s31] =	ssyncset.done $0x0  }
0x13a: {  	[sflag:s31] =	ssyncadd.s32 $0xFFFFCE00  }
0x13b: {  	[tilespmem:s26], [sflag:$0x2] =	stream.indirect.gather [hbm4b:s5+s23], $0x80, s12, s23, $0xb8;
	[tilespmem:$0x1C800] =	vst v63  }
0x13c: {  	_ =	swait.ge [sflag:s28], $0x3200  }
0x13d: {  	[sflag:s28] =	ssyncset.done $0x0  }
0x13e: {  	[sflag:s28] =	ssyncadd.s32 $0xFFFFCE00  }
0x13f: {  	[spmem:s3] =	stream.indirect.scatter.add.f32 [tilespmem:s26], [sflag:$0x4], $0x80, s13, s23, $0xb8;
	[tilespmem:$0x1C800] =	vst v63  }
0x140: {  	_ =	swait.ge [sflag:s29], $0x3200  }
0x141: {  	[sflag:s29] =	ssyncset.done $0x0  }
0x142: {  	[sflag:s29] =	ssyncadd.s32 $0xFFFFCE00  }
0x143: {  	[tilespmem:s24], [sflag:$0x1] =	stream.indirect.gather [hbm4b:s5+s23], $0x80, s14, s23, $0xb8;
	[tilespmem:$0x1C800] =	vst v63  }
0x144: {  	_ =	swait.ge [sflag:s25], $0x3200  }
0x145: {  	[sflag:s25] =	ssyncset.done $0x0  }
0x146: {  	[sflag:s25] =	ssyncadd.s32 $0xFFFFCE00  }
0x147: {  	[spmem:s3] =	stream.indirect.scatter.add.f32 [tilespmem:s24], [sflag:$0x3], $0x80, s15, s23, $0xb8;
	[tilespmem:$0x1C800] =	vst v63  }
0x148: {  	_ =	swait.ge [sflag:s31], $0x3200  }
0x149: {  	[sflag:s31] =	ssyncset.done $0x0  }
0x14a: {  	[sflag:s31] =	ssyncadd.s32 $0xFFFFCE00  }
0x14b: {  	[tilespmem:s26], [sflag:$0x2] =	stream.indirect.gather [hbm4b:s5+s23], $0x80, s16, s23, $0xb8;
	[tilespmem:$0x1C800] =	vst v63  }
0x14c: {  	_ =	swait.ge [sflag:s28], $0x3200  }
0x14d: {  	[sflag:s28] =	ssyncset.done $0x0  }
0x14e: {  	p0 =	sne.s32 s19, $0x900;
	[sflag:s28] =	ssyncadd.s32 $0xFFFFCE00  }
0x14f: {  	[spmem:s3] =	stream.indirect.scatter.add.f32 [tilespmem:s26], [sflag:$0x4], $0x80, s17, s23, $0xb8;
	[tilespmem:$0x1C800] =	vst v63  }
.Ltmp0:
0x150: {  	_ =	swait.ge [sflag:s29], $0x3200;
	(pc) =	sbr.rel @p0 .LBB2_2-.Ltmp0, $4  }
0x151: {  	[sflag:s29] =	ssyncset.done $0x0  }
0x152: {  	[sflag:s29] =	ssyncadd.s32 $0xFFFFCE00  }
0x153: {  	_ =	swait.ge [sflag:s31], $0x3200  }
0x154: {  	s19 =	sadd.s32 $0x100, s19;
	[sflag:s31] =	ssyncset.done $0x0  }
0x155: {  	[sflag:s31] =	ssyncadd.s32 $0xFFFFCE00  }
0x156: {  	[bflag:$0x0] =	sbarrier.arrive $0xFFFF  }
0x157: {  	s6 =	rddreg [dreg:$0x9]  }
0x158: {  	[tilespmem:s20], [sflag:$0x5] =	stream.linear.gather [spmem:s6], $0x1000, $0x38;
	[tilespmem:$0x1C800] =	vst v63  }
0x159: {  	_ =	swait.ge [sflag:s21], $0x1000  }
0x15a: {  	[sflag:s21] =	ssyncset.done $0x0  }
0x15b: {  	s19 =	rddreg [dreg:$0xa];
	[sflag:s21] =	ssyncadd.s32 $0xFFFFF000  }
0x15c: {  	[hbm4b:s19+s4] =	stream.linear.scatter [tilespmem:s20], [sflag:$0x5], $0x1000, $0x38;
	[tilespmem:$0x1C800] =	vst v63  }
0x15d: {  	_ =	swait.ge [sflag:s21], $0x1000  }
0x15e: {  	[sflag:s21] =	ssyncset.done $0x0  }
0x15f: {  	s18 =	rddreg [dreg:$0x1f];
	[sflag:s21] =	ssyncadd.s32 $0xFFFFF000  }
0x160: {  	[tilespmem:s20], [sflag:$0x5] =	stream.linear.gather [spmem:s18], $0x1000, $0x38;
	[tilespmem:$0x1C800] =	vst v63  }
0x161: {  	_ =	swait.ge [sflag:s21], $0x1000  }
0x162: {  	[sflag:s21] =	ssyncset.done $0x0  }
0x163: {  	s19 =	rddreg [dreg:$0xb];
	[sflag:s21] =	ssyncadd.s32 $0xFFFFF000  }
0x164: {  	[hbm4b:s19+s4] =	stream.linear.scatter [tilespmem:s20], [sflag:$0x5], $0x1000, $0x38;
	[tilespmem:$0x1C800] =	vst v63  }
0x165: {  	_ =	swait.ge [sflag:s21], $0x1000  }
0x166: {  	s18 =	sld [smem:$0x7EB]  }
0x167: {  	[sflag:s21] =	ssyncset.done $0x0  }
0x168: {  	[sflag:s21] =	ssyncadd.s32 $0xFFFFF000  }
0x169: {  	[tilespmem:s20], [sflag:$0x5] =	stream.linear.gather [spmem:s18], $0x1000, $0x38;
	[tilespmem:$0x1C800] =	vst v63  }
0x16a: {  	_ =	swait.ge [sflag:s21], $0x1000  }
0x16b: {  	[sflag:s21] =	ssyncset.done $0x0  }
0x16c: {  	s19 =	rddreg [dreg:$0xc];
	[sflag:s21] =	ssyncadd.s32 $0xFFFFF000  }
0x16d: {  	[hbm4b:s19+s4] =	stream.linear.scatter [tilespmem:s20], [sflag:$0x5], $0x1000, $0x38;
	[tilespmem:$0x1C800] =	vst v63  }
0x16e: {  	_ =	swait.ge [sflag:s21], $0x1000  }
0x16f: {  	s18 =	sld [smem:$0x7EC]  }
0x170: {  	[sflag:s21] =	ssyncset.done $0x0  }
0x171: {  	[sflag:s21] =	ssyncadd.s32 $0xFFFFF000  }
0x172: {  	[tilespmem:s20], [sflag:$0x5] =	stream.linear.gather [spmem:s18], $0x1000, $0x38;
	[tilespmem:$0x1C800] =	vst v63  }
0x173: {  	_ =	swait.ge [sflag:s21], $0x1000  }
0x174: {  	[sflag:s21] =	ssyncset.done $0x0  }
0x175: {  	s19 =	rddreg [dreg:$0xd];
	[sflag:s21] =	ssyncadd.s32 $0xFFFFF000  }
0x176: {  	[hbm4b:s19+s4] =	stream.linear.scatter [tilespmem:s20], [sflag:$0x5], $0x1000, $0x38;
	[tilespmem:$0x1C800] =	vst v63  }
0x177: {  	_ =	swait.ge [sflag:s21], $0x1000  }
0x178: {  	s18 =	sld [smem:$0x7ED]  }
0x179: {  	[sflag:s21] =	ssyncset.done $0x0  }
0x17a: {  	[sflag:s21] =	ssyncadd.s32 $0xFFFFF000  }
0x17b: {  	[tilespmem:s20], [sflag:$0x5] =	stream.linear.gather [spmem:s18], $0x1000, $0x38;
	[tilespmem:$0x1C800] =	vst v63  }
0x17c: {  	_ =	swait.ge [sflag:s21], $0x1000  }
0x17d: {  	[sflag:s21] =	ssyncset.done $0x0  }
0x17e: {  	s19 =	rddreg [dreg:$0xe];
	[sflag:s21] =	ssyncadd.s32 $0xFFFFF000  }
0x17f: {  	[hbm4b:s19+s4] =	stream.linear.scatter [tilespmem:s20], [sflag:$0x5], $0x1000, $0x38;
	[tilespmem:$0x1C800] =	vst v63  }
0x180: {  	_ =	swait.ge [sflag:s21], $0x1000  }
0x181: {  	s18 =	sld [smem:$0x7EE]  }
0x182: {  	[sflag:s21] =	ssyncset.done $0x0  }
0x183: {  	[sflag:s21] =	ssyncadd.s32 $0xFFFFF000  }
0x184: {  	[tilespmem:s20], [sflag:$0x5] =	stream.linear.gather [spmem:s18], $0x1000, $0x38;
	[tilespmem:$0x1C800] =	vst v63  }
0x185: {  	_ =	swait.ge [sflag:s21], $0x1000  }
0x186: {  	[sflag:s21] =	ssyncset.done $0x0  }
0x187: {  	s19 =	rddreg [dreg:$0xf];
	[sflag:s21] =	ssyncadd.s32 $0xFFFFF000  }
0x188: {  	[hbm4b:s19+s4] =	stream.linear.scatter [tilespmem:s20], [sflag:$0x5], $0x1000, $0x38;
	[tilespmem:$0x1C800] =	vst v63  }
0x189: {  	_ =	swait.ge [sflag:s21], $0x1000  }
0x18a: {  	s18 =	sld [smem:$0x7EF]  }
0x18b: {  	[sflag:s21] =	ssyncset.done $0x0  }
0x18c: {  	[sflag:s21] =	ssyncadd.s32 $0xFFFFF000  }
0x18d: {  	[tilespmem:s20], [sflag:$0x5] =	stream.linear.gather [spmem:s18], $0x1000, $0x38;
	[tilespmem:$0x1C800] =	vst v63  }
0x18e: {  	_ =	swait.ge [sflag:s21], $0x1000  }
0x18f: {  	[sflag:s21] =	ssyncset.done $0x0  }
0x190: {  	s19 =	rddreg [dreg:$0x10];
	[sflag:s21] =	ssyncadd.s32 $0xFFFFF000  }
0x191: {  	[hbm4b:s19+s4] =	stream.linear.scatter [tilespmem:s20], [sflag:$0x5], $0x1000, $0x38;
	[tilespmem:$0x1C800] =	vst v63  }
0x192: {  	_ =	swait.ge [sflag:s21], $0x1000  }
0x193: {  	s18 =	sld [smem:$0x7F0]  }
0x194: {  	[sflag:s21] =	ssyncset.done $0x0  }
0x195: {  	[sflag:s21] =	ssyncadd.s32 $0xFFFFF000  }
0x196: {  	[tilespmem:s20], [sflag:$0x5] =	stream.linear.gather [spmem:s18], $0x1000, $0x38;
	[tilespmem:$0x1C800] =	vst v63  }
0x197: {  	_ =	swait.ge [sflag:s21], $0x1000  }
0x198: {  	[sflag:s21] =	ssyncset.done $0x0  }
0x199: {  	s19 =	rddreg [dreg:$0x11];
	[sflag:s21] =	ssyncadd.s32 $0xFFFFF000  }
0x19a: {  	[hbm4b:s19+s4] =	stream.linear.scatter [tilespmem:s20], [sflag:$0x5], $0x1000, $0x38;
	[tilespmem:$0x1C800] =	vst v63  }
0x19b: {  	_ =	swait.ge [sflag:s21], $0x1000  }
0x19c: {  	s18 =	sld [smem:$0x7F1]  }
0x19d: {  	[sflag:s21] =	ssyncset.done $0x0  }
0x19e: {  	[sflag:s21] =	ssyncadd.s32 $0xFFFFF000  }
0x19f: {  	[tilespmem:s20], [sflag:$0x5] =	stream.linear.gather [spmem:s18], $0x1000, $0x38;
	[tilespmem:$0x1C800] =	vst v63  }
0x1a0: {  	_ =	swait.ge [sflag:s21], $0x1000  }
0x1a1: {  	[sflag:s21] =	ssyncset.done $0x0  }
0x1a2: {  	s19 =	rddreg [dreg:$0x12];
	[sflag:s21] =	ssyncadd.s32 $0xFFFFF000  }
0x1a3: {  	[hbm4b:s19+s4] =	stream.linear.scatter [tilespmem:s20], [sflag:$0x5], $0x1000, $0x38;
	[tilespmem:$0x1C800] =	vst v63  }
0x1a4: {  	_ =	swait.ge [sflag:s21], $0x1000  }
0x1a5: {  	s18 =	sld [smem:$0x7F2]  }
0x1a6: {  	[sflag:s21] =	ssyncset.done $0x0  }
0x1a7: {  	[sflag:s21] =	ssyncadd.s32 $0xFFFFF000  }
0x1a8: {  	[tilespmem:s20], [sflag:$0x5] =	stream.linear.gather [spmem:s18], $0x1000, $0x38;
	[tilespmem:$0x1C800] =	vst v63  }
0x1a9: {  	_ =	swait.ge [sflag:s21], $0x1000  }
0x1aa: {  	[sflag:s21] =	ssyncset.done $0x0  }
0x1ab: {  	s19 =	rddreg [dreg:$0x13];
	[sflag:s21] =	ssyncadd.s32 $0xFFFFF000  }
0x1ac: {  	[hbm4b:s19+s4] =	stream.linear.scatter [tilespmem:s20], [sflag:$0x5], $0x1000, $0x38;
	[tilespmem:$0x1C800] =	vst v63  }
0x1ad: {  	_ =	swait.ge [sflag:s21], $0x1000  }
0x1ae: {  	s18 =	sld [smem:$0x7F3]  }
0x1af: {  	[sflag:s21] =	ssyncset.done $0x0  }
0x1b0: {  	[sflag:s21] =	ssyncadd.s32 $0xFFFFF000  }
0x1b1: {  	[tilespmem:s20], [sflag:$0x5] =	stream.linear.gather [spmem:s18], $0x1000, $0x38;
	[tilespmem:$0x1C800] =	vst v63  }
0x1b2: {  	_ =	swait.ge [sflag:s21], $0x1000  }
0x1b3: {  	[sflag:s21] =	ssyncset.done $0x0  }
0x1b4: {  	s19 =	rddreg [dreg:$0x14];
	[sflag:s21] =	ssyncadd.s32 $0xFFFFF000  }
0x1b5: {  	[hbm4b:s19+s4] =	stream.linear.scatter [tilespmem:s20], [sflag:$0x5], $0x1000, $0x38;
	[tilespmem:$0x1C800] =	vst v63  }
0x1b6: {  	_ =	swait.ge [sflag:s21], $0x1000  }
0x1b7: {  	s18 =	sld [smem:$0x7F4]  }
0x1b8: {  	[sflag:s21] =	ssyncset.done $0x0  }
0x1b9: {  	[sflag:s21] =	ssyncadd.s32 $0xFFFFF000  }
0x1ba: {  	[tilespmem:s20], [sflag:$0x5] =	stream.linear.gather [spmem:s18], $0x1000, $0x38;
	[tilespmem:$0x1C800] =	vst v63  }
0x1bb: {  	_ =	swait.ge [sflag:s21], $0x1000  }
0x1bc: {  	[sflag:s21] =	ssyncset.done $0x0  }
0x1bd: {  	s19 =	rddreg [dreg:$0x15];
	[sflag:s21] =	ssyncadd.s32 $0xFFFFF000  }
0x1be: {  	[hbm4b:s19+s4] =	stream.linear.scatter [tilespmem:s20], [sflag:$0x5], $0x1000, $0x38;
	[tilespmem:$0x1C800] =	vst v63  }
0x1bf: {  	_ =	swait.ge [sflag:s21], $0x1000  }
0x1c0: {  	s18 =	sld [smem:$0x7F5]  }
0x1c1: {  	[sflag:s21] =	ssyncset.done $0x0  }
0x1c2: {  	[sflag:s21] =	ssyncadd.s32 $0xFFFFF000  }
0x1c3: {  	[tilespmem:s20], [sflag:$0x5] =	stream.linear.gather [spmem:s18], $0x1000, $0x38;
	[tilespmem:$0x1C800] =	vst v63  }
0x1c4: {  	_ =	swait.ge [sflag:s21], $0x1000  }
0x1c5: {  	[sflag:s21] =	ssyncset.done $0x0  }
0x1c6: {  	s19 =	rddreg [dreg:$0x16];
	[sflag:s21] =	ssyncadd.s32 $0xFFFFF000  }
0x1c7: {  	[hbm4b:s19+s4] =	stream.linear.scatter [tilespmem:s20], [sflag:$0x5], $0x1000, $0x38;
	[tilespmem:$0x1C800] =	vst v63  }
0x1c8: {  	_ =	swait.ge [sflag:s21], $0x1000  }
0x1c9: {  	s18 =	sld [smem:$0x7F6]  }
0x1ca: {  	[sflag:s21] =	ssyncset.done $0x0  }
0x1cb: {  	[sflag:s21] =	ssyncadd.s32 $0xFFFFF000  }
0x1cc: {  	[tilespmem:s20], [sflag:$0x5] =	stream.linear.gather [spmem:s18], $0x1000, $0x38;
	[tilespmem:$0x1C800] =	vst v63  }
0x1cd: {  	_ =	swait.ge [sflag:s21], $0x1000  }
0x1ce: {  	[sflag:s21] =	ssyncset.done $0x0  }
0x1cf: {  	s19 =	rddreg [dreg:$0x17];
	[sflag:s21] =	ssyncadd.s32 $0xFFFFF000  }
0x1d0: {  	[hbm4b:s19+s4] =	stream.linear.scatter [tilespmem:s20], [sflag:$0x5], $0x1000, $0x38;
	[tilespmem:$0x1C800] =	vst v63  }
0x1d1: {  	_ =	swait.ge [sflag:s21], $0x1000  }
0x1d2: {  	s18 =	sld [smem:$0x7F7]  }
0x1d3: {  	[sflag:s21] =	ssyncset.done $0x0  }
0x1d4: {  	[sflag:s21] =	ssyncadd.s32 $0xFFFFF000  }
0x1d5: {  	[tilespmem:s20], [sflag:$0x5] =	stream.linear.gather [spmem:s18], $0x1000, $0x38;
	[tilespmem:$0x1C800] =	vst v63  }
0x1d6: {  	_ =	swait.ge [sflag:s21], $0x1000  }
0x1d7: {  	[sflag:s21] =	ssyncset.done $0x0  }
0x1d8: {  	s19 =	rddreg [dreg:$0x18];
	[sflag:s21] =	ssyncadd.s32 $0xFFFFF000  }
0x1d9: {  	[hbm4b:s19+s4] =	stream.linear.scatter [tilespmem:s20], [sflag:$0x5], $0x1000, $0x38;
	[tilespmem:$0x1C800] =	vst v63  }
0x1da: {  	_ =	swait.ge [sflag:s21], $0x1000  }
0x1db: {  	s18 =	sld [smem:$0x7F8]  }
0x1dc: {  	[sflag:s21] =	ssyncset.done $0x0  }
0x1dd: {  	[sflag:s21] =	ssyncadd.s32 $0xFFFFF000  }
0x1de: {  	[tilespmem:s20], [sflag:$0x5] =	stream.linear.gather [spmem:s18], $0x1000, $0x38;
	[tilespmem:$0x1C800] =	vst v63  }
0x1df: {  	_ =	swait.ge [sflag:s21], $0x1000  }
0x1e0: {  	[sflag:s21] =	ssyncset.done $0x0  }
0x1e1: {  	s19 =	rddreg [dreg:$0x19];
	[sflag:s21] =	ssyncadd.s32 $0xFFFFF000  }
0x1e2: {  	[hbm4b:s19+s4] =	stream.linear.scatter [tilespmem:s20], [sflag:$0x5], $0x1000, $0x38;
	[tilespmem:$0x1C800] =	vst v63  }
0x1e3: {  	_ =	swait.ge [sflag:s21], $0x1000  }
0x1e4: {  	s18 =	sld [smem:$0x7F9]  }
0x1e5: {  	[sflag:s21] =	ssyncset.done $0x0  }
0x1e6: {  	[sflag:s21] =	ssyncadd.s32 $0xFFFFF000  }
0x1e7: {  	[tilespmem:s20], [sflag:$0x5] =	stream.linear.gather [spmem:s18], $0x1000, $0x38;
	[tilespmem:$0x1C800] =	vst v63  }
0x1e8: {  	_ =	swait.ge [sflag:s21], $0x1000  }
0x1e9: {  	[sflag:s21] =	ssyncset.done $0x0  }
0x1ea: {  	s19 =	rddreg [dreg:$0x1a];
	[sflag:s21] =	ssyncadd.s32 $0xFFFFF000  }
0x1eb: {  	[hbm4b:s19+s4] =	stream.linear.scatter [tilespmem:s20], [sflag:$0x5], $0x1000, $0x38;
	[tilespmem:$0x1C800] =	vst v63  }
0x1ec: {  	_ =	swait.ge [sflag:s21], $0x1000  }
0x1ed: {  	s18 =	sld [smem:$0x7FA]  }
0x1ee: {  	[sflag:s21] =	ssyncset.done $0x0  }
0x1ef: {  	[sflag:s21] =	ssyncadd.s32 $0xFFFFF000  }
0x1f0: {  	[tilespmem:s20], [sflag:$0x5] =	stream.linear.gather [spmem:s18], $0x1000, $0x38;
	[tilespmem:$0x1C800] =	vst v63  }
0x1f1: {  	_ =	swait.ge [sflag:s21], $0x1000  }
0x1f2: {  	[sflag:s21] =	ssyncset.done $0x0  }
0x1f3: {  	s19 =	rddreg [dreg:$0x1b];
	[sflag:s21] =	ssyncadd.s32 $0xFFFFF000  }
0x1f4: {  	[hbm4b:s19+s4] =	stream.linear.scatter [tilespmem:s20], [sflag:$0x5], $0x1000, $0x38;
	[tilespmem:$0x1C800] =	vst v63  }
0x1f5: {  	_ =	swait.ge [sflag:s21], $0x1000  }
0x1f6: {  	s18 =	sld [smem:$0x7FB]  }
0x1f7: {  	[sflag:s21] =	ssyncset.done $0x0  }
0x1f8: {  	[sflag:s21] =	ssyncadd.s32 $0xFFFFF000  }
0x1f9: {  	[tilespmem:s20], [sflag:$0x5] =	stream.linear.gather [spmem:s18], $0x1000, $0x38;
	[tilespmem:$0x1C800] =	vst v63  }
0x1fa: {  	_ =	swait.ge [sflag:s21], $0x1000  }
0x1fb: {  	[sflag:s21] =	ssyncset.done $0x0  }
0x1fc: {  	s19 =	rddreg [dreg:$0x1c];
	[sflag:s21] =	ssyncadd.s32 $0xFFFFF000  }
0x1fd: {  	[hbm4b:s19+s4] =	stream.linear.scatter [tilespmem:s20], [sflag:$0x5], $0x1000, $0x38;
	[tilespmem:$0x1C800] =	vst v63  }
0x1fe: {  	_ =	swait.ge [sflag:s21], $0x1000  }
0x1ff: {  	s19 =	sld [smem:$0x7FD]  }
0x200: {  	[sflag:s21] =	ssyncset.done $0x0  }
0x201: {  	[sflag:s21] =	ssyncadd.s32 $0xFFFFF000  }
0x202: {  	[tilespmem:s20], [sflag:$0x5] =	stream.linear.gather [spmem:s19], $0x1000, $0x38;
	[tilespmem:$0x1C800] =	vst v63  }
0x203: {  	_ =	swait.ge [sflag:s21], $0x1000  }
0x204: {  	[sflag:s21] =	ssyncset.done $0x0  }
0x205: {  	s18 =	rddreg [dreg:$0x1d];
	[sflag:s21] =	ssyncadd.s32 $0xFFFFF000  }
0x206: {  	[hbm4b:s18+s4] =	stream.linear.scatter [tilespmem:s20], [sflag:$0x5], $0x1000, $0x38;
	[tilespmem:$0x1C800] =	vst v63  }
0x207: {  	_ =	swait.ge [sflag:s21], $0x1000  }
0x208: {  	s18 =	sld [smem:$0x7FC];
	_ =	sdelay $0x2  }
0x209: {  	s6 =	rddreg [dreg:$0x1e];
	s18 =	sadd.s32 $0x1, s18  }
0x20a: {  	p0 =	sne.s32 s18, s6  }
.Ltmp1:
0x20b: {  	_ = 	snop;
	(pc) =	sbr.rel @p0 .LBB2_1-.Ltmp1, $3  }
0x20c: {  	_ =	sdelay $0x1  }
0x20d: {  	[sflag:s21] =	ssyncset.done $0x0;
	[smem:$0x7FC] =	sst s18  }
0x20e: {  	[sflag:s21] =	ssyncadd.s32 $0xFFFFF000;
	s18 =	rddreg [dreg:$0x9]  }
0x20f: {  	_ =	sfence.sel $0x180000  }
0x210: {  	[bflag:$0x0] =	sbarrier.arrive $0xFFFF  }
0x211: {  	_ =	strace $0x9000004D  }
0x212: {  	s0 =	stileid.u32;
	[bflag:$0x2] =	sbarrier.arrive $0xFFFF  }
0x213: {  	p0 =	sne.s32 s0, $0x0;
	s0 =	rddreg [dreg:$0x3]  }
0x214: {  	s0 =	sadd.s32 @!p0 $0x100000, s0  }
0x215: {  	[sflag:s0] =	ssyncadd.tile.s32 @!p0 $0x1;
	_ =	shalt  }
.Lfunc_end2:
_tile_overlayer_lowered:
.L_overlay_start_2:
0x216: {  	(tag) =	ssettag $0x2  }
0x217: {  	s0 =	rddreg [dreg:$0x0];
	s2 =	stileid.u32  }
0x218: {  	s1 =	rddreg [dreg:$0x1];
	p0 =	sne.s32 s2, $0x0  }
0x219: {  	s3 =	rddreg [dreg:$0x2];
	[bflag:$0x3] =	sbarrier.arrive $0xFFFF;
	s2 =	simm.s32 @!p0 $0x1C05  }
0x21a: {  	[timem:s3], [sflag:s2] =	dma.local @!p0 [hbm:s0], s1  }
0x21b: {  	s0 =	simm.s32 @!p0 $0x5  }
0x21c: {  	_ =	swait.ge @!p0 [sflag:s0], s1  }
0x21d: {  	s1 =	ssub.s32 @!p0 $0x0, s1;
	[sflag:s0] =	ssyncset.done @!p0 $0x0  }
0x21e: {  	[sflag:s0] =	ssyncadd.s32 @!p0 s1  }
0x21f: {  	[bflag:$0x3] =	sbarrier.arrive $0xFFFF  }
0x220: {  	_ =	shalt  }

// kernel: kernel.8.cloned.1.call-start
scs
__scs_entry_jumppad:
0x0: {  	(pc) =	sbr.rel $0x88, $3  }
0x1: {  	(tag) =	ssettag $0x0;
	lr =	simm.s32 $0x1  }
0x2: {  	[smem:$0x3F93] =	sst lr;
	_ =	strace $0xD0000000  }
0x3: {  	_ = 	snop  }
0x4: {  	_ = 	snop  }
0x5: {  	_ = 	snop  }
0x6: {  	_ = 	snop  }
0x7: {  	_ = 	snop  }
__scs_overlays_trampoline_lowered:
0x8: {  	[smem:$0x3FA2] =	sst s0  }
0x9: {  	[smem:$0x3FA3] =	sst s1  }
0xa: {  	[smem:$0x3FA4] =	sst s2  }
0xb: {  	[smem:$0x3FA5] =	sst s3  }
0xc: {  	[smem:$0x3FA6] =	sst s4  }
0xd: {  	[smem:$0x3FA7] =	sst s5  }
0xe: {  	[smem:$0x3FA8] =	sst s6  }
0xf: {  	[smem:$0x3FA9] =	sst s7  }
0x10: {  	[smem:$0x3FAA] =	sst s8  }
0x11: {  	[smem:$0x3FAB] =	sst s9;
	s0 =	simm.s32 @!p0 $0x0  }
0x12: {  	s1 =	sld [smem:$0x3F91];
	s0 =	simm.s32 @p0 $0x1  }
0x13: {  	[smem:$0x3FAC] =	sst s0;
	s0 =	simm.s32 @!p1 $0x0  }
0x14: {  	s2 =	sld [smem:$0x3F90];
	s0 =	simm.s32 @p1 $0x1  }
0x15: {  	[smem:$0x3FAD] =	sst s0;
	s0 =	simm.s32 @!p2 $0x0  }
0x16: {  	s3 =	sld [smem:$0x3FDB];
	s0 =	simm.s32 @p2 $0x1  }
0x17: {  	s4 =	simm.s32 $0x1BF5;
	[smem:$0x3FAF] =	sst s0  }
0x18: {  	s0 =	sld [smem:$0x3F92];
	_ =	swait.ge [sflag:s4], $0x0  }
0x19: {  	s7 =	sld [smem:$0x3F93]  }
0x1a: {  	s8 =	sadd.s32 $0xFFFFE003, lr  }
0x1b: {  	s9 =	sadd.s32 $0xFFFFFEF7, lr;
	s5 =	simm.s32 $0xFFFFFFFF;
	p2 =	slt.u32 s8, $0xFFFFF086  }
0x1c: {  	p1 =	slt.u32 s9, $0xF7A;
	s5 =	simm.s32 @!p2 $0x0  }
0x1d: {  	s5 =	simm.s32 @p1 $0x1;
	p0 =	seq.s32 s7, s2  }
0x1e: {  	s7 =	smul.u32 @!p0 $0xF7A, s2;
	p2 =	seq.s32 @!p0 s5, $0x0  }
0x1f: {  	s9 =	smul.u32 $0xF7A, s1;
	s8 =	simm.s32 @!p0 $0x1BF5;
	p2 =	por !p2, p0  }
0x20: {  	[sflag:s8] =	ssyncset.s32 @!p0 $0xFFFFF086;
	s6 =	sadd.s32 @!p0 s3, s7;
	s7 =	simm.s32 @!p0 $0x108  }
0x21: {  	s3 =	sadd.s32 s3, s9;
	s6 =	sadd.s32 @!p0 $0x88, s6;
	s7 =	simm.s32 @p2 $0x1082  }
0x22: {  	[simem:s7], [sflag:s8] =	dma.local @!p0 [hbm:s6], $0xF7A  }
0x23: {  	s9 =	sor.u32 $0xD0000000, s2;
	s6 =	simm.s32 $0x108;
	_ =	swait.ge @!p0 [sflag:s8], $0x0  }
0x24: {  	s3 =	sadd.s32 $0x88, s3;
	s6 =	simm.s32 @!p1 $0x1082;
	[sflag:s4] =	ssyncset.s32 $0xFFFFF086  }
0x25: {  	[simem:s6], [sflag:s4] =	dma.local [hbm:s3], $0xF7A  }
0x26: {  	[smem:$0x3F93] =	sst s1;
	(tag) =	ssettag s2;
	_ =	strace s9  }
0x27: {  	s1 =	sld [smem:$0x3FA3]  }
0x28: {  	s2 =	sld [smem:$0x3FA4]  }
0x29: {  	s4 =	sld [smem:$0x3FA6]  }
0x2a: {  	p0 =	seq.s32 s5, $0x0;
	s5 =	sld [smem:$0x3FA7]  }
0x2b: {  	s6 =	sld [smem:$0x3FA8]  }
0x2c: {  	s7 =	sld [smem:$0x3FA9]  }
0x2d: {  	s3 =	simm.s32 $0x108;
	s8 =	sld [smem:$0x3FAA]  }
0x2e: {  	s3 =	simm.s32 @!p0 $0x1082;
	s9 =	sld [smem:$0x3FAB]  }
0x2f: {  	lr =	sadd.s32 s0, s3;
	s0 =	sld [smem:$0x3FA2]  }
0x30: {  	s3 =	sld [smem:$0x3FA5]  }
0x31: {  	[smem:$0x3FAE] =	sst s10  }
0x32: {  	s10 =	sld [smem:$0x3FAC];
	_ =	sdelay $0x3  }
0x33: {  	p0 =	seq.s32 s10, $0x1;
	s10 =	sld [smem:$0x3FAE];
	_ =	sdelay $0x3  }
0x34: {  	[smem:$0x3FAE] =	sst s10  }
0x35: {  	s10 =	sld [smem:$0x3FAD];
	_ =	sdelay $0x3  }
0x36: {  	p1 =	seq.s32 s10, $0x1;
	s10 =	sld [smem:$0x3FAE];
	_ =	sdelay $0x3  }
0x37: {  	[smem:$0x3FAE] =	sst s10  }
0x38: {  	s10 =	sld [smem:$0x3FAF]  }
0x39: {  	_ = 	snop;
	(pc) =	sbr.ind lr, $3  }
0x3a: {  	_ = 	snop  }
0x3b: {  	_ = 	snop  }
0x3c: {  	p2 =	seq.s32 s10, $0x1;
	s10 =	sld [smem:$0x3FAE]  }
0x3d: {  	_ =	shalt  }
0x3e: {  	_ =	shalt  }
0x3f: {  	_ =	shalt  }
0x40: {  	_ =	shalt  }
0x41: {  	_ =	shalt  }
0x42: {  	_ =	shalt  }
0x43: {  	_ =	shalt  }
0x44: {  	_ =	shalt  }
0x45: {  	_ =	shalt  }
0x46: {  	_ =	shalt  }
0x47: {  	_ =	shalt  }
0x48: {  	_ =	shalt  }
0x49: {  	_ =	shalt  }
0x4a: {  	_ =	shalt  }
0x4b: {  	_ =	shalt  }
0x4c: {  	_ =	shalt  }
0x4d: {  	_ =	shalt  }
0x4e: {  	_ =	shalt  }
0x4f: {  	_ =	shalt  }
0x50: {  	_ =	shalt  }
0x51: {  	_ =	shalt  }
0x52: {  	_ =	shalt  }
0x53: {  	_ =	shalt  }
0x54: {  	_ =	shalt  }
0x55: {  	_ =	shalt  }
0x56: {  	_ =	shalt  }
0x57: {  	_ =	shalt  }
0x58: {  	_ =	shalt  }
0x59: {  	_ =	shalt  }
0x5a: {  	_ =	shalt  }
0x5b: {  	_ =	shalt  }
0x5c: {  	_ =	shalt  }
0x5d: {  	_ =	shalt  }
0x5e: {  	_ =	shalt  }
0x5f: {  	_ =	shalt  }
0x60: {  	_ =	shalt  }
0x61: {  	_ =	shalt  }
0x62: {  	_ =	shalt  }
0x63: {  	_ =	shalt  }
0x64: {  	_ =	shalt  }
0x65: {  	_ =	shalt  }
0x66: {  	_ =	shalt  }
0x67: {  	_ =	shalt  }
0x68: {  	_ =	shalt  }
0x69: {  	_ =	shalt  }
0x6a: {  	_ =	shalt  }
0x6b: {  	_ =	shalt  }
0x6c: {  	_ =	shalt  }
0x6d: {  	_ =	shalt  }
0x6e: {  	_ =	shalt  }
0x6f: {  	_ =	shalt  }
0x70: {  	_ =	shalt  }
0x71: {  	_ =	shalt  }
0x72: {  	_ =	shalt  }
0x73: {  	_ =	shalt  }
0x74: {  	_ =	shalt  }
0x75: {  	_ =	shalt  }
0x76: {  	_ =	shalt  }
0x77: {  	_ =	shalt  }
0x78: {  	_ =	shalt  }
0x79: {  	_ =	shalt  }
0x7a: {  	_ =	shalt  }
0x7b: {  	_ =	shalt  }
0x7c: {  	_ =	shalt  }
0x7d: {  	_ =	shalt  }
0x7e: {  	_ =	shalt  }
0x7f: {  	_ =	shalt  }
0x80: {  	_ =	shalt  }
0x81: {  	_ =	shalt  }
0x82: {  	_ =	shalt  }
0x83: {  	_ =	shalt  }
0x84: {  	_ =	shalt  }
0x85: {  	_ =	shalt  }
0x86: {  	_ =	shalt  }
0x87: {  	_ =	shalt  }
.Lfunc_end0:
.L_simem_size_0:
called_computation_lowered:
.L_overlay_start_0:
0x88: {  	s2 =	sld [smem:$0x3FD9]  }
0x89: {  	s3 =	sld [smem:$0x3FFE];
	_ =	sdelay $0x1  }
0x8a: {  	s1 =	srdreg.scid  }
0x8b: {  	s0 =	sand.u32 $0x1, s1  }
0x8c: {  	s17 =	sshll.u32 s0, $0xA;
	s2 =	sadd.s32 s3, s2  }
0x8d: {  	s2 =	sadd.s32 s2, s17  }
0x8e: {  	[smem:$0x3FBA] =	sst s2  }
0x8f: {  	_ = 	snop  }
0x90: {  	s2 =	sld [smem:$0x3FD0];
	(tm) =	ssettm $0x1  }
0x91: {  	s18 =	sld [smem:$0x3FFB];
	_ =	sdelay $0x3  }
0x92: {  	_ =	strace s18  }
0x93: {  	s3 =	sld [smem:$0x3FFC];
	_ =	sdelay $0x3  }
0x94: {  	_ =	strace s3  }
0x95: {  	s3 =	sld [smem:$0x3FFD];
	_ =	sdelay $0x3  }
0x96: {  	_ =	strace s3  }
0x97: {  	_ =	strace $0x8FFFFFFF  }
0x98: {  	s19 =	sld [smem:$0x3FDB];
	_ =	sdelay $0x1  }
0x99: {  	s4 =	simm.s32 $_scs_section_size  }
0x9a: {  	s5 =	simm.s32 $_size__tile_overlayer_lowered;
	s6 =	simm.s32 $_tile_overlayer_lowered  }
0x9b: {  	s22 =	simm.s32 $0x1BFF;
	s21 =	sshll.u32 s6, $0x1;
	s3 =	sadd.s32 s4, s19  }
0x9c: {  	s7 =	simm.s32 $0x0;
	s20 =	sshll.u32 s5, $0x1;
	s5 =	sadd.s32 s21, s3  }
0x9d: {  	[timem:s7], [sflag:s22] =	dma.local [hbm:s5], s20  }
0x9e: {  	_ =	swait.ge [sflag:s22], s20  }
0x9f: {  	s4 =	ssub.s32 $0x0, s20;
	[sflag:s22] =	ssyncset.done $0x0  }
0xa0: {  	[sflag:s22] =	ssyncadd.s32 s4;
	_ =	sdelay $0x1  }
0xa1: {  	s23 =	simm.s32 $0x1B8B  }
0xa2: {  	_ =	swait.ge [sflag:s23], $0x1  }
0xa3: {  	[sflag:s23] =	ssyncset.done $0x0  }
0xa4: {  	s25 =	simm.s32 $0x1B8E;
	s24 =	sld [smem:$0x3FFE];
	[sflag:s23] =	ssyncadd.s32 $0xFFFFFFFF  }
0xa5: {  	s26 =	simm.s32 $execute0_lowered;
	[smem:$0x3FD2] =	sst s25  }
0xa6: {  	s5 =	sshll.u32 s26, $0x1;
	_ =	strace $0x80000046;
	[dreg:$0x1] =	wrdreg $0xFFFFFFFF  }
0xa7: {  	s28 =	simm.s32 $_size_execute0_lowered;
	s3 =	sadd.s32 s3, s5;
	[dreg:$0x0] =	wrdreg $0x0  }
0xa8: {  	s5 =	sshll.u32 s28, $0x1;
	[dreg:$0x2] =	wrdreg s3  }
0xa9: {  	[dreg:$0x3] =	wrdreg s5  }
0xaa: {  	[dreg:$0x4] =	wrdreg $0xC0  }
0xab: {  	_ =	task [dreg:s7], $0x5FFFF  }
0xac: {  	[dreg:$0x1] =	wrdreg $0xFFFFFFFF  }
0xad: {  	[dreg:$0x0] =	wrdreg $0x60  }
0xae: {  	[dreg:$0x2] =	wrdreg s24  }
0xaf: {  	[dreg:$0x3] =	wrdreg s2  }
0xb0: {  	[dreg:$0x4] =	wrdreg $0xB000  }
0xb1: {  	[dreg:$0x5] =	wrdreg $0x9  }
0xb2: {  	_ =	task.clear_ibuf [dreg:s7], $0x6FFFF;
	_ =	strace $0x90000046  }
0xb3: {  	s29 =	simm.s32 $0x9;
	_ =	strace $0x80000048  }
0xb4: {  	_ =	swait.ge [sflag:s29], $0x1  }
0xb5: {  	[sflag:s29] =	ssyncadd.s32 $0xFFFFFFFF  }
0xb6: {  	_ =	strace $0x90000048  }
0xb7: {  	_ =	sfence  }
0xb8: {  	s30 =	sld [smem:$0x0];
	_ =	sdelay $0x2  }
0xb9: {  	s31 =	sshll.u32 s1, $0xD;
	s1 =	sshrl.u32 s1, $0x2  }
0xba: {  	s3 =	sand.u32 $0x4000, s31;
	s1 =	sadd.s32 s1, s30  }
0xbb: {  	s0 =	sor.u32 s3, s0;
	s1 =	sshll.u32 s1, $0x11  }
0xbc: {  	s0 =	sor.u32 s1, s0  }
0xbd: {  	s0 =	sadd.s32 $0x8F2B, s0  }
0xbe: {  	[sflag:s0] =	ssyncadd.remote.s32 $0x1  }
0xbf: {  	_ =	sfence.sel $0xFFFF  }
0xc0: {  	[dreg:$0x0] =	wrdreg $0xFFFFFFFF;
	(pc) =	sbr.abs _section_cstart, $3  }
0xc1: {  	[dreg:$0x1] =	wrdreg $0xFFFFFFFF  }
0xc2: {  	_ =	task.clear_ibuf [dreg:s7], $0x2FFFF;
	_ =	strace $0x9FFFFFFF  }
0xc3: {  	(tm) =	ssettm $0x7FFFFFFF  }
tec
execute0_lowered:
.L_overlay_start_1:
0x0: {  	(tag) =	ssettag $0x1  }
0x1: {  	s5 =	rddreg [dreg:$0x0]  }
0x2: {  	s7 =	rddreg [dreg:$0x1]  }
0x3: {  	s2 =	rddreg [dreg:$0x2]  }
0x4: {  	s0 =	srdreg.scid;
	s1 =	rddreg [dreg:$0x3];
	s3 =	simm.s32 $0x0  }
0x5: {  	s12 =	simm.s32 $0x800;
	s13 =	simm.s32 $0x64;
	s14 =	simm.s32 $0x80  }
0x6: {  	s15 =	simm.s32 $0x100;
	s16 =	simm.s32 $0x180;
	s17 =	simm.s32 $0x200  }
0x7: {  	s18 =	simm.s32 $0x280;
	s19 =	simm.s32 $0x300;
	s4 =	sand.u32 $0x1, s0  }
0x8: {  	s20 =	simm.s32 $0x380;
	s0 =	stileid.u32;
	s6 =	smul.u32 $0x50000, s4  }
0x9: {  	s21 =	simm.s32 $0x400;
	s22 =	simm.s32 $0x480;
	s8 =	smul.u32 $0x5000, s0  }
0xa: {  	s23 =	simm.s32 $0x0;
	[smem:$0x7FF] =	sst s3;
	s30 =	smul.u32 $0x280, s0  }
0xb: {  	s9 =	smul.u32 $0x2800, s4;
	_ =	strace $0x80000047;
	s31 =	ssub.s32 $0x2, s4  }
0xc: {  	s4 =	sadd.s32 $0x17A00, s5;
	s11 =	sshrl.u32 s31, $0x1;
	s6 =	sadd.s32 s8, s6  }
0xd: {  	s9 =	sadd.s32 s30, s9;
	s11 =	ssub.s32 s31, s11;
	s6 =	sshrl.u32 s6, $0x3  }
0xe: {  	s9 =	sshrl.u32 s9, $0x3;
	s8 =	smax.u32 s11, $0x1;
	s11 =	simm.s32 $0x1  }
0xf: {  	s10 =	sadd.s32 s6, s5;
	s5 =	sadd.s32 $0x17800, s5;
	s6 =	sadd.s32 s30, s2  }
0x10: {  	s7 =	sadd.s32 s7, s9;
	s9 =	sadd.s32 $0x3800, s10;
	s10 =	simm.s32 $0x880  }
.LBB2_1:
0x11: {  	[tilespmem:s10], [sflag:$0x1] =	stream.linear.gather [hbm4b:s5+s3], $0x280, $0x38;
	[tilespmem:$0xD80] =	vst v63  }
0x12: {  	_ =	swait.ge [sflag:s11], $0x280  }
0x13: {  	[sflag:s11] =	ssyncset.done $0x0  }
0x14: {  	[sflag:s11] =	ssyncadd.s32 $0xFFFFFD80  }
0x15: {  	[spmem:s6] =	stream.linear.scatter [tilespmem:s10], [sflag:$0x1], $0x280, $0x38;
	[tilespmem:$0xD80] =	vst v63  }
0x16: {  	_ =	swait.ge [sflag:s11], $0x280  }
0x17: {  	[sflag:s11] =	ssyncset.done $0x0  }
0x18: {  	[sflag:s11] =	ssyncadd.s32 $0xFFFFFD80  }
0x19: {  	[tilespmem:s12], [sflag:$0x1] =	stream.linear.gather [hbm4b:s4+s3], $0x80, $0x38;
	[tilespmem:$0xD80] =	vst v63  }
0x1a: {  	_ =	swait.ge [sflag:s11], $0x80  }
0x1b: {  	[sflag:s11] =	ssyncset.done $0x0  }
0x1c: {  	[sflag:s11] =	ssyncadd.s32 $0xFFFFFF80  }
0x1d: {  	s24 =	sadd.s32 $0x0, s9;
	[bflag:$0x0] =	sbarrier.arrive $0xFFFF  }
0x1e: {  	[tilespmem:s3], [sflag:$0x1] =	stream.linear.gather [hbm4b:s24+s3], $0x500, $0x38;
	[tilespmem:$0xD80] =	vst v63  }
0x1f: {  	_ =	swait.ge [sflag:s11], $0x500  }
0x20: {  	[sflag:s11] =	ssyncset.done $0x0  }
0x21: {  	[sflag:s11] =	ssyncadd.s32 $0xFFFFFB00  }
0x22: {  	[spmem:s2] =	stream.indirect.scatter.add.f32 [tilespmem:s12], [sflag:$0x1], $0x1, s3, s13, $0xb8;
	[tilespmem:$0xD80] =	vst v63  }
0x23: {  	_ =	swait.ge [sflag:s11], $0x64  }
0x24: {  	[sflag:s11] =	ssyncset.done $0x0  }
0x25: {  	[sflag:s11] =	ssyncadd.s32 $0xFFFFFF9C  }
0x26: {  	[spmem:s2] =	stream.indirect.scatter.add.f32 [tilespmem:s12], [sflag:$0x1], $0x1, s14, s13, $0xb8;
	[tilespmem:$0xD80] =	vst v63  }
0x27: {  	_ =	swait.ge [sflag:s11], $0x64  }
0x28: {  	[sflag:s11] =	ssyncset.done $0x0  }
0x29: {  	[sflag:s11] =	ssyncadd.s32 $0xFFFFFF9C  }
0x2a: {  	[spmem:s2] =	stream.indirect.scatter.add.f32 [tilespmem:s12], [sflag:$0x1], $0x1, s15, s13, $0xb8;
	[tilespmem:$0xD80] =	vst v63  }
0x2b: {  	_ =	swait.ge [sflag:s11], $0x64  }
0x2c: {  	[sflag:s11] =	ssyncset.done $0x0  }
0x2d: {  	[sflag:s11] =	ssyncadd.s32 $0xFFFFFF9C  }
0x2e: {  	[spmem:s2] =	stream.indirect.scatter.add.f32 [tilespmem:s12], [sflag:$0x1], $0x1, s16, s13, $0xb8;
	[tilespmem:$0xD80] =	vst v63  }
0x2f: {  	_ =	swait.ge [sflag:s11], $0x64  }
0x30: {  	[sflag:s11] =	ssyncset.done $0x0  }
0x31: {  	[sflag:s11] =	ssyncadd.s32 $0xFFFFFF9C  }
0x32: {  	[spmem:s2] =	stream.indirect.scatter.add.f32 [tilespmem:s12], [sflag:$0x1], $0x1, s17, s13, $0xb8;
	[tilespmem:$0xD80] =	vst v63  }
0x33: {  	_ =	swait.ge [sflag:s11], $0x64  }
0x34: {  	[sflag:s11] =	ssyncset.done $0x0  }
0x35: {  	[sflag:s11] =	ssyncadd.s32 $0xFFFFFF9C  }
0x36: {  	[spmem:s2] =	stream.indirect.scatter.add.f32 [tilespmem:s12], [sflag:$0x1], $0x1, s18, s13, $0xb8;
	[tilespmem:$0xD80] =	vst v63  }
0x37: {  	_ =	swait.ge [sflag:s11], $0x64  }
0x38: {  	[sflag:s11] =	ssyncset.done $0x0  }
0x39: {  	[sflag:s11] =	ssyncadd.s32 $0xFFFFFF9C  }
0x3a: {  	[spmem:s2] =	stream.indirect.scatter.add.f32 [tilespmem:s12], [sflag:$0x1], $0x1, s19, s13, $0xb8;
	[tilespmem:$0xD80] =	vst v63  }
0x3b: {  	_ =	swait.ge [sflag:s11], $0x64  }
0x3c: {  	[sflag:s11] =	ssyncset.done $0x0  }
0x3d: {  	[sflag:s11] =	ssyncadd.s32 $0xFFFFFF9C  }
0x3e: {  	[spmem:s2] =	stream.indirect.scatter.add.f32 [tilespmem:s12], [sflag:$0x1], $0x1, s20, s13, $0xb8;
	[tilespmem:$0xD80] =	vst v63  }
0x3f: {  	_ =	swait.ge [sflag:s11], $0x64  }
0x40: {  	[sflag:s11] =	ssyncset.done $0x0  }
0x41: {  	[sflag:s11] =	ssyncadd.s32 $0xFFFFFF9C  }
0x42: {  	[spmem:s2] =	stream.indirect.scatter.add.f32 [tilespmem:s12], [sflag:$0x1], $0x1, s21, s13, $0xb8;
	[tilespmem:$0xD80] =	vst v63  }
0x43: {  	_ =	swait.ge [sflag:s11], $0x64  }
0x44: {  	[sflag:s11] =	ssyncset.done $0x0  }
0x45: {  	[sflag:s11] =	ssyncadd.s32 $0xFFFFFF9C  }
0x46: {  	[spmem:s2] =	stream.indirect.scatter.add.f32 [tilespmem:s12], [sflag:$0x1], $0x1, s22, s13, $0xb8;
	[tilespmem:$0xD80] =	vst v63  }
0x47: {  	_ =	swait.ge [sflag:s11], $0x64  }
0x48: {  	s26 =	simm.s32 $0x200;
	s24 =	simm.s32 $0x100;
	[sflag:s11] =	ssyncset.done $0x0  }
.LBB2_2:
0x49: {  	s28 =	sadd.s32 s24, s9  }
0x4a: {  	[sflag:s11] =	ssyncadd.s32 $0xFFFFFF9C;
	s24 =	smov.u32 s26;
	s25 =	sadd.s32 $0x100, s26  }
0x4b: {  	[tilespmem:s3], [sflag:$0x1] =	stream.linear.gather [hbm4b:s28+s3], $0x500, $0x38;
	[tilespmem:$0xD80] =	vst v63  }
0x4c: {  	p0 =	sne.s32 s26, $0x900;
	_ =	swait.ge [sflag:s11], $0x500  }
0x4d: {  	[sflag:s11] =	ssyncset.done $0x0  }
0x4e: {  	[sflag:s11] =	ssyncadd.s32 $0xFFFFFB00  }
0x4f: {  	[spmem:s2] =	stream.indirect.scatter.add.f32 [tilespmem:s12], [sflag:$0x1], $0x1, s3, s13, $0xb8;
	[tilespmem:$0xD80] =	vst v63  }
0x50: {  	_ =	swait.ge [sflag:s11], $0x64  }
0x51: {  	[sflag:s11] =	ssyncset.done $0x0  }
0x52: {  	[sflag:s11] =	ssyncadd.s32 $0xFFFFFF9C  }
0x53: {  	[spmem:s2] =	stream.indirect.scatter.add.f32 [tilespmem:s12], [sflag:$0x1], $0x1, s14, s13, $0xb8;
	[tilespmem:$0xD80] =	vst v63  }
0x54: {  	_ =	swait.ge [sflag:s11], $0x64  }
0x55: {  	[sflag:s11] =	ssyncset.done $0x0  }
0x56: {  	[sflag:s11] =	ssyncadd.s32 $0xFFFFFF9C  }
0x57: {  	[spmem:s2] =	stream.indirect.scatter.add.f32 [tilespmem:s12], [sflag:$0x1], $0x1, s15, s13, $0xb8;
	[tilespmem:$0xD80] =	vst v63  }
0x58: {  	_ =	swait.ge [sflag:s11], $0x64  }
0x59: {  	[sflag:s11] =	ssyncset.done $0x0  }
0x5a: {  	[sflag:s11] =	ssyncadd.s32 $0xFFFFFF9C  }
0x5b: {  	[spmem:s2] =	stream.indirect.scatter.add.f32 [tilespmem:s12], [sflag:$0x1], $0x1, s16, s13, $0xb8;
	[tilespmem:$0xD80] =	vst v63  }
0x5c: {  	_ =	swait.ge [sflag:s11], $0x64  }
0x5d: {  	[sflag:s11] =	ssyncset.done $0x0  }
0x5e: {  	[sflag:s11] =	ssyncadd.s32 $0xFFFFFF9C  }
0x5f: {  	[spmem:s2] =	stream.indirect.scatter.add.f32 [tilespmem:s12], [sflag:$0x1], $0x1, s17, s13, $0xb8;
	[tilespmem:$0xD80] =	vst v63  }
0x60: {  	_ =	swait.ge [sflag:s11], $0x64  }
0x61: {  	[sflag:s11] =	ssyncset.done $0x0  }
0x62: {  	[sflag:s11] =	ssyncadd.s32 $0xFFFFFF9C  }
0x63: {  	[spmem:s2] =	stream.indirect.scatter.add.f32 [tilespmem:s12], [sflag:$0x1], $0x1, s18, s13, $0xb8;
	[tilespmem:$0xD80] =	vst v63  }
0x64: {  	_ =	swait.ge [sflag:s11], $0x64  }
0x65: {  	[sflag:s11] =	ssyncset.done $0x0  }
0x66: {  	[sflag:s11] =	ssyncadd.s32 $0xFFFFFF9C  }
0x67: {  	[spmem:s2] =	stream.indirect.scatter.add.f32 [tilespmem:s12], [sflag:$0x1], $0x1, s19, s13, $0xb8;
	[tilespmem:$0xD80] =	vst v63  }
0x68: {  	_ =	swait.ge [sflag:s11], $0x64  }
0x69: {  	[sflag:s11] =	ssyncset.done $0x0  }
0x6a: {  	[sflag:s11] =	ssyncadd.s32 $0xFFFFFF9C  }
0x6b: {  	[spmem:s2] =	stream.indirect.scatter.add.f32 [tilespmem:s12], [sflag:$0x1], $0x1, s20, s13, $0xb8;
	[tilespmem:$0xD80] =	vst v63  }
0x6c: {  	_ =	swait.ge [sflag:s11], $0x64  }
0x6d: {  	[sflag:s11] =	ssyncset.done $0x0  }
0x6e: {  	[sflag:s11] =	ssyncadd.s32 $0xFFFFFF9C  }
0x6f: {  	[spmem:s2] =	stream.indirect.scatter.add.f32 [tilespmem:s12], [sflag:$0x1], $0x1, s21, s13, $0xb8;
	[tilespmem:$0xD80] =	vst v63  }
0x70: {  	_ =	swait.ge [sflag:s11], $0x64  }
.Ltmp0:
0x71: {  	[sflag:s11] =	ssyncset.done $0x0;
	(pc) =	sbr.rel @p0 .LBB2_2-.Ltmp0, $4  }
0x72: {  	[sflag:s11] =	ssyncadd.s32 $0xFFFFFF9C  }
0x73: {  	[spmem:s2] =	stream.indirect.scatter.add.f32 [tilespmem:s12], [sflag:$0x1], $0x1, s22, s13, $0xb8;
	[tilespmem:$0xD80] =	vst v63  }
0x74: {  	_ =	swait.ge [sflag:s11], $0x64  }
0x75: {  	s26 =	smov.u32 s25;
	[sflag:s11] =	ssyncset.done $0x0  }
0x76: {  	s24 =	sadd.s32 s24, s9;
	[sflag:s11] =	ssyncadd.s32 $0xFFFFFF9C  }
0x77: {  	[tilespmem:s3], [sflag:$0x1] =	stream.linear.gather [hbm4b:s24+s3], $0x500, $0x38;
	[tilespmem:$0xD80] =	vst v63  }
0x78: {  	_ =	swait.ge [sflag:s11], $0x500  }
0x79: {  	[sflag:s11] =	ssyncset.done $0x0  }
0x7a: {  	[sflag:s11] =	ssyncadd.s32 $0xFFFFFB00  }
0x7b: {  	[spmem:s2] =	stream.indirect.scatter.add.f32 [tilespmem:s12], [sflag:$0x1], $0x1, s3, s13, $0xb8;
	[tilespmem:$0xD80] =	vst v63  }
0x7c: {  	_ =	swait.ge [sflag:s11], $0x64  }
0x7d: {  	[sflag:s11] =	ssyncset.done $0x0  }
0x7e: {  	[sflag:s11] =	ssyncadd.s32 $0xFFFFFF9C  }
0x7f: {  	[spmem:s2] =	stream.indirect.scatter.add.f32 [tilespmem:s12], [sflag:$0x1], $0x1, s14, s13, $0xb8;
	[tilespmem:$0xD80] =	vst v63  }
0x80: {  	_ =	swait.ge [sflag:s11], $0x64  }
0x81: {  	[sflag:s11] =	ssyncset.done $0x0  }
0x82: {  	[sflag:s11] =	ssyncadd.s32 $0xFFFFFF9C  }
0x83: {  	[spmem:s2] =	stream.indirect.scatter.add.f32 [tilespmem:s12], [sflag:$0x1], $0x1, s15, s13, $0xb8;
	[tilespmem:$0xD80] =	vst v63  }
0x84: {  	_ =	swait.ge [sflag:s11], $0x64  }
0x85: {  	[sflag:s11] =	ssyncset.done $0x0  }
0x86: {  	[sflag:s11] =	ssyncadd.s32 $0xFFFFFF9C  }
0x87: {  	[spmem:s2] =	stream.indirect.scatter.add.f32 [tilespmem:s12], [sflag:$0x1], $0x1, s16, s13, $0xb8;
	[tilespmem:$0xD80] =	vst v63  }
0x88: {  	_ =	swait.ge [sflag:s11], $0x64  }
0x89: {  	[sflag:s11] =	ssyncset.done $0x0  }
0x8a: {  	[sflag:s11] =	ssyncadd.s32 $0xFFFFFF9C  }
0x8b: {  	[spmem:s2] =	stream.indirect.scatter.add.f32 [tilespmem:s12], [sflag:$0x1], $0x1, s17, s13, $0xb8;
	[tilespmem:$0xD80] =	vst v63  }
0x8c: {  	_ =	swait.ge [sflag:s11], $0x64  }
0x8d: {  	[sflag:s11] =	ssyncset.done $0x0  }
0x8e: {  	[sflag:s11] =	ssyncadd.s32 $0xFFFFFF9C  }
0x8f: {  	[spmem:s2] =	stream.indirect.scatter.add.f32 [tilespmem:s12], [sflag:$0x1], $0x1, s18, s13, $0xb8;
	[tilespmem:$0xD80] =	vst v63  }
0x90: {  	_ =	swait.ge [sflag:s11], $0x64  }
0x91: {  	[sflag:s11] =	ssyncset.done $0x0  }
0x92: {  	[sflag:s11] =	ssyncadd.s32 $0xFFFFFF9C  }
0x93: {  	[spmem:s2] =	stream.indirect.scatter.add.f32 [tilespmem:s12], [sflag:$0x1], $0x1, s19, s13, $0xb8;
	[tilespmem:$0xD80] =	vst v63  }
0x94: {  	_ =	swait.ge [sflag:s11], $0x64  }
0x95: {  	[sflag:s11] =	ssyncset.done $0x0  }
0x96: {  	[sflag:s11] =	ssyncadd.s32 $0xFFFFFF9C  }
0x97: {  	[spmem:s2] =	stream.indirect.scatter.add.f32 [tilespmem:s12], [sflag:$0x1], $0x1, s20, s13, $0xb8;
	[tilespmem:$0xD80] =	vst v63  }
0x98: {  	_ =	swait.ge [sflag:s11], $0x64  }
0x99: {  	[sflag:s11] =	ssyncset.done $0x0  }
0x9a: {  	[sflag:s11] =	ssyncadd.s32 $0xFFFFFF9C  }
0x9b: {  	[spmem:s2] =	stream.indirect.scatter.add.f32 [tilespmem:s12], [sflag:$0x1], $0x1, s21, s13, $0xb8;
	[tilespmem:$0xD80] =	vst v63  }
0x9c: {  	_ =	swait.ge [sflag:s11], $0x64  }
0x9d: {  	[sflag:s11] =	ssyncset.done $0x0  }
0x9e: {  	[sflag:s11] =	ssyncadd.s32 $0xFFFFFF9C  }
0x9f: {  	[spmem:s2] =	stream.indirect.scatter.add.f32 [tilespmem:s12], [sflag:$0x1], $0x1, s22, s13, $0xb8;
	[tilespmem:$0xD80] =	vst v63  }
0xa0: {  	_ =	swait.ge [sflag:s11], $0x64  }
0xa1: {  	[sflag:s11] =	ssyncset.done $0x0  }
0xa2: {  	[sflag:s11] =	ssyncadd.s32 $0xFFFFFF9C  }
0xa3: {  	[bflag:$0x0] =	sbarrier.arrive $0xFFFF  }
0xa4: {  	[tilespmem:s10], [sflag:$0x1] =	stream.linear.gather [spmem:s6], $0x280, $0x38;
	[tilespmem:$0xD80] =	vst v63  }
0xa5: {  	s23 =	sadd.s32 $0x1, s23;
	_ =	swait.ge [sflag:s11], $0x280  }
0xa6: {  	p0 =	sne.s32 s23, s8;
	[sflag:s11] =	ssyncset.done $0x0  }
.Ltmp1:
0xa7: {  	[sflag:s11] =	ssyncadd.s32 $0xFFFFFD80;
	(pc) =	sbr.rel @p0 .LBB2_1-.Ltmp1, $4  }
0xa8: {  	[hbm4b:s7+s3] =	stream.linear.scatter [tilespmem:s10], [sflag:$0x1], $0x280, $0x38;
	[tilespmem:$0xD80] =	vst v63  }
0xa9: {  	_ =	swait.ge [sflag:s11], $0x280  }
0xaa: {  	[sflag:s11] =	ssyncset.done $0x0  }
0xab: {  	[sflag:s11] =	ssyncadd.s32 $0xFFFFFD80  }
0xac: {  	_ =	sfence.sel $0x180000  }
0xad: {  	[bflag:$0x0] =	sbarrier.arrive $0xFFFF  }
0xae: {  	p0 =	sne.s32 s0, $0x0;
	_ =	strace $0x90000047  }
0xaf: {  	s0 =	sadd.s32 @!p0 $0x100000, s1;
	[bflag:$0x2] =	sbarrier.arrive $0xFFFF  }
0xb0: {  	[sflag:s0] =	ssyncadd.tile.s32 @!p0 $0x1;
	_ =	shalt  }
.Lfunc_end2:
_tile_overlayer_lowered:
.L_overlay_start_2:
0xb1: {  	(tag) =	ssettag $0x2  }
0xb2: {  	s0 =	rddreg [dreg:$0x0];
	s2 =	stileid.u32  }
0xb3: {  	s1 =	rddreg [dreg:$0x1];
	p0 =	sne.s32 s2, $0x0  }
0xb4: {  	s3 =	rddreg [dreg:$0x2];
	[bflag:$0x3] =	sbarrier.arrive $0xFFFF;
	s2 =	simm.s32 @!p0 $0x1C01  }
0xb5: {  	[timem:s3], [sflag:s2] =	dma.local @!p0 [hbm:s0], s1  }
0xb6: {  	s0 =	simm.s32 @!p0 $0x1  }
0xb7: {  	_ =	swait.ge @!p0 [sflag:s0], s1  }
0xb8: {  	s1 =	ssub.s32 @!p0 $0x0, s1;
	[sflag:s0] =	ssyncset.done @!p0 $0x0  }
0xb9: {  	[sflag:s0] =	ssyncadd.s32 @!p0 s1  }
0xba: {  	[bflag:$0x3] =	sbarrier.arrive $0xFFFF  }
0xbb: {  	_ =	shalt  }

</sc_bundles>
